<compile_context>
chip_gen: v7x
topology: tpu7x:2x2x1
jax: 0.10.2.dev20260603
libtpu: 0.0.44.dev20260713+nightly
codegen_flags: <defaults>
</compile_context>

<pallas_src>
import functools

import jax
import jax.numpy as jnp
import numpy as np
from jax import lax
from jax.experimental import pallas as pl
from jax.experimental.pallas import tpu as pltpu
from jax.experimental.pallas import tpu_sc as plsc

N_NODES = 10000
N_EDGES = 320000
D_FEAT = 128
D_EDGE = 16
D_OUT = 128
_DP = D_OUT // 2

_NC = 2
_NS = 16
_NW = _NC * _NS

_C = 128
_NCH = N_EDGES // _C
_NK = 80
_L = 16


def _tc_body(x_ref, w1_ref, w2_ref, ea_ref, w3l_ref, w3h_ref, bl_ref,
             bh_ref, t12_ref, e3_ref):
    @pl.when(pl.program_id(0) == 0)
    def _():
        xv = x_ref[...]
        t12_ref[pl.ds(0, N_NODES), :] = jnp.dot(
            xv, w1_ref[...], preferred_element_type=jnp.float32)
        t12_ref[pl.ds(N_NODES, N_NODES), :] = jnp.dot(
            xv, w2_ref[...], preferred_element_type=jnp.float32)

    ea = ea_ref[...]
    lo = (jnp.dot(ea, w3l_ref[...], preferred_element_type=jnp.float32)
          + bl_ref[...]).astype(jnp.bfloat16)
    hi = (jnp.dot(ea, w3h_ref[...], preferred_element_type=jnp.float32)
          + bh_ref[...]).astype(jnp.bfloat16)
    lo_i = lax.bitcast_convert_type(lo, jnp.int16).astype(jnp.int32) & 0xFFFF
    hi_i = lax.bitcast_convert_type(hi, jnp.int16).astype(jnp.int32) << 16
    e3_ref[...] = lo_i | hi_i


_EB = 8000

_LOCOLS = np.concatenate(
    [np.arange(m * 32, m * 32 + 16) for m in range(4)]).astype(np.int32)
_HICOLS = _LOCOLS + 16


def _sc_body(t_hbm, e3_hbm, sr_hbm, out_hbm,
             ivc, g12, acc,
             sem_i0, sem_i1, sem_g0, sem_g1, sem_w0, sem_w1):
    wid = lax.axis_index("s") * _NC + lax.axis_index("c")
    sem_i = (sem_i0, sem_i1)
    sem_g = (sem_g0, sem_g1)
    sem_w = (sem_w0, sem_w1)

    def chunk_base(k):
        return jnp.minimum(wid + k * _NW, _NCH - 1) * _C

    def chunk_id(k):
        return jnp.minimum(wid + k * _NW, _NCH - 1)

    def issue_idx(k, b):
        pltpu.async_copy(sr_hbm.at[chunk_id(k)], ivc.at[b], sem_i[b])

    def wait_idx(b):
        pltpu.make_async_copy(sr_hbm.at[0], ivc.at[b], sem_i[b]).wait()

    def issue_g(k, b):
        base = chunk_base(k)
        pltpu.async_copy(e3_hbm.at[pl.ds(base, _C)], acc.at[b], sem_g[b])
        pltpu.async_copy(t_hbm.at[ivc.at[b].at[0]], g12.at[b].at[0], sem_g[b])
        pltpu.async_copy(t_hbm.at[ivc.at[b].at[1]], g12.at[b].at[1], sem_g[b])

    def wait_g(b):
        pltpu.make_async_copy(e3_hbm.at[pl.ds(0, _C)], acc.at[b], sem_g[b]).wait()
        pltpu.make_async_copy(
            t_hbm.at[ivc.at[b].at[0]], g12.at[b].at[0], sem_g[b]).wait()
        pltpu.make_async_copy(
            t_hbm.at[ivc.at[b].at[1]], g12.at[b].at[1], sem_g[b]).wait()

    def issue_wb(k, b):
        base = chunk_base(k)
        pltpu.async_copy(
            g12.at[b].at[0], out_hbm.at[pl.ds(base, _C)], sem_w[b])

    def wait_wb(b):
        pltpu.make_async_copy(
            g12.at[b].at[0], out_hbm.at[pl.ds(0, _C)], sem_w[b]).wait()

    def compute(b):
        accb, g1b, g2b = acc.at[b], g12.at[b].at[0], g12.at[b].at[1]
        msk = jnp.full((_L,), -65536, dtype=jnp.int32)
        sh = jnp.full((_L,), 16, dtype=jnp.int32)

        def up_lo(v):
            return lax.bitcast_convert_type(lax.shift_left(v, sh), jnp.float32)

        def up_hi(v):
            return lax.bitcast_convert_type(
                lax.bitwise_and(v, msk), jnp.float32)

        @pl.loop(0, _C, unroll=4)
        def _(i):
            for m in range(D_OUT // 32):
                ve = accb[i, pl.ds(_L * m, _L)]
                lo = pl.ds(32 * m, _L)
                hi = pl.ds(32 * m + _L, _L)
                g1b[i, lo] = jnp.maximum(
                    (g1b[i, lo] + g2b[i, lo]) + up_lo(ve), 0.0)
                g1b[i, hi] = jnp.maximum(
                    (g1b[i, hi] + g2b[i, hi]) + up_hi(ve), 0.0)

    issue_idx(0, 0)
    issue_idx(1, 1)
    wait_idx(0)
    issue_g(0, 0)

    @pl.loop(0, _NK, step=2)
    def _(kk):
        for d in range(2):
            k = kk + d
            b = d
            bn = 1 - d

            wait_g(b)

            @pl.when(k + 1 < _NK)
            def _():
                wait_idx(bn)

                @pl.when(k >= 1)
                def _():
                    wait_wb(bn)

                issue_g(k + 1, bn)

            @pl.when(k + 2 < _NK)
            def _():
                issue_idx(k + 2, b)

            compute(b)
            issue_wb(k, b)

    wait_wb(0)
    wait_wb(1)


@jax.jit
def _impl(x, s_idx, r_idx, edge_attr, W, b):
    w1 = W[0:D_FEAT]
    w2 = W[D_FEAT:2 * D_FEAT]
    w3 = W[2 * D_FEAT:]

    t12, e3 = pl.pallas_call(
        _tc_body,
        grid=(N_EDGES // _EB,),
        in_specs=[
            pl.BlockSpec((N_NODES, D_FEAT), lambda i: (0, 0)),
            pl.BlockSpec((D_FEAT, D_FEAT), lambda i: (0, 0)),
            pl.BlockSpec((D_FEAT, D_FEAT), lambda i: (0, 0)),
            pl.BlockSpec((_EB, D_EDGE), lambda i: (i, 0)),
            pl.BlockSpec((D_EDGE, _DP), lambda i: (0, 0)),
            pl.BlockSpec((D_EDGE, _DP), lambda i: (0, 0)),
            pl.BlockSpec((1, _DP), lambda i: (0, 0)),
            pl.BlockSpec((1, _DP), lambda i: (0, 0)),
        ],
        out_specs=(
            pl.BlockSpec((2 * N_NODES, D_FEAT), lambda i: (0, 0)),
            pl.BlockSpec((_EB, _DP), lambda i: (i, 0)),
        ),
        out_shape=(
            jax.ShapeDtypeStruct((2 * N_NODES, D_FEAT), jnp.float32),
            jax.ShapeDtypeStruct((N_EDGES, _DP), jnp.int32),
        ),
    )(
        x, w1, w2,
        edge_attr,
        w3[:, _LOCOLS],
        w3[:, _HICOLS],
        b[_LOCOLS].reshape(1, _DP),
        b[_HICOLS].reshape(1, _DP),
    )

    sc_fuse = functools.partial(
        pl.kernel,
        out_type=jax.ShapeDtypeStruct((N_EDGES, D_OUT), jnp.float32),
        mesh=plsc.VectorSubcoreMesh(
            core_axis_name="c", subcore_axis_name="s",
            num_cores=_NC, num_subcores=_NS,
        ),
        scratch_types=[
            pltpu.VMEM((2, 2, _C), jnp.int32),
            pltpu.VMEM((2, 2, _C, D_OUT), jnp.float32),
            pltpu.VMEM((2, _C, _DP), jnp.int32),
            pltpu.SemaphoreType.DMA,
            pltpu.SemaphoreType.DMA,
            pltpu.SemaphoreType.DMA,
            pltpu.SemaphoreType.DMA,
            pltpu.SemaphoreType.DMA,
            pltpu.SemaphoreType.DMA,
        ],
    )(_sc_body)

    sr = jnp.stack(
        [s_idx.reshape(_NCH, _C), r_idx.reshape(_NCH, _C) + N_NODES], axis=1)
    return sc_fuse(t12, e3, sr)


def kernel(x, edge_index, edge_attr, W, b):
    s_idx = edge_index[0].astype(jnp.int32)
    r_idx = edge_index[1].astype(jnp.int32)
    return _impl(x, s_idx, r_idx, edge_attr, W, b)

# --- scband reference (transcript-rebuilt; emitter-appended) ---
"""Pipeline reference for scband-edge-block-5952824672852 (READ-ONLY COPY).

The authoritative reference and input builder live on the scoring server;
editing this copy changes nothing except your own understanding.
"""

import jax, jax.numpy as jnp
import numpy as np

N_NODES = 10000
N_EDGES = 320000
D_FEAT = 128
D_EDGE = 16
D_OUT = 128
D_IN = 2 * D_FEAT + D_EDGE  # 272


def setup_inputs(seed: int = 0) -> dict:
    key = jax.random.key(seed)
    k1, k2, k3, k4 = jax.random.split(key, 4)
    x = jax.random.normal(k1, (N_NODES, D_FEAT), dtype=jnp.float32)
    edge_index = jax.random.randint(k2, (2, N_EDGES), 0, N_NODES, dtype=jnp.int64)
    edge_attr = jax.random.normal(k3, (N_EDGES, D_EDGE), dtype=jnp.float32)
    # custom_func net parameters: Linear(272 -> 128) + ReLU
    W = jax.random.normal(k4, (D_IN, D_OUT), dtype=jnp.float32) * 0.05
    b = jnp.zeros((D_OUT,), dtype=jnp.float32)
    return {"x": x, "edge_index": edge_index, "edge_attr": edge_attr, "W": W, "b": b}


def reference(x, edge_index, edge_attr, W, b):
    # EdgeBlock.forward with dual_edge=False
    senders_idx = edge_index[0]
    receivers_idx = edge_index[1]
    senders_attr = jnp.take(x, senders_idx, axis=0)      # gather [E, d_feat]
    receivers_attr = jnp.take(x, receivers_idx, axis=0)  # gather [E, d_feat]
    collected_edges = jnp.concatenate([senders_attr, receivers_attr, edge_attr], axis=1)  # [E, 272]
    edge_attr_ = jax.nn.relu(collected_edges @ W + b)  # custom_func net
    # Data(x=cell_attr, edge_attr=edge_attr_, edge_index=edge_index); return updated edge_attr
    return edge_attr_

if __name__ == "__main__":
    import jax
    _d = setup_inputs()
    print(jax.jit(kernel)(*tuple(_d.values())))

</pallas_src>

<mosaic_0001>
#map = affine_map<(d0, d1) -> (0, 0)>
#map1 = affine_map<(d0, d1) -> (0, 0, 0)>
module attributes {stable_mosaic.version = 14 : i64} {
  func.func @_sc_body(%arg0: i32, %arg1: i32, %arg2: memref<20000x128xf32, #tpu.memory_space<hbm>>, %arg3: memref<320000x64xi32, #tpu.memory_space<hbm>>, %arg4: memref<2500x2x128xi32, #tpu.memory_space<hbm>>, %arg5: memref<320000x128xf32, #tpu.memory_space<hbm>>, %arg6: memref<2x2x128xi32, #tpu.memory_space<vmem>>, %arg7: memref<2x2x128x128xf32, #tpu.memory_space<vmem>>, %arg8: memref<2x128x64xi32, #tpu.memory_space<vmem>>, %arg9: memref<!tpu.dma_semaphore, #tpu.memory_space<semaphore_mem>>, %arg10: memref<!tpu.dma_semaphore, #tpu.memory_space<semaphore_mem>>, %arg11: memref<!tpu.dma_semaphore, #tpu.memory_space<semaphore_mem>>, %arg12: memref<!tpu.dma_semaphore, #tpu.memory_space<semaphore_mem>>, %arg13: memref<!tpu.dma_semaphore, #tpu.memory_space<semaphore_mem>>, %arg14: memref<!tpu.dma_semaphore, #tpu.memory_space<semaphore_mem>>) attributes {dimension_semantics = [#tpu.dimension_semantics<core_parallel>, #tpu.dimension_semantics<subcore_parallel>], iteration_bounds = array<i64: 2, 16>, scalar_prefetch = 0 : i64, scratch_operands = 9 : i64, tpu.core_type = #tpu.core_type<sc_vector_subcore>, window_params = [{transform_indices = #map}, {transform_indices = #map}, {transform_indices = #map1}, {transform_indices = #map}]} {
    %mul3A = arith.constant 2 : i32
    %mul3A_0 = arith.muli %arg1, %mul3A : i32
    %add3A = arith.addi %mul3A_0, %arg0 : i32
    %add3A_1 = arith.constant 0 : i32
    %add3A_2 = arith.addi %add3A, %add3A_1 : i32
    %min3A = arith.constant 2499 : i32
    %min3A_3 = arith.minsi %add3A_2, %min3A : i32
    %dma_start3A = arith.constant 0 : i32
    %dma_start3A_4 = arith.constant 0 : i32
    %dma_start3A_5 = arith.constant 0 : i32
    %dma_start3A_6 = tpu.memref_slice %arg6[%dma_start3A, %dma_start3A_4, %dma_start3A_5] : memref<2x2x128xi32, #tpu.memory_space<vmem>> -> memref<1x2x128xi32, #tpu.memory_space<vmem>>
    %dma_start3A_7 = tpu.memref_squeeze %dma_start3A_6 : memref<1x2x128xi32, #tpu.memory_space<vmem>> -> memref<2x128xi32, #tpu.memory_space<vmem>>
    %dma_start3A_8 = arith.constant 0 : i32
    %dma_start3A_9 = arith.constant 0 : i32
    %dma_start3A_10 = tpu.memref_slice %arg4[%min3A_3, %dma_start3A_8, %dma_start3A_9] : memref<2500x2x128xi32, #tpu.memory_space<hbm>> -> memref<1x2x128xi32, #tpu.memory_space<hbm>>
    %dma_start3A_11 = tpu.memref_squeeze %dma_start3A_10 : memref<1x2x128xi32, #tpu.memory_space<hbm>> -> memref<2x128xi32, #tpu.memory_space<hbm>>
    %dma_start3A_12 = arith.constant 0 : i32
    %dma_start3A_13 = arith.constant 0 : i32
    %dma_start3A_14 = tpu.memref_slice %arg6[%dma_start3A, %dma_start3A_12, %dma_start3A_13] : memref<2x2x128xi32, #tpu.memory_space<vmem>> -> memref<1x2x128xi32, #tpu.memory_space<vmem>>
    %dma_start3A_15 = tpu.memref_squeeze %dma_start3A_14 : memref<1x2x128xi32, #tpu.memory_space<vmem>> -> memref<2x128xi32, #tpu.memory_space<vmem>>
    %dma_start3A_16 = arith.constant 0 : i32
    %dma_start3A_17 = arith.constant 0 : i32
    %dma_start3A_18 = tpu.memref_slice %arg4[%min3A_3, %dma_start3A_16, %dma_start3A_17] : memref<2500x2x128xi32, #tpu.memory_space<hbm>> -> memref<1x2x128xi32, #tpu.memory_space<hbm>>
    %dma_start3A_19 = tpu.memref_squeeze %dma_start3A_18 : memref<1x2x128xi32, #tpu.memory_space<hbm>> -> memref<2x128xi32, #tpu.memory_space<hbm>>
    tpu.enqueue_dma source(%dma_start3A_19 : memref<2x128xi32, #tpu.memory_space<hbm>>) target(%dma_start3A_15 : memref<2x128xi32, #tpu.memory_space<vmem>>) target_semaphore(%arg9 : memref<!tpu.dma_semaphore, #tpu.memory_space<semaphore_mem>>)
    %add3A_20 = arith.constant 32 : i32
    %add3A_21 = arith.addi %add3A, %add3A_20 : i32
    %min3A_22 = arith.constant 2499 : i32
    %min3A_23 = arith.minsi %add3A_21, %min3A_22 : i32
    %dma_start3A_24 = arith.constant 1 : i32
    %dma_start3A_25 = arith.constant 0 : i32
    %dma_start3A_26 = arith.constant 0 : i32
    %dma_start3A_27 = tpu.memref_slice %arg6[%dma_start3A_24, %dma_start3A_25, %dma_start3A_26] : memref<2x2x128xi32, #tpu.memory_space<vmem>> -> memref<1x2x128xi32, #tpu.memory_space<vmem>>
    %dma_start3A_28 = tpu.memref_squeeze %dma_start3A_27 : memref<1x2x128xi32, #tpu.memory_space<vmem>> -> memref<2x128xi32, #tpu.memory_space<vmem>>
    %dma_start3A_29 = arith.constant 0 : i32
    %dma_start3A_30 = arith.constant 0 : i32
    %dma_start3A_31 = tpu.memref_slice %arg4[%min3A_23, %dma_start3A_29, %dma_start3A_30] : memref<2500x2x128xi32, #tpu.memory_space<hbm>> -> memref<1x2x128xi32, #tpu.memory_space<hbm>>
    %dma_start3A_32 = tpu.memref_squeeze %dma_start3A_31 : memref<1x2x128xi32, #tpu.memory_space<hbm>> -> memref<2x128xi32, #tpu.memory_space<hbm>>
    %dma_start3A_33 = arith.constant 0 : i32
    %dma_start3A_34 = arith.constant 0 : i32
    %dma_start3A_35 = tpu.memref_slice %arg6[%dma_start3A_24, %dma_start3A_33, %dma_start3A_34] : memref<2x2x128xi32, #tpu.memory_space<vmem>> -> memref<1x2x128xi32, #tpu.memory_space<vmem>>
    %dma_start3A_36 = tpu.memref_squeeze %dma_start3A_35 : memref<1x2x128xi32, #tpu.memory_space<vmem>> -> memref<2x128xi32, #tpu.memory_space<vmem>>
    %dma_start3A_37 = arith.constant 0 : i32
    %dma_start3A_38 = arith.constant 0 : i32
    %dma_start3A_39 = tpu.memref_slice %arg4[%min3A_23, %dma_start3A_37, %dma_start3A_38] : memref<2500x2x128xi32, #tpu.memory_space<hbm>> -> memref<1x2x128xi32, #tpu.memory_space<hbm>>
    %dma_start3A_40 = tpu.memref_squeeze %dma_start3A_39 : memref<1x2x128xi32, #tpu.memory_space<hbm>> -> memref<2x128xi32, #tpu.memory_space<hbm>>
    tpu.enqueue_dma source(%dma_start3A_40 : memref<2x128xi32, #tpu.memory_space<hbm>>) target(%dma_start3A_36 : memref<2x128xi32, #tpu.memory_space<vmem>>) target_semaphore(%arg10 : memref<!tpu.dma_semaphore, #tpu.memory_space<semaphore_mem>>)
    %dma_wait3A = arith.constant 0 : i32
    %dma_wait3A_41 = arith.constant 0 : i32
    %dma_wait3A_42 = arith.constant 0 : i32
    %dma_wait3A_43 = arith.constant 0 : i32
    %dma_wait3A_44 = tpu.memref_slice %arg6[%dma_wait3A_41, %dma_wait3A_42, %dma_wait3A_43] : memref<2x2x128xi32, #tpu.memory_space<vmem>> -> memref<1x2x128xi32, #tpu.memory_space<vmem>>
    %dma_wait3A_45 = tpu.memref_squeeze %dma_wait3A_44 : memref<1x2x128xi32, #tpu.memory_space<vmem>> -> memref<2x128xi32, #tpu.memory_space<vmem>>
    %dma_wait3A_46 = arith.constant 0 : i32
    %dma_wait3A_47 = arith.constant 0 : i32
    %dma_wait3A_48 = tpu.memref_slice %arg4[%dma_wait3A, %dma_wait3A_46, %dma_wait3A_47] : memref<2500x2x128xi32, #tpu.memory_space<hbm>> -> memref<1x2x128xi32, #tpu.memory_space<hbm>>
    %dma_wait3A_49 = tpu.memref_squeeze %dma_wait3A_48 : memref<1x2x128xi32, #tpu.memory_space<hbm>> -> memref<2x128xi32, #tpu.memory_space<hbm>>
    %dma_wait3A_50 = arith.constant 0 : i32
    %dma_wait3A_51 = arith.constant 0 : i32
    %dma_wait3A_52 = tpu.memref_slice %arg6[%dma_wait3A_41, %dma_wait3A_50, %dma_wait3A_51] : memref<2x2x128xi32, #tpu.memory_space<vmem>> -> memref<1x2x128xi32, #tpu.memory_space<vmem>>
    %dma_wait3A_53 = tpu.memref_squeeze %dma_wait3A_52 : memref<1x2x128xi32, #tpu.memory_space<vmem>> -> memref<2x128xi32, #tpu.memory_space<vmem>>
    %dma_wait3A_54 = arith.constant 0 : i32
    %dma_wait3A_55 = arith.constant 0 : i32
    %dma_wait3A_56 = tpu.memref_slice %arg4[%dma_wait3A, %dma_wait3A_54, %dma_wait3A_55] : memref<2500x2x128xi32, #tpu.memory_space<hbm>> -> memref<1x2x128xi32, #tpu.memory_space<hbm>>
    %dma_wait3A_57 = tpu.memref_squeeze %dma_wait3A_56 : memref<1x2x128xi32, #tpu.memory_space<hbm>> -> memref<2x128xi32, #tpu.memory_space<hbm>>
    tpu.wait_dma2 semaphore(%arg9 : memref<!tpu.dma_semaphore, #tpu.memory_space<semaphore_mem>>) src(%dma_wait3A_57 : memref<2x128xi32, #tpu.memory_space<hbm>>) dst(%dma_wait3A_53 : memref<2x128xi32, #tpu.memory_space<vmem>>)
    %add3A_58 = arith.constant 0 : i32
    %add3A_59 = arith.addi %add3A, %add3A_58 : i32
    %min3A_60 = arith.constant 2499 : i32
    %min3A_61 = arith.minsi %add3A_59, %min3A_60 : i32
    %mul3A_62 = arith.constant 128 : i32
    %mul3A_63 = arith.muli %min3A_61, %mul3A_62 : i32
    %dma_start3A_64 = arith.constant 0 : i32
    %dma_start3A_65 = arith.constant 0 : i32
    %dma_start3A_66 = arith.constant 0 : i32
    %dma_start3A_67 = tpu.memref_slice %arg8[%dma_start3A_64, %dma_start3A_65, %dma_start3A_66] : memref<2x128x64xi32, #tpu.memory_space<vmem>> -> memref<1x128x64xi32, #tpu.memory_space<vmem>>
    %dma_start3A_68 = tpu.memref_squeeze %dma_start3A_67 : memref<1x128x64xi32, #tpu.memory_space<vmem>> -> memref<128x64xi32, #tpu.memory_space<vmem>>
    %dma_start3A_69 = arith.constant 0 : i32
    %dma_start3A_70 = tpu.memref_slice %arg3[%mul3A_63, %dma_start3A_69] : memref<320000x64xi32, #tpu.memory_space<hbm>> -> memref<128x64xi32, #tpu.memory_space<hbm>>
    %dma_start3A_71 = arith.constant 0 : i32
    %dma_start3A_72 = arith.constant 0 : i32
    %dma_start3A_73 = tpu.memref_slice %arg8[%dma_start3A_64, %dma_start3A_71, %dma_start3A_72] : memref<2x128x64xi32, #tpu.memory_space<vmem>> -> memref<1x128x64xi32, #tpu.memory_space<vmem>>
    %dma_start3A_74 = tpu.memref_squeeze %dma_start3A_73 : memref<1x128x64xi32, #tpu.memory_space<vmem>> -> memref<128x64xi32, #tpu.memory_space<vmem>>
    %dma_start3A_75 = arith.constant 0 : i32
    %dma_start3A_76 = tpu.memref_slice %arg3[%mul3A_63, %dma_start3A_75] : memref<320000x64xi32, #tpu.memory_space<hbm>> -> memref<128x64xi32, #tpu.memory_space<hbm>>
    tpu.enqueue_dma source(%dma_start3A_76 : memref<128x64xi32, #tpu.memory_space<hbm>>) target(%dma_start3A_74 : memref<128x64xi32, #tpu.memory_space<vmem>>) target_semaphore(%arg11 : memref<!tpu.dma_semaphore, #tpu.memory_space<semaphore_mem>>)
    %dma_start3A_77 = arith.constant 0 : i32
    %dma_start3A_78 = arith.constant 0 : i32
    %dma_start3A_79 = arith.constant 0 : i32
    %dma_start3A_80 = arith.constant 0 : i32
    %dma_start3A_81 = arith.constant 0 : i32
    %dma_start3A_82 = arith.constant 0 : i32
    %dma_start3A_83 = arith.constant 0 : i32
    %dma_start3A_84 = tpu.memref_slice %arg7[%dma_start3A_79, %dma_start3A_81, %dma_start3A_82, %dma_start3A_83] : memref<2x2x128x128xf32, #tpu.memory_space<vmem>> -> memref<1x2x128x128xf32, #tpu.memory_space<vmem>>
    %dma_start3A_85 = tpu.memref_squeeze %dma_start3A_84 : memref<1x2x128x128xf32, #tpu.memory_space<vmem>> -> memref<2x128x128xf32, #tpu.memory_space<vmem>>
    %dma_start3A_86 = arith.constant 0 : i32
    %dma_start3A_87 = arith.constant 0 : i32
    %dma_start3A_88 = tpu.memref_slice %dma_start3A_85[%dma_start3A_80, %dma_start3A_86, %dma_start3A_87] : memref<2x128x128xf32, #tpu.memory_space<vmem>> -> memref<1x128x128xf32, #tpu.memory_space<vmem>>
    %dma_start3A_89 = tpu.memref_squeeze %dma_start3A_88 : memref<1x128x128xf32, #tpu.memory_space<vmem>> -> memref<128x128xf32, #tpu.memory_space<vmem>>
    %dma_start3A_90 = arith.constant 0 : i32
    %dma_start3A_91 = arith.constant 0 : i32
    %dma_start3A_92 = tpu.memref_slice %arg6[%dma_start3A_77, %dma_start3A_90, %dma_start3A_91] : memref<2x2x128xi32, #tpu.memory_space<vmem>> -> memref<1x2x128xi32, #tpu.memory_space<vmem>>
    %dma_start3A_93 = tpu.memref_squeeze %dma_start3A_92 : memref<1x2x128xi32, #tpu.memory_space<vmem>> -> memref<2x128xi32, #tpu.memory_space<vmem>>
    %dma_start3A_94 = arith.constant 0 : i32
    %dma_start3A_95 = tpu.memref_slice %dma_start3A_93[%dma_start3A_78, %dma_start3A_94] : memref<2x128xi32, #tpu.memory_space<vmem>> -> memref<1x128xi32, #tpu.memory_space<vmem>>
    %dma_start3A_96 = tpu.memref_squeeze %dma_start3A_95 : memref<1x128xi32, #tpu.memory_space<vmem>> -> memref<128xi32, #tpu.memory_space<vmem>>
    %dma_start3A_97 = arith.constant 0 : i32
    %dma_start3A_98 = arith.constant 0 : i32
    %dma_start3A_99 = tpu.memref_slice %arg2[%dma_start3A_97, %dma_start3A_98] : memref<20000x128xf32, #tpu.memory_space<hbm>> -> memref<20000x128xf32, #tpu.memory_space<hbm>>
    tpu.enqueue_indirect_dma source(%dma_start3A_99 : memref<20000x128xf32, #tpu.memory_space<hbm>>) target(%dma_start3A_89 : memref<128x128xf32, #tpu.memory_space<vmem>>) offsets(%dma_start3A_96 : memref<128xi32, #tpu.memory_space<vmem>>) semaphore(%arg11 : memref<!tpu.dma_semaphore, #tpu.memory_space<semaphore_mem>>)
    %dma_start3A_100 = arith.constant 0 : i32
    %dma_start3A_101 = arith.constant 1 : i32
    %dma_start3A_102 = arith.constant 0 : i32
    %dma_start3A_103 = arith.constant 1 : i32
    %dma_start3A_104 = arith.constant 0 : i32
    %dma_start3A_105 = arith.constant 0 : i32
    %dma_start3A_106 = arith.constant 0 : i32
    %dma_start3A_107 = tpu.memref_slice %arg7[%dma_start3A_102, %dma_start3A_104, %dma_start3A_105, %dma_start3A_106] : memref<2x2x128x128xf32, #tpu.memory_space<vmem>> -> memref<1x2x128x128xf32, #tpu.memory_space<vmem>>
    %dma_start3A_108 = tpu.memref_squeeze %dma_start3A_107 : memref<1x2x128x128xf32, #tpu.memory_space<vmem>> -> memref<2x128x128xf32, #tpu.memory_space<vmem>>
    %dma_start3A_109 = arith.constant 0 : i32
    %dma_start3A_110 = arith.constant 0 : i32
    %dma_start3A_111 = tpu.memref_slice %dma_start3A_108[%dma_start3A_103, %dma_start3A_109, %dma_start3A_110] : memref<2x128x128xf32, #tpu.memory_space<vmem>> -> memref<1x128x128xf32, #tpu.memory_space<vmem>>
    %dma_start3A_112 = tpu.memref_squeeze %dma_start3A_111 : memref<1x128x128xf32, #tpu.memory_space<vmem>> -> memref<128x128xf32, #tpu.memory_space<vmem>>
    %dma_start3A_113 = arith.constant 0 : i32
    %dma_start3A_114 = arith.constant 0 : i32
    %dma_start3A_115 = tpu.memref_slice %arg6[%dma_start3A_100, %dma_start3A_113, %dma_start3A_114] : memref<2x2x128xi32, #tpu.memory_space<vmem>> -> memref<1x2x128xi32, #tpu.memory_space<vmem>>
    %dma_start3A_116 = tpu.memref_squeeze %dma_start3A_115 : memref<1x2x128xi32, #tpu.memory_space<vmem>> -> memref<2x128xi32, #tpu.memory_space<vmem>>
    %dma_start3A_117 = arith.constant 0 : i32
    %dma_start3A_118 = tpu.memref_slice %dma_start3A_116[%dma_start3A_101, %dma_start3A_117] : memref<2x128xi32, #tpu.memory_space<vmem>> -> memref<1x128xi32, #tpu.memory_space<vmem>>
    %dma_start3A_119 = tpu.memref_squeeze %dma_start3A_118 : memref<1x128xi32, #tpu.memory_space<vmem>> -> memref<128xi32, #tpu.memory_space<vmem>>
    %dma_start3A_120 = arith.constant 0 : i32
    %dma_start3A_121 = arith.constant 0 : i32
    %dma_start3A_122 = tpu.memref_slice %arg2[%dma_start3A_120, %dma_start3A_121] : memref<20000x128xf32, #tpu.memory_space<hbm>> -> memref<20000x128xf32, #tpu.memory_space<hbm>>
    tpu.enqueue_indirect_dma source(%dma_start3A_122 : memref<20000x128xf32, #tpu.memory_space<hbm>>) target(%dma_start3A_112 : memref<128x128xf32, #tpu.memory_space<vmem>>) offsets(%dma_start3A_119 : memref<128xi32, #tpu.memory_space<vmem>>) semaphore(%arg11 : memref<!tpu.dma_semaphore, #tpu.memory_space<semaphore_mem>>)
    %scan3A = arith.constant 0 : i32
    %scan3A_123 = arith.constant 40 : i32
    %scan3A_124 = arith.addi %scan3A, %scan3A_123 : i32
    %scan3A_125 = arith.constant 1 : i32
    scf.for %scan3A_179 = %scan3A to %scan3A_124 step %scan3A_125  : i32 {
      %mul3A_180 = arith.constant 2 : i32
      %mul3A_181 = arith.muli %scan3A_179, %mul3A_180 : i32
      %add3A_182 = arith.constant 0 : i32
      %add3A_183 = arith.addi %add3A_182, %mul3A_181 : i32
      %add3A_184 = arith.constant 0 : i32
      %add3A_185 = arith.addi %add3A_183, %add3A_184 : i32
      %dma_wait3A_186 = arith.constant 0 : i32
      %dma_wait3A_187 = arith.constant 0 : i32
      %dma_wait3A_188 = arith.constant 0 : i32
      %dma_wait3A_189 = tpu.memref_slice %arg8[%dma_wait3A_186, %dma_wait3A_187, %dma_wait3A_188] : memref<2x128x64xi32, #tpu.memory_space<vmem>> -> memref<1x128x64xi32, #tpu.memory_space<vmem>>
      %dma_wait3A_190 = tpu.memref_squeeze %dma_wait3A_189 : memref<1x128x64xi32, #tpu.memory_space<vmem>> -> memref<128x64xi32, #tpu.memory_space<vmem>>
      %dma_wait3A_191 = arith.constant 0 : i32
      %dma_wait3A_192 = arith.constant 0 : i32
      %dma_wait3A_193 = tpu.memref_slice %arg3[%dma_wait3A_191, %dma_wait3A_192] : memref<320000x64xi32, #tpu.memory_space<hbm>> -> memref<128x64xi32, #tpu.memory_space<hbm>>
      %dma_wait3A_194 = arith.constant 0 : i32
      %dma_wait3A_195 = arith.constant 0 : i32
      %dma_wait3A_196 = tpu.memref_slice %arg8[%dma_wait3A_186, %dma_wait3A_194, %dma_wait3A_195] : memref<2x128x64xi32, #tpu.memory_space<vmem>> -> memref<1x128x64xi32, #tpu.memory_space<vmem>>
      %dma_wait3A_197 = tpu.memref_squeeze %dma_wait3A_196 : memref<1x128x64xi32, #tpu.memory_space<vmem>> -> memref<128x64xi32, #tpu.memory_space<vmem>>
      %dma_wait3A_198 = arith.constant 0 : i32
      %dma_wait3A_199 = arith.constant 0 : i32
      %dma_wait3A_200 = tpu.memref_slice %arg3[%dma_wait3A_198, %dma_wait3A_199] : memref<320000x64xi32, #tpu.memory_space<hbm>> -> memref<128x64xi32, #tpu.memory_space<hbm>>
      tpu.wait_dma2 semaphore(%arg11 : memref<!tpu.dma_semaphore, #tpu.memory_space<semaphore_mem>>) src(%dma_wait3A_200 : memref<128x64xi32, #tpu.memory_space<hbm>>) dst(%dma_wait3A_197 : memref<128x64xi32, #tpu.memory_space<vmem>>)
      %dma_wait3A_201 = arith.constant 0 : i32
      %dma_wait3A_202 = arith.constant 0 : i32
      %dma_wait3A_203 = arith.constant 0 : i32
      %dma_wait3A_204 = arith.constant 0 : i32
      %dma_wait3A_205 = arith.constant 0 : i32
      %dma_wait3A_206 = arith.constant 0 : i32
      %dma_wait3A_207 = arith.constant 0 : i32
      %dma_wait3A_208 = tpu.memref_slice %arg7[%dma_wait3A_203, %dma_wait3A_205, %dma_wait3A_206, %dma_wait3A_207] : memref<2x2x128x128xf32, #tpu.memory_space<vmem>> -> memref<1x2x128x128xf32, #tpu.memory_space<vmem>>
      %dma_wait3A_209 = tpu.memref_squeeze %dma_wait3A_208 : memref<1x2x128x128xf32, #tpu.memory_space<vmem>> -> memref<2x128x128xf32, #tpu.memory_space<vmem>>
      %dma_wait3A_210 = arith.constant 0 : i32
      %dma_wait3A_211 = arith.constant 0 : i32
      %dma_wait3A_212 = tpu.memref_slice %dma_wait3A_209[%dma_wait3A_204, %dma_wait3A_210, %dma_wait3A_211] : memref<2x128x128xf32, #tpu.memory_space<vmem>> -> memref<1x128x128xf32, #tpu.memory_space<vmem>>
      %dma_wait3A_213 = tpu.memref_squeeze %dma_wait3A_212 : memref<1x128x128xf32, #tpu.memory_space<vmem>> -> memref<128x128xf32, #tpu.memory_space<vmem>>
      %dma_wait3A_214 = arith.constant 0 : i32
      %dma_wait3A_215 = arith.constant 0 : i32
      %dma_wait3A_216 = tpu.memref_slice %arg6[%dma_wait3A_201, %dma_wait3A_214, %dma_wait3A_215] : memref<2x2x128xi32, #tpu.memory_space<vmem>> -> memref<1x2x128xi32, #tpu.memory_space<vmem>>
      %dma_wait3A_217 = tpu.memref_squeeze %dma_wait3A_216 : memref<1x2x128xi32, #tpu.memory_space<vmem>> -> memref<2x128xi32, #tpu.memory_space<vmem>>
      %dma_wait3A_218 = arith.constant 0 : i32
      %dma_wait3A_219 = tpu.memref_slice %dma_wait3A_217[%dma_wait3A_202, %dma_wait3A_218] : memref<2x128xi32, #tpu.memory_space<vmem>> -> memref<1x128xi32, #tpu.memory_space<vmem>>
      %dma_wait3A_220 = tpu.memref_squeeze %dma_wait3A_219 : memref<1x128xi32, #tpu.memory_space<vmem>> -> memref<128xi32, #tpu.memory_space<vmem>>
      %dma_wait3A_221 = arith.constant 0 : i32
      %dma_wait3A_222 = arith.constant 0 : i32
      %dma_wait3A_223 = tpu.memref_slice %arg2[%dma_wait3A_221, %dma_wait3A_222] : memref<20000x128xf32, #tpu.memory_space<hbm>> -> memref<20000x128xf32, #tpu.memory_space<hbm>>
      tpu.wait_indirect_dma semaphore(%arg11 : memref<!tpu.dma_semaphore, #tpu.memory_space<semaphore_mem>>) src(%dma_wait3A_223 : memref<20000x128xf32, #tpu.memory_space<hbm>>) dst(%dma_wait3A_213 : memref<128x128xf32, #tpu.memory_space<vmem>>)
      %dma_wait3A_224 = arith.constant 0 : i32
      %dma_wait3A_225 = arith.constant 1 : i32
      %dma_wait3A_226 = arith.constant 0 : i32
      %dma_wait3A_227 = arith.constant 1 : i32
      %dma_wait3A_228 = arith.constant 0 : i32
      %dma_wait3A_229 = arith.constant 0 : i32
      %dma_wait3A_230 = arith.constant 0 : i32
      %dma_wait3A_231 = tpu.memref_slice %arg7[%dma_wait3A_226, %dma_wait3A_228, %dma_wait3A_229, %dma_wait3A_230] : memref<2x2x128x128xf32, #tpu.memory_space<vmem>> -> memref<1x2x128x128xf32, #tpu.memory_space<vmem>>
      %dma_wait3A_232 = tpu.memref_squeeze %dma_wait3A_231 : memref<1x2x128x128xf32, #tpu.memory_space<vmem>> -> memref<2x128x128xf32, #tpu.memory_space<vmem>>
      %dma_wait3A_233 = arith.constant 0 : i32
      %dma_wait3A_234 = arith.constant 0 : i32
      %dma_wait3A_235 = tpu.memref_slice %dma_wait3A_232[%dma_wait3A_227, %dma_wait3A_233, %dma_wait3A_234] : memref<2x128x128xf32, #tpu.memory_space<vmem>> -> memref<1x128x128xf32, #tpu.memory_space<vmem>>
      %dma_wait3A_236 = tpu.memref_squeeze %dma_wait3A_235 : memref<1x128x128xf32, #tpu.memory_space<vmem>> -> memref<128x128xf32, #tpu.memory_space<vmem>>
      %dma_wait3A_237 = arith.constant 0 : i32
      %dma_wait3A_238 = arith.constant 0 : i32
      %dma_wait3A_239 = tpu.memref_slice %arg6[%dma_wait3A_224, %dma_wait3A_237, %dma_wait3A_238] : memref<2x2x128xi32, #tpu.memory_space<vmem>> -> memref<1x2x128xi32, #tpu.memory_space<vmem>>
      %dma_wait3A_240 = tpu.memref_squeeze %dma_wait3A_239 : memref<1x2x128xi32, #tpu.memory_space<vmem>> -> memref<2x128xi32, #tpu.memory_space<vmem>>
      %dma_wait3A_241 = arith.constant 0 : i32
      %dma_wait3A_242 = tpu.memref_slice %dma_wait3A_240[%dma_wait3A_225, %dma_wait3A_241] : memref<2x128xi32, #tpu.memory_space<vmem>> -> memref<1x128xi32, #tpu.memory_space<vmem>>
      %dma_wait3A_243 = tpu.memref_squeeze %dma_wait3A_242 : memref<1x128xi32, #tpu.memory_space<vmem>> -> memref<128xi32, #tpu.memory_space<vmem>>
      %dma_wait3A_244 = arith.constant 0 : i32
      %dma_wait3A_245 = arith.constant 0 : i32
      %dma_wait3A_246 = tpu.memref_slice %arg2[%dma_wait3A_244, %dma_wait3A_245] : memref<20000x128xf32, #tpu.memory_space<hbm>> -> memref<20000x128xf32, #tpu.memory_space<hbm>>
      tpu.wait_indirect_dma semaphore(%arg11 : memref<!tpu.dma_semaphore, #tpu.memory_space<semaphore_mem>>) src(%dma_wait3A_246 : memref<20000x128xf32, #tpu.memory_space<hbm>>) dst(%dma_wait3A_236 : memref<128x128xf32, #tpu.memory_space<vmem>>)
      %add3A_247 = arith.constant 1 : i32
      %add3A_248 = arith.addi %add3A_185, %add3A_247 : i32
      %lt3A = arith.constant 80 : i32
      %lt3A_249 = arith.cmpi slt, %add3A_248, %lt3A : i32
      %convert_element_type3A = arith.extui %lt3A_249 : i1 to i32
      %cond3A = arith.constant 0 : i32
      %cond3A_250 = arith.cmpi ne, %convert_element_type3A, %cond3A : i32
      scf.if %cond3A_250 {
        %dma_wait3A_424 = arith.constant 0 : i32
        %dma_wait3A_425 = arith.constant 1 : i32
        %dma_wait3A_426 = arith.constant 0 : i32
        %dma_wait3A_427 = arith.constant 0 : i32
        %dma_wait3A_428 = tpu.memref_slice %arg6[%dma_wait3A_425, %dma_wait3A_426, %dma_wait3A_427] : memref<2x2x128xi32, #tpu.memory_space<vmem>> -> memref<1x2x128xi32, #tpu.memory_space<vmem>>
        %dma_wait3A_429 = tpu.memref_squeeze %dma_wait3A_428 : memref<1x2x128xi32, #tpu.memory_space<vmem>> -> memref<2x128xi32, #tpu.memory_space<vmem>>
        %dma_wait3A_430 = arith.constant 0 : i32
        %dma_wait3A_431 = arith.constant 0 : i32
        %dma_wait3A_432 = tpu.memref_slice %arg4[%dma_wait3A_424, %dma_wait3A_430, %dma_wait3A_431] : memref<2500x2x128xi32, #tpu.memory_space<hbm>> -> memref<1x2x128xi32, #tpu.memory_space<hbm>>
        %dma_wait3A_433 = tpu.memref_squeeze %dma_wait3A_432 : memref<1x2x128xi32, #tpu.memory_space<hbm>> -> memref<2x128xi32, #tpu.memory_space<hbm>>
        %dma_wait3A_434 = arith.constant 0 : i32
        %dma_wait3A_435 = arith.constant 0 : i32
        %dma_wait3A_436 = tpu.memref_slice %arg6[%dma_wait3A_425, %dma_wait3A_434, %dma_wait3A_435] : memref<2x2x128xi32, #tpu.memory_space<vmem>> -> memref<1x2x128xi32, #tpu.memory_space<vmem>>
        %dma_wait3A_437 = tpu.memref_squeeze %dma_wait3A_436 : memref<1x2x128xi32, #tpu.memory_space<vmem>> -> memref<2x128xi32, #tpu.memory_space<vmem>>
        %dma_wait3A_438 = arith.constant 0 : i32
        %dma_wait3A_439 = arith.constant 0 : i32
        %dma_wait3A_440 = tpu.memref_slice %arg4[%dma_wait3A_424, %dma_wait3A_438, %dma_wait3A_439] : memref<2500x2x128xi32, #tpu.memory_space<hbm>> -> memref<1x2x128xi32, #tpu.memory_space<hbm>>
        %dma_wait3A_441 = tpu.memref_squeeze %dma_wait3A_440 : memref<1x2x128xi32, #tpu.memory_space<hbm>> -> memref<2x128xi32, #tpu.memory_space<hbm>>
        tpu.wait_dma2 semaphore(%arg10 : memref<!tpu.dma_semaphore, #tpu.memory_space<semaphore_mem>>) src(%dma_wait3A_441 : memref<2x128xi32, #tpu.memory_space<hbm>>) dst(%dma_wait3A_437 : memref<2x128xi32, #tpu.memory_space<vmem>>)
        %ge3A = arith.constant 1 : i32
        %ge3A_442 = arith.cmpi sge, %add3A_185, %ge3A : i32
        %convert_element_type3A_443 = arith.extui %ge3A_442 : i1 to i32
        %cond3A_444 = arith.constant 0 : i32
        %cond3A_445 = arith.cmpi ne, %convert_element_type3A_443, %cond3A_444 : i32
        scf.if %cond3A_445 {
          %dma_wait3A_514 = arith.constant 1 : i32
          %dma_wait3A_515 = arith.constant 0 : i32
          %dma_wait3A_516 = arith.constant 0 : i32
          %dma_wait3A_517 = arith.constant 0 : i32
          %dma_wait3A_518 = arith.constant 0 : i32
          %dma_wait3A_519 = tpu.memref_slice %arg7[%dma_wait3A_514, %dma_wait3A_516, %dma_wait3A_517, %dma_wait3A_518] : memref<2x2x128x128xf32, #tpu.memory_space<vmem>> -> memref<1x2x128x128xf32, #tpu.memory_space<vmem>>
          %dma_wait3A_520 = tpu.memref_squeeze %dma_wait3A_519 : memref<1x2x128x128xf32, #tpu.memory_space<vmem>> -> memref<2x128x128xf32, #tpu.memory_space<vmem>>
          %dma_wait3A_521 = arith.constant 0 : i32
          %dma_wait3A_522 = arith.constant 0 : i32
          %dma_wait3A_523 = tpu.memref_slice %dma_wait3A_520[%dma_wait3A_515, %dma_wait3A_521, %dma_wait3A_522] : memref<2x128x128xf32, #tpu.memory_space<vmem>> -> memref<1x128x128xf32, #tpu.memory_space<vmem>>
          %dma_wait3A_524 = tpu.memref_squeeze %dma_wait3A_523 : memref<1x128x128xf32, #tpu.memory_space<vmem>> -> memref<128x128xf32, #tpu.memory_space<vmem>>
          %dma_wait3A_525 = arith.constant 0 : i32
          %dma_wait3A_526 = arith.constant 0 : i32
          %dma_wait3A_527 = tpu.memref_slice %arg5[%dma_wait3A_525, %dma_wait3A_526] : memref<320000x128xf32, #tpu.memory_space<hbm>> -> memref<128x128xf32, #tpu.memory_space<hbm>>
          %dma_wait3A_528 = arith.constant 0 : i32
          %dma_wait3A_529 = arith.constant 0 : i32
          %dma_wait3A_530 = tpu.memref_slice %arg5[%dma_wait3A_528, %dma_wait3A_529] : memref<320000x128xf32, #tpu.memory_space<hbm>> -> memref<128x128xf32, #tpu.memory_space<hbm>>
          %dma_wait3A_531 = arith.constant 0 : i32
          %dma_wait3A_532 = arith.constant 0 : i32
          %dma_wait3A_533 = arith.constant 0 : i32
          %dma_wait3A_534 = tpu.memref_slice %arg7[%dma_wait3A_514, %dma_wait3A_531, %dma_wait3A_532, %dma_wait3A_533] : memref<2x2x128x128xf32, #tpu.memory_space<vmem>> -> memref<1x2x128x128xf32, #tpu.memory_space<vmem>>
          %dma_wait3A_535 = tpu.memref_squeeze %dma_wait3A_534 : memref<1x2x128x128xf32, #tpu.memory_space<vmem>> -> memref<2x128x128xf32, #tpu.memory_space<vmem>>
          %dma_wait3A_536 = arith.constant 0 : i32
          %dma_wait3A_537 = arith.constant 0 : i32
          %dma_wait3A_538 = tpu.memref_slice %dma_wait3A_535[%dma_wait3A_515, %dma_wait3A_536, %dma_wait3A_537] : memref<2x128x128xf32, #tpu.memory_space<vmem>> -> memref<1x128x128xf32, #tpu.memory_space<vmem>>
          %dma_wait3A_539 = tpu.memref_squeeze %dma_wait3A_538 : memref<1x128x128xf32, #tpu.memory_space<vmem>> -> memref<128x128xf32, #tpu.memory_space<vmem>>
          tpu.wait_dma2 semaphore(%arg14 : memref<!tpu.dma_semaphore, #tpu.memory_space<semaphore_mem>>) src(%dma_wait3A_539 : memref<128x128xf32, #tpu.memory_space<vmem>>) dst(%dma_wait3A_530 : memref<128x128xf32, #tpu.memory_space<hbm>>)
        } else {
        }
        %add3A_446 = arith.constant 1 : i32
        %add3A_447 = arith.addi %add3A_185, %add3A_446 : i32
        %mul3A_448 = arith.constant 32 : i32
        %mul3A_449 = arith.muli %add3A_447, %mul3A_448 : i32
        %add3A_450 = arith.addi %add3A, %mul3A_449 : i32
        %min3A_451 = arith.constant 2499 : i32
        %min3A_452 = arith.minsi %add3A_450, %min3A_451 : i32
        %mul3A_453 = arith.constant 128 : i32
        %mul3A_454 = arith.muli %min3A_452, %mul3A_453 : i32
        %dma_start3A_455 = arith.constant 1 : i32
        %dma_start3A_456 = arith.constant 0 : i32
        %dma_start3A_457 = arith.constant 0 : i32
        %dma_start3A_458 = tpu.memref_slice %arg8[%dma_start3A_455, %dma_start3A_456, %dma_start3A_457] : memref<2x128x64xi32, #tpu.memory_space<vmem>> -> memref<1x128x64xi32, #tpu.memory_space<vmem>>
        %dma_start3A_459 = tpu.memref_squeeze %dma_start3A_458 : memref<1x128x64xi32, #tpu.memory_space<vmem>> -> memref<128x64xi32, #tpu.memory_space<vmem>>
        %dma_start3A_460 = arith.constant 0 : i32
        %dma_start3A_461 = tpu.memref_slice %arg3[%mul3A_454, %dma_start3A_460] : memref<320000x64xi32, #tpu.memory_space<hbm>> -> memref<128x64xi32, #tpu.memory_space<hbm>>
        %dma_start3A_462 = arith.constant 0 : i32
        %dma_start3A_463 = arith.constant 0 : i32
        %dma_start3A_464 = tpu.memref_slice %arg8[%dma_start3A_455, %dma_start3A_462, %dma_start3A_463] : memref<2x128x64xi32, #tpu.memory_space<vmem>> -> memref<1x128x64xi32, #tpu.memory_space<vmem>>
        %dma_start3A_465 = tpu.memref_squeeze %dma_start3A_464 : memref<1x128x64xi32, #tpu.memory_space<vmem>> -> memref<128x64xi32, #tpu.memory_space<vmem>>
        %dma_start3A_466 = arith.constant 0 : i32
        %dma_start3A_467 = tpu.memref_slice %arg3[%mul3A_454, %dma_start3A_466] : memref<320000x64xi32, #tpu.memory_space<hbm>> -> memref<128x64xi32, #tpu.memory_space<hbm>>
        tpu.enqueue_dma source(%dma_start3A_467 : memref<128x64xi32, #tpu.memory_space<hbm>>) target(%dma_start3A_465 : memref<128x64xi32, #tpu.memory_space<vmem>>) target_semaphore(%arg12 : memref<!tpu.dma_semaphore, #tpu.memory_space<semaphore_mem>>)
        %dma_start3A_468 = arith.constant 1 : i32
        %dma_start3A_469 = arith.constant 0 : i32
        %dma_start3A_470 = arith.constant 1 : i32
        %dma_start3A_471 = arith.constant 0 : i32
        %dma_start3A_472 = arith.constant 0 : i32
        %dma_start3A_473 = arith.constant 0 : i32
        %dma_start3A_474 = arith.constant 0 : i32
        %dma_start3A_475 = tpu.memref_slice %arg7[%dma_start3A_470, %dma_start3A_472, %dma_start3A_473, %dma_start3A_474] : memref<2x2x128x128xf32, #tpu.memory_space<vmem>> -> memref<1x2x128x128xf32, #tpu.memory_space<vmem>>
        %dma_start3A_476 = tpu.memref_squeeze %dma_start3A_475 : memref<1x2x128x128xf32, #tpu.memory_space<vmem>> -> memref<2x128x128xf32, #tpu.memory_space<vmem>>
        %dma_start3A_477 = arith.constant 0 : i32
        %dma_start3A_478 = arith.constant 0 : i32
        %dma_start3A_479 = tpu.memref_slice %dma_start3A_476[%dma_start3A_471, %dma_start3A_477, %dma_start3A_478] : memref<2x128x128xf32, #tpu.memory_space<vmem>> -> memref<1x128x128xf32, #tpu.memory_space<vmem>>
        %dma_start3A_480 = tpu.memref_squeeze %dma_start3A_479 : memref<1x128x128xf32, #tpu.memory_space<vmem>> -> memref<128x128xf32, #tpu.memory_space<vmem>>
        %dma_start3A_481 = arith.constant 0 : i32
        %dma_start3A_482 = arith.constant 0 : i32
        %dma_start3A_483 = tpu.memref_slice %arg6[%dma_start3A_468, %dma_start3A_481, %dma_start3A_482] : memref<2x2x128xi32, #tpu.memory_space<vmem>> -> memref<1x2x128xi32, #tpu.memory_space<vmem>>
        %dma_start3A_484 = tpu.memref_squeeze %dma_start3A_483 : memref<1x2x128xi32, #tpu.memory_space<vmem>> -> memref<2x128xi32, #tpu.memory_space<vmem>>
        %dma_start3A_485 = arith.constant 0 : i32
        %dma_start3A_486 = tpu.memref_slice %dma_start3A_484[%dma_start3A_469, %dma_start3A_485] : memref<2x128xi32, #tpu.memory_space<vmem>> -> memref<1x128xi32, #tpu.memory_space<vmem>>
        %dma_start3A_487 = tpu.memref_squeeze %dma_start3A_486 : memref<1x128xi32, #tpu.memory_space<vmem>> -> memref<128xi32, #tpu.memory_space<vmem>>
        %dma_start3A_488 = arith.constant 0 : i32
        %dma_start3A_489 = arith.constant 0 : i32
        %dma_start3A_490 = tpu.memref_slice %arg2[%dma_start3A_488, %dma_start3A_489] : memref<20000x128xf32, #tpu.memory_space<hbm>> -> memref<20000x128xf32, #tpu.memory_space<hbm>>
        tpu.enqueue_indirect_dma source(%dma_start3A_490 : memref<20000x128xf32, #tpu.memory_space<hbm>>) target(%dma_start3A_480 : memref<128x128xf32, #tpu.memory_space<vmem>>) offsets(%dma_start3A_487 : memref<128xi32, #tpu.memory_space<vmem>>) semaphore(%arg12 : memref<!tpu.dma_semaphore, #tpu.memory_space<semaphore_mem>>)
        %dma_start3A_491 = arith.constant 1 : i32
        %dma_start3A_492 = arith.constant 1 : i32
        %dma_start3A_493 = arith.constant 1 : i32
        %dma_start3A_494 = arith.constant 1 : i32
        %dma_start3A_495 = arith.constant 0 : i32
        %dma_start3A_496 = arith.constant 0 : i32
        %dma_start3A_497 = arith.constant 0 : i32
        %dma_start3A_498 = tpu.memref_slice %arg7[%dma_start3A_493, %dma_start3A_495, %dma_start3A_496, %dma_start3A_497] : memref<2x2x128x128xf32, #tpu.memory_space<vmem>> -> memref<1x2x128x128xf32, #tpu.memory_space<vmem>>
        %dma_start3A_499 = tpu.memref_squeeze %dma_start3A_498 : memref<1x2x128x128xf32, #tpu.memory_space<vmem>> -> memref<2x128x128xf32, #tpu.memory_space<vmem>>
        %dma_start3A_500 = arith.constant 0 : i32
        %dma_start3A_501 = arith.constant 0 : i32
        %dma_start3A_502 = tpu.memref_slice %dma_start3A_499[%dma_start3A_494, %dma_start3A_500, %dma_start3A_501] : memref<2x128x128xf32, #tpu.memory_space<vmem>> -> memref<1x128x128xf32, #tpu.memory_space<vmem>>
        %dma_start3A_503 = tpu.memref_squeeze %dma_start3A_502 : memref<1x128x128xf32, #tpu.memory_space<vmem>> -> memref<128x128xf32, #tpu.memory_space<vmem>>
        %dma_start3A_504 = arith.constant 0 : i32
        %dma_start3A_505 = arith.constant 0 : i32
        %dma_start3A_506 = tpu.memref_slice %arg6[%dma_start3A_491, %dma_start3A_504, %dma_start3A_505] : memref<2x2x128xi32, #tpu.memory_space<vmem>> -> memref<1x2x128xi32, #tpu.memory_space<vmem>>
        %dma_start3A_507 = tpu.memref_squeeze %dma_start3A_506 : memref<1x2x128xi32, #tpu.memory_space<vmem>> -> memref<2x128xi32, #tpu.memory_space<vmem>>
        %dma_start3A_508 = arith.constant 0 : i32
        %dma_start3A_509 = tpu.memref_slice %dma_start3A_507[%dma_start3A_492, %dma_start3A_508] : memref<2x128xi32, #tpu.memory_space<vmem>> -> memref<1x128xi32, #tpu.memory_space<vmem>>
        %dma_start3A_510 = tpu.memref_squeeze %dma_start3A_509 : memref<1x128xi32, #tpu.memory_space<vmem>> -> memref<128xi32, #tpu.memory_space<vmem>>
        %dma_start3A_511 = arith.constant 0 : i32
        %dma_start3A_512 = arith.constant 0 : i32
        %dma_start3A_513 = tpu.memref_slice %arg2[%dma_start3A_511, %dma_start3A_512] : memref<20000x128xf32, #tpu.memory_space<hbm>> -> memref<20000x128xf32, #tpu.memory_space<hbm>>
        tpu.enqueue_indirect_dma source(%dma_start3A_513 : memref<20000x128xf32, #tpu.memory_space<hbm>>) target(%dma_start3A_503 : memref<128x128xf32, #tpu.memory_space<vmem>>) offsets(%dma_start3A_510 : memref<128xi32, #tpu.memory_space<vmem>>) semaphore(%arg12 : memref<!tpu.dma_semaphore, #tpu.memory_space<semaphore_mem>>)
      } else {
      }
      %add3A_251 = arith.constant 2 : i32
      %add3A_252 = arith.addi %add3A_185, %add3A_251 : i32
      %lt3A_253 = arith.constant 80 : i32
      %lt3A_254 = arith.cmpi slt, %add3A_252, %lt3A_253 : i32
      %convert_element_type3A_255 = arith.extui %lt3A_254 : i1 to i32
      %cond3A_256 = arith.constant 0 : i32
      %cond3A_257 = arith.cmpi ne, %convert_element_type3A_255, %cond3A_256 : i32
      scf.if %cond3A_257 {
        %add3A_424 = arith.constant 2 : i32
        %add3A_425 = arith.addi %add3A_185, %add3A_424 : i32
        %mul3A_426 = arith.constant 32 : i32
        %mul3A_427 = arith.muli %add3A_425, %mul3A_426 : i32
        %add3A_428 = arith.addi %add3A, %mul3A_427 : i32
        %min3A_429 = arith.constant 2499 : i32
        %min3A_430 = arith.minsi %add3A_428, %min3A_429 : i32
        %dma_start3A_431 = arith.constant 0 : i32
        %dma_start3A_432 = arith.constant 0 : i32
        %dma_start3A_433 = arith.constant 0 : i32
        %dma_start3A_434 = tpu.memref_slice %arg6[%dma_start3A_431, %dma_start3A_432, %dma_start3A_433] : memref<2x2x128xi32, #tpu.memory_space<vmem>> -> memref<1x2x128xi32, #tpu.memory_space<vmem>>
        %dma_start3A_435 = tpu.memref_squeeze %dma_start3A_434 : memref<1x2x128xi32, #tpu.memory_space<vmem>> -> memref<2x128xi32, #tpu.memory_space<vmem>>
        %dma_start3A_436 = arith.constant 0 : i32
        %dma_start3A_437 = arith.constant 0 : i32
        %dma_start3A_438 = tpu.memref_slice %arg4[%min3A_430, %dma_start3A_436, %dma_start3A_437] : memref<2500x2x128xi32, #tpu.memory_space<hbm>> -> memref<1x2x128xi32, #tpu.memory_space<hbm>>
        %dma_start3A_439 = tpu.memref_squeeze %dma_start3A_438 : memref<1x2x128xi32, #tpu.memory_space<hbm>> -> memref<2x128xi32, #tpu.memory_space<hbm>>
        %dma_start3A_440 = arith.constant 0 : i32
        %dma_start3A_441 = arith.constant 0 : i32
        %dma_start3A_442 = tpu.memref_slice %arg6[%dma_start3A_431, %dma_start3A_440, %dma_start3A_441] : memref<2x2x128xi32, #tpu.memory_space<vmem>> -> memref<1x2x128xi32, #tpu.memory_space<vmem>>
        %dma_start3A_443 = tpu.memref_squeeze %dma_start3A_442 : memref<1x2x128xi32, #tpu.memory_space<vmem>> -> memref<2x128xi32, #tpu.memory_space<vmem>>
        %dma_start3A_444 = arith.constant 0 : i32
        %dma_start3A_445 = arith.constant 0 : i32
        %dma_start3A_446 = tpu.memref_slice %arg4[%min3A_430, %dma_start3A_444, %dma_start3A_445] : memref<2500x2x128xi32, #tpu.memory_space<hbm>> -> memref<1x2x128xi32, #tpu.memory_space<hbm>>
        %dma_start3A_447 = tpu.memref_squeeze %dma_start3A_446 : memref<1x2x128xi32, #tpu.memory_space<hbm>> -> memref<2x128xi32, #tpu.memory_space<hbm>>
        tpu.enqueue_dma source(%dma_start3A_447 : memref<2x128xi32, #tpu.memory_space<hbm>>) target(%dma_start3A_443 : memref<2x128xi32, #tpu.memory_space<vmem>>) target_semaphore(%arg9 : memref<!tpu.dma_semaphore, #tpu.memory_space<semaphore_mem>>)
      } else {
      }
      %broadcast_in_dim3A = arith.constant -65536 : i32
      %broadcast_in_dim3A_258 = vector.broadcast %broadcast_in_dim3A : i32 to vector<16xi32>
      %broadcast_in_dim3A_259 = arith.constant 16 : i32
      %broadcast_in_dim3A_260 = vector.broadcast %broadcast_in_dim3A_259 : i32 to vector<16xi32>
      %scan3A_261 = arith.constant 0 : i32
      %scan3A_262 = arith.constant 0 : i32
      %scan3A_263 = arith.constant 0 : i32
      %scan3A_264 = arith.constant 0 : i32
      %scan3A_265 = arith.constant 1 : i32
      %scan3A_266 = arith.constant 0 : i32
      %scan3A_267 = arith.constant 128 : i32
      %scan3A_268 = arith.addi %scan3A_266, %scan3A_267 : i32
      %scan3A_269 = arith.constant 4 : i32
      scf.for %scan3A_424 = %scan3A_266 to %scan3A_268 step %scan3A_269  : i32 {
        %mul3A_425 = arith.constant 1 : i32
        %mul3A_426 = arith.muli %scan3A_424, %mul3A_425 : i32
        %add3A_427 = arith.constant 0 : i32
        %add3A_428 = arith.addi %add3A_427, %mul3A_426 : i32
        %get3A = arith.constant 0 : i32
        %get3A_429 = arith.constant 0 : i32
        %get3A_430 = tpu.memref_slice %arg8[%scan3A_261, %get3A, %get3A_429] : memref<2x128x64xi32, #tpu.memory_space<vmem>> -> memref<1x128x64xi32, #tpu.memory_space<vmem>>
        %get3A_431 = tpu.memref_squeeze %get3A_430 : memref<1x128x64xi32, #tpu.memory_space<vmem>> -> memref<128x64xi32, #tpu.memory_space<vmem>>
        %get3A_432 = arith.index_cast %add3A_428 : i32 to index
        %get3A_433 = arith.constant 0 : index
        %get3A_434 = tpu.vector_load %get3A_431[%get3A_432, %get3A_433] {strides = array<i32>} : memref<128x64xi32, #tpu.memory_space<vmem>>, vector<1x16xi32>,
        %get3A_435 = vector.shape_cast %get3A_434 : vector<1x16xi32> to vector<16xi32>
        %get3A_436 = arith.constant 0 : i32
        %get3A_437 = arith.constant 0 : i32
        %get3A_438 = arith.constant 0 : i32
        %get3A_439 = tpu.memref_slice %arg7[%scan3A_262, %get3A_436, %get3A_437, %get3A_438] : memref<2x2x128x128xf32, #tpu.memory_space<vmem>> -> memref<1x2x128x128xf32, #tpu.memory_space<vmem>>
        %get3A_440 = tpu.memref_squeeze %get3A_439 : memref<1x2x128x128xf32, #tpu.memory_space<vmem>> -> memref<2x128x128xf32, #tpu.memory_space<vmem>>
        %get3A_441 = arith.constant 0 : i32
        %get3A_442 = arith.constant 0 : i32
        %get3A_443 = tpu.memref_slice %get3A_440[%scan3A_263, %get3A_441, %get3A_442] : memref<2x128x128xf32, #tpu.memory_space<vmem>> -> memref<1x128x128xf32, #tpu.memory_space<vmem>>
        %get3A_444 = tpu.memref_squeeze %get3A_443 : memref<1x128x128xf32, #tpu.memory_space<vmem>> -> memref<128x128xf32, #tpu.memory_space<vmem>>
        %get3A_445 = arith.index_cast %add3A_428 : i32 to index
        %get3A_446 = arith.constant 0 : index
        %get3A_447 = tpu.vector_load %get3A_444[%get3A_445, %get3A_446] {strides = array<i32>} : memref<128x128xf32, #tpu.memory_space<vmem>>, vector<1x16xf32>,
        %get3A_448 = vector.shape_cast %get3A_447 : vector<1x16xf32> to vector<16xf32>
        %get3A_449 = arith.constant 0 : i32
        %get3A_450 = arith.constant 0 : i32
        %get3A_451 = arith.constant 0 : i32
        %get3A_452 = tpu.memref_slice %arg7[%scan3A_264, %get3A_449, %get3A_450, %get3A_451] : memref<2x2x128x128xf32, #tpu.memory_space<vmem>> -> memref<1x2x128x128xf32, #tpu.memory_space<vmem>>
        %get3A_453 = tpu.memref_squeeze %get3A_452 : memref<1x2x128x128xf32, #tpu.memory_space<vmem>> -> memref<2x128x128xf32, #tpu.memory_space<vmem>>
        %get3A_454 = arith.constant 0 : i32
        %get3A_455 = arith.constant 0 : i32
        %get3A_456 = tpu.memref_slice %get3A_453[%scan3A_265, %get3A_454, %get3A_455] : memref<2x128x128xf32, #tpu.memory_space<vmem>> -> memref<1x128x128xf32, #tpu.memory_space<vmem>>
        %get3A_457 = tpu.memref_squeeze %get3A_456 : memref<1x128x128xf32, #tpu.memory_space<vmem>> -> memref<128x128xf32, #tpu.memory_space<vmem>>
        %get3A_458 = arith.index_cast %add3A_428 : i32 to index
        %get3A_459 = arith.constant 0 : index
        %get3A_460 = tpu.vector_load %get3A_457[%get3A_458, %get3A_459] {strides = array<i32>} : memref<128x128xf32, #tpu.memory_space<vmem>>, vector<1x16xf32>,
        %get3A_461 = vector.shape_cast %get3A_460 : vector<1x16xf32> to vector<16xf32>
        %add3A_462 = arith.addf %get3A_448, %get3A_461 : vector<16xf32>
        %shift_left3A = arith.shli %get3A_435, %broadcast_in_dim3A_260 : vector<16xi32>
        %bitcast_convert_type3A = tpu.bitcast %shift_left3A : vector<16xi32> -> vector<16xf32>
        %add3A_463 = arith.addf %add3A_462, %bitcast_convert_type3A : vector<16xf32>
        %max3A = arith.constant 0.000000e+00 : f32
        %max3A_464 = vector.broadcast %max3A : f32 to vector<16xf32>
        %max3A_465 = arith.maximumf %add3A_463, %max3A_464 : vector<16xf32>
        %swap3A = arith.constant 0 : i32
        %swap3A_466 = arith.constant 0 : i32
        %swap3A_467 = arith.constant 0 : i32
        %swap3A_468 = tpu.memref_slice %arg7[%scan3A_262, %swap3A, %swap3A_466, %swap3A_467] : memref<2x2x128x128xf32, #tpu.memory_space<vmem>> -> memref<1x2x128x128xf32, #tpu.memory_space<vmem>>
        %swap3A_469 = tpu.memref_squeeze %swap3A_468 : memref<1x2x128x128xf32, #tpu.memory_space<vmem>> -> memref<2x128x128xf32, #tpu.memory_space<vmem>>
        %swap3A_470 = arith.constant 0 : i32
        %swap3A_471 = arith.constant 0 : i32
        %swap3A_472 = tpu.memref_slice %swap3A_469[%scan3A_263, %swap3A_470, %swap3A_471] : memref<2x128x128xf32, #tpu.memory_space<vmem>> -> memref<1x128x128xf32, #tpu.memory_space<vmem>>
        %swap3A_473 = tpu.memref_squeeze %swap3A_472 : memref<1x128x128xf32, #tpu.memory_space<vmem>> -> memref<128x128xf32, #tpu.memory_space<vmem>>
        %swap3A_474 = arith.index_cast %add3A_428 : i32 to index
        %swap3A_475 = arith.constant 0 : index
        %swap3A_476 = tpu.vector_load %swap3A_473[%swap3A_474, %swap3A_475] {strides = array<i32>} : memref<128x128xf32, #tpu.memory_space<vmem>>, vector<1x16xf32>,
        %swap3A_477 = vector.shape_cast %swap3A_476 : vector<1x16xf32> to vector<16xf32>
        %swap3A_478 = vector.shape_cast %max3A_465 : vector<16xf32> to vector<1x16xf32>
        tpu.vector_store %swap3A_473[%swap3A_474, %swap3A_475], %swap3A_478 {strides = array<i32>} : memref<128x128xf32, #tpu.memory_space<vmem>>, vector<1x16xf32>,
        %get3A_479 = arith.constant 0 : i32
        %get3A_480 = arith.constant 0 : i32
        %get3A_481 = arith.constant 0 : i32
        %get3A_482 = tpu.memref_slice %arg7[%scan3A_262, %get3A_479, %get3A_480, %get3A_481] : memref<2x2x128x128xf32, #tpu.memory_space<vmem>> -> memref<1x2x128x128xf32, #tpu.memory_space<vmem>>
        %get3A_483 = tpu.memref_squeeze %get3A_482 : memref<1x2x128x128xf32, #tpu.memory_space<vmem>> -> memref<2x128x128xf32, #tpu.memory_space<vmem>>
        %get3A_484 = arith.constant 0 : i32
        %get3A_485 = arith.constant 0 : i32
        %get3A_486 = tpu.memref_slice %get3A_483[%scan3A_263, %get3A_484, %get3A_485] : memref<2x128x128xf32, #tpu.memory_space<vmem>> -> memref<1x128x128xf32, #tpu.memory_space<vmem>>
        %get3A_487 = tpu.memref_squeeze %get3A_486 : memref<1x128x128xf32, #tpu.memory_space<vmem>> -> memref<128x128xf32, #tpu.memory_space<vmem>>
        %get3A_488 = arith.index_cast %add3A_428 : i32 to index
        %get3A_489 = arith.constant 16 : index
        %get3A_490 = tpu.vector_load %get3A_487[%get3A_488, %get3A_489] {strides = array<i32>} : memref<128x128xf32, #tpu.memory_space<vmem>>, vector<1x16xf32>,
        %get3A_491 = vector.shape_cast %get3A_490 : vector<1x16xf32> to vector<16xf32>
        %get3A_492 = arith.constant 0 : i32
        %get3A_493 = arith.constant 0 : i32
        %get3A_494 = arith.constant 0 : i32
        %get3A_495 = tpu.memref_slice %arg7[%scan3A_264, %get3A_492, %get3A_493, %get3A_494] : memref<2x2x128x128xf32, #tpu.memory_space<vmem>> -> memref<1x2x128x128xf32, #tpu.memory_space<vmem>>
        %get3A_496 = tpu.memref_squeeze %get3A_495 : memref<1x2x128x128xf32, #tpu.memory_space<vmem>> -> memref<2x128x128xf32, #tpu.memory_space<vmem>>
        %get3A_497 = arith.constant 0 : i32
        %get3A_498 = arith.constant 0 : i32
        %get3A_499 = tpu.memref_slice %get3A_496[%scan3A_265, %get3A_497, %get3A_498] : memref<2x128x128xf32, #tpu.memory_space<vmem>> -> memref<1x128x128xf32, #tpu.memory_space<vmem>>
        %get3A_500 = tpu.memref_squeeze %get3A_499 : memref<1x128x128xf32, #tpu.memory_space<vmem>> -> memref<128x128xf32, #tpu.memory_space<vmem>>
        %get3A_501 = arith.index_cast %add3A_428 : i32 to index
        %get3A_502 = arith.constant 16 : index
        %get3A_503 = tpu.vector_load %get3A_500[%get3A_501, %get3A_502] {strides = array<i32>} : memref<128x128xf32, #tpu.memory_space<vmem>>, vector<1x16xf32>,
        %get3A_504 = vector.shape_cast %get3A_503 : vector<1x16xf32> to vector<16xf32>
        %add3A_505 = arith.addf %get3A_491, %get3A_504 : vector<16xf32>
        %and3A = arith.andi %get3A_435, %broadcast_in_dim3A_258 : vector<16xi32>
        %bitcast_convert_type3A_506 = tpu.bitcast %and3A : vector<16xi32> -> vector<16xf32>
        %add3A_507 = arith.addf %add3A_505, %bitcast_convert_type3A_506 : vector<16xf32>
        %max3A_508 = arith.constant 0.000000e+00 : f32
        %max3A_509 = vector.broadcast %max3A_508 : f32 to vector<16xf32>
        %max3A_510 = arith.maximumf %add3A_507, %max3A_509 : vector<16xf32>
        %swap3A_511 = arith.constant 0 : i32
        %swap3A_512 = arith.constant 0 : i32
        %swap3A_513 = arith.constant 0 : i32
        %swap3A_514 = tpu.memref_slice %arg7[%scan3A_262, %swap3A_511, %swap3A_512, %swap3A_513] : memref<2x2x128x128xf32, #tpu.memory_space<vmem>> -> memref<1x2x128x128xf32, #tpu.memory_space<vmem>>
        %swap3A_515 = tpu.memref_squeeze %swap3A_514 : memref<1x2x128x128xf32, #tpu.memory_space<vmem>> -> memref<2x128x128xf32, #tpu.memory_space<vmem>>
        %swap3A_516 = arith.constant 0 : i32
        %swap3A_517 = arith.constant 0 : i32
        %swap3A_518 = tpu.memref_slice %swap3A_515[%scan3A_263, %swap3A_516, %swap3A_517] : memref<2x128x128xf32, #tpu.memory_space<vmem>> -> memref<1x128x128xf32, #tpu.memory_space<vmem>>
        %swap3A_519 = tpu.memref_squeeze %swap3A_518 : memref<1x128x128xf32, #tpu.memory_space<vmem>> -> memref<128x128xf32, #tpu.memory_space<vmem>>
        %swap3A_520 = arith.index_cast %add3A_428 : i32 to index
        %swap3A_521 = arith.constant 16 : index
        %swap3A_522 = tpu.vector_load %swap3A_519[%swap3A_520, %swap3A_521] {strides = array<i32>} : memref<128x128xf32, #tpu.memory_space<vmem>>, vector<1x16xf32>,
        %swap3A_523 = vector.shape_cast %swap3A_522 : vector<1x16xf32> to vector<16xf32>
        %swap3A_524 = vector.shape_cast %max3A_510 : vector<16xf32> to vector<1x16xf32>
        tpu.vector_store %swap3A_519[%swap3A_520, %swap3A_521], %swap3A_524 {strides = array<i32>} : memref<128x128xf32, #tpu.memory_space<vmem>>, vector<1x16xf32>,
        %get3A_525 = arith.constant 0 : i32
        %get3A_526 = arith.constant 0 : i32
        %get3A_527 = tpu.memref_slice %arg8[%scan3A_261, %get3A_525, %get3A_526] : memref<2x128x64xi32, #tpu.memory_space<vmem>> -> memref<1x128x64xi32, #tpu.memory_space<vmem>>
        %get3A_528 = tpu.memref_squeeze %get3A_527 : memref<1x128x64xi32, #tpu.memory_space<vmem>> -> memref<128x64xi32, #tpu.memory_space<vmem>>
        %get3A_529 = arith.index_cast %add3A_428 : i32 to index
        %get3A_530 = arith.constant 16 : index
        %get3A_531 = tpu.vector_load %get3A_528[%get3A_529, %get3A_530] {strides = array<i32>} : memref<128x64xi32, #tpu.memory_space<vmem>>, vector<1x16xi32>,
        %get3A_532 = vector.shape_cast %get3A_531 : vector<1x16xi32> to vector<16xi32>
        %get3A_533 = arith.constant 0 : i32
        %get3A_534 = arith.constant 0 : i32
        %get3A_535 = arith.constant 0 : i32
        %get3A_536 = tpu.memref_slice %arg7[%scan3A_262, %get3A_533, %get3A_534, %get3A_535] : memref<2x2x128x128xf32, #tpu.memory_space<vmem>> -> memref<1x2x128x128xf32, #tpu.memory_space<vmem>>
        %get3A_537 = tpu.memref_squeeze %get3A_536 : memref<1x2x128x128xf32, #tpu.memory_space<vmem>> -> memref<2x128x128xf32, #tpu.memory_space<vmem>>
        %get3A_538 = arith.constant 0 : i32
        %get3A_539 = arith.constant 0 : i32
        %get3A_540 = tpu.memref_slice %get3A_537[%scan3A_263, %get3A_538, %get3A_539] : memref<2x128x128xf32, #tpu.memory_space<vmem>> -> memref<1x128x128xf32, #tpu.memory_space<vmem>>
        %get3A_541 = tpu.memref_squeeze %get3A_540 : memref<1x128x128xf32, #tpu.memory_space<vmem>> -> memref<128x128xf32, #tpu.memory_space<vmem>>
        %get3A_542 = arith.index_cast %add3A_428 : i32 to index
        %get3A_543 = arith.constant 32 : index
        %get3A_544 = tpu.vector_load %get3A_541[%get3A_542, %get3A_543] {strides = array<i32>} : memref<128x128xf32, #tpu.memory_space<vmem>>, vector<1x16xf32>,
        %get3A_545 = vector.shape_cast %get3A_544 : vector<1x16xf32> to vector<16xf32>
        %get3A_546 = arith.constant 0 : i32
        %get3A_547 = arith.constant 0 : i32
        %get3A_548 = arith.constant 0 : i32
        %get3A_549 = tpu.memref_slice %arg7[%scan3A_264, %get3A_546, %get3A_547, %get3A_548] : memref<2x2x128x128xf32, #tpu.memory_space<vmem>> -> memref<1x2x128x128xf32, #tpu.memory_space<vmem>>
        %get3A_550 = tpu.memref_squeeze %get3A_549 : memref<1x2x128x128xf32, #tpu.memory_space<vmem>> -> memref<2x128x128xf32, #tpu.memory_space<vmem>>
        %get3A_551 = arith.constant 0 : i32
        %get3A_552 = arith.constant 0 : i32
        %get3A_553 = tpu.memref_slice %get3A_550[%scan3A_265, %get3A_551, %get3A_552] : memref<2x128x128xf32, #tpu.memory_space<vmem>> -> memref<1x128x128xf32, #tpu.memory_space<vmem>>
        %get3A_554 = tpu.memref_squeeze %get3A_553 : memref<1x128x128xf32, #tpu.memory_space<vmem>> -> memref<128x128xf32, #tpu.memory_space<vmem>>
        %get3A_555 = arith.index_cast %add3A_428 : i32 to index
        %get3A_556 = arith.constant 32 : index
        %get3A_557 = tpu.vector_load %get3A_554[%get3A_555, %get3A_556] {strides = array<i32>} : memref<128x128xf32, #tpu.memory_space<vmem>>, vector<1x16xf32>,
        %get3A_558 = vector.shape_cast %get3A_557 : vector<1x16xf32> to vector<16xf32>
        %add3A_559 = arith.addf %get3A_545, %get3A_558 : vector<16xf32>
        %shift_left3A_560 = arith.shli %get3A_532, %broadcast_in_dim3A_260 : vector<16xi32>
        %bitcast_convert_type3A_561 = tpu.bitcast %shift_left3A_560 : vector<16xi32> -> vector<16xf32>
        %add3A_562 = arith.addf %add3A_559, %bitcast_convert_type3A_561 : vector<16xf32>
        %max3A_563 = arith.constant 0.000000e+00 : f32
        %max3A_564 = vector.broadcast %max3A_563 : f32 to vector<16xf32>
        %max3A_565 = arith.maximumf %add3A_562, %max3A_564 : vector<16xf32>
        %swap3A_566 = arith.constant 0 : i32
        %swap3A_567 = arith.constant 0 : i32
        %swap3A_568 = arith.constant 0 : i32
        %swap3A_569 = tpu.memref_slice %arg7[%scan3A_262, %swap3A_566, %swap3A_567, %swap3A_568] : memref<2x2x128x128xf32, #tpu.memory_space<vmem>> -> memref<1x2x128x128xf32, #tpu.memory_space<vmem>>
        %swap3A_570 = tpu.memref_squeeze %swap3A_569 : memref<1x2x128x128xf32, #tpu.memory_space<vmem>> -> memref<2x128x128xf32, #tpu.memory_space<vmem>>
        %swap3A_571 = arith.constant 0 : i32
        %swap3A_572 = arith.constant 0 : i32
        %swap3A_573 = tpu.memref_slice %swap3A_570[%scan3A_263, %swap3A_571, %swap3A_572] : memref<2x128x128xf32, #tpu.memory_space<vmem>> -> memref<1x128x128xf32, #tpu.memory_space<vmem>>
        %swap3A_574 = tpu.memref_squeeze %swap3A_573 : memref<1x128x128xf32, #tpu.memory_space<vmem>> -> memref<128x128xf32, #tpu.memory_space<vmem>>
        %swap3A_575 = arith.index_cast %add3A_428 : i32 to index
        %swap3A_576 = arith.constant 32 : index
        %swap3A_577 = tpu.vector_load %swap3A_574[%swap3A_575, %swap3A_576] {strides = array<i32>} : memref<128x128xf32, #tpu.memory_space<vmem>>, vector<1x16xf32>,
        %swap3A_578 = vector.shape_cast %swap3A_577 : vector<1x16xf32> to vector<16xf32>
        %swap3A_579 = vector.shape_cast %max3A_565 : vector<16xf32> to vector<1x16xf32>
        tpu.vector_store %swap3A_574[%swap3A_575, %swap3A_576], %swap3A_579 {strides = array<i32>} : memref<128x128xf32, #tpu.memory_space<vmem>>, vector<1x16xf32>,
        %get3A_580 = arith.constant 0 : i32
        %get3A_581 = arith.constant 0 : i32
        %get3A_582 = arith.constant 0 : i32
        %get3A_583 = tpu.memref_slice %arg7[%scan3A_262, %get3A_580, %get3A_581, %get3A_582] : memref<2x2x128x128xf32, #tpu.memory_space<vmem>> -> memref<1x2x128x128xf32, #tpu.memory_space<vmem>>
        %get3A_584 = tpu.memref_squeeze %get3A_583 : memref<1x2x128x128xf32, #tpu.memory_space<vmem>> -> memref<2x128x128xf32, #tpu.memory_space<vmem>>
        %get3A_585 = arith.constant 0 : i32
        %get3A_586 = arith.constant 0 : i32
        %get3A_587 = tpu.memref_slice %get3A_584[%scan3A_263, %get3A_585, %get3A_586] : memref<2x128x128xf32, #tpu.memory_space<vmem>> -> memref<1x128x128xf32, #tpu.memory_space<vmem>>
        %get3A_588 = tpu.memref_squeeze %get3A_587 : memref<1x128x128xf32, #tpu.memory_space<vmem>> -> memref<128x128xf32, #tpu.memory_space<vmem>>
        %get3A_589 = arith.index_cast %add3A_428 : i32 to index
        %get3A_590 = arith.constant 48 : index
        %get3A_591 = tpu.vector_load %get3A_588[%get3A_589, %get3A_590] {strides = array<i32>} : memref<128x128xf32, #tpu.memory_space<vmem>>, vector<1x16xf32>,
        %get3A_592 = vector.shape_cast %get3A_591 : vector<1x16xf32> to vector<16xf32>
        %get3A_593 = arith.constant 0 : i32
        %get3A_594 = arith.constant 0 : i32
        %get3A_595 = arith.constant 0 : i32
        %get3A_596 = tpu.memref_slice %arg7[%scan3A_264, %get3A_593, %get3A_594, %get3A_595] : memref<2x2x128x128xf32, #tpu.memory_space<vmem>> -> memref<1x2x128x128xf32, #tpu.memory_space<vmem>>
        %get3A_597 = tpu.memref_squeeze %get3A_596 : memref<1x2x128x128xf32, #tpu.memory_space<vmem>> -> memref<2x128x128xf32, #tpu.memory_space<vmem>>
        %get3A_598 = arith.constant 0 : i32
        %get3A_599 = arith.constant 0 : i32
        %get3A_600 = tpu.memref_slice %get3A_597[%scan3A_265, %get3A_598, %get3A_599] : memref<2x128x128xf32, #tpu.memory_space<vmem>> -> memref<1x128x128xf32, #tpu.memory_space<vmem>>
        %get3A_601 = tpu.memref_squeeze %get3A_600 : memref<1x128x128xf32, #tpu.memory_space<vmem>> -> memref<128x128xf32, #tpu.memory_space<vmem>>
        %get3A_602 = arith.index_cast %add3A_428 : i32 to index
        %get3A_603 = arith.constant 48 : index
        %get3A_604 = tpu.vector_load %get3A_601[%get3A_602, %get3A_603] {strides = array<i32>} : memref<128x128xf32, #tpu.memory_space<vmem>>, vector<1x16xf32>,
        %get3A_605 = vector.shape_cast %get3A_604 : vector<1x16xf32> to vector<16xf32>
        %add3A_606 = arith.addf %get3A_592, %get3A_605 : vector<16xf32>
        %and3A_607 = arith.andi %get3A_532, %broadcast_in_dim3A_258 : vector<16xi32>
        %bitcast_convert_type3A_608 = tpu.bitcast %and3A_607 : vector<16xi32> -> vector<16xf32>
        %add3A_609 = arith.addf %add3A_606, %bitcast_convert_type3A_608 : vector<16xf32>
        %max3A_610 = arith.constant 0.000000e+00 : f32
        %max3A_611 = vector.broadcast %max3A_610 : f32 to vector<16xf32>
        %max3A_612 = arith.maximumf %add3A_609, %max3A_611 : vector<16xf32>
        %swap3A_613 = arith.constant 0 : i32
        %swap3A_614 = arith.constant 0 : i32
        %swap3A_615 = arith.constant 0 : i32
        %swap3A_616 = tpu.memref_slice %arg7[%scan3A_262, %swap3A_613, %swap3A_614, %swap3A_615] : memref<2x2x128x128xf32, #tpu.memory_space<vmem>> -> memref<1x2x128x128xf32, #tpu.memory_space<vmem>>
        %swap3A_617 = tpu.memref_squeeze %swap3A_616 : memref<1x2x128x128xf32, #tpu.memory_space<vmem>> -> memref<2x128x128xf32, #tpu.memory_space<vmem>>
        %swap3A_618 = arith.constant 0 : i32
        %swap3A_619 = arith.constant 0 : i32
        %swap3A_620 = tpu.memref_slice %swap3A_617[%scan3A_263, %swap3A_618, %swap3A_619] : memref<2x128x128xf32, #tpu.memory_space<vmem>> -> memref<1x128x128xf32, #tpu.memory_space<vmem>>
        %swap3A_621 = tpu.memref_squeeze %swap3A_620 : memref<1x128x128xf32, #tpu.memory_space<vmem>> -> memref<128x128xf32, #tpu.memory_space<vmem>>
        %swap3A_622 = arith.index_cast %add3A_428 : i32 to index
        %swap3A_623 = arith.constant 48 : index
        %swap3A_624 = tpu.vector_load %swap3A_621[%swap3A_622, %swap3A_623] {strides = array<i32>} : memref<128x128xf32, #tpu.memory_space<vmem>>, vector<1x16xf32>,
        %swap3A_625 = vector.shape_cast %swap3A_624 : vector<1x16xf32> to vector<16xf32>
        %swap3A_626 = vector.shape_cast %max3A_612 : vector<16xf32> to vector<1x16xf32>
        tpu.vector_store %swap3A_621[%swap3A_622, %swap3A_623], %swap3A_626 {strides = array<i32>} : memref<128x128xf32, #tpu.memory_space<vmem>>, vector<1x16xf32>,
        %get3A_627 = arith.constant 0 : i32
        %get3A_628 = arith.constant 0 : i32
        %get3A_629 = tpu.memref_slice %arg8[%scan3A_261, %get3A_627, %get3A_628] : memref<2x128x64xi32, #tpu.memory_space<vmem>> -> memref<1x128x64xi32, #tpu.memory_space<vmem>>
        %get3A_630 = tpu.memref_squeeze %get3A_629 : memref<1x128x64xi32, #tpu.memory_space<vmem>> -> memref<128x64xi32, #tpu.memory_space<vmem>>
        %get3A_631 = arith.index_cast %add3A_428 : i32 to index
        %get3A_632 = arith.constant 32 : index
        %get3A_633 = tpu.vector_load %get3A_630[%get3A_631, %get3A_632] {strides = array<i32>} : memref<128x64xi32, #tpu.memory_space<vmem>>, vector<1x16xi32>,
        %get3A_634 = vector.shape_cast %get3A_633 : vector<1x16xi32> to vector<16xi32>
        %get3A_635 = arith.constant 0 : i32
        %get3A_636 = arith.constant 0 : i32
        %get3A_637 = arith.constant 0 : i32
        %get3A_638 = tpu.memref_slice %arg7[%scan3A_262, %get3A_635, %get3A_636, %get3A_637] : memref<2x2x128x128xf32, #tpu.memory_space<vmem>> -> memref<1x2x128x128xf32, #tpu.memory_space<vmem>>
        %get3A_639 = tpu.memref_squeeze %get3A_638 : memref<1x2x128x128xf32, #tpu.memory_space<vmem>> -> memref<2x128x128xf32, #tpu.memory_space<vmem>>
        %get3A_640 = arith.constant 0 : i32
        %get3A_641 = arith.constant 0 : i32
        %get3A_642 = tpu.memref_slice %get3A_639[%scan3A_263, %get3A_640, %get3A_641] : memref<2x128x128xf32, #tpu.memory_space<vmem>> -> memref<1x128x128xf32, #tpu.memory_space<vmem>>
        %get3A_643 = tpu.memref_squeeze %get3A_642 : memref<1x128x128xf32, #tpu.memory_space<vmem>> -> memref<128x128xf32, #tpu.memory_space<vmem>>
        %get3A_644 = arith.index_cast %add3A_428 : i32 to index
        %get3A_645 = arith.constant 64 : index
        %get3A_646 = tpu.vector_load %get3A_643[%get3A_644, %get3A_645] {strides = array<i32>} : memref<128x128xf32, #tpu.memory_space<vmem>>, vector<1x16xf32>,
        %get3A_647 = vector.shape_cast %get3A_646 : vector<1x16xf32> to vector<16xf32>
        %get3A_648 = arith.constant 0 : i32
        %get3A_649 = arith.constant 0 : i32
        %get3A_650 = arith.constant 0 : i32
        %get3A_651 = tpu.memref_slice %arg7[%scan3A_264, %get3A_648, %get3A_649, %get3A_650] : memref<2x2x128x128xf32, #tpu.memory_space<vmem>> -> memref<1x2x128x128xf32, #tpu.memory_space<vmem>>
        %get3A_652 = tpu.memref_squeeze %get3A_651 : memref<1x2x128x128xf32, #tpu.memory_space<vmem>> -> memref<2x128x128xf32, #tpu.memory_space<vmem>>
        %get3A_653 = arith.constant 0 : i32
        %get3A_654 = arith.constant 0 : i32
        %get3A_655 = tpu.memref_slice %get3A_652[%scan3A_265, %get3A_653, %get3A_654] : memref<2x128x128xf32, #tpu.memory_space<vmem>> -> memref<1x128x128xf32, #tpu.memory_space<vmem>>
        %get3A_656 = tpu.memref_squeeze %get3A_655 : memref<1x128x128xf32, #tpu.memory_space<vmem>> -> memref<128x128xf32, #tpu.memory_space<vmem>>
        %get3A_657 = arith.index_cast %add3A_428 : i32 to index
        %get3A_658 = arith.constant 64 : index
        %get3A_659 = tpu.vector_load %get3A_656[%get3A_657, %get3A_658] {strides = array<i32>} : memref<128x128xf32, #tpu.memory_space<vmem>>, vector<1x16xf32>,
        %get3A_660 = vector.shape_cast %get3A_659 : vector<1x16xf32> to vector<16xf32>
        %add3A_661 = arith.addf %get3A_647, %get3A_660 : vector<16xf32>
        %shift_left3A_662 = arith.shli %get3A_634, %broadcast_in_dim3A_260 : vector<16xi32>
        %bitcast_convert_type3A_663 = tpu.bitcast %shift_left3A_662 : vector<16xi32> -> vector<16xf32>
        %add3A_664 = arith.addf %add3A_661, %bitcast_convert_type3A_663 : vector<16xf32>
        %max3A_665 = arith.constant 0.000000e+00 : f32
        %max3A_666 = vector.broadcast %max3A_665 : f32 to vector<16xf32>
        %max3A_667 = arith.maximumf %add3A_664, %max3A_666 : vector<16xf32>
        %swap3A_668 = arith.constant 0 : i32
        %swap3A_669 = arith.constant 0 : i32
        %swap3A_670 = arith.constant 0 : i32
        %swap3A_671 = tpu.memref_slice %arg7[%scan3A_262, %swap3A_668, %swap3A_669, %swap3A_670] : memref<2x2x128x128xf32, #tpu.memory_space<vmem>> -> memref<1x2x128x128xf32, #tpu.memory_space<vmem>>
        %swap3A_672 = tpu.memref_squeeze %swap3A_671 : memref<1x2x128x128xf32, #tpu.memory_space<vmem>> -> memref<2x128x128xf32, #tpu.memory_space<vmem>>
        %swap3A_673 = arith.constant 0 : i32
        %swap3A_674 = arith.constant 0 : i32
        %swap3A_675 = tpu.memref_slice %swap3A_672[%scan3A_263, %swap3A_673, %swap3A_674] : memref<2x128x128xf32, #tpu.memory_space<vmem>> -> memref<1x128x128xf32, #tpu.memory_space<vmem>>
        %swap3A_676 = tpu.memref_squeeze %swap3A_675 : memref<1x128x128xf32, #tpu.memory_space<vmem>> -> memref<128x128xf32, #tpu.memory_space<vmem>>
        %swap3A_677 = arith.index_cast %add3A_428 : i32 to index
        %swap3A_678 = arith.constant 64 : index
        %swap3A_679 = tpu.vector_load %swap3A_676[%swap3A_677, %swap3A_678] {strides = array<i32>} : memref<128x128xf32, #tpu.memory_space<vmem>>, vector<1x16xf32>,
        %swap3A_680 = vector.shape_cast %swap3A_679 : vector<1x16xf32> to vector<16xf32>
        %swap3A_681 = vector.shape_cast %max3A_667 : vector<16xf32> to vector<1x16xf32>
        tpu.vector_store %swap3A_676[%swap3A_677, %swap3A_678], %swap3A_681 {strides = array<i32>} : memref<128x128xf32, #tpu.memory_space<vmem>>, vector<1x16xf32>,
        %get3A_682 = arith.constant 0 : i32
        %get3A_683 = arith.constant 0 : i32
        %get3A_684 = arith.constant 0 : i32
        %get3A_685 = tpu.memref_slice %arg7[%scan3A_262, %get3A_682, %get3A_683, %get3A_684] : memref<2x2x128x128xf32, #tpu.memory_space<vmem>> -> memref<1x2x128x128xf32, #tpu.memory_space<vmem>>
        %get3A_686 = tpu.memref_squeeze %get3A_685 : memref<1x2x128x128xf32, #tpu.memory_space<vmem>> -> memref<2x128x128xf32, #tpu.memory_space<vmem>>
        %get3A_687 = arith.constant 0 : i32
        %get3A_688 = arith.constant 0 : i32
        %get3A_689 = tpu.memref_slice %get3A_686[%scan3A_263, %get3A_687, %get3A_688] : memref<2x128x128xf32, #tpu.memory_space<vmem>> -> memref<1x128x128xf32, #tpu.memory_space<vmem>>
        %get3A_690 = tpu.memref_squeeze %get3A_689 : memref<1x128x128xf32, #tpu.memory_space<vmem>> -> memref<128x128xf32, #tpu.memory_space<vmem>>
        %get3A_691 = arith.index_cast %add3A_428 : i32 to index
        %get3A_692 = arith.constant 80 : index
        %get3A_693 = tpu.vector_load %get3A_690[%get3A_691, %get3A_692] {strides = array<i32>} : memref<128x128xf32, #tpu.memory_space<vmem>>, vector<1x16xf32>,
        %get3A_694 = vector.shape_cast %get3A_693 : vector<1x16xf32> to vector<16xf32>
        %get3A_695 = arith.constant 0 : i32
        %get3A_696 = arith.constant 0 : i32
        %get3A_697 = arith.constant 0 : i32
        %get3A_698 = tpu.memref_slice %arg7[%scan3A_264, %get3A_695, %get3A_696, %get3A_697] : memref<2x2x128x128xf32, #tpu.memory_space<vmem>> -> memref<1x2x128x128xf32, #tpu.memory_space<vmem>>
        %get3A_699 = tpu.memref_squeeze %get3A_698 : memref<1x2x128x128xf32, #tpu.memory_space<vmem>> -> memref<2x128x128xf32, #tpu.memory_space<vmem>>
        %get3A_700 = arith.constant 0 : i32
        %get3A_701 = arith.constant 0 : i32
        %get3A_702 = tpu.memref_slice %get3A_699[%scan3A_265, %get3A_700, %get3A_701] : memref<2x128x128xf32, #tpu.memory_space<vmem>> -> memref<1x128x128xf32, #tpu.memory_space<vmem>>
        %get3A_703 = tpu.memref_squeeze %get3A_702 : memref<1x128x128xf32, #tpu.memory_space<vmem>> -> memref<128x128xf32, #tpu.memory_space<vmem>>
        %get3A_704 = arith.index_cast %add3A_428 : i32 to index
        %get3A_705 = arith.constant 80 : index
        %get3A_706 = tpu.vector_load %get3A_703[%get3A_704, %get3A_705] {strides = array<i32>} : memref<128x128xf32, #tpu.memory_space<vmem>>, vector<1x16xf32>,
        %get3A_707 = vector.shape_cast %get3A_706 : vector<1x16xf32> to vector<16xf32>
        %add3A_708 = arith.addf %get3A_694, %get3A_707 : vector<16xf32>
        %and3A_709 = arith.andi %get3A_634, %broadcast_in_dim3A_258 : vector<16xi32>
        %bitcast_convert_type3A_710 = tpu.bitcast %and3A_709 : vector<16xi32> -> vector<16xf32>
        %add3A_711 = arith.addf %add3A_708, %bitcast_convert_type3A_710 : vector<16xf32>
        %max3A_712 = arith.constant 0.000000e+00 : f32
        %max3A_713 = vector.broadcast %max3A_712 : f32 to vector<16xf32>
        %max3A_714 = arith.maximumf %add3A_711, %max3A_713 : vector<16xf32>
        %swap3A_715 = arith.constant 0 : i32
        %swap3A_716 = arith.constant 0 : i32
        %swap3A_717 = arith.constant 0 : i32
        %swap3A_718 = tpu.memref_slice %arg7[%scan3A_262, %swap3A_715, %swap3A_716, %swap3A_717] : memref<2x2x128x128xf32, #tpu.memory_space<vmem>> -> memref<1x2x128x128xf32, #tpu.memory_space<vmem>>
        %swap3A_719 = tpu.memref_squeeze %swap3A_718 : memref<1x2x128x128xf32, #tpu.memory_space<vmem>> -> memref<2x128x128xf32, #tpu.memory_space<vmem>>
        %swap3A_720 = arith.constant 0 : i32
        %swap3A_721 = arith.constant 0 : i32
        %swap3A_722 = tpu.memref_slice %swap3A_719[%scan3A_263, %swap3A_720, %swap3A_721] : memref<2x128x128xf32, #tpu.memory_space<vmem>> -> memref<1x128x128xf32, #tpu.memory_space<vmem>>
        %swap3A_723 = tpu.memref_squeeze %swap3A_722 : memref<1x128x128xf32, #tpu.memory_space<vmem>> -> memref<128x128xf32, #tpu.memory_space<vmem>>
        %swap3A_724 = arith.index_cast %add3A_428 : i32 to index
        %swap3A_725 = arith.constant 80 : index
        %swap3A_726 = tpu.vector_load %swap3A_723[%swap3A_724, %swap3A_725] {strides = array<i32>} : memref<128x128xf32, #tpu.memory_space<vmem>>, vector<1x16xf32>,
        %swap3A_727 = vector.shape_cast %swap3A_726 : vector<1x16xf32> to vector<16xf32>
        %swap3A_728 = vector.shape_cast %max3A_714 : vector<16xf32> to vector<1x16xf32>
        tpu.vector_store %swap3A_723[%swap3A_724, %swap3A_725], %swap3A_728 {strides = array<i32>} : memref<128x128xf32, #tpu.memory_space<vmem>>, vector<1x16xf32>,
        %get3A_729 = arith.constant 0 : i32
        %get3A_730 = arith.constant 0 : i32
        %get3A_731 = tpu.memref_slice %arg8[%scan3A_261, %get3A_729, %get3A_730] : memref<2x128x64xi32, #tpu.memory_space<vmem>> -> memref<1x128x64xi32, #tpu.memory_space<vmem>>
        %get3A_732 = tpu.memref_squeeze %get3A_731 : memref<1x128x64xi32, #tpu.memory_space<vmem>> -> memref<128x64xi32, #tpu.memory_space<vmem>>
        %get3A_733 = arith.index_cast %add3A_428 : i32 to index
        %get3A_734 = arith.constant 48 : index
        %get3A_735 = tpu.vector_load %get3A_732[%get3A_733, %get3A_734] {strides = array<i32>} : memref<128x64xi32, #tpu.memory_space<vmem>>, vector<1x16xi32>,
        %get3A_736 = vector.shape_cast %get3A_735 : vector<1x16xi32> to vector<16xi32>
        %get3A_737 = arith.constant 0 : i32
        %get3A_738 = arith.constant 0 : i32
        %get3A_739 = arith.constant 0 : i32
        %get3A_740 = tpu.memref_slice %arg7[%scan3A_262, %get3A_737, %get3A_738, %get3A_739] : memref<2x2x128x128xf32, #tpu.memory_space<vmem>> -> memref<1x2x128x128xf32, #tpu.memory_space<vmem>>
        %get3A_741 = tpu.memref_squeeze %get3A_740 : memref<1x2x128x128xf32, #tpu.memory_space<vmem>> -> memref<2x128x128xf32, #tpu.memory_space<vmem>>
        %get3A_742 = arith.constant 0 : i32
        %get3A_743 = arith.constant 0 : i32
        %get3A_744 = tpu.memref_slice %get3A_741[%scan3A_263, %get3A_742, %get3A_743] : memref<2x128x128xf32, #tpu.memory_space<vmem>> -> memref<1x128x128xf32, #tpu.memory_space<vmem>>
        %get3A_745 = tpu.memref_squeeze %get3A_744 : memref<1x128x128xf32, #tpu.memory_space<vmem>> -> memref<128x128xf32, #tpu.memory_space<vmem>>
        %get3A_746 = arith.index_cast %add3A_428 : i32 to index
        %get3A_747 = arith.constant 96 : index
        %get3A_748 = tpu.vector_load %get3A_745[%get3A_746, %get3A_747] {strides = array<i32>} : memref<128x128xf32, #tpu.memory_space<vmem>>, vector<1x16xf32>,
        %get3A_749 = vector.shape_cast %get3A_748 : vector<1x16xf32> to vector<16xf32>
        %get3A_750 = arith.constant 0 : i32
        %get3A_751 = arith.constant 0 : i32
        %get3A_752 = arith.constant 0 : i32
        %get3A_753 = tpu.memref_slice %arg7[%scan3A_264, %get3A_750, %get3A_751, %get3A_752] : memref<2x2x128x128xf32, #tpu.memory_space<vmem>> -> memref<1x2x128x128xf32, #tpu.memory_space<vmem>>
        %get3A_754 = tpu.memref_squeeze %get3A_753 : memref<1x2x128x128xf32, #tpu.memory_space<vmem>> -> memref<2x128x128xf32, #tpu.memory_space<vmem>>
        %get3A_755 = arith.constant 0 : i32
        %get3A_756 = arith.constant 0 : i32
        %get3A_757 = tpu.memref_slice %get3A_754[%scan3A_265, %get3A_755, %get3A_756] : memref<2x128x128xf32, #tpu.memory_space<vmem>> -> memref<1x128x128xf32, #tpu.memory_space<vmem>>
        %get3A_758 = tpu.memref_squeeze %get3A_757 : memref<1x128x128xf32, #tpu.memory_space<vmem>> -> memref<128x128xf32, #tpu.memory_space<vmem>>
        %get3A_759 = arith.index_cast %add3A_428 : i32 to index
        %get3A_760 = arith.constant 96 : index
        %get3A_761 = tpu.vector_load %get3A_758[%get3A_759, %get3A_760] {strides = array<i32>} : memref<128x128xf32, #tpu.memory_space<vmem>>, vector<1x16xf32>,
        %get3A_762 = vector.shape_cast %get3A_761 : vector<1x16xf32> to vector<16xf32>
        %add3A_763 = arith.addf %get3A_749, %get3A_762 : vector<16xf32>
        %shift_left3A_764 = arith.shli %get3A_736, %broadcast_in_dim3A_260 : vector<16xi32>
        %bitcast_convert_type3A_765 = tpu.bitcast %shift_left3A_764 : vector<16xi32> -> vector<16xf32>
        %add3A_766 = arith.addf %add3A_763, %bitcast_convert_type3A_765 : vector<16xf32>
        %max3A_767 = arith.constant 0.000000e+00 : f32
        %max3A_768 = vector.broadcast %max3A_767 : f32 to vector<16xf32>
        %max3A_769 = arith.maximumf %add3A_766, %max3A_768 : vector<16xf32>
        %swap3A_770 = arith.constant 0 : i32
        %swap3A_771 = arith.constant 0 : i32
        %swap3A_772 = arith.constant 0 : i32
        %swap3A_773 = tpu.memref_slice %arg7[%scan3A_262, %swap3A_770, %swap3A_771, %swap3A_772] : memref<2x2x128x128xf32, #tpu.memory_space<vmem>> -> memref<1x2x128x128xf32, #tpu.memory_space<vmem>>
        %swap3A_774 = tpu.memref_squeeze %swap3A_773 : memref<1x2x128x128xf32, #tpu.memory_space<vmem>> -> memref<2x128x128xf32, #tpu.memory_space<vmem>>
        %swap3A_775 = arith.constant 0 : i32
        %swap3A_776 = arith.constant 0 : i32
        %swap3A_777 = tpu.memref_slice %swap3A_774[%scan3A_263, %swap3A_775, %swap3A_776] : memref<2x128x128xf32, #tpu.memory_space<vmem>> -> memref<1x128x128xf32, #tpu.memory_space<vmem>>
        %swap3A_778 = tpu.memref_squeeze %swap3A_777 : memref<1x128x128xf32, #tpu.memory_space<vmem>> -> memref<128x128xf32, #tpu.memory_space<vmem>>
        %swap3A_779 = arith.index_cast %add3A_428 : i32 to index
        %swap3A_780 = arith.constant 96 : index
        %swap3A_781 = tpu.vector_load %swap3A_778[%swap3A_779, %swap3A_780] {strides = array<i32>} : memref<128x128xf32, #tpu.memory_space<vmem>>, vector<1x16xf32>,
        %swap3A_782 = vector.shape_cast %swap3A_781 : vector<1x16xf32> to vector<16xf32>
        %swap3A_783 = vector.shape_cast %max3A_769 : vector<16xf32> to vector<1x16xf32>
        tpu.vector_store %swap3A_778[%swap3A_779, %swap3A_780], %swap3A_783 {strides = array<i32>} : memref<128x128xf32, #tpu.memory_space<vmem>>, vector<1x16xf32>,
        %get3A_784 = arith.constant 0 : i32
        %get3A_785 = arith.constant 0 : i32
        %get3A_786 = arith.constant 0 : i32
        %get3A_787 = tpu.memref_slice %arg7[%scan3A_262, %get3A_784, %get3A_785, %get3A_786] : memref<2x2x128x128xf32, #tpu.memory_space<vmem>> -> memref<1x2x128x128xf32, #tpu.memory_space<vmem>>
        %get3A_788 = tpu.memref_squeeze %get3A_787 : memref<1x2x128x128xf32, #tpu.memory_space<vmem>> -> memref<2x128x128xf32, #tpu.memory_space<vmem>>
        %get3A_789 = arith.constant 0 : i32
        %get3A_790 = arith.constant 0 : i32
        %get3A_791 = tpu.memref_slice %get3A_788[%scan3A_263, %get3A_789, %get3A_790] : memref<2x128x128xf32, #tpu.memory_space<vmem>> -> memref<1x128x128xf32, #tpu.memory_space<vmem>>
        %get3A_792 = tpu.memref_squeeze %get3A_791 : memref<1x128x128xf32, #tpu.memory_space<vmem>> -> memref<128x128xf32, #tpu.memory_space<vmem>>
        %get3A_793 = arith.index_cast %add3A_428 : i32 to index
        %get3A_794 = arith.constant 112 : index
        %get3A_795 = tpu.vector_load %get3A_792[%get3A_793, %get3A_794] {strides = array<i32>} : memref<128x128xf32, #tpu.memory_space<vmem>>, vector<1x16xf32>,
        %get3A_796 = vector.shape_cast %get3A_795 : vector<1x16xf32> to vector<16xf32>
        %get3A_797 = arith.constant 0 : i32
        %get3A_798 = arith.constant 0 : i32
        %get3A_799 = arith.constant 0 : i32
        %get3A_800 = tpu.memref_slice %arg7[%scan3A_264, %get3A_797, %get3A_798, %get3A_799] : memref<2x2x128x128xf32, #tpu.memory_space<vmem>> -> memref<1x2x128x128xf32, #tpu.memory_space<vmem>>
        %get3A_801 = tpu.memref_squeeze %get3A_800 : memref<1x2x128x128xf32, #tpu.memory_space<vmem>> -> memref<2x128x128xf32, #tpu.memory_space<vmem>>
        %get3A_802 = arith.constant 0 : i32
        %get3A_803 = arith.constant 0 : i32
        %get3A_804 = tpu.memref_slice %get3A_801[%scan3A_265, %get3A_802, %get3A_803] : memref<2x128x128xf32, #tpu.memory_space<vmem>> -> memref<1x128x128xf32, #tpu.memory_space<vmem>>
        %get3A_805 = tpu.memref_squeeze %get3A_804 : memref<1x128x128xf32, #tpu.memory_space<vmem>> -> memref<128x128xf32, #tpu.memory_space<vmem>>
        %get3A_806 = arith.index_cast %add3A_428 : i32 to index
        %get3A_807 = arith.constant 112 : index
        %get3A_808 = tpu.vector_load %get3A_805[%get3A_806, %get3A_807] {strides = array<i32>} : memref<128x128xf32, #tpu.memory_space<vmem>>, vector<1x16xf32>,
        %get3A_809 = vector.shape_cast %get3A_808 : vector<1x16xf32> to vector<16xf32>
        %add3A_810 = arith.addf %get3A_796, %get3A_809 : vector<16xf32>
        %and3A_811 = arith.andi %get3A_736, %broadcast_in_dim3A_258 : vector<16xi32>
        %bitcast_convert_type3A_812 = tpu.bitcast %and3A_811 : vector<16xi32> -> vector<16xf32>
        %add3A_813 = arith.addf %add3A_810, %bitcast_convert_type3A_812 : vector<16xf32>
        %max3A_814 = arith.constant 0.000000e+00 : f32
        %max3A_815 = vector.broadcast %max3A_814 : f32 to vector<16xf32>
        %max3A_816 = arith.maximumf %add3A_813, %max3A_815 : vector<16xf32>
        %swap3A_817 = arith.constant 0 : i32
        %swap3A_818 = arith.constant 0 : i32
        %swap3A_819 = arith.constant 0 : i32
        %swap3A_820 = tpu.memref_slice %arg7[%scan3A_262, %swap3A_817, %swap3A_818, %swap3A_819] : memref<2x2x128x128xf32, #tpu.memory_space<vmem>> -> memref<1x2x128x128xf32, #tpu.memory_space<vmem>>
        %swap3A_821 = tpu.memref_squeeze %swap3A_820 : memref<1x2x128x128xf32, #tpu.memory_space<vmem>> -> memref<2x128x128xf32, #tpu.memory_space<vmem>>
        %swap3A_822 = arith.constant 0 : i32
        %swap3A_823 = arith.constant 0 : i32
        %swap3A_824 = tpu.memref_slice %swap3A_821[%scan3A_263, %swap3A_822, %swap3A_823] : memref<2x128x128xf32, #tpu.memory_space<vmem>> -> memref<1x128x128xf32, #tpu.memory_space<vmem>>
        %swap3A_825 = tpu.memref_squeeze %swap3A_824 : memref<1x128x128xf32, #tpu.memory_space<vmem>> -> memref<128x128xf32, #tpu.memory_space<vmem>>
        %swap3A_826 = arith.index_cast %add3A_428 : i32 to index
        %swap3A_827 = arith.constant 112 : index
        %swap3A_828 = tpu.vector_load %swap3A_825[%swap3A_826, %swap3A_827] {strides = array<i32>} : memref<128x128xf32, #tpu.memory_space<vmem>>, vector<1x16xf32>,
        %swap3A_829 = vector.shape_cast %swap3A_828 : vector<1x16xf32> to vector<16xf32>
        %swap3A_830 = vector.shape_cast %max3A_816 : vector<16xf32> to vector<1x16xf32>
        tpu.vector_store %swap3A_825[%swap3A_826, %swap3A_827], %swap3A_830 {strides = array<i32>} : memref<128x128xf32, #tpu.memory_space<vmem>>, vector<1x16xf32>,
        %scan3A_831 = arith.constant 1 : i32
        %scan3A_832 = arith.addi %scan3A_424, %scan3A_831 : i32
        %mul3A_833 = arith.constant 1 : i32
        %mul3A_834 = arith.muli %scan3A_832, %mul3A_833 : i32
        %add3A_835 = arith.constant 0 : i32
        %add3A_836 = arith.addi %add3A_835, %mul3A_834 : i32
        %get3A_837 = arith.constant 0 : i32
        %get3A_838 = arith.constant 0 : i32
        %get3A_839 = tpu.memref_slice %arg8[%scan3A_261, %get3A_837, %get3A_838] : memref<2x128x64xi32, #tpu.memory_space<vmem>> -> memref<1x128x64xi32, #tpu.memory_space<vmem>>
        %get3A_840 = tpu.memref_squeeze %get3A_839 : memref<1x128x64xi32, #tpu.memory_space<vmem>> -> memref<128x64xi32, #tpu.memory_space<vmem>>
        %get3A_841 = arith.index_cast %add3A_836 : i32 to index
        %get3A_842 = arith.constant 0 : index
        %get3A_843 = tpu.vector_load %get3A_840[%get3A_841, %get3A_842] {strides = array<i32>} : memref<128x64xi32, #tpu.memory_space<vmem>>, vector<1x16xi32>,
        %get3A_844 = vector.shape_cast %get3A_843 : vector<1x16xi32> to vector<16xi32>
        %get3A_845 = arith.constant 0 : i32
        %get3A_846 = arith.constant 0 : i32
        %get3A_847 = arith.constant 0 : i32
        %get3A_848 = tpu.memref_slice %arg7[%scan3A_262, %get3A_845, %get3A_846, %get3A_847] : memref<2x2x128x128xf32, #tpu.memory_space<vmem>> -> memref<1x2x128x128xf32, #tpu.memory_space<vmem>>
        %get3A_849 = tpu.memref_squeeze %get3A_848 : memref<1x2x128x128xf32, #tpu.memory_space<vmem>> -> memref<2x128x128xf32, #tpu.memory_space<vmem>>
        %get3A_850 = arith.constant 0 : i32
        %get3A_851 = arith.constant 0 : i32
        %get3A_852 = tpu.memref_slice %get3A_849[%scan3A_263, %get3A_850, %get3A_851] : memref<2x128x128xf32, #tpu.memory_space<vmem>> -> memref<1x128x128xf32, #tpu.memory_space<vmem>>
        %get3A_853 = tpu.memref_squeeze %get3A_852 : memref<1x128x128xf32, #tpu.memory_space<vmem>> -> memref<128x128xf32, #tpu.memory_space<vmem>>
        %get3A_854 = arith.index_cast %add3A_836 : i32 to index
        %get3A_855 = arith.constant 0 : index
        %get3A_856 = tpu.vector_load %get3A_853[%get3A_854, %get3A_855] {strides = array<i32>} : memref<128x128xf32, #tpu.memory_space<vmem>>, vector<1x16xf32>,
        %get3A_857 = vector.shape_cast %get3A_856 : vector<1x16xf32> to vector<16xf32>
        %get3A_858 = arith.constant 0 : i32
        %get3A_859 = arith.constant 0 : i32
        %get3A_860 = arith.constant 0 : i32
        %get3A_861 = tpu.memref_slice %arg7[%scan3A_264, %get3A_858, %get3A_859, %get3A_860] : memref<2x2x128x128xf32, #tpu.memory_space<vmem>> -> memref<1x2x128x128xf32, #tpu.memory_space<vmem>>
        %get3A_862 = tpu.memref_squeeze %get3A_861 : memref<1x2x128x128xf32, #tpu.memory_space<vmem>> -> memref<2x128x128xf32, #tpu.memory_space<vmem>>
        %get3A_863 = arith.constant 0 : i32
        %get3A_864 = arith.constant 0 : i32
        %get3A_865 = tpu.memref_slice %get3A_862[%scan3A_265, %get3A_863, %get3A_864] : memref<2x128x128xf32, #tpu.memory_space<vmem>> -> memref<1x128x128xf32, #tpu.memory_space<vmem>>
        %get3A_866 = tpu.memref_squeeze %get3A_865 : memref<1x128x128xf32, #tpu.memory_space<vmem>> -> memref<128x128xf32, #tpu.memory_space<vmem>>
        %get3A_867 = arith.index_cast %add3A_836 : i32 to index
        %get3A_868 = arith.constant 0 : index
        %get3A_869 = tpu.vector_load %get3A_866[%get3A_867, %get3A_868] {strides = array<i32>} : memref<128x128xf32, #tpu.memory_space<vmem>>, vector<1x16xf32>,
        %get3A_870 = vector.shape_cast %get3A_869 : vector<1x16xf32> to vector<16xf32>
        %add3A_871 = arith.addf %get3A_857, %get3A_870 : vector<16xf32>
        %shift_left3A_872 = arith.shli %get3A_844, %broadcast_in_dim3A_260 : vector<16xi32>
        %bitcast_convert_type3A_873 = tpu.bitcast %shift_left3A_872 : vector<16xi32> -> vector<16xf32>
        %add3A_874 = arith.addf %add3A_871, %bitcast_convert_type3A_873 : vector<16xf32>
        %max3A_875 = arith.constant 0.000000e+00 : f32
        %max3A_876 = vector.broadcast %max3A_875 : f32 to vector<16xf32>
        %max3A_877 = arith.maximumf %add3A_874, %max3A_876 : vector<16xf32>
        %swap3A_878 = arith.constant 0 : i32
        %swap3A_879 = arith.constant 0 : i32
        %swap3A_880 = arith.constant 0 : i32
        %swap3A_881 = tpu.memref_slice %arg7[%scan3A_262, %swap3A_878, %swap3A_879, %swap3A_880] : memref<2x2x128x128xf32, #tpu.memory_space<vmem>> -> memref<1x2x128x128xf32, #tpu.memory_space<vmem>>
        %swap3A_882 = tpu.memref_squeeze %swap3A_881 : memref<1x2x128x128xf32, #tpu.memory_space<vmem>> -> memref<2x128x128xf32, #tpu.memory_space<vmem>>
        %swap3A_883 = arith.constant 0 : i32
        %swap3A_884 = arith.constant 0 : i32
        %swap3A_885 = tpu.memref_slice %swap3A_882[%scan3A_263, %swap3A_883, %swap3A_884] : memref<2x128x128xf32, #tpu.memory_space<vmem>> -> memref<1x128x128xf32, #tpu.memory_space<vmem>>
        %swap3A_886 = tpu.memref_squeeze %swap3A_885 : memref<1x128x128xf32, #tpu.memory_space<vmem>> -> memref<128x128xf32, #tpu.memory_space<vmem>>
        %swap3A_887 = arith.index_cast %add3A_836 : i32 to index
        %swap3A_888 = arith.constant 0 : index
        %swap3A_889 = tpu.vector_load %swap3A_886[%swap3A_887, %swap3A_888] {strides = array<i32>} : memref<128x128xf32, #tpu.memory_space<vmem>>, vector<1x16xf32>,
        %swap3A_890 = vector.shape_cast %swap3A_889 : vector<1x16xf32> to vector<16xf32>
        %swap3A_891 = vector.shape_cast %max3A_877 : vector<16xf32> to vector<1x16xf32>
        tpu.vector_store %swap3A_886[%swap3A_887, %swap3A_888], %swap3A_891 {strides = array<i32>} : memref<128x128xf32, #tpu.memory_space<vmem>>, vector<1x16xf32>,
        %get3A_892 = arith.constant 0 : i32
        %get3A_893 = arith.constant 0 : i32
        %get3A_894 = arith.constant 0 : i32
        %get3A_895 = tpu.memref_slice %arg7[%scan3A_262, %get3A_892, %get3A_893, %get3A_894] : memref<2x2x128x128xf32, #tpu.memory_space<vmem>> -> memref<1x2x128x128xf32, #tpu.memory_space<vmem>>
        %get3A_896 = tpu.memref_squeeze %get3A_895 : memref<1x2x128x128xf32, #tpu.memory_space<vmem>> -> memref<2x128x128xf32, #tpu.memory_space<vmem>>
        %get3A_897 = arith.constant 0 : i32
        %get3A_898 = arith.constant 0 : i32
        %get3A_899 = tpu.memref_slice %get3A_896[%scan3A_263, %get3A_897, %get3A_898] : memref<2x128x128xf32, #tpu.memory_space<vmem>> -> memref<1x128x128xf32, #tpu.memory_space<vmem>>
        %get3A_900 = tpu.memref_squeeze %get3A_899 : memref<1x128x128xf32, #tpu.memory_space<vmem>> -> memref<128x128xf32, #tpu.memory_space<vmem>>
        %get3A_901 = arith.index_cast %add3A_836 : i32 to index
        %get3A_902 = arith.constant 16 : index
        %get3A_903 = tpu.vector_load %get3A_900[%get3A_901, %get3A_902] {strides = array<i32>} : memref<128x128xf32, #tpu.memory_space<vmem>>, vector<1x16xf32>,
        %get3A_904 = vector.shape_cast %get3A_903 : vector<1x16xf32> to vector<16xf32>
        %get3A_905 = arith.constant 0 : i32
        %get3A_906 = arith.constant 0 : i32
        %get3A_907 = arith.constant 0 : i32
        %get3A_908 = tpu.memref_slice %arg7[%scan3A_264, %get3A_905, %get3A_906, %get3A_907] : memref<2x2x128x128xf32, #tpu.memory_space<vmem>> -> memref<1x2x128x128xf32, #tpu.memory_space<vmem>>
        %get3A_909 = tpu.memref_squeeze %get3A_908 : memref<1x2x128x128xf32, #tpu.memory_space<vmem>> -> memref<2x128x128xf32, #tpu.memory_space<vmem>>
        %get3A_910 = arith.constant 0 : i32
        %get3A_911 = arith.constant 0 : i32
        %get3A_912 = tpu.memref_slice %get3A_909[%scan3A_265, %get3A_910, %get3A_911] : memref<2x128x128xf32, #tpu.memory_space<vmem>> -> memref<1x128x128xf32, #tpu.memory_space<vmem>>
        %get3A_913 = tpu.memref_squeeze %get3A_912 : memref<1x128x128xf32, #tpu.memory_space<vmem>> -> memref<128x128xf32, #tpu.memory_space<vmem>>
        %get3A_914 = arith.index_cast %add3A_836 : i32 to index
        %get3A_915 = arith.constant 16 : index
        %get3A_916 = tpu.vector_load %get3A_913[%get3A_914, %get3A_915] {strides = array<i32>} : memref<128x128xf32, #tpu.memory_space<vmem>>, vector<1x16xf32>,
        %get3A_917 = vector.shape_cast %get3A_916 : vector<1x16xf32> to vector<16xf32>
        %add3A_918 = arith.addf %get3A_904, %get3A_917 : vector<16xf32>
        %and3A_919 = arith.andi %get3A_844, %broadcast_in_dim3A_258 : vector<16xi32>
        %bitcast_convert_type3A_920 = tpu.bitcast %and3A_919 : vector<16xi32> -> vector<16xf32>
        %add3A_921 = arith.addf %add3A_918, %bitcast_convert_type3A_920 : vector<16xf32>
        %max3A_922 = arith.constant 0.000000e+00 : f32
        %max3A_923 = vector.broadcast %max3A_922 : f32 to vector<16xf32>
        %max3A_924 = arith.maximumf %add3A_921, %max3A_923 : vector<16xf32>
        %swap3A_925 = arith.constant 0 : i32
        %swap3A_926 = arith.constant 0 : i32
        %swap3A_927 = arith.constant 0 : i32
        %swap3A_928 = tpu.memref_slice %arg7[%scan3A_262, %swap3A_925, %swap3A_926, %swap3A_927] : memref<2x2x128x128xf32, #tpu.memory_space<vmem>> -> memref<1x2x128x128xf32, #tpu.memory_space<vmem>>
        %swap3A_929 = tpu.memref_squeeze %swap3A_928 : memref<1x2x128x128xf32, #tpu.memory_space<vmem>> -> memref<2x128x128xf32, #tpu.memory_space<vmem>>
        %swap3A_930 = arith.constant 0 : i32
        %swap3A_931 = arith.constant 0 : i32
        %swap3A_932 = tpu.memref_slice %swap3A_929[%scan3A_263, %swap3A_930, %swap3A_931] : memref<2x128x128xf32, #tpu.memory_space<vmem>> -> memref<1x128x128xf32, #tpu.memory_space<vmem>>
        %swap3A_933 = tpu.memref_squeeze %swap3A_932 : memref<1x128x128xf32, #tpu.memory_space<vmem>> -> memref<128x128xf32, #tpu.memory_space<vmem>>
        %swap3A_934 = arith.index_cast %add3A_836 : i32 to index
        %swap3A_935 = arith.constant 16 : index
        %swap3A_936 = tpu.vector_load %swap3A_933[%swap3A_934, %swap3A_935] {strides = array<i32>} : memref<128x128xf32, #tpu.memory_space<vmem>>, vector<1x16xf32>,
        %swap3A_937 = vector.shape_cast %swap3A_936 : vector<1x16xf32> to vector<16xf32>
        %swap3A_938 = vector.shape_cast %max3A_924 : vector<16xf32> to vector<1x16xf32>
        tpu.vector_store %swap3A_933[%swap3A_934, %swap3A_935], %swap3A_938 {strides = array<i32>} : memref<128x128xf32, #tpu.memory_space<vmem>>, vector<1x16xf32>,
        %get3A_939 = arith.constant 0 : i32
        %get3A_940 = arith.constant 0 : i32
        %get3A_941 = tpu.memref_slice %arg8[%scan3A_261, %get3A_939, %get3A_940] : memref<2x128x64xi32, #tpu.memory_space<vmem>> -> memref<1x128x64xi32, #tpu.memory_space<vmem>>
        %get3A_942 = tpu.memref_squeeze %get3A_941 : memref<1x128x64xi32, #tpu.memory_space<vmem>> -> memref<128x64xi32, #tpu.memory_space<vmem>>
        %get3A_943 = arith.index_cast %add3A_836 : i32 to index
        %get3A_944 = arith.constant 16 : index
        %get3A_945 = tpu.vector_load %get3A_942[%get3A_943, %get3A_944] {strides = array<i32>} : memref<128x64xi32, #tpu.memory_space<vmem>>, vector<1x16xi32>,
        %get3A_946 = vector.shape_cast %get3A_945 : vector<1x16xi32> to vector<16xi32>
        %get3A_947 = arith.constant 0 : i32
        %get3A_948 = arith.constant 0 : i32
        %get3A_949 = arith.constant 0 : i32
        %get3A_950 = tpu.memref_slice %arg7[%scan3A_262, %get3A_947, %get3A_948, %get3A_949] : memref<2x2x128x128xf32, #tpu.memory_space<vmem>> -> memref<1x2x128x128xf32, #tpu.memory_space<vmem>>
        %get3A_951 = tpu.memref_squeeze %get3A_950 : memref<1x2x128x128xf32, #tpu.memory_space<vmem>> -> memref<2x128x128xf32, #tpu.memory_space<vmem>>
        %get3A_952 = arith.constant 0 : i32
        %get3A_953 = arith.constant 0 : i32
        %get3A_954 = tpu.memref_slice %get3A_951[%scan3A_263, %get3A_952, %get3A_953] : memref<2x128x128xf32, #tpu.memory_space<vmem>> -> memref<1x128x128xf32, #tpu.memory_space<vmem>>
        %get3A_955 = tpu.memref_squeeze %get3A_954 : memref<1x128x128xf32, #tpu.memory_space<vmem>> -> memref<128x128xf32, #tpu.memory_space<vmem>>
        %get3A_956 = arith.index_cast %add3A_836 : i32 to index
        %get3A_957 = arith.constant 32 : index
        %get3A_958 = tpu.vector_load %get3A_955[%get3A_956, %get3A_957] {strides = array<i32>} : memref<128x128xf32, #tpu.memory_space<vmem>>, vector<1x16xf32>,
        %get3A_959 = vector.shape_cast %get3A_958 : vector<1x16xf32> to vector<16xf32>
        %get3A_960 = arith.constant 0 : i32
        %get3A_961 = arith.constant 0 : i32
        %get3A_962 = arith.constant 0 : i32
        %get3A_963 = tpu.memref_slice %arg7[%scan3A_264, %get3A_960, %get3A_961, %get3A_962] : memref<2x2x128x128xf32, #tpu.memory_space<vmem>> -> memref<1x2x128x128xf32, #tpu.memory_space<vmem>>
        %get3A_964 = tpu.memref_squeeze %get3A_963 : memref<1x2x128x128xf32, #tpu.memory_space<vmem>> -> memref<2x128x128xf32, #tpu.memory_space<vmem>>
        %get3A_965 = arith.constant 0 : i32
        %get3A_966 = arith.constant 0 : i32
        %get3A_967 = tpu.memref_slice %get3A_964[%scan3A_265, %get3A_965, %get3A_966] : memref<2x128x128xf32, #tpu.memory_space<vmem>> -> memref<1x128x128xf32, #tpu.memory_space<vmem>>
        %get3A_968 = tpu.memref_squeeze %get3A_967 : memref<1x128x128xf32, #tpu.memory_space<vmem>> -> memref<128x128xf32, #tpu.memory_space<vmem>>
        %get3A_969 = arith.index_cast %add3A_836 : i32 to index
        %get3A_970 = arith.constant 32 : index
        %get3A_971 = tpu.vector_load %get3A_968[%get3A_969, %get3A_970] {strides = array<i32>} : memref<128x128xf32, #tpu.memory_space<vmem>>, vector<1x16xf32>,
        %get3A_972 = vector.shape_cast %get3A_971 : vector<1x16xf32> to vector<16xf32>
        %add3A_973 = arith.addf %get3A_959, %get3A_972 : vector<16xf32>
        %shift_left3A_974 = arith.shli %get3A_946, %broadcast_in_dim3A_260 : vector<16xi32>
        %bitcast_convert_type3A_975 = tpu.bitcast %shift_left3A_974 : vector<16xi32> -> vector<16xf32>
        %add3A_976 = arith.addf %add3A_973, %bitcast_convert_type3A_975 : vector<16xf32>
        %max3A_977 = arith.constant 0.000000e+00 : f32
        %max3A_978 = vector.broadcast %max3A_977 : f32 to vector<16xf32>
        %max3A_979 = arith.maximumf %add3A_976, %max3A_978 : vector<16xf32>
        %swap3A_980 = arith.constant 0 : i32
        %swap3A_981 = arith.constant 0 : i32
        %swap3A_982 = arith.constant 0 : i32
        %swap3A_983 = tpu.memref_slice %arg7[%scan3A_262, %swap3A_980, %swap3A_981, %swap3A_982] : memref<2x2x128x128xf32, #tpu.memory_space<vmem>> -> memref<1x2x128x128xf32, #tpu.memory_space<vmem>>
        %swap3A_984 = tpu.memref_squeeze %swap3A_983 : memref<1x2x128x128xf32, #tpu.memory_space<vmem>> -> memref<2x128x128xf32, #tpu.memory_space<vmem>>
        %swap3A_985 = arith.constant 0 : i32
        %swap3A_986 = arith.constant 0 : i32
        %swap3A_987 = tpu.memref_slice %swap3A_984[%scan3A_263, %swap3A_985, %swap3A_986] : memref<2x128x128xf32, #tpu.memory_space<vmem>> -> memref<1x128x128xf32, #tpu.memory_space<vmem>>
        %swap3A_988 = tpu.memref_squeeze %swap3A_987 : memref<1x128x128xf32, #tpu.memory_space<vmem>> -> memref<128x128xf32, #tpu.memory_space<vmem>>
        %swap3A_989 = arith.index_cast %add3A_836 : i32 to index
        %swap3A_990 = arith.constant 32 : index
        %swap3A_991 = tpu.vector_load %swap3A_988[%swap3A_989, %swap3A_990] {strides = array<i32>} : memref<128x128xf32, #tpu.memory_space<vmem>>, vector<1x16xf32>,
        %swap3A_992 = vector.shape_cast %swap3A_991 : vector<1x16xf32> to vector<16xf32>
        %swap3A_993 = vector.shape_cast %max3A_979 : vector<16xf32> to vector<1x16xf32>
        tpu.vector_store %swap3A_988[%swap3A_989, %swap3A_990], %swap3A_993 {strides = array<i32>} : memref<128x128xf32, #tpu.memory_space<vmem>>, vector<1x16xf32>,
        %get3A_994 = arith.constant 0 : i32
        %get3A_995 = arith.constant 0 : i32
        %get3A_996 = arith.constant 0 : i32
        %get3A_997 = tpu.memref_slice %arg7[%scan3A_262, %get3A_994, %get3A_995, %get3A_996] : memref<2x2x128x128xf32, #tpu.memory_space<vmem>> -> memref<1x2x128x128xf32, #tpu.memory_space<vmem>>
        %get3A_998 = tpu.memref_squeeze %get3A_997 : memref<1x2x128x128xf32, #tpu.memory_space<vmem>> -> memref<2x128x128xf32, #tpu.memory_space<vmem>>
        %get3A_999 = arith.constant 0 : i32
        %get3A_1000 = arith.constant 0 : i32
        %get3A_1001 = tpu.memref_slice %get3A_998[%scan3A_263, %get3A_999, %get3A_1000] : memref<2x128x128xf32, #tpu.memory_space<vmem>> -> memref<1x128x128xf32, #tpu.memory_space<vmem>>
        %get3A_1002 = tpu.memref_squeeze %get3A_1001 : memref<1x128x128xf32, #tpu.memory_space<vmem>> -> memref<128x128xf32, #tpu.memory_space<vmem>>
        %get3A_1003 = arith.index_cast %add3A_836 : i32 to index
        %get3A_1004 = arith.constant 48 : index
        %get3A_1005 = tpu.vector_load %get3A_1002[%get3A_1003, %get3A_1004] {strides = array<i32>} : memref<128x128xf32, #tpu.memory_space<vmem>>, vector<1x16xf32>,
        %get3A_1006 = vector.shape_cast %get3A_1005 : vector<1x16xf32> to vector<16xf32>
        %get3A_1007 = arith.constant 0 : i32
        %get3A_1008 = arith.constant 0 : i32
        %get3A_1009 = arith.constant 0 : i32
        %get3A_1010 = tpu.memref_slice %arg7[%scan3A_264, %get3A_1007, %get3A_1008, %get3A_1009] : memref<2x2x128x128xf32, #tpu.memory_space<vmem>> -> memref<1x2x128x128xf32, #tpu.memory_space<vmem>>
        %get3A_1011 = tpu.memref_squeeze %get3A_1010 : memref<1x2x128x128xf32, #tpu.memory_space<vmem>> -> memref<2x128x128xf32, #tpu.memory_space<vmem>>
        %get3A_1012 = arith.constant 0 : i32
        %get3A_1013 = arith.constant 0 : i32
        %get3A_1014 = tpu.memref_slice %get3A_1011[%scan3A_265, %get3A_1012, %get3A_1013] : memref<2x128x128xf32, #tpu.memory_space<vmem>> -> memref<1x128x128xf32, #tpu.memory_space<vmem>>
        %get3A_1015 = tpu.memref_squeeze %get3A_1014 : memref<1x128x128xf32, #tpu.memory_space<vmem>> -> memref<128x128xf32, #tpu.memory_space<vmem>>
        %get3A_1016 = arith.index_cast %add3A_836 : i32 to index
        %get3A_1017 = arith.constant 48 : index
        %get3A_1018 = tpu.vector_load %get3A_1015[%get3A_1016, %get3A_1017] {strides = array<i32>} : memref<128x128xf32, #tpu.memory_space<vmem>>, vector<1x16xf32>,
        %get3A_1019 = vector.shape_cast %get3A_1018 : vector<1x16xf32> to vector<16xf32>
        %add3A_1020 = arith.addf %get3A_1006, %get3A_1019 : vector<16xf32>
        %and3A_1021 = arith.andi %get3A_946, %broadcast_in_dim3A_258 : vector<16xi32>
        %bitcast_convert_type3A_1022 = tpu.bitcast %and3A_1021 : vector<16xi32> -> vector<16xf32>
        %add3A_1023 = arith.addf %add3A_1020, %bitcast_convert_type3A_1022 : vector<16xf32>
        %max3A_1024 = arith.constant 0.000000e+00 : f32
        %max3A_1025 = vector.broadcast %max3A_1024 : f32 to vector<16xf32>
        %max3A_1026 = arith.maximumf %add3A_1023, %max3A_1025 : vector<16xf32>
        %swap3A_1027 = arith.constant 0 : i32
        %swap3A_1028 = arith.constant 0 : i32
        %swap3A_1029 = arith.constant 0 : i32
        %swap3A_1030 = tpu.memref_slice %arg7[%scan3A_262, %swap3A_1027, %swap3A_1028, %swap3A_1029] : memref<2x2x128x128xf32, #tpu.memory_space<vmem>> -> memref<1x2x128x128xf32, #tpu.memory_space<vmem>>
        %swap3A_1031 = tpu.memref_squeeze %swap3A_1030 : memref<1x2x128x128xf32, #tpu.memory_space<vmem>> -> memref<2x128x128xf32, #tpu.memory_space<vmem>>
        %swap3A_1032 = arith.constant 0 : i32
        %swap3A_1033 = arith.constant 0 : i32
        %swap3A_1034 = tpu.memref_slice %swap3A_1031[%scan3A_263, %swap3A_1032, %swap3A_1033] : memref<2x128x128xf32, #tpu.memory_space<vmem>> -> memref<1x128x128xf32, #tpu.memory_space<vmem>>
        %swap3A_1035 = tpu.memref_squeeze %swap3A_1034 : memref<1x128x128xf32, #tpu.memory_space<vmem>> -> memref<128x128xf32, #tpu.memory_space<vmem>>
        %swap3A_1036 = arith.index_cast %add3A_836 : i32 to index
        %swap3A_1037 = arith.constant 48 : index
        %swap3A_1038 = tpu.vector_load %swap3A_1035[%swap3A_1036, %swap3A_1037] {strides = array<i32>} : memref<128x128xf32, #tpu.memory_space<vmem>>, vector<1x16xf32>,
        %swap3A_1039 = vector.shape_cast %swap3A_1038 : vector<1x16xf32> to vector<16xf32>
        %swap3A_1040 = vector.shape_cast %max3A_1026 : vector<16xf32> to vector<1x16xf32>
        tpu.vector_store %swap3A_1035[%swap3A_1036, %swap3A_1037], %swap3A_1040 {strides = array<i32>} : memref<128x128xf32, #tpu.memory_space<vmem>>, vector<1x16xf32>,
        %get3A_1041 = arith.constant 0 : i32
        %get3A_1042 = arith.constant 0 : i32
        %get3A_1043 = tpu.memref_slice %arg8[%scan3A_261, %get3A_1041, %get3A_1042] : memref<2x128x64xi32, #tpu.memory_space<vmem>> -> memref<1x128x64xi32, #tpu.memory_space<vmem>>
        %get3A_1044 = tpu.memref_squeeze %get3A_1043 : memref<1x128x64xi32, #tpu.memory_space<vmem>> -> memref<128x64xi32, #tpu.memory_space<vmem>>
        %get3A_1045 = arith.index_cast %add3A_836 : i32 to index
        %get3A_1046 = arith.constant 32 : index
        %get3A_1047 = tpu.vector_load %get3A_1044[%get3A_1045, %get3A_1046] {strides = array<i32>} : memref<128x64xi32, #tpu.memory_space<vmem>>, vector<1x16xi32>,
        %get3A_1048 = vector.shape_cast %get3A_1047 : vector<1x16xi32> to vector<16xi32>
        %get3A_1049 = arith.constant 0 : i32
        %get3A_1050 = arith.constant 0 : i32
        %get3A_1051 = arith.constant 0 : i32
        %get3A_1052 = tpu.memref_slice %arg7[%scan3A_262, %get3A_1049, %get3A_1050, %get3A_1051] : memref<2x2x128x128xf32, #tpu.memory_space<vmem>> -> memref<1x2x128x128xf32, #tpu.memory_space<vmem>>
        %get3A_1053 = tpu.memref_squeeze %get3A_1052 : memref<1x2x128x128xf32, #tpu.memory_space<vmem>> -> memref<2x128x128xf32, #tpu.memory_space<vmem>>
        %get3A_1054 = arith.constant 0 : i32
        %get3A_1055 = arith.constant 0 : i32
        %get3A_1056 = tpu.memref_slice %get3A_1053[%scan3A_263, %get3A_1054, %get3A_1055] : memref<2x128x128xf32, #tpu.memory_space<vmem>> -> memref<1x128x128xf32, #tpu.memory_space<vmem>>
        %get3A_1057 = tpu.memref_squeeze %get3A_1056 : memref<1x128x128xf32, #tpu.memory_space<vmem>> -> memref<128x128xf32, #tpu.memory_space<vmem>>
        %get3A_1058 = arith.index_cast %add3A_836 : i32 to index
        %get3A_1059 = arith.constant 64 : index
        %get3A_1060 = tpu.vector_load %get3A_1057[%get3A_1058, %get3A_1059] {strides = array<i32>} : memref<128x128xf32, #tpu.memory_space<vmem>>, vector<1x16xf32>,
        %get3A_1061 = vector.shape_cast %get3A_1060 : vector<1x16xf32> to vector<16xf32>
        %get3A_1062 = arith.constant 0 : i32
        %get3A_1063 = arith.constant 0 : i32
        %get3A_1064 = arith.constant 0 : i32
        %get3A_1065 = tpu.memref_slice %arg7[%scan3A_264, %get3A_1062, %get3A_1063, %get3A_1064] : memref<2x2x128x128xf32, #tpu.memory_space<vmem>> -> memref<1x2x128x128xf32, #tpu.memory_space<vmem>>
        %get3A_1066 = tpu.memref_squeeze %get3A_1065 : memref<1x2x128x128xf32, #tpu.memory_space<vmem>> -> memref<2x128x128xf32, #tpu.memory_space<vmem>>
        %get3A_1067 = arith.constant 0 : i32
        %get3A_1068 = arith.constant 0 : i32
        %get3A_1069 = tpu.memref_slice %get3A_1066[%scan3A_265, %get3A_1067, %get3A_1068] : memref<2x128x128xf32, #tpu.memory_space<vmem>> -> memref<1x128x128xf32, #tpu.memory_space<vmem>>
        %get3A_1070 = tpu.memref_squeeze %get3A_1069 : memref<1x128x128xf32, #tpu.memory_space<vmem>> -> memref<128x128xf32, #tpu.memory_space<vmem>>
        %get3A_1071 = arith.index_cast %add3A_836 : i32 to index
        %get3A_1072 = arith.constant 64 : index
        %get3A_1073 = tpu.vector_load %get3A_1070[%get3A_1071, %get3A_1072] {strides = array<i32>} : memref<128x128xf32, #tpu.memory_space<vmem>>, vector<1x16xf32>,
        %get3A_1074 = vector.shape_cast %get3A_1073 : vector<1x16xf32> to vector<16xf32>
        %add3A_1075 = arith.addf %get3A_1061, %get3A_1074 : vector<16xf32>
        %shift_left3A_1076 = arith.shli %get3A_1048, %broadcast_in_dim3A_260 : vector<16xi32>
        %bitcast_convert_type3A_1077 = tpu.bitcast %shift_left3A_1076 : vector<16xi32> -> vector<16xf32>
        %add3A_1078 = arith.addf %add3A_1075, %bitcast_convert_type3A_1077 : vector<16xf32>
        %max3A_1079 = arith.constant 0.000000e+00 : f32
        %max3A_1080 = vector.broadcast %max3A_1079 : f32 to vector<16xf32>
        %max3A_1081 = arith.maximumf %add3A_1078, %max3A_1080 : vector<16xf32>
        %swap3A_1082 = arith.constant 0 : i32
        %swap3A_1083 = arith.constant 0 : i32
        %swap3A_1084 = arith.constant 0 : i32
        %swap3A_1085 = tpu.memref_slice %arg7[%scan3A_262, %swap3A_1082, %swap3A_1083, %swap3A_1084] : memref<2x2x128x128xf32, #tpu.memory_space<vmem>> -> memref<1x2x128x128xf32, #tpu.memory_space<vmem>>
        %swap3A_1086 = tpu.memref_squeeze %swap3A_1085 : memref<1x2x128x128xf32, #tpu.memory_space<vmem>> -> memref<2x128x128xf32, #tpu.memory_space<vmem>>
        %swap3A_1087 = arith.constant 0 : i32
        %swap3A_1088 = arith.constant 0 : i32
        %swap3A_1089 = tpu.memref_slice %swap3A_1086[%scan3A_263, %swap3A_1087, %swap3A_1088] : memref<2x128x128xf32, #tpu.memory_space<vmem>> -> memref<1x128x128xf32, #tpu.memory_space<vmem>>
        %swap3A_1090 = tpu.memref_squeeze %swap3A_1089 : memref<1x128x128xf32, #tpu.memory_space<vmem>> -> memref<128x128xf32, #tpu.memory_space<vmem>>
        %swap3A_1091 = arith.index_cast %add3A_836 : i32 to index
        %swap3A_1092 = arith.constant 64 : index
        %swap3A_1093 = tpu.vector_load %swap3A_1090[%swap3A_1091, %swap3A_1092] {strides = array<i32>} : memref<128x128xf32, #tpu.memory_space<vmem>>, vector<1x16xf32>,
        %swap3A_1094 = vector.shape_cast %swap3A_1093 : vector<1x16xf32> to vector<16xf32>
        %swap3A_1095 = vector.shape_cast %max3A_1081 : vector<16xf32> to vector<1x16xf32>
        tpu.vector_store %swap3A_1090[%swap3A_1091, %swap3A_1092], %swap3A_1095 {strides = array<i32>} : memref<128x128xf32, #tpu.memory_space<vmem>>, vector<1x16xf32>,
        %get3A_1096 = arith.constant 0 : i32
        %get3A_1097 = arith.constant 0 : i32
        %get3A_1098 = arith.constant 0 : i32
        %get3A_1099 = tpu.memref_slice %arg7[%scan3A_262, %get3A_1096, %get3A_1097, %get3A_1098] : memref<2x2x128x128xf32, #tpu.memory_space<vmem>> -> memref<1x2x128x128xf32, #tpu.memory_space<vmem>>
        %get3A_1100 = tpu.memref_squeeze %get3A_1099 : memref<1x2x128x128xf32, #tpu.memory_space<vmem>> -> memref<2x128x128xf32, #tpu.memory_space<vmem>>
        %get3A_1101 = arith.constant 0 : i32
        %get3A_1102 = arith.constant 0 : i32
        %get3A_1103 = tpu.memref_slice %get3A_1100[%scan3A_263, %get3A_1101, %get3A_1102] : memref<2x128x128xf32, #tpu.memory_space<vmem>> -> memref<1x128x128xf32, #tpu.memory_space<vmem>>
        %get3A_1104 = tpu.memref_squeeze %get3A_1103 : memref<1x128x128xf32, #tpu.memory_space<vmem>> -> memref<128x128xf32, #tpu.memory_space<vmem>>
        %get3A_1105 = arith.index_cast %add3A_836 : i32 to index
        %get3A_1106 = arith.constant 80 : index
        %get3A_1107 = tpu.vector_load %get3A_1104[%get3A_1105, %get3A_1106] {strides = array<i32>} : memref<128x128xf32, #tpu.memory_space<vmem>>, vector<1x16xf32>,
        %get3A_1108 = vector.shape_cast %get3A_1107 : vector<1x16xf32> to vector<16xf32>
        %get3A_1109 = arith.constant 0 : i32
        %get3A_1110 = arith.constant 0 : i32
        %get3A_1111 = arith.constant 0 : i32
        %get3A_1112 = tpu.memref_slice %arg7[%scan3A_264, %get3A_1109, %get3A_1110, %get3A_1111] : memref<2x2x128x128xf32, #tpu.memory_space<vmem>> -> memref<1x2x128x128xf32, #tpu.memory_space<vmem>>
        %get3A_1113 = tpu.memref_squeeze %get3A_1112 : memref<1x2x128x128xf32, #tpu.memory_space<vmem>> -> memref<2x128x128xf32, #tpu.memory_space<vmem>>
        %get3A_1114 = arith.constant 0 : i32
        %get3A_1115 = arith.constant 0 : i32
        %get3A_1116 = tpu.memref_slice %get3A_1113[%scan3A_265, %get3A_1114, %get3A_1115] : memref<2x128x128xf32, #tpu.memory_space<vmem>> -> memref<1x128x128xf32, #tpu.memory_space<vmem>>
        %get3A_1117 = tpu.memref_squeeze %get3A_1116 : memref<1x128x128xf32, #tpu.memory_space<vmem>> -> memref<128x128xf32, #tpu.memory_space<vmem>>
        %get3A_1118 = arith.index_cast %add3A_836 : i32 to index
        %get3A_1119 = arith.constant 80 : index
        %get3A_1120 = tpu.vector_load %get3A_1117[%get3A_1118, %get3A_1119] {strides = array<i32>} : memref<128x128xf32, #tpu.memory_space<vmem>>, vector<1x16xf32>,
        %get3A_1121 = vector.shape_cast %get3A_1120 : vector<1x16xf32> to vector<16xf32>
        %add3A_1122 = arith.addf %get3A_1108, %get3A_1121 : vector<16xf32>
        %and3A_1123 = arith.andi %get3A_1048, %broadcast_in_dim3A_258 : vector<16xi32>
        %bitcast_convert_type3A_1124 = tpu.bitcast %and3A_1123 : vector<16xi32> -> vector<16xf32>
        %add3A_1125 = arith.addf %add3A_1122, %bitcast_convert_type3A_1124 : vector<16xf32>
        %max3A_1126 = arith.constant 0.000000e+00 : f32
        %max3A_1127 = vector.broadcast %max3A_1126 : f32 to vector<16xf32>
        %max3A_1128 = arith.maximumf %add3A_1125, %max3A_1127 : vector<16xf32>
        %swap3A_1129 = arith.constant 0 : i32
        %swap3A_1130 = arith.constant 0 : i32
        %swap3A_1131 = arith.constant 0 : i32
        %swap3A_1132 = tpu.memref_slice %arg7[%scan3A_262, %swap3A_1129, %swap3A_1130, %swap3A_1131] : memref<2x2x128x128xf32, #tpu.memory_space<vmem>> -> memref<1x2x128x128xf32, #tpu.memory_space<vmem>>
        %swap3A_1133 = tpu.memref_squeeze %swap3A_1132 : memref<1x2x128x128xf32, #tpu.memory_space<vmem>> -> memref<2x128x128xf32, #tpu.memory_space<vmem>>
        %swap3A_1134 = arith.constant 0 : i32
        %swap3A_1135 = arith.constant 0 : i32
        %swap3A_1136 = tpu.memref_slice %swap3A_1133[%scan3A_263, %swap3A_1134, %swap3A_1135] : memref<2x128x128xf32, #tpu.memory_space<vmem>> -> memref<1x128x128xf32, #tpu.memory_space<vmem>>
        %swap3A_1137 = tpu.memref_squeeze %swap3A_1136 : memref<1x128x128xf32, #tpu.memory_space<vmem>> -> memref<128x128xf32, #tpu.memory_space<vmem>>
        %swap3A_1138 = arith.index_cast %add3A_836 : i32 to index
        %swap3A_1139 = arith.constant 80 : index
        %swap3A_1140 = tpu.vector_load %swap3A_1137[%swap3A_1138, %swap3A_1139] {strides = array<i32>} : memref<128x128xf32, #tpu.memory_space<vmem>>, vector<1x16xf32>,
        %swap3A_1141 = vector.shape_cast %swap3A_1140 : vector<1x16xf32> to vector<16xf32>
        %swap3A_1142 = vector.shape_cast %max3A_1128 : vector<16xf32> to vector<1x16xf32>
        tpu.vector_store %swap3A_1137[%swap3A_1138, %swap3A_1139], %swap3A_1142 {strides = array<i32>} : memref<128x128xf32, #tpu.memory_space<vmem>>, vector<1x16xf32>,
        %get3A_1143 = arith.constant 0 : i32
        %get3A_1144 = arith.constant 0 : i32
        %get3A_1145 = tpu.memref_slice %arg8[%scan3A_261, %get3A_1143, %get3A_1144] : memref<2x128x64xi32, #tpu.memory_space<vmem>> -> memref<1x128x64xi32, #tpu.memory_space<vmem>>
        %get3A_1146 = tpu.memref_squeeze %get3A_1145 : memref<1x128x64xi32, #tpu.memory_space<vmem>> -> memref<128x64xi32, #tpu.memory_space<vmem>>
        %get3A_1147 = arith.index_cast %add3A_836 : i32 to index
        %get3A_1148 = arith.constant 48 : index
        %get3A_1149 = tpu.vector_load %get3A_1146[%get3A_1147, %get3A_1148] {strides = array<i32>} : memref<128x64xi32, #tpu.memory_space<vmem>>, vector<1x16xi32>,
        %get3A_1150 = vector.shape_cast %get3A_1149 : vector<1x16xi32> to vector<16xi32>
        %get3A_1151 = arith.constant 0 : i32
        %get3A_1152 = arith.constant 0 : i32
        %get3A_1153 = arith.constant 0 : i32
        %get3A_1154 = tpu.memref_slice %arg7[%scan3A_262, %get3A_1151, %get3A_1152, %get3A_1153] : memref<2x2x128x128xf32, #tpu.memory_space<vmem>> -> memref<1x2x128x128xf32, #tpu.memory_space<vmem>>
        %get3A_1155 = tpu.memref_squeeze %get3A_1154 : memref<1x2x128x128xf32, #tpu.memory_space<vmem>> -> memref<2x128x128xf32, #tpu.memory_space<vmem>>
        %get3A_1156 = arith.constant 0 : i32
        %get3A_1157 = arith.constant 0 : i32
        %get3A_1158 = tpu.memref_slice %get3A_1155[%scan3A_263, %get3A_1156, %get3A_1157] : memref<2x128x128xf32, #tpu.memory_space<vmem>> -> memref<1x128x128xf32, #tpu.memory_space<vmem>>
        %get3A_1159 = tpu.memref_squeeze %get3A_1158 : memref<1x128x128xf32, #tpu.memory_space<vmem>> -> memref<128x128xf32, #tpu.memory_space<vmem>>
        %get3A_1160 = arith.index_cast %add3A_836 : i32 to index
        %get3A_1161 = arith.constant 96 : index
        %get3A_1162 = tpu.vector_load %get3A_1159[%get3A_1160, %get3A_1161] {strides = array<i32>} : memref<128x128xf32, #tpu.memory_space<vmem>>, vector<1x16xf32>,
        %get3A_1163 = vector.shape_cast %get3A_1162 : vector<1x16xf32> to vector<16xf32>
        %get3A_1164 = arith.constant 0 : i32
        %get3A_1165 = arith.constant 0 : i32
        %get3A_1166 = arith.constant 0 : i32
        %get3A_1167 = tpu.memref_slice %arg7[%scan3A_264, %get3A_1164, %get3A_1165, %get3A_1166] : memref<2x2x128x128xf32, #tpu.memory_space<vmem>> -> memref<1x2x128x128xf32, #tpu.memory_space<vmem>>
        %get3A_1168 = tpu.memref_squeeze %get3A_1167 : memref<1x2x128x128xf32, #tpu.memory_space<vmem>> -> memref<2x128x128xf32, #tpu.memory_space<vmem>>
        %get3A_1169 = arith.constant 0 : i32
        %get3A_1170 = arith.constant 0 : i32
        %get3A_1171 = tpu.memref_slice %get3A_1168[%scan3A_265, %get3A_1169, %get3A_1170] : memref<2x128x128xf32, #tpu.memory_space<vmem>> -> memref<1x128x128xf32, #tpu.memory_space<vmem>>
        %get3A_1172 = tpu.memref_squeeze %get3A_1171 : memref<1x128x128xf32, #tpu.memory_space<vmem>> -> memref<128x128xf32, #tpu.memory_space<vmem>>
        %get3A_1173 = arith.index_cast %add3A_836 : i32 to index
        %get3A_1174 = arith.constant 96 : index
        %get3A_1175 = tpu.vector_load %get3A_1172[%get3A_1173, %get3A_1174] {strides = array<i32>} : memref<128x128xf32, #tpu.memory_space<vmem>>, vector<1x16xf32>,
        %get3A_1176 = vector.shape_cast %get3A_1175 : vector<1x16xf32> to vector<16xf32>
        %add3A_1177 = arith.addf %get3A_1163, %get3A_1176 : vector<16xf32>
        %shift_left3A_1178 = arith.shli %get3A_1150, %broadcast_in_dim3A_260 : vector<16xi32>
        %bitcast_convert_type3A_1179 = tpu.bitcast %shift_left3A_1178 : vector<16xi32> -> vector<16xf32>
        %add3A_1180 = arith.addf %add3A_1177, %bitcast_convert_type3A_1179 : vector<16xf32>
        %max3A_1181 = arith.constant 0.000000e+00 : f32
        %max3A_1182 = vector.broadcast %max3A_1181 : f32 to vector<16xf32>
        %max3A_1183 = arith.maximumf %add3A_1180, %max3A_1182 : vector<16xf32>
        %swap3A_1184 = arith.constant 0 : i32
        %swap3A_1185 = arith.constant 0 : i32
        %swap3A_1186 = arith.constant 0 : i32
        %swap3A_1187 = tpu.memref_slice %arg7[%scan3A_262, %swap3A_1184, %swap3A_1185, %swap3A_1186] : memref<2x2x128x128xf32, #tpu.memory_space<vmem>> -> memref<1x2x128x128xf32, #tpu.memory_space<vmem>>
        %swap3A_1188 = tpu.memref_squeeze %swap3A_1187 : memref<1x2x128x128xf32, #tpu.memory_space<vmem>> -> memref<2x128x128xf32, #tpu.memory_space<vmem>>
        %swap3A_1189 = arith.constant 0 : i32
        %swap3A_1190 = arith.constant 0 : i32
        %swap3A_1191 = tpu.memref_slice %swap3A_1188[%scan3A_263, %swap3A_1189, %swap3A_1190] : memref<2x128x128xf32, #tpu.memory_space<vmem>> -> memref<1x128x128xf32, #tpu.memory_space<vmem>>
        %swap3A_1192 = tpu.memref_squeeze %swap3A_1191 : memref<1x128x128xf32, #tpu.memory_space<vmem>> -> memref<128x128xf32, #tpu.memory_space<vmem>>
        %swap3A_1193 = arith.index_cast %add3A_836 : i32 to index
        %swap3A_1194 = arith.constant 96 : index
        %swap3A_1195 = tpu.vector_load %swap3A_1192[%swap3A_1193, %swap3A_1194] {strides = array<i32>} : memref<128x128xf32, #tpu.memory_space<vmem>>, vector<1x16xf32>,
        %swap3A_1196 = vector.shape_cast %swap3A_1195 : vector<1x16xf32> to vector<16xf32>
        %swap3A_1197 = vector.shape_cast %max3A_1183 : vector<16xf32> to vector<1x16xf32>
        tpu.vector_store %swap3A_1192[%swap3A_1193, %swap3A_1194], %swap3A_1197 {strides = array<i32>} : memref<128x128xf32, #tpu.memory_space<vmem>>, vector<1x16xf32>,
        %get3A_1198 = arith.constant 0 : i32
        %get3A_1199 = arith.constant 0 : i32
        %get3A_1200 = arith.constant 0 : i32
        %get3A_1201 = tpu.memref_slice %arg7[%scan3A_262, %get3A_1198, %get3A_1199, %get3A_1200] : memref<2x2x128x128xf32, #tpu.memory_space<vmem>> -> memref<1x2x128x128xf32, #tpu.memory_space<vmem>>
        %get3A_1202 = tpu.memref_squeeze %get3A_1201 : memref<1x2x128x128xf32, #tpu.memory_space<vmem>> -> memref<2x128x128xf32, #tpu.memory_space<vmem>>
        %get3A_1203 = arith.constant 0 : i32
        %get3A_1204 = arith.constant 0 : i32
        %get3A_1205 = tpu.memref_slice %get3A_1202[%scan3A_263, %get3A_1203, %get3A_1204] : memref<2x128x128xf32, #tpu.memory_space<vmem>> -> memref<1x128x128xf32, #tpu.memory_space<vmem>>
        %get3A_1206 = tpu.memref_squeeze %get3A_1205 : memref<1x128x128xf32, #tpu.memory_space<vmem>> -> memref<128x128xf32, #tpu.memory_space<vmem>>
        %get3A_1207 = arith.index_cast %add3A_836 : i32 to index
        %get3A_1208 = arith.constant 112 : index
        %get3A_1209 = tpu.vector_load %get3A_1206[%get3A_1207, %get3A_1208] {strides = array<i32>} : memref<128x128xf32, #tpu.memory_space<vmem>>, vector<1x16xf32>,
        %get3A_1210 = vector.shape_cast %get3A_1209 : vector<1x16xf32> to vector<16xf32>
        %get3A_1211 = arith.constant 0 : i32
        %get3A_1212 = arith.constant 0 : i32
        %get3A_1213 = arith.constant 0 : i32
        %get3A_1214 = tpu.memref_slice %arg7[%scan3A_264, %get3A_1211, %get3A_1212, %get3A_1213] : memref<2x2x128x128xf32, #tpu.memory_space<vmem>> -> memref<1x2x128x128xf32, #tpu.memory_space<vmem>>
        %get3A_1215 = tpu.memref_squeeze %get3A_1214 : memref<1x2x128x128xf32, #tpu.memory_space<vmem>> -> memref<2x128x128xf32, #tpu.memory_space<vmem>>
        %get3A_1216 = arith.constant 0 : i32
        %get3A_1217 = arith.constant 0 : i32
        %get3A_1218 = tpu.memref_slice %get3A_1215[%scan3A_265, %get3A_1216, %get3A_1217] : memref<2x128x128xf32, #tpu.memory_space<vmem>> -> memref<1x128x128xf32, #tpu.memory_space<vmem>>
        %get3A_1219 = tpu.memref_squeeze %get3A_1218 : memref<1x128x128xf32, #tpu.memory_space<vmem>> -> memref<128x128xf32, #tpu.memory_space<vmem>>
        %get3A_1220 = arith.index_cast %add3A_836 : i32 to index
        %get3A_1221 = arith.constant 112 : index
        %get3A_1222 = tpu.vector_load %get3A_1219[%get3A_1220, %get3A_1221] {strides = array<i32>} : memref<128x128xf32, #tpu.memory_space<vmem>>, vector<1x16xf32>,
        %get3A_1223 = vector.shape_cast %get3A_1222 : vector<1x16xf32> to vector<16xf32>
        %add3A_1224 = arith.addf %get3A_1210, %get3A_1223 : vector<16xf32>
        %and3A_1225 = arith.andi %get3A_1150, %broadcast_in_dim3A_258 : vector<16xi32>
        %bitcast_convert_type3A_1226 = tpu.bitcast %and3A_1225 : vector<16xi32> -> vector<16xf32>
        %add3A_1227 = arith.addf %add3A_1224, %bitcast_convert_type3A_1226 : vector<16xf32>
        %max3A_1228 = arith.constant 0.000000e+00 : f32
        %max3A_1229 = vector.broadcast %max3A_1228 : f32 to vector<16xf32>
        %max3A_1230 = arith.maximumf %add3A_1227, %max3A_1229 : vector<16xf32>
        %swap3A_1231 = arith.constant 0 : i32
        %swap3A_1232 = arith.constant 0 : i32
        %swap3A_1233 = arith.constant 0 : i32
        %swap3A_1234 = tpu.memref_slice %arg7[%scan3A_262, %swap3A_1231, %swap3A_1232, %swap3A_1233] : memref<2x2x128x128xf32, #tpu.memory_space<vmem>> -> memref<1x2x128x128xf32, #tpu.memory_space<vmem>>
        %swap3A_1235 = tpu.memref_squeeze %swap3A_1234 : memref<1x2x128x128xf32, #tpu.memory_space<vmem>> -> memref<2x128x128xf32, #tpu.memory_space<vmem>>
        %swap3A_1236 = arith.constant 0 : i32
        %swap3A_1237 = arith.constant 0 : i32
        %swap3A_1238 = tpu.memref_slice %swap3A_1235[%scan3A_263, %swap3A_1236, %swap3A_1237] : memref<2x128x128xf32, #tpu.memory_space<vmem>> -> memref<1x128x128xf32, #tpu.memory_space<vmem>>
        %swap3A_1239 = tpu.memref_squeeze %swap3A_1238 : memref<1x128x128xf32, #tpu.memory_space<vmem>> -> memref<128x128xf32, #tpu.memory_space<vmem>>
        %swap3A_1240 = arith.index_cast %add3A_836 : i32 to index
        %swap3A_1241 = arith.constant 112 : index
        %swap3A_1242 = tpu.vector_load %swap3A_1239[%swap3A_1240, %swap3A_1241] {strides = array<i32>} : memref<128x128xf32, #tpu.memory_space<vmem>>, vector<1x16xf32>,
        %swap3A_1243 = vector.shape_cast %swap3A_1242 : vector<1x16xf32> to vector<16xf32>
        %swap3A_1244 = vector.shape_cast %max3A_1230 : vector<16xf32> to vector<1x16xf32>
        tpu.vector_store %swap3A_1239[%swap3A_1240, %swap3A_1241], %swap3A_1244 {strides = array<i32>} : memref<128x128xf32, #tpu.memory_space<vmem>>, vector<1x16xf32>,
        %scan3A_1245 = arith.constant 2 : i32
        %scan3A_1246 = arith.addi %scan3A_424, %scan3A_1245 : i32
        %mul3A_1247 = arith.constant 1 : i32
        %mul3A_1248 = arith.muli %scan3A_1246, %mul3A_1247 : i32
        %add3A_1249 = arith.constant 0 : i32
        %add3A_1250 = arith.addi %add3A_1249, %mul3A_1248 : i32
        %get3A_1251 = arith.constant 0 : i32
        %get3A_1252 = arith.constant 0 : i32
        %get3A_1253 = tpu.memref_slice %arg8[%scan3A_261, %get3A_1251, %get3A_1252] : memref<2x128x64xi32, #tpu.memory_space<vmem>> -> memref<1x128x64xi32, #tpu.memory_space<vmem>>
        %get3A_1254 = tpu.memref_squeeze %get3A_1253 : memref<1x128x64xi32, #tpu.memory_space<vmem>> -> memref<128x64xi32, #tpu.memory_space<vmem>>
        %get3A_1255 = arith.index_cast %add3A_1250 : i32 to index
        %get3A_1256 = arith.constant 0 : index
        %get3A_1257 = tpu.vector_load %get3A_1254[%get3A_1255, %get3A_1256] {strides = array<i32>} : memref<128x64xi32, #tpu.memory_space<vmem>>, vector<1x16xi32>,
        %get3A_1258 = vector.shape_cast %get3A_1257 : vector<1x16xi32> to vector<16xi32>
        %get3A_1259 = arith.constant 0 : i32
        %get3A_1260 = arith.constant 0 : i32
        %get3A_1261 = arith.constant 0 : i32
        %get3A_1262 = tpu.memref_slice %arg7[%scan3A_262, %get3A_1259, %get3A_1260, %get3A_1261] : memref<2x2x128x128xf32, #tpu.memory_space<vmem>> -> memref<1x2x128x128xf32, #tpu.memory_space<vmem>>
        %get3A_1263 = tpu.memref_squeeze %get3A_1262 : memref<1x2x128x128xf32, #tpu.memory_space<vmem>> -> memref<2x128x128xf32, #tpu.memory_space<vmem>>
        %get3A_1264 = arith.constant 0 : i32
        %get3A_1265 = arith.constant 0 : i32
        %get3A_1266 = tpu.memref_slice %get3A_1263[%scan3A_263, %get3A_1264, %get3A_1265] : memref<2x128x128xf32, #tpu.memory_space<vmem>> -> memref<1x128x128xf32, #tpu.memory_space<vmem>>
        %get3A_1267 = tpu.memref_squeeze %get3A_1266 : memref<1x128x128xf32, #tpu.memory_space<vmem>> -> memref<128x128xf32, #tpu.memory_space<vmem>>
        %get3A_1268 = arith.index_cast %add3A_1250 : i32 to index
        %get3A_1269 = arith.constant 0 : index
        %get3A_1270 = tpu.vector_load %get3A_1267[%get3A_1268, %get3A_1269] {strides = array<i32>} : memref<128x128xf32, #tpu.memory_space<vmem>>, vector<1x16xf32>,
        %get3A_1271 = vector.shape_cast %get3A_1270 : vector<1x16xf32> to vector<16xf32>
        %get3A_1272 = arith.constant 0 : i32
        %get3A_1273 = arith.constant 0 : i32
        %get3A_1274 = arith.constant 0 : i32
        %get3A_1275 = tpu.memref_slice %arg7[%scan3A_264, %get3A_1272, %get3A_1273, %get3A_1274] : memref<2x2x128x128xf32, #tpu.memory_space<vmem>> -> memref<1x2x128x128xf32, #tpu.memory_space<vmem>>
        %get3A_1276 = tpu.memref_squeeze %get3A_1275 : memref<1x2x128x128xf32, #tpu.memory_space<vmem>> -> memref<2x128x128xf32, #tpu.memory_space<vmem>>
        %get3A_1277 = arith.constant 0 : i32
        %get3A_1278 = arith.constant 0 : i32
        %get3A_1279 = tpu.memref_slice %get3A_1276[%scan3A_265, %get3A_1277, %get3A_1278] : memref<2x128x128xf32, #tpu.memory_space<vmem>> -> memref<1x128x128xf32, #tpu.memory_space<vmem>>
        %get3A_1280 = tpu.memref_squeeze %get3A_1279 : memref<1x128x128xf32, #tpu.memory_space<vmem>> -> memref<128x128xf32, #tpu.memory_space<vmem>>
        %get3A_1281 = arith.index_cast %add3A_1250 : i32 to index
        %get3A_1282 = arith.constant 0 : index
        %get3A_1283 = tpu.vector_load %get3A_1280[%get3A_1281, %get3A_1282] {strides = array<i32>} : memref<128x128xf32, #tpu.memory_space<vmem>>, vector<1x16xf32>,
        %get3A_1284 = vector.shape_cast %get3A_1283 : vector<1x16xf32> to vector<16xf32>
        %add3A_1285 = arith.addf %get3A_1271, %get3A_1284 : vector<16xf32>
        %shift_left3A_1286 = arith.shli %get3A_1258, %broadcast_in_dim3A_260 : vector<16xi32>
        %bitcast_convert_type3A_1287 = tpu.bitcast %shift_left3A_1286 : vector<16xi32> -> vector<16xf32>
        %add3A_1288 = arith.addf %add3A_1285, %bitcast_convert_type3A_1287 : vector<16xf32>
        %max3A_1289 = arith.constant 0.000000e+00 : f32
        %max3A_1290 = vector.broadcast %max3A_1289 : f32 to vector<16xf32>
        %max3A_1291 = arith.maximumf %add3A_1288, %max3A_1290 : vector<16xf32>
        %swap3A_1292 = arith.constant 0 : i32
        %swap3A_1293 = arith.constant 0 : i32
        %swap3A_1294 = arith.constant 0 : i32
        %swap3A_1295 = tpu.memref_slice %arg7[%scan3A_262, %swap3A_1292, %swap3A_1293, %swap3A_1294] : memref<2x2x128x128xf32, #tpu.memory_space<vmem>> -> memref<1x2x128x128xf32, #tpu.memory_space<vmem>>
        %swap3A_1296 = tpu.memref_squeeze %swap3A_1295 : memref<1x2x128x128xf32, #tpu.memory_space<vmem>> -> memref<2x128x128xf32, #tpu.memory_space<vmem>>
        %swap3A_1297 = arith.constant 0 : i32
        %swap3A_1298 = arith.constant 0 : i32
        %swap3A_1299 = tpu.memref_slice %swap3A_1296[%scan3A_263, %swap3A_1297, %swap3A_1298] : memref<2x128x128xf32, #tpu.memory_space<vmem>> -> memref<1x128x128xf32, #tpu.memory_space<vmem>>
        %swap3A_1300 = tpu.memref_squeeze %swap3A_1299 : memref<1x128x128xf32, #tpu.memory_space<vmem>> -> memref<128x128xf32, #tpu.memory_space<vmem>>
        %swap3A_1301 = arith.index_cast %add3A_1250 : i32 to index
        %swap3A_1302 = arith.constant 0 : index
        %swap3A_1303 = tpu.vector_load %swap3A_1300[%swap3A_1301, %swap3A_1302] {strides = array<i32>} : memref<128x128xf32, #tpu.memory_space<vmem>>, vector<1x16xf32>,
        %swap3A_1304 = vector.shape_cast %swap3A_1303 : vector<1x16xf32> to vector<16xf32>
        %swap3A_1305 = vector.shape_cast %max3A_1291 : vector<16xf32> to vector<1x16xf32>
        tpu.vector_store %swap3A_1300[%swap3A_1301, %swap3A_1302], %swap3A_1305 {strides = array<i32>} : memref<128x128xf32, #tpu.memory_space<vmem>>, vector<1x16xf32>,
        %get3A_1306 = arith.constant 0 : i32
        %get3A_1307 = arith.constant 0 : i32
        %get3A_1308 = arith.constant 0 : i32
        %get3A_1309 = tpu.memref_slice %arg7[%scan3A_262, %get3A_1306, %get3A_1307, %get3A_1308] : memref<2x2x128x128xf32, #tpu.memory_space<vmem>> -> memref<1x2x128x128xf32, #tpu.memory_space<vmem>>
        %get3A_1310 = tpu.memref_squeeze %get3A_1309 : memref<1x2x128x128xf32, #tpu.memory_space<vmem>> -> memref<2x128x128xf32, #tpu.memory_space<vmem>>
        %get3A_1311 = arith.constant 0 : i32
        %get3A_1312 = arith.constant 0 : i32
        %get3A_1313 = tpu.memref_slice %get3A_1310[%scan3A_263, %get3A_1311, %get3A_1312] : memref<2x128x128xf32, #tpu.memory_space<vmem>> -> memref<1x128x128xf32, #tpu.memory_space<vmem>>
        %get3A_1314 = tpu.memref_squeeze %get3A_1313 : memref<1x128x128xf32, #tpu.memory_space<vmem>> -> memref<128x128xf32, #tpu.memory_space<vmem>>
        %get3A_1315 = arith.index_cast %add3A_1250 : i32 to index
        %get3A_1316 = arith.constant 16 : index
        %get3A_1317 = tpu.vector_load %get3A_1314[%get3A_1315, %get3A_1316] {strides = array<i32>} : memref<128x128xf32, #tpu.memory_space<vmem>>, vector<1x16xf32>,
        %get3A_1318 = vector.shape_cast %get3A_1317 : vector<1x16xf32> to vector<16xf32>
        %get3A_1319 = arith.constant 0 : i32
        %get3A_1320 = arith.constant 0 : i32
        %get3A_1321 = arith.constant 0 : i32
        %get3A_1322 = tpu.memref_slice %arg7[%scan3A_264, %get3A_1319, %get3A_1320, %get3A_1321] : memref<2x2x128x128xf32, #tpu.memory_space<vmem>> -> memref<1x2x128x128xf32, #tpu.memory_space<vmem>>
        %get3A_1323 = tpu.memref_squeeze %get3A_1322 : memref<1x2x128x128xf32, #tpu.memory_space<vmem>> -> memref<2x128x128xf32, #tpu.memory_space<vmem>>
        %get3A_1324 = arith.constant 0 : i32
        %get3A_1325 = arith.constant 0 : i32
        %get3A_1326 = tpu.memref_slice %get3A_1323[%scan3A_265, %get3A_1324, %get3A_1325] : memref<2x128x128xf32, #tpu.memory_space<vmem>> -> memref<1x128x128xf32, #tpu.memory_space<vmem>>
        %get3A_1327 = tpu.memref_squeeze %get3A_1326 : memref<1x128x128xf32, #tpu.memory_space<vmem>> -> memref<128x128xf32, #tpu.memory_space<vmem>>
        %get3A_1328 = arith.index_cast %add3A_1250 : i32 to index
        %get3A_1329 = arith.constant 16 : index
        %get3A_1330 = tpu.vector_load %get3A_1327[%get3A_1328, %get3A_1329] {strides = array<i32>} : memref<128x128xf32, #tpu.memory_space<vmem>>, vector<1x16xf32>,
        %get3A_1331 = vector.shape_cast %get3A_1330 : vector<1x16xf32> to vector<16xf32>
        %add3A_1332 = arith.addf %get3A_1318, %get3A_1331 : vector<16xf32>
        %and3A_1333 = arith.andi %get3A_1258, %broadcast_in_dim3A_258 : vector<16xi32>
        %bitcast_convert_type3A_1334 = tpu.bitcast %and3A_1333 : vector<16xi32> -> vector<16xf32>
        %add3A_1335 = arith.addf %add3A_1332, %bitcast_convert_type3A_1334 : vector<16xf32>
        %max3A_1336 = arith.constant 0.000000e+00 : f32
        %max3A_1337 = vector.broadcast %max3A_1336 : f32 to vector<16xf32>
        %max3A_1338 = arith.maximumf %add3A_1335, %max3A_1337 : vector<16xf32>
        %swap3A_1339 = arith.constant 0 : i32
        %swap3A_1340 = arith.constant 0 : i32
        %swap3A_1341 = arith.constant 0 : i32
        %swap3A_1342 = tpu.memref_slice %arg7[%scan3A_262, %swap3A_1339, %swap3A_1340, %swap3A_1341] : memref<2x2x128x128xf32, #tpu.memory_space<vmem>> -> memref<1x2x128x128xf32, #tpu.memory_space<vmem>>
        %swap3A_1343 = tpu.memref_squeeze %swap3A_1342 : memref<1x2x128x128xf32, #tpu.memory_space<vmem>> -> memref<2x128x128xf32, #tpu.memory_space<vmem>>
        %swap3A_1344 = arith.constant 0 : i32
        %swap3A_1345 = arith.constant 0 : i32
        %swap3A_1346 = tpu.memref_slice %swap3A_1343[%scan3A_263, %swap3A_1344, %swap3A_1345] : memref<2x128x128xf32, #tpu.memory_space<vmem>> -> memref<1x128x128xf32, #tpu.memory_space<vmem>>
        %swap3A_1347 = tpu.memref_squeeze %swap3A_1346 : memref<1x128x128xf32, #tpu.memory_space<vmem>> -> memref<128x128xf32, #tpu.memory_space<vmem>>
        %swap3A_1348 = arith.index_cast %add3A_1250 : i32 to index
        %swap3A_1349 = arith.constant 16 : index
        %swap3A_1350 = tpu.vector_load %swap3A_1347[%swap3A_1348, %swap3A_1349] {strides = array<i32>} : memref<128x128xf32, #tpu.memory_space<vmem>>, vector<1x16xf32>,
        %swap3A_1351 = vector.shape_cast %swap3A_1350 : vector<1x16xf32> to vector<16xf32>
        %swap3A_1352 = vector.shape_cast %max3A_1338 : vector<16xf32> to vector<1x16xf32>
        tpu.vector_store %swap3A_1347[%swap3A_1348, %swap3A_1349], %swap3A_1352 {strides = array<i32>} : memref<128x128xf32, #tpu.memory_space<vmem>>, vector<1x16xf32>,
        %get3A_1353 = arith.constant 0 : i32
        %get3A_1354 = arith.constant 0 : i32
        %get3A_1355 = tpu.memref_slice %arg8[%scan3A_261, %get3A_1353, %get3A_1354] : memref<2x128x64xi32, #tpu.memory_space<vmem>> -> memref<1x128x64xi32, #tpu.memory_space<vmem>>
        %get3A_1356 = tpu.memref_squeeze %get3A_1355 : memref<1x128x64xi32, #tpu.memory_space<vmem>> -> memref<128x64xi32, #tpu.memory_space<vmem>>
        %get3A_1357 = arith.index_cast %add3A_1250 : i32 to index
        %get3A_1358 = arith.constant 16 : index
        %get3A_1359 = tpu.vector_load %get3A_1356[%get3A_1357, %get3A_1358] {strides = array<i32>} : memref<128x64xi32, #tpu.memory_space<vmem>>, vector<1x16xi32>,
        %get3A_1360 = vector.shape_cast %get3A_1359 : vector<1x16xi32> to vector<16xi32>
        %get3A_1361 = arith.constant 0 : i32
        %get3A_1362 = arith.constant 0 : i32
        %get3A_1363 = arith.constant 0 : i32
        %get3A_1364 = tpu.memref_slice %arg7[%scan3A_262, %get3A_1361, %get3A_1362, %get3A_1363] : memref<2x2x128x128xf32, #tpu.memory_space<vmem>> -> memref<1x2x128x128xf32, #tpu.memory_space<vmem>>
        %get3A_1365 = tpu.memref_squeeze %get3A_1364 : memref<1x2x128x128xf32, #tpu.memory_space<vmem>> -> memref<2x128x128xf32, #tpu.memory_space<vmem>>
        %get3A_1366 = arith.constant 0 : i32
        %get3A_1367 = arith.constant 0 : i32
        %get3A_1368 = tpu.memref_slice %get3A_1365[%scan3A_263, %get3A_1366, %get3A_1367] : memref<2x128x128xf32, #tpu.memory_space<vmem>> -> memref<1x128x128xf32, #tpu.memory_space<vmem>>
        %get3A_1369 = tpu.memref_squeeze %get3A_1368 : memref<1x128x128xf32, #tpu.memory_space<vmem>> -> memref<128x128xf32, #tpu.memory_space<vmem>>
        %get3A_1370 = arith.index_cast %add3A_1250 : i32 to index
        %get3A_1371 = arith.constant 32 : index
        %get3A_1372 = tpu.vector_load %get3A_1369[%get3A_1370, %get3A_1371] {strides = array<i32>} : memref<128x128xf32, #tpu.memory_space<vmem>>, vector<1x16xf32>,
        %get3A_1373 = vector.shape_cast %get3A_1372 : vector<1x16xf32> to vector<16xf32>
        %get3A_1374 = arith.constant 0 : i32
        %get3A_1375 = arith.constant 0 : i32
        %get3A_1376 = arith.constant 0 : i32
        %get3A_1377 = tpu.memref_slice %arg7[%scan3A_264, %get3A_1374, %get3A_1375, %get3A_1376] : memref<2x2x128x128xf32, #tpu.memory_space<vmem>> -> memref<1x2x128x128xf32, #tpu.memory_space<vmem>>
        %get3A_1378 = tpu.memref_squeeze %get3A_1377 : memref<1x2x128x128xf32, #tpu.memory_space<vmem>> -> memref<2x128x128xf32, #tpu.memory_space<vmem>>
        %get3A_1379 = arith.constant 0 : i32
        %get3A_1380 = arith.constant 0 : i32
        %get3A_1381 = tpu.memref_slice %get3A_1378[%scan3A_265, %get3A_1379, %get3A_1380] : memref<2x128x128xf32, #tpu.memory_space<vmem>> -> memref<1x128x128xf32, #tpu.memory_space<vmem>>
        %get3A_1382 = tpu.memref_squeeze %get3A_1381 : memref<1x128x128xf32, #tpu.memory_space<vmem>> -> memref<128x128xf32, #tpu.memory_space<vmem>>
        %get3A_1383 = arith.index_cast %add3A_1250 : i32 to index
        %get3A_1384 = arith.constant 32 : index
        %get3A_1385 = tpu.vector_load %get3A_1382[%get3A_1383, %get3A_1384] {strides = array<i32>} : memref<128x128xf32, #tpu.memory_space<vmem>>, vector<1x16xf32>,
        %get3A_1386 = vector.shape_cast %get3A_1385 : vector<1x16xf32> to vector<16xf32>
        %add3A_1387 = arith.addf %get3A_1373, %get3A_1386 : vector<16xf32>
        %shift_left3A_1388 = arith.shli %get3A_1360, %broadcast_in_dim3A_260 : vector<16xi32>
        %bitcast_convert_type3A_1389 = tpu.bitcast %shift_left3A_1388 : vector<16xi32> -> vector<16xf32>
        %add3A_1390 = arith.addf %add3A_1387, %bitcast_convert_type3A_1389 : vector<16xf32>
        %max3A_1391 = arith.constant 0.000000e+00 : f32
        %max3A_1392 = vector.broadcast %max3A_1391 : f32 to vector<16xf32>
        %max3A_1393 = arith.maximumf %add3A_1390, %max3A_1392 : vector<16xf32>
        %swap3A_1394 = arith.constant 0 : i32
        %swap3A_1395 = arith.constant 0 : i32
        %swap3A_1396 = arith.constant 0 : i32
        %swap3A_1397 = tpu.memref_slice %arg7[%scan3A_262, %swap3A_1394, %swap3A_1395, %swap3A_1396] : memref<2x2x128x128xf32, #tpu.memory_space<vmem>> -> memref<1x2x128x128xf32, #tpu.memory_space<vmem>>
        %swap3A_1398 = tpu.memref_squeeze %swap3A_1397 : memref<1x2x128x128xf32, #tpu.memory_space<vmem>> -> memref<2x128x128xf32, #tpu.memory_space<vmem>>
        %swap3A_1399 = arith.constant 0 : i32
        %swap3A_1400 = arith.constant 0 : i32
        %swap3A_1401 = tpu.memref_slice %swap3A_1398[%scan3A_263, %swap3A_1399, %swap3A_1400] : memref<2x128x128xf32, #tpu.memory_space<vmem>> -> memref<1x128x128xf32, #tpu.memory_space<vmem>>
        %swap3A_1402 = tpu.memref_squeeze %swap3A_1401 : memref<1x128x128xf32, #tpu.memory_space<vmem>> -> memref<128x128xf32, #tpu.memory_space<vmem>>
        %swap3A_1403 = arith.index_cast %add3A_1250 : i32 to index
        %swap3A_1404 = arith.constant 32 : index
        %swap3A_1405 = tpu.vector_load %swap3A_1402[%swap3A_1403, %swap3A_1404] {strides = array<i32>} : memref<128x128xf32, #tpu.memory_space<vmem>>, vector<1x16xf32>,
        %swap3A_1406 = vector.shape_cast %swap3A_1405 : vector<1x16xf32> to vector<16xf32>
        %swap3A_1407 = vector.shape_cast %max3A_1393 : vector<16xf32> to vector<1x16xf32>
        tpu.vector_store %swap3A_1402[%swap3A_1403, %swap3A_1404], %swap3A_1407 {strides = array<i32>} : memref<128x128xf32, #tpu.memory_space<vmem>>, vector<1x16xf32>,
        %get3A_1408 = arith.constant 0 : i32
        %get3A_1409 = arith.constant 0 : i32
        %get3A_1410 = arith.constant 0 : i32
        %get3A_1411 = tpu.memref_slice %arg7[%scan3A_262, %get3A_1408, %get3A_1409, %get3A_1410] : memref<2x2x128x128xf32, #tpu.memory_space<vmem>> -> memref<1x2x128x128xf32, #tpu.memory_space<vmem>>
        %get3A_1412 = tpu.memref_squeeze %get3A_1411 : memref<1x2x128x128xf32, #tpu.memory_space<vmem>> -> memref<2x128x128xf32, #tpu.memory_space<vmem>>
        %get3A_1413 = arith.constant 0 : i32
        %get3A_1414 = arith.constant 0 : i32
        %get3A_1415 = tpu.memref_slice %get3A_1412[%scan3A_263, %get3A_1413, %get3A_1414] : memref<2x128x128xf32, #tpu.memory_space<vmem>> -> memref<1x128x128xf32, #tpu.memory_space<vmem>>
        %get3A_1416 = tpu.memref_squeeze %get3A_1415 : memref<1x128x128xf32, #tpu.memory_space<vmem>> -> memref<128x128xf32, #tpu.memory_space<vmem>>
        %get3A_1417 = arith.index_cast %add3A_1250 : i32 to index
        %get3A_1418 = arith.constant 48 : index
        %get3A_1419 = tpu.vector_load %get3A_1416[%get3A_1417, %get3A_1418] {strides = array<i32>} : memref<128x128xf32, #tpu.memory_space<vmem>>, vector<1x16xf32>,
        %get3A_1420 = vector.shape_cast %get3A_1419 : vector<1x16xf32> to vector<16xf32>
        %get3A_1421 = arith.constant 0 : i32
        %get3A_1422 = arith.constant 0 : i32
        %get3A_1423 = arith.constant 0 : i32
        %get3A_1424 = tpu.memref_slice %arg7[%scan3A_264, %get3A_1421, %get3A_1422, %get3A_1423] : memref<2x2x128x128xf32, #tpu.memory_space<vmem>> -> memref<1x2x128x128xf32, #tpu.memory_space<vmem>>
        %get3A_1425 = tpu.memref_squeeze %get3A_1424 : memref<1x2x128x128xf32, #tpu.memory_space<vmem>> -> memref<2x128x128xf32, #tpu.memory_space<vmem>>
        %get3A_1426 = arith.constant 0 : i32
        %get3A_1427 = arith.constant 0 : i32
        %get3A_1428 = tpu.memref_slice %get3A_1425[%scan3A_265, %get3A_1426, %get3A_1427] : memref<2x128x128xf32, #tpu.memory_space<vmem>> -> memref<1x128x128xf32, #tpu.memory_space<vmem>>
        %get3A_1429 = tpu.memref_squeeze %get3A_1428 : memref<1x128x128xf32, #tpu.memory_space<vmem>> -> memref<128x128xf32, #tpu.memory_space<vmem>>
        %get3A_1430 = arith.index_cast %add3A_1250 : i32 to index
        %get3A_1431 = arith.constant 48 : index
        %get3A_1432 = tpu.vector_load %get3A_1429[%get3A_1430, %get3A_1431] {strides = array<i32>} : memref<128x128xf32, #tpu.memory_space<vmem>>, vector<1x16xf32>,
        %get3A_1433 = vector.shape_cast %get3A_1432 : vector<1x16xf32> to vector<16xf32>
        %add3A_1434 = arith.addf %get3A_1420, %get3A_1433 : vector<16xf32>
        %and3A_1435 = arith.andi %get3A_1360, %broadcast_in_dim3A_258 : vector<16xi32>
        %bitcast_convert_type3A_1436 = tpu.bitcast %and3A_1435 : vector<16xi32> -> vector<16xf32>
        %add3A_1437 = arith.addf %add3A_1434, %bitcast_convert_type3A_1436 : vector<16xf32>
        %max3A_1438 = arith.constant 0.000000e+00 : f32
        %max3A_1439 = vector.broadcast %max3A_1438 : f32 to vector<16xf32>
        %max3A_1440 = arith.maximumf %add3A_1437, %max3A_1439 : vector<16xf32>
        %swap3A_1441 = arith.constant 0 : i32
        %swap3A_1442 = arith.constant 0 : i32
        %swap3A_1443 = arith.constant 0 : i32
        %swap3A_1444 = tpu.memref_slice %arg7[%scan3A_262, %swap3A_1441, %swap3A_1442, %swap3A_1443] : memref<2x2x128x128xf32, #tpu.memory_space<vmem>> -> memref<1x2x128x128xf32, #tpu.memory_space<vmem>>
        %swap3A_1445 = tpu.memref_squeeze %swap3A_1444 : memref<1x2x128x128xf32, #tpu.memory_space<vmem>> -> memref<2x128x128xf32, #tpu.memory_space<vmem>>
        %swap3A_1446 = arith.constant 0 : i32
        %swap3A_1447 = arith.constant 0 : i32
        %swap3A_1448 = tpu.memref_slice %swap3A_1445[%scan3A_263, %swap3A_1446, %swap3A_1447] : memref<2x128x128xf32, #tpu.memory_space<vmem>> -> memref<1x128x128xf32, #tpu.memory_space<vmem>>
        %swap3A_1449 = tpu.memref_squeeze %swap3A_1448 : memref<1x128x128xf32, #tpu.memory_space<vmem>> -> memref<128x128xf32, #tpu.memory_space<vmem>>
        %swap3A_1450 = arith.index_cast %add3A_1250 : i32 to index
        %swap3A_1451 = arith.constant 48 : index
        %swap3A_1452 = tpu.vector_load %swap3A_1449[%swap3A_1450, %swap3A_1451] {strides = array<i32>} : memref<128x128xf32, #tpu.memory_space<vmem>>, vector<1x16xf32>,
        %swap3A_1453 = vector.shape_cast %swap3A_1452 : vector<1x16xf32> to vector<16xf32>
        %swap3A_1454 = vector.shape_cast %max3A_1440 : vector<16xf32> to vector<1x16xf32>
        tpu.vector_store %swap3A_1449[%swap3A_1450, %swap3A_1451], %swap3A_1454 {strides = array<i32>} : memref<128x128xf32, #tpu.memory_space<vmem>>, vector<1x16xf32>,
        %get3A_1455 = arith.constant 0 : i32
        %get3A_1456 = arith.constant 0 : i32
        %get3A_1457 = tpu.memref_slice %arg8[%scan3A_261, %get3A_1455, %get3A_1456] : memref<2x128x64xi32, #tpu.memory_space<vmem>> -> memref<1x128x64xi32, #tpu.memory_space<vmem>>
        %get3A_1458 = tpu.memref_squeeze %get3A_1457 : memref<1x128x64xi32, #tpu.memory_space<vmem>> -> memref<128x64xi32, #tpu.memory_space<vmem>>
        %get3A_1459 = arith.index_cast %add3A_1250 : i32 to index
        %get3A_1460 = arith.constant 32 : index
        %get3A_1461 = tpu.vector_load %get3A_1458[%get3A_1459, %get3A_1460] {strides = array<i32>} : memref<128x64xi32, #tpu.memory_space<vmem>>, vector<1x16xi32>,
        %get3A_1462 = vector.shape_cast %get3A_1461 : vector<1x16xi32> to vector<16xi32>
        %get3A_1463 = arith.constant 0 : i32
        %get3A_1464 = arith.constant 0 : i32
        %get3A_1465 = arith.constant 0 : i32
        %get3A_1466 = tpu.memref_slice %arg7[%scan3A_262, %get3A_1463, %get3A_1464, %get3A_1465] : memref<2x2x128x128xf32, #tpu.memory_space<vmem>> -> memref<1x2x128x128xf32, #tpu.memory_space<vmem>>
        %get3A_1467 = tpu.memref_squeeze %get3A_1466 : memref<1x2x128x128xf32, #tpu.memory_space<vmem>> -> memref<2x128x128xf32, #tpu.memory_space<vmem>>
        %get3A_1468 = arith.constant 0 : i32
        %get3A_1469 = arith.constant 0 : i32
        %get3A_1470 = tpu.memref_slice %get3A_1467[%scan3A_263, %get3A_1468, %get3A_1469] : memref<2x128x128xf32, #tpu.memory_space<vmem>> -> memref<1x128x128xf32, #tpu.memory_space<vmem>>
        %get3A_1471 = tpu.memref_squeeze %get3A_1470 : memref<1x128x128xf32, #tpu.memory_space<vmem>> -> memref<128x128xf32, #tpu.memory_space<vmem>>
        %get3A_1472 = arith.index_cast %add3A_1250 : i32 to index
        %get3A_1473 = arith.constant 64 : index
        %get3A_1474 = tpu.vector_load %get3A_1471[%get3A_1472, %get3A_1473] {strides = array<i32>} : memref<128x128xf32, #tpu.memory_space<vmem>>, vector<1x16xf32>,
        %get3A_1475 = vector.shape_cast %get3A_1474 : vector<1x16xf32> to vector<16xf32>
        %get3A_1476 = arith.constant 0 : i32
        %get3A_1477 = arith.constant 0 : i32
        %get3A_1478 = arith.constant 0 : i32
        %get3A_1479 = tpu.memref_slice %arg7[%scan3A_264, %get3A_1476, %get3A_1477, %get3A_1478] : memref<2x2x128x128xf32, #tpu.memory_space<vmem>> -> memref<1x2x128x128xf32, #tpu.memory_space<vmem>>
        %get3A_1480 = tpu.memref_squeeze %get3A_1479 : memref<1x2x128x128xf32, #tpu.memory_space<vmem>> -> memref<2x128x128xf32, #tpu.memory_space<vmem>>
        %get3A_1481 = arith.constant 0 : i32
        %get3A_1482 = arith.constant 0 : i32
        %get3A_1483 = tpu.memref_slice %get3A_1480[%scan3A_265, %get3A_1481, %get3A_1482] : memref<2x128x128xf32, #tpu.memory_space<vmem>> -> memref<1x128x128xf32, #tpu.memory_space<vmem>>
        %get3A_1484 = tpu.memref_squeeze %get3A_1483 : memref<1x128x128xf32, #tpu.memory_space<vmem>> -> memref<128x128xf32, #tpu.memory_space<vmem>>
        %get3A_1485 = arith.index_cast %add3A_1250 : i32 to index
        %get3A_1486 = arith.constant 64 : index
        %get3A_1487 = tpu.vector_load %get3A_1484[%get3A_1485, %get3A_1486] {strides = array<i32>} : memref<128x128xf32, #tpu.memory_space<vmem>>, vector<1x16xf32>,
        %get3A_1488 = vector.shape_cast %get3A_1487 : vector<1x16xf32> to vector<16xf32>
        %add3A_1489 = arith.addf %get3A_1475, %get3A_1488 : vector<16xf32>
        %shift_left3A_1490 = arith.shli %get3A_1462, %broadcast_in_dim3A_260 : vector<16xi32>
        %bitcast_convert_type3A_1491 = tpu.bitcast %shift_left3A_1490 : vector<16xi32> -> vector<16xf32>
        %add3A_1492 = arith.addf %add3A_1489, %bitcast_convert_type3A_1491 : vector<16xf32>
        %max3A_1493 = arith.constant 0.000000e+00 : f32
        %max3A_1494 = vector.broadcast %max3A_1493 : f32 to vector<16xf32>
        %max3A_1495 = arith.maximumf %add3A_1492, %max3A_1494 : vector<16xf32>
        %swap3A_1496 = arith.constant 0 : i32
        %swap3A_1497 = arith.constant 0 : i32
        %swap3A_1498 = arith.constant 0 : i32
        %swap3A_1499 = tpu.memref_slice %arg7[%scan3A_262, %swap3A_1496, %swap3A_1497, %swap3A_1498] : memref<2x2x128x128xf32, #tpu.memory_space<vmem>> -> memref<1x2x128x128xf32, #tpu.memory_space<vmem>>
        %swap3A_1500 = tpu.memref_squeeze %swap3A_1499 : memref<1x2x128x128xf32, #tpu.memory_space<vmem>> -> memref<2x128x128xf32, #tpu.memory_space<vmem>>
        %swap3A_1501 = arith.constant 0 : i32
        %swap3A_1502 = arith.constant 0 : i32
        %swap3A_1503 = tpu.memref_slice %swap3A_1500[%scan3A_263, %swap3A_1501, %swap3A_1502] : memref<2x128x128xf32, #tpu.memory_space<vmem>> -> memref<1x128x128xf32, #tpu.memory_space<vmem>>
        %swap3A_1504 = tpu.memref_squeeze %swap3A_1503 : memref<1x128x128xf32, #tpu.memory_space<vmem>> -> memref<128x128xf32, #tpu.memory_space<vmem>>
        %swap3A_1505 = arith.index_cast %add3A_1250 : i32 to index
        %swap3A_1506 = arith.constant 64 : index
        %swap3A_1507 = tpu.vector_load %swap3A_1504[%swap3A_1505, %swap3A_1506] {strides = array<i32>} : memref<128x128xf32, #tpu.memory_space<vmem>>, vector<1x16xf32>,
        %swap3A_1508 = vector.shape_cast %swap3A_1507 : vector<1x16xf32> to vector<16xf32>
        %swap3A_1509 = vector.shape_cast %max3A_1495 : vector<16xf32> to vector<1x16xf32>
        tpu.vector_store %swap3A_1504[%swap3A_1505, %swap3A_1506], %swap3A_1509 {strides = array<i32>} : memref<128x128xf32, #tpu.memory_space<vmem>>, vector<1x16xf32>,
        %get3A_1510 = arith.constant 0 : i32
        %get3A_1511 = arith.constant 0 : i32
        %get3A_1512 = arith.constant 0 : i32
        %get3A_1513 = tpu.memref_slice %arg7[%scan3A_262, %get3A_1510, %get3A_1511, %get3A_1512] : memref<2x2x128x128xf32, #tpu.memory_space<vmem>> -> memref<1x2x128x128xf32, #tpu.memory_space<vmem>>
        %get3A_1514 = tpu.memref_squeeze %get3A_1513 : memref<1x2x128x128xf32, #tpu.memory_space<vmem>> -> memref<2x128x128xf32, #tpu.memory_space<vmem>>
        %get3A_1515 = arith.constant 0 : i32
        %get3A_1516 = arith.constant 0 : i32
        %get3A_1517 = tpu.memref_slice %get3A_1514[%scan3A_263, %get3A_1515, %get3A_1516] : memref<2x128x128xf32, #tpu.memory_space<vmem>> -> memref<1x128x128xf32, #tpu.memory_space<vmem>>
        %get3A_1518 = tpu.memref_squeeze %get3A_1517 : memref<1x128x128xf32, #tpu.memory_space<vmem>> -> memref<128x128xf32, #tpu.memory_space<vmem>>
        %get3A_1519 = arith.index_cast %add3A_1250 : i32 to index
        %get3A_1520 = arith.constant 80 : index
        %get3A_1521 = tpu.vector_load %get3A_1518[%get3A_1519, %get3A_1520] {strides = array<i32>} : memref<128x128xf32, #tpu.memory_space<vmem>>, vector<1x16xf32>,
        %get3A_1522 = vector.shape_cast %get3A_1521 : vector<1x16xf32> to vector<16xf32>
        %get3A_1523 = arith.constant 0 : i32
        %get3A_1524 = arith.constant 0 : i32
        %get3A_1525 = arith.constant 0 : i32
        %get3A_1526 = tpu.memref_slice %arg7[%scan3A_264, %get3A_1523, %get3A_1524, %get3A_1525] : memref<2x2x128x128xf32, #tpu.memory_space<vmem>> -> memref<1x2x128x128xf32, #tpu.memory_space<vmem>>
        %get3A_1527 = tpu.memref_squeeze %get3A_1526 : memref<1x2x128x128xf32, #tpu.memory_space<vmem>> -> memref<2x128x128xf32, #tpu.memory_space<vmem>>
        %get3A_1528 = arith.constant 0 : i32
        %get3A_1529 = arith.constant 0 : i32
        %get3A_1530 = tpu.memref_slice %get3A_1527[%scan3A_265, %get3A_1528, %get3A_1529] : memref<2x128x128xf32, #tpu.memory_space<vmem>> -> memref<1x128x128xf32, #tpu.memory_space<vmem>>
        %get3A_1531 = tpu.memref_squeeze %get3A_1530 : memref<1x128x128xf32, #tpu.memory_space<vmem>> -> memref<128x128xf32, #tpu.memory_space<vmem>>
        %get3A_1532 = arith.index_cast %add3A_1250 : i32 to index
        %get3A_1533 = arith.constant 80 : index
        %get3A_1534 = tpu.vector_load %get3A_1531[%get3A_1532, %get3A_1533] {strides = array<i32>} : memref<128x128xf32, #tpu.memory_space<vmem>>, vector<1x16xf32>,
        %get3A_1535 = vector.shape_cast %get3A_1534 : vector<1x16xf32> to vector<16xf32>
        %add3A_1536 = arith.addf %get3A_1522, %get3A_1535 : vector<16xf32>
        %and3A_1537 = arith.andi %get3A_1462, %broadcast_in_dim3A_258 : vector<16xi32>
        %bitcast_convert_type3A_1538 = tpu.bitcast %and3A_1537 : vector<16xi32> -> vector<16xf32>
        %add3A_1539 = arith.addf %add3A_1536, %bitcast_convert_type3A_1538 : vector<16xf32>
        %max3A_1540 = arith.constant 0.000000e+00 : f32
        %max3A_1541 = vector.broadcast %max3A_1540 : f32 to vector<16xf32>
        %max3A_1542 = arith.maximumf %add3A_1539, %max3A_1541 : vector<16xf32>
        %swap3A_1543 = arith.constant 0 : i32
        %swap3A_1544 = arith.constant 0 : i32
        %swap3A_1545 = arith.constant 0 : i32
        %swap3A_1546 = tpu.memref_slice %arg7[%scan3A_262, %swap3A_1543, %swap3A_1544, %swap3A_1545] : memref<2x2x128x128xf32, #tpu.memory_space<vmem>> -> memref<1x2x128x128xf32, #tpu.memory_space<vmem>>
        %swap3A_1547 = tpu.memref_squeeze %swap3A_1546 : memref<1x2x128x128xf32, #tpu.memory_space<vmem>> -> memref<2x128x128xf32, #tpu.memory_space<vmem>>
        %swap3A_1548 = arith.constant 0 : i32
        %swap3A_1549 = arith.constant 0 : i32
        %swap3A_1550 = tpu.memref_slice %swap3A_1547[%scan3A_263, %swap3A_1548, %swap3A_1549] : memref<2x128x128xf32, #tpu.memory_space<vmem>> -> memref<1x128x128xf32, #tpu.memory_space<vmem>>
        %swap3A_1551 = tpu.memref_squeeze %swap3A_1550 : memref<1x128x128xf32, #tpu.memory_space<vmem>> -> memref<128x128xf32, #tpu.memory_space<vmem>>
        %swap3A_1552 = arith.index_cast %add3A_1250 : i32 to index
        %swap3A_1553 = arith.constant 80 : index
        %swap3A_1554 = tpu.vector_load %swap3A_1551[%swap3A_1552, %swap3A_1553] {strides = array<i32>} : memref<128x128xf32, #tpu.memory_space<vmem>>, vector<1x16xf32>,
        %swap3A_1555 = vector.shape_cast %swap3A_1554 : vector<1x16xf32> to vector<16xf32>
        %swap3A_1556 = vector.shape_cast %max3A_1542 : vector<16xf32> to vector<1x16xf32>
        tpu.vector_store %swap3A_1551[%swap3A_1552, %swap3A_1553], %swap3A_1556 {strides = array<i32>} : memref<128x128xf32, #tpu.memory_space<vmem>>, vector<1x16xf32>,
        %get3A_1557 = arith.constant 0 : i32
        %get3A_1558 = arith.constant 0 : i32
        %get3A_1559 = tpu.memref_slice %arg8[%scan3A_261, %get3A_1557, %get3A_1558] : memref<2x128x64xi32, #tpu.memory_space<vmem>> -> memref<1x128x64xi32, #tpu.memory_space<vmem>>
        %get3A_1560 = tpu.memref_squeeze %get3A_1559 : memref<1x128x64xi32, #tpu.memory_space<vmem>> -> memref<128x64xi32, #tpu.memory_space<vmem>>
        %get3A_1561 = arith.index_cast %add3A_1250 : i32 to index
        %get3A_1562 = arith.constant 48 : index
        %get3A_1563 = tpu.vector_load %get3A_1560[%get3A_1561, %get3A_1562] {strides = array<i32>} : memref<128x64xi32, #tpu.memory_space<vmem>>, vector<1x16xi32>,
        %get3A_1564 = vector.shape_cast %get3A_1563 : vector<1x16xi32> to vector<16xi32>
        %get3A_1565 = arith.constant 0 : i32
        %get3A_1566 = arith.constant 0 : i32
        %get3A_1567 = arith.constant 0 : i32
        %get3A_1568 = tpu.memref_slice %arg7[%scan3A_262, %get3A_1565, %get3A_1566, %get3A_1567] : memref<2x2x128x128xf32, #tpu.memory_space<vmem>> -> memref<1x2x128x128xf32, #tpu.memory_space<vmem>>
        %get3A_1569 = tpu.memref_squeeze %get3A_1568 : memref<1x2x128x128xf32, #tpu.memory_space<vmem>> -> memref<2x128x128xf32, #tpu.memory_space<vmem>>
        %get3A_1570 = arith.constant 0 : i32
        %get3A_1571 = arith.constant 0 : i32
        %get3A_1572 = tpu.memref_slice %get3A_1569[%scan3A_263, %get3A_1570, %get3A_1571] : memref<2x128x128xf32, #tpu.memory_space<vmem>> -> memref<1x128x128xf32, #tpu.memory_space<vmem>>
        %get3A_1573 = tpu.memref_squeeze %get3A_1572 : memref<1x128x128xf32, #tpu.memory_space<vmem>> -> memref<128x128xf32, #tpu.memory_space<vmem>>
        %get3A_1574 = arith.index_cast %add3A_1250 : i32 to index
        %get3A_1575 = arith.constant 96 : index
        %get3A_1576 = tpu.vector_load %get3A_1573[%get3A_1574, %get3A_1575] {strides = array<i32>} : memref<128x128xf32, #tpu.memory_space<vmem>>, vector<1x16xf32>,
        %get3A_1577 = vector.shape_cast %get3A_1576 : vector<1x16xf32> to vector<16xf32>
        %get3A_1578 = arith.constant 0 : i32
        %get3A_1579 = arith.constant 0 : i32
        %get3A_1580 = arith.constant 0 : i32
        %get3A_1581 = tpu.memref_slice %arg7[%scan3A_264, %get3A_1578, %get3A_1579, %get3A_1580] : memref<2x2x128x128xf32, #tpu.memory_space<vmem>> -> memref<1x2x128x128xf32, #tpu.memory_space<vmem>>
        %get3A_1582 = tpu.memref_squeeze %get3A_1581 : memref<1x2x128x128xf32, #tpu.memory_space<vmem>> -> memref<2x128x128xf32, #tpu.memory_space<vmem>>
        %get3A_1583 = arith.constant 0 : i32
        %get3A_1584 = arith.constant 0 : i32
        %get3A_1585 = tpu.memref_slice %get3A_1582[%scan3A_265, %get3A_1583, %get3A_1584] : memref<2x128x128xf32, #tpu.memory_space<vmem>> -> memref<1x128x128xf32, #tpu.memory_space<vmem>>
        %get3A_1586 = tpu.memref_squeeze %get3A_1585 : memref<1x128x128xf32, #tpu.memory_space<vmem>> -> memref<128x128xf32, #tpu.memory_space<vmem>>
        %get3A_1587 = arith.index_cast %add3A_1250 : i32 to index
        %get3A_1588 = arith.constant 96 : index
        %get3A_1589 = tpu.vector_load %get3A_1586[%get3A_1587, %get3A_1588] {strides = array<i32>} : memref<128x128xf32, #tpu.memory_space<vmem>>, vector<1x16xf32>,
        %get3A_1590 = vector.shape_cast %get3A_1589 : vector<1x16xf32> to vector<16xf32>
        %add3A_1591 = arith.addf %get3A_1577, %get3A_1590 : vector<16xf32>
        %shift_left3A_1592 = arith.shli %get3A_1564, %broadcast_in_dim3A_260 : vector<16xi32>
        %bitcast_convert_type3A_1593 = tpu.bitcast %shift_left3A_1592 : vector<16xi32> -> vector<16xf32>
        %add3A_1594 = arith.addf %add3A_1591, %bitcast_convert_type3A_1593 : vector<16xf32>
        %max3A_1595 = arith.constant 0.000000e+00 : f32
        %max3A_1596 = vector.broadcast %max3A_1595 : f32 to vector<16xf32>
        %max3A_1597 = arith.maximumf %add3A_1594, %max3A_1596 : vector<16xf32>
        %swap3A_1598 = arith.constant 0 : i32
        %swap3A_1599 = arith.constant 0 : i32
        %swap3A_1600 = arith.constant 0 : i32
        %swap3A_1601 = tpu.memref_slice %arg7[%scan3A_262, %swap3A_1598, %swap3A_1599, %swap3A_1600] : memref<2x2x128x128xf32, #tpu.memory_space<vmem>> -> memref<1x2x128x128xf32, #tpu.memory_space<vmem>>
        %swap3A_1602 = tpu.memref_squeeze %swap3A_1601 : memref<1x2x128x128xf32, #tpu.memory_space<vmem>> -> memref<2x128x128xf32, #tpu.memory_space<vmem>>
        %swap3A_1603 = arith.constant 0 : i32
        %swap3A_1604 = arith.constant 0 : i32
        %swap3A_1605 = tpu.memref_slice %swap3A_1602[%scan3A_263, %swap3A_1603, %swap3A_1604] : memref<2x128x128xf32, #tpu.memory_space<vmem>> -> memref<1x128x128xf32, #tpu.memory_space<vmem>>
        %swap3A_1606 = tpu.memref_squeeze %swap3A_1605 : memref<1x128x128xf32, #tpu.memory_space<vmem>> -> memref<128x128xf32, #tpu.memory_space<vmem>>
        %swap3A_1607 = arith.index_cast %add3A_1250 : i32 to index
        %swap3A_1608 = arith.constant 96 : index
        %swap3A_1609 = tpu.vector_load %swap3A_1606[%swap3A_1607, %swap3A_1608] {strides = array<i32>} : memref<128x128xf32, #tpu.memory_space<vmem>>, vector<1x16xf32>,
        %swap3A_1610 = vector.shape_cast %swap3A_1609 : vector<1x16xf32> to vector<16xf32>
        %swap3A_1611 = vector.shape_cast %max3A_1597 : vector<16xf32> to vector<1x16xf32>
        tpu.vector_store %swap3A_1606[%swap3A_1607, %swap3A_1608], %swap3A_1611 {strides = array<i32>} : memref<128x128xf32, #tpu.memory_space<vmem>>, vector<1x16xf32>,
        %get3A_1612 = arith.constant 0 : i32
        %get3A_1613 = arith.constant 0 : i32
        %get3A_1614 = arith.constant 0 : i32
        %get3A_1615 = tpu.memref_slice %arg7[%scan3A_262, %get3A_1612, %get3A_1613, %get3A_1614] : memref<2x2x128x128xf32, #tpu.memory_space<vmem>> -> memref<1x2x128x128xf32, #tpu.memory_space<vmem>>
        %get3A_1616 = tpu.memref_squeeze %get3A_1615 : memref<1x2x128x128xf32, #tpu.memory_space<vmem>> -> memref<2x128x128xf32, #tpu.memory_space<vmem>>
        %get3A_1617 = arith.constant 0 : i32
        %get3A_1618 = arith.constant 0 : i32
        %get3A_1619 = tpu.memref_slice %get3A_1616[%scan3A_263, %get3A_1617, %get3A_1618] : memref<2x128x128xf32, #tpu.memory_space<vmem>> -> memref<1x128x128xf32, #tpu.memory_space<vmem>>
        %get3A_1620 = tpu.memref_squeeze %get3A_1619 : memref<1x128x128xf32, #tpu.memory_space<vmem>> -> memref<128x128xf32, #tpu.memory_space<vmem>>
        %get3A_1621 = arith.index_cast %add3A_1250 : i32 to index
        %get3A_1622 = arith.constant 112 : index
        %get3A_1623 = tpu.vector_load %get3A_1620[%get3A_1621, %get3A_1622] {strides = array<i32>} : memref<128x128xf32, #tpu.memory_space<vmem>>, vector<1x16xf32>,
        %get3A_1624 = vector.shape_cast %get3A_1623 : vector<1x16xf32> to vector<16xf32>
        %get3A_1625 = arith.constant 0 : i32
        %get3A_1626 = arith.constant 0 : i32
        %get3A_1627 = arith.constant 0 : i32
        %get3A_1628 = tpu.memref_slice %arg7[%scan3A_264, %get3A_1625, %get3A_1626, %get3A_1627] : memref<2x2x128x128xf32, #tpu.memory_space<vmem>> -> memref<1x2x128x128xf32, #tpu.memory_space<vmem>>
        %get3A_1629 = tpu.memref_squeeze %get3A_1628 : memref<1x2x128x128xf32, #tpu.memory_space<vmem>> -> memref<2x128x128xf32, #tpu.memory_space<vmem>>
        %get3A_1630 = arith.constant 0 : i32
        %get3A_1631 = arith.constant 0 : i32
        %get3A_1632 = tpu.memref_slice %get3A_1629[%scan3A_265, %get3A_1630, %get3A_1631] : memref<2x128x128xf32, #tpu.memory_space<vmem>> -> memref<1x128x128xf32, #tpu.memory_space<vmem>>
        %get3A_1633 = tpu.memref_squeeze %get3A_1632 : memref<1x128x128xf32, #tpu.memory_space<vmem>> -> memref<128x128xf32, #tpu.memory_space<vmem>>
        %get3A_1634 = arith.index_cast %add3A_1250 : i32 to index
        %get3A_1635 = arith.constant 112 : index
        %get3A_1636 = tpu.vector_load %get3A_1633[%get3A_1634, %get3A_1635] {strides = array<i32>} : memref<128x128xf32, #tpu.memory_space<vmem>>, vector<1x16xf32>,
        %get3A_1637 = vector.shape_cast %get3A_1636 : vector<1x16xf32> to vector<16xf32>
        %add3A_1638 = arith.addf %get3A_1624, %get3A_1637 : vector<16xf32>
        %and3A_1639 = arith.andi %get3A_1564, %broadcast_in_dim3A_258 : vector<16xi32>
        %bitcast_convert_type3A_1640 = tpu.bitcast %and3A_1639 : vector<16xi32> -> vector<16xf32>
        %add3A_1641 = arith.addf %add3A_1638, %bitcast_convert_type3A_1640 : vector<16xf32>
        %max3A_1642 = arith.constant 0.000000e+00 : f32
        %max3A_1643 = vector.broadcast %max3A_1642 : f32 to vector<16xf32>
        %max3A_1644 = arith.maximumf %add3A_1641, %max3A_1643 : vector<16xf32>
        %swap3A_1645 = arith.constant 0 : i32
        %swap3A_1646 = arith.constant 0 : i32
        %swap3A_1647 = arith.constant 0 : i32
        %swap3A_1648 = tpu.memref_slice %arg7[%scan3A_262, %swap3A_1645, %swap3A_1646, %swap3A_1647] : memref<2x2x128x128xf32, #tpu.memory_space<vmem>> -> memref<1x2x128x128xf32, #tpu.memory_space<vmem>>
        %swap3A_1649 = tpu.memref_squeeze %swap3A_1648 : memref<1x2x128x128xf32, #tpu.memory_space<vmem>> -> memref<2x128x128xf32, #tpu.memory_space<vmem>>
        %swap3A_1650 = arith.constant 0 : i32
        %swap3A_1651 = arith.constant 0 : i32
        %swap3A_1652 = tpu.memref_slice %swap3A_1649[%scan3A_263, %swap3A_1650, %swap3A_1651] : memref<2x128x128xf32, #tpu.memory_space<vmem>> -> memref<1x128x128xf32, #tpu.memory_space<vmem>>
        %swap3A_1653 = tpu.memref_squeeze %swap3A_1652 : memref<1x128x128xf32, #tpu.memory_space<vmem>> -> memref<128x128xf32, #tpu.memory_space<vmem>>
        %swap3A_1654 = arith.index_cast %add3A_1250 : i32 to index
        %swap3A_1655 = arith.constant 112 : index
        %swap3A_1656 = tpu.vector_load %swap3A_1653[%swap3A_1654, %swap3A_1655] {strides = array<i32>} : memref<128x128xf32, #tpu.memory_space<vmem>>, vector<1x16xf32>,
        %swap3A_1657 = vector.shape_cast %swap3A_1656 : vector<1x16xf32> to vector<16xf32>
        %swap3A_1658 = vector.shape_cast %max3A_1644 : vector<16xf32> to vector<1x16xf32>
        tpu.vector_store %swap3A_1653[%swap3A_1654, %swap3A_1655], %swap3A_1658 {strides = array<i32>} : memref<128x128xf32, #tpu.memory_space<vmem>>, vector<1x16xf32>,
        %scan3A_1659 = arith.constant 3 : i32
        %scan3A_1660 = arith.addi %scan3A_424, %scan3A_1659 : i32
        %mul3A_1661 = arith.constant 1 : i32
        %mul3A_1662 = arith.muli %scan3A_1660, %mul3A_1661 : i32
        %add3A_1663 = arith.constant 0 : i32
        %add3A_1664 = arith.addi %add3A_1663, %mul3A_1662 : i32
        %get3A_1665 = arith.constant 0 : i32
        %get3A_1666 = arith.constant 0 : i32
        %get3A_1667 = tpu.memref_slice %arg8[%scan3A_261, %get3A_1665, %get3A_1666] : memref<2x128x64xi32, #tpu.memory_space<vmem>> -> memref<1x128x64xi32, #tpu.memory_space<vmem>>
        %get3A_1668 = tpu.memref_squeeze %get3A_1667 : memref<1x128x64xi32, #tpu.memory_space<vmem>> -> memref<128x64xi32, #tpu.memory_space<vmem>>
        %get3A_1669 = arith.index_cast %add3A_1664 : i32 to index
        %get3A_1670 = arith.constant 0 : index
        %get3A_1671 = tpu.vector_load %get3A_1668[%get3A_1669, %get3A_1670] {strides = array<i32>} : memref<128x64xi32, #tpu.memory_space<vmem>>, vector<1x16xi32>,
        %get3A_1672 = vector.shape_cast %get3A_1671 : vector<1x16xi32> to vector<16xi32>
        %get3A_1673 = arith.constant 0 : i32
        %get3A_1674 = arith.constant 0 : i32
        %get3A_1675 = arith.constant 0 : i32
        %get3A_1676 = tpu.memref_slice %arg7[%scan3A_262, %get3A_1673, %get3A_1674, %get3A_1675] : memref<2x2x128x128xf32, #tpu.memory_space<vmem>> -> memref<1x2x128x128xf32, #tpu.memory_space<vmem>>
        %get3A_1677 = tpu.memref_squeeze %get3A_1676 : memref<1x2x128x128xf32, #tpu.memory_space<vmem>> -> memref<2x128x128xf32, #tpu.memory_space<vmem>>
        %get3A_1678 = arith.constant 0 : i32
        %get3A_1679 = arith.constant 0 : i32
        %get3A_1680 = tpu.memref_slice %get3A_1677[%scan3A_263, %get3A_1678, %get3A_1679] : memref<2x128x128xf32, #tpu.memory_space<vmem>> -> memref<1x128x128xf32, #tpu.memory_space<vmem>>
        %get3A_1681 = tpu.memref_squeeze %get3A_1680 : memref<1x128x128xf32, #tpu.memory_space<vmem>> -> memref<128x128xf32, #tpu.memory_space<vmem>>
        %get3A_1682 = arith.index_cast %add3A_1664 : i32 to index
        %get3A_1683 = arith.constant 0 : index
        %get3A_1684 = tpu.vector_load %get3A_1681[%get3A_1682, %get3A_1683] {strides = array<i32>} : memref<128x128xf32, #tpu.memory_space<vmem>>, vector<1x16xf32>,
        %get3A_1685 = vector.shape_cast %get3A_1684 : vector<1x16xf32> to vector<16xf32>
        %get3A_1686 = arith.constant 0 : i32
        %get3A_1687 = arith.constant 0 : i32
        %get3A_1688 = arith.constant 0 : i32
        %get3A_1689 = tpu.memref_slice %arg7[%scan3A_264, %get3A_1686, %get3A_1687, %get3A_1688] : memref<2x2x128x128xf32, #tpu.memory_space<vmem>> -> memref<1x2x128x128xf32, #tpu.memory_space<vmem>>
        %get3A_1690 = tpu.memref_squeeze %get3A_1689 : memref<1x2x128x128xf32, #tpu.memory_space<vmem>> -> memref<2x128x128xf32, #tpu.memory_space<vmem>>
        %get3A_1691 = arith.constant 0 : i32
        %get3A_1692 = arith.constant 0 : i32
        %get3A_1693 = tpu.memref_slice %get3A_1690[%scan3A_265, %get3A_1691, %get3A_1692] : memref<2x128x128xf32, #tpu.memory_space<vmem>> -> memref<1x128x128xf32, #tpu.memory_space<vmem>>
        %get3A_1694 = tpu.memref_squeeze %get3A_1693 : memref<1x128x128xf32, #tpu.memory_space<vmem>> -> memref<128x128xf32, #tpu.memory_space<vmem>>
        %get3A_1695 = arith.index_cast %add3A_1664 : i32 to index
        %get3A_1696 = arith.constant 0 : index
        %get3A_1697 = tpu.vector_load %get3A_1694[%get3A_1695, %get3A_1696] {strides = array<i32>} : memref<128x128xf32, #tpu.memory_space<vmem>>, vector<1x16xf32>,
        %get3A_1698 = vector.shape_cast %get3A_1697 : vector<1x16xf32> to vector<16xf32>
        %add3A_1699 = arith.addf %get3A_1685, %get3A_1698 : vector<16xf32>
        %shift_left3A_1700 = arith.shli %get3A_1672, %broadcast_in_dim3A_260 : vector<16xi32>
        %bitcast_convert_type3A_1701 = tpu.bitcast %shift_left3A_1700 : vector<16xi32> -> vector<16xf32>
        %add3A_1702 = arith.addf %add3A_1699, %bitcast_convert_type3A_1701 : vector<16xf32>
        %max3A_1703 = arith.constant 0.000000e+00 : f32
        %max3A_1704 = vector.broadcast %max3A_1703 : f32 to vector<16xf32>
        %max3A_1705 = arith.maximumf %add3A_1702, %max3A_1704 : vector<16xf32>
        %swap3A_1706 = arith.constant 0 : i32
        %swap3A_1707 = arith.constant 0 : i32
        %swap3A_1708 = arith.constant 0 : i32
        %swap3A_1709 = tpu.memref_slice %arg7[%scan3A_262, %swap3A_1706, %swap3A_1707, %swap3A_1708] : memref<2x2x128x128xf32, #tpu.memory_space<vmem>> -> memref<1x2x128x128xf32, #tpu.memory_space<vmem>>
        %swap3A_1710 = tpu.memref_squeeze %swap3A_1709 : memref<1x2x128x128xf32, #tpu.memory_space<vmem>> -> memref<2x128x128xf32, #tpu.memory_space<vmem>>
        %swap3A_1711 = arith.constant 0 : i32
        %swap3A_1712 = arith.constant 0 : i32
        %swap3A_1713 = tpu.memref_slice %swap3A_1710[%scan3A_263, %swap3A_1711, %swap3A_1712] : memref<2x128x128xf32, #tpu.memory_space<vmem>> -> memref<1x128x128xf32, #tpu.memory_space<vmem>>
        %swap3A_1714 = tpu.memref_squeeze %swap3A_1713 : memref<1x128x128xf32, #tpu.memory_space<vmem>> -> memref<128x128xf32, #tpu.memory_space<vmem>>
        %swap3A_1715 = arith.index_cast %add3A_1664 : i32 to index
        %swap3A_1716 = arith.constant 0 : index
        %swap3A_1717 = tpu.vector_load %swap3A_1714[%swap3A_1715, %swap3A_1716] {strides = array<i32>} : memref<128x128xf32, #tpu.memory_space<vmem>>, vector<1x16xf32>,
        %swap3A_1718 = vector.shape_cast %swap3A_1717 : vector<1x16xf32> to vector<16xf32>
        %swap3A_1719 = vector.shape_cast %max3A_1705 : vector<16xf32> to vector<1x16xf32>
        tpu.vector_store %swap3A_1714[%swap3A_1715, %swap3A_1716], %swap3A_1719 {strides = array<i32>} : memref<128x128xf32, #tpu.memory_space<vmem>>, vector<1x16xf32>,
        %get3A_1720 = arith.constant 0 : i32
        %get3A_1721 = arith.constant 0 : i32
        %get3A_1722 = arith.constant 0 : i32
        %get3A_1723 = tpu.memref_slice %arg7[%scan3A_262, %get3A_1720, %get3A_1721, %get3A_1722] : memref<2x2x128x128xf32, #tpu.memory_space<vmem>> -> memref<1x2x128x128xf32, #tpu.memory_space<vmem>>
        %get3A_1724 = tpu.memref_squeeze %get3A_1723 : memref<1x2x128x128xf32, #tpu.memory_space<vmem>> -> memref<2x128x128xf32, #tpu.memory_space<vmem>>
        %get3A_1725 = arith.constant 0 : i32
        %get3A_1726 = arith.constant 0 : i32
        %get3A_1727 = tpu.memref_slice %get3A_1724[%scan3A_263, %get3A_1725, %get3A_1726] : memref<2x128x128xf32, #tpu.memory_space<vmem>> -> memref<1x128x128xf32, #tpu.memory_space<vmem>>
        %get3A_1728 = tpu.memref_squeeze %get3A_1727 : memref<1x128x128xf32, #tpu.memory_space<vmem>> -> memref<128x128xf32, #tpu.memory_space<vmem>>
        %get3A_1729 = arith.index_cast %add3A_1664 : i32 to index
        %get3A_1730 = arith.constant 16 : index
        %get3A_1731 = tpu.vector_load %get3A_1728[%get3A_1729, %get3A_1730] {strides = array<i32>} : memref<128x128xf32, #tpu.memory_space<vmem>>, vector<1x16xf32>,
        %get3A_1732 = vector.shape_cast %get3A_1731 : vector<1x16xf32> to vector<16xf32>
        %get3A_1733 = arith.constant 0 : i32
        %get3A_1734 = arith.constant 0 : i32
        %get3A_1735 = arith.constant 0 : i32
        %get3A_1736 = tpu.memref_slice %arg7[%scan3A_264, %get3A_1733, %get3A_1734, %get3A_1735] : memref<2x2x128x128xf32, #tpu.memory_space<vmem>> -> memref<1x2x128x128xf32, #tpu.memory_space<vmem>>
        %get3A_1737 = tpu.memref_squeeze %get3A_1736 : memref<1x2x128x128xf32, #tpu.memory_space<vmem>> -> memref<2x128x128xf32, #tpu.memory_space<vmem>>
        %get3A_1738 = arith.constant 0 : i32
        %get3A_1739 = arith.constant 0 : i32
        %get3A_1740 = tpu.memref_slice %get3A_1737[%scan3A_265, %get3A_1738, %get3A_1739] : memref<2x128x128xf32, #tpu.memory_space<vmem>> -> memref<1x128x128xf32, #tpu.memory_space<vmem>>
        %get3A_1741 = tpu.memref_squeeze %get3A_1740 : memref<1x128x128xf32, #tpu.memory_space<vmem>> -> memref<128x128xf32, #tpu.memory_space<vmem>>
        %get3A_1742 = arith.index_cast %add3A_1664 : i32 to index
        %get3A_1743 = arith.constant 16 : index
        %get3A_1744 = tpu.vector_load %get3A_1741[%get3A_1742, %get3A_1743] {strides = array<i32>} : memref<128x128xf32, #tpu.memory_space<vmem>>, vector<1x16xf32>,
        %get3A_1745 = vector.shape_cast %get3A_1744 : vector<1x16xf32> to vector<16xf32>
        %add3A_1746 = arith.addf %get3A_1732, %get3A_1745 : vector<16xf32>
        %and3A_1747 = arith.andi %get3A_1672, %broadcast_in_dim3A_258 : vector<16xi32>
        %bitcast_convert_type3A_1748 = tpu.bitcast %and3A_1747 : vector<16xi32> -> vector<16xf32>
        %add3A_1749 = arith.addf %add3A_1746, %bitcast_convert_type3A_1748 : vector<16xf32>
        %max3A_1750 = arith.constant 0.000000e+00 : f32
        %max3A_1751 = vector.broadcast %max3A_1750 : f32 to vector<16xf32>
        %max3A_1752 = arith.maximumf %add3A_1749, %max3A_1751 : vector<16xf32>
        %swap3A_1753 = arith.constant 0 : i32
        %swap3A_1754 = arith.constant 0 : i32
        %swap3A_1755 = arith.constant 0 : i32
        %swap3A_1756 = tpu.memref_slice %arg7[%scan3A_262, %swap3A_1753, %swap3A_1754, %swap3A_1755] : memref<2x2x128x128xf32, #tpu.memory_space<vmem>> -> memref<1x2x128x128xf32, #tpu.memory_space<vmem>>
        %swap3A_1757 = tpu.memref_squeeze %swap3A_1756 : memref<1x2x128x128xf32, #tpu.memory_space<vmem>> -> memref<2x128x128xf32, #tpu.memory_space<vmem>>
        %swap3A_1758 = arith.constant 0 : i32
        %swap3A_1759 = arith.constant 0 : i32
        %swap3A_1760 = tpu.memref_slice %swap3A_1757[%scan3A_263, %swap3A_1758, %swap3A_1759] : memref<2x128x128xf32, #tpu.memory_space<vmem>> -> memref<1x128x128xf32, #tpu.memory_space<vmem>>
        %swap3A_1761 = tpu.memref_squeeze %swap3A_1760 : memref<1x128x128xf32, #tpu.memory_space<vmem>> -> memref<128x128xf32, #tpu.memory_space<vmem>>
        %swap3A_1762 = arith.index_cast %add3A_1664 : i32 to index
        %swap3A_1763 = arith.constant 16 : index
        %swap3A_1764 = tpu.vector_load %swap3A_1761[%swap3A_1762, %swap3A_1763] {strides = array<i32>} : memref<128x128xf32, #tpu.memory_space<vmem>>, vector<1x16xf32>,
        %swap3A_1765 = vector.shape_cast %swap3A_1764 : vector<1x16xf32> to vector<16xf32>
        %swap3A_1766 = vector.shape_cast %max3A_1752 : vector<16xf32> to vector<1x16xf32>
        tpu.vector_store %swap3A_1761[%swap3A_1762, %swap3A_1763], %swap3A_1766 {strides = array<i32>} : memref<128x128xf32, #tpu.memory_space<vmem>>, vector<1x16xf32>,
        %get3A_1767 = arith.constant 0 : i32
        %get3A_1768 = arith.constant 0 : i32
        %get3A_1769 = tpu.memref_slice %arg8[%scan3A_261, %get3A_1767, %get3A_1768] : memref<2x128x64xi32, #tpu.memory_space<vmem>> -> memref<1x128x64xi32, #tpu.memory_space<vmem>>
        %get3A_1770 = tpu.memref_squeeze %get3A_1769 : memref<1x128x64xi32, #tpu.memory_space<vmem>> -> memref<128x64xi32, #tpu.memory_space<vmem>>
        %get3A_1771 = arith.index_cast %add3A_1664 : i32 to index
        %get3A_1772 = arith.constant 16 : index
        %get3A_1773 = tpu.vector_load %get3A_1770[%get3A_1771, %get3A_1772] {strides = array<i32>} : memref<128x64xi32, #tpu.memory_space<vmem>>, vector<1x16xi32>,
        %get3A_1774 = vector.shape_cast %get3A_1773 : vector<1x16xi32> to vector<16xi32>
        %get3A_1775 = arith.constant 0 : i32
        %get3A_1776 = arith.constant 0 : i32
        %get3A_1777 = arith.constant 0 : i32
        %get3A_1778 = tpu.memref_slice %arg7[%scan3A_262, %get3A_1775, %get3A_1776, %get3A_1777] : memref<2x2x128x128xf32, #tpu.memory_space<vmem>> -> memref<1x2x128x128xf32, #tpu.memory_space<vmem>>
        %get3A_1779 = tpu.memref_squeeze %get3A_1778 : memref<1x2x128x128xf32, #tpu.memory_space<vmem>> -> memref<2x128x128xf32, #tpu.memory_space<vmem>>
        %get3A_1780 = arith.constant 0 : i32
        %get3A_1781 = arith.constant 0 : i32
        %get3A_1782 = tpu.memref_slice %get3A_1779[%scan3A_263, %get3A_1780, %get3A_1781] : memref<2x128x128xf32, #tpu.memory_space<vmem>> -> memref<1x128x128xf32, #tpu.memory_space<vmem>>
        %get3A_1783 = tpu.memref_squeeze %get3A_1782 : memref<1x128x128xf32, #tpu.memory_space<vmem>> -> memref<128x128xf32, #tpu.memory_space<vmem>>
        %get3A_1784 = arith.index_cast %add3A_1664 : i32 to index
        %get3A_1785 = arith.constant 32 : index
        %get3A_1786 = tpu.vector_load %get3A_1783[%get3A_1784, %get3A_1785] {strides = array<i32>} : memref<128x128xf32, #tpu.memory_space<vmem>>, vector<1x16xf32>,
        %get3A_1787 = vector.shape_cast %get3A_1786 : vector<1x16xf32> to vector<16xf32>
        %get3A_1788 = arith.constant 0 : i32
        %get3A_1789 = arith.constant 0 : i32
        %get3A_1790 = arith.constant 0 : i32
        %get3A_1791 = tpu.memref_slice %arg7[%scan3A_264, %get3A_1788, %get3A_1789, %get3A_1790] : memref<2x2x128x128xf32, #tpu.memory_space<vmem>> -> memref<1x2x128x128xf32, #tpu.memory_space<vmem>>
        %get3A_1792 = tpu.memref_squeeze %get3A_1791 : memref<1x2x128x128xf32, #tpu.memory_space<vmem>> -> memref<2x128x128xf32, #tpu.memory_space<vmem>>
        %get3A_1793 = arith.constant 0 : i32
        %get3A_1794 = arith.constant 0 : i32
        %get3A_1795 = tpu.memref_slice %get3A_1792[%scan3A_265, %get3A_1793, %get3A_1794] : memref<2x128x128xf32, #tpu.memory_space<vmem>> -> memref<1x128x128xf32, #tpu.memory_space<vmem>>
        %get3A_1796 = tpu.memref_squeeze %get3A_1795 : memref<1x128x128xf32, #tpu.memory_space<vmem>> -> memref<128x128xf32, #tpu.memory_space<vmem>>
        %get3A_1797 = arith.index_cast %add3A_1664 : i32 to index
        %get3A_1798 = arith.constant 32 : index
        %get3A_1799 = tpu.vector_load %get3A_1796[%get3A_1797, %get3A_1798] {strides = array<i32>} : memref<128x128xf32, #tpu.memory_space<vmem>>, vector<1x16xf32>,
        %get3A_1800 = vector.shape_cast %get3A_1799 : vector<1x16xf32> to vector<16xf32>
        %add3A_1801 = arith.addf %get3A_1787, %get3A_1800 : vector<16xf32>
        %shift_left3A_1802 = arith.shli %get3A_1774, %broadcast_in_dim3A_260 : vector<16xi32>
        %bitcast_convert_type3A_1803 = tpu.bitcast %shift_left3A_1802 : vector<16xi32> -> vector<16xf32>
        %add3A_1804 = arith.addf %add3A_1801, %bitcast_convert_type3A_1803 : vector<16xf32>
        %max3A_1805 = arith.constant 0.000000e+00 : f32
        %max3A_1806 = vector.broadcast %max3A_1805 : f32 to vector<16xf32>
        %max3A_1807 = arith.maximumf %add3A_1804, %max3A_1806 : vector<16xf32>
        %swap3A_1808 = arith.constant 0 : i32
        %swap3A_1809 = arith.constant 0 : i32
        %swap3A_1810 = arith.constant 0 : i32
        %swap3A_1811 = tpu.memref_slice %arg7[%scan3A_262, %swap3A_1808, %swap3A_1809, %swap3A_1810] : memref<2x2x128x128xf32, #tpu.memory_space<vmem>> -> memref<1x2x128x128xf32, #tpu.memory_space<vmem>>
        %swap3A_1812 = tpu.memref_squeeze %swap3A_1811 : memref<1x2x128x128xf32, #tpu.memory_space<vmem>> -> memref<2x128x128xf32, #tpu.memory_space<vmem>>
        %swap3A_1813 = arith.constant 0 : i32
        %swap3A_1814 = arith.constant 0 : i32
        %swap3A_1815 = tpu.memref_slice %swap3A_1812[%scan3A_263, %swap3A_1813, %swap3A_1814] : memref<2x128x128xf32, #tpu.memory_space<vmem>> -> memref<1x128x128xf32, #tpu.memory_space<vmem>>
        %swap3A_1816 = tpu.memref_squeeze %swap3A_1815 : memref<1x128x128xf32, #tpu.memory_space<vmem>> -> memref<128x128xf32, #tpu.memory_space<vmem>>
        %swap3A_1817 = arith.index_cast %add3A_1664 : i32 to index
        %swap3A_1818 = arith.constant 32 : index
        %swap3A_1819 = tpu.vector_load %swap3A_1816[%swap3A_1817, %swap3A_1818] {strides = array<i32>} : memref<128x128xf32, #tpu.memory_space<vmem>>, vector<1x16xf32>,
        %swap3A_1820 = vector.shape_cast %swap3A_1819 : vector<1x16xf32> to vector<16xf32>
        %swap3A_1821 = vector.shape_cast %max3A_1807 : vector<16xf32> to vector<1x16xf32>
        tpu.vector_store %swap3A_1816[%swap3A_1817, %swap3A_1818], %swap3A_1821 {strides = array<i32>} : memref<128x128xf32, #tpu.memory_space<vmem>>, vector<1x16xf32>,
        %get3A_1822 = arith.constant 0 : i32
        %get3A_1823 = arith.constant 0 : i32
        %get3A_1824 = arith.constant 0 : i32
        %get3A_1825 = tpu.memref_slice %arg7[%scan3A_262, %get3A_1822, %get3A_1823, %get3A_1824] : memref<2x2x128x128xf32, #tpu.memory_space<vmem>> -> memref<1x2x128x128xf32, #tpu.memory_space<vmem>>
        %get3A_1826 = tpu.memref_squeeze %get3A_1825 : memref<1x2x128x128xf32, #tpu.memory_space<vmem>> -> memref<2x128x128xf32, #tpu.memory_space<vmem>>
        %get3A_1827 = arith.constant 0 : i32
        %get3A_1828 = arith.constant 0 : i32
        %get3A_1829 = tpu.memref_slice %get3A_1826[%scan3A_263, %get3A_1827, %get3A_1828] : memref<2x128x128xf32, #tpu.memory_space<vmem>> -> memref<1x128x128xf32, #tpu.memory_space<vmem>>
        %get3A_1830 = tpu.memref_squeeze %get3A_1829 : memref<1x128x128xf32, #tpu.memory_space<vmem>> -> memref<128x128xf32, #tpu.memory_space<vmem>>
        %get3A_1831 = arith.index_cast %add3A_1664 : i32 to index
        %get3A_1832 = arith.constant 48 : index
        %get3A_1833 = tpu.vector_load %get3A_1830[%get3A_1831, %get3A_1832] {strides = array<i32>} : memref<128x128xf32, #tpu.memory_space<vmem>>, vector<1x16xf32>,
        %get3A_1834 = vector.shape_cast %get3A_1833 : vector<1x16xf32> to vector<16xf32>
        %get3A_1835 = arith.constant 0 : i32
        %get3A_1836 = arith.constant 0 : i32
        %get3A_1837 = arith.constant 0 : i32
        %get3A_1838 = tpu.memref_slice %arg7[%scan3A_264, %get3A_1835, %get3A_1836, %get3A_1837] : memref<2x2x128x128xf32, #tpu.memory_space<vmem>> -> memref<1x2x128x128xf32, #tpu.memory_space<vmem>>
        %get3A_1839 = tpu.memref_squeeze %get3A_1838 : memref<1x2x128x128xf32, #tpu.memory_space<vmem>> -> memref<2x128x128xf32, #tpu.memory_space<vmem>>
        %get3A_1840 = arith.constant 0 : i32
        %get3A_1841 = arith.constant 0 : i32
        %get3A_1842 = tpu.memref_slice %get3A_1839[%scan3A_265, %get3A_1840, %get3A_1841] : memref<2x128x128xf32, #tpu.memory_space<vmem>> -> memref<1x128x128xf32, #tpu.memory_space<vmem>>
        %get3A_1843 = tpu.memref_squeeze %get3A_1842 : memref<1x128x128xf32, #tpu.memory_space<vmem>> -> memref<128x128xf32, #tpu.memory_space<vmem>>
        %get3A_1844 = arith.index_cast %add3A_1664 : i32 to index
        %get3A_1845 = arith.constant 48 : index
        %get3A_1846 = tpu.vector_load %get3A_1843[%get3A_1844, %get3A_1845] {strides = array<i32>} : memref<128x128xf32, #tpu.memory_space<vmem>>, vector<1x16xf32>,
        %get3A_1847 = vector.shape_cast %get3A_1846 : vector<1x16xf32> to vector<16xf32>
        %add3A_1848 = arith.addf %get3A_1834, %get3A_1847 : vector<16xf32>
        %and3A_1849 = arith.andi %get3A_1774, %broadcast_in_dim3A_258 : vector<16xi32>
        %bitcast_convert_type3A_1850 = tpu.bitcast %and3A_1849 : vector<16xi32> -> vector<16xf32>
        %add3A_1851 = arith.addf %add3A_1848, %bitcast_convert_type3A_1850 : vector<16xf32>
        %max3A_1852 = arith.constant 0.000000e+00 : f32
        %max3A_1853 = vector.broadcast %max3A_1852 : f32 to vector<16xf32>
        %max3A_1854 = arith.maximumf %add3A_1851, %max3A_1853 : vector<16xf32>
        %swap3A_1855 = arith.constant 0 : i32
        %swap3A_1856 = arith.constant 0 : i32
        %swap3A_1857 = arith.constant 0 : i32
        %swap3A_1858 = tpu.memref_slice %arg7[%scan3A_262, %swap3A_1855, %swap3A_1856, %swap3A_1857] : memref<2x2x128x128xf32, #tpu.memory_space<vmem>> -> memref<1x2x128x128xf32, #tpu.memory_space<vmem>>
        %swap3A_1859 = tpu.memref_squeeze %swap3A_1858 : memref<1x2x128x128xf32, #tpu.memory_space<vmem>> -> memref<2x128x128xf32, #tpu.memory_space<vmem>>
        %swap3A_1860 = arith.constant 0 : i32
        %swap3A_1861 = arith.constant 0 : i32
        %swap3A_1862 = tpu.memref_slice %swap3A_1859[%scan3A_263, %swap3A_1860, %swap3A_1861] : memref<2x128x128xf32, #tpu.memory_space<vmem>> -> memref<1x128x128xf32, #tpu.memory_space<vmem>>
        %swap3A_1863 = tpu.memref_squeeze %swap3A_1862 : memref<1x128x128xf32, #tpu.memory_space<vmem>> -> memref<128x128xf32, #tpu.memory_space<vmem>>
        %swap3A_1864 = arith.index_cast %add3A_1664 : i32 to index
        %swap3A_1865 = arith.constant 48 : index
        %swap3A_1866 = tpu.vector_load %swap3A_1863[%swap3A_1864, %swap3A_1865] {strides = array<i32>} : memref<128x128xf32, #tpu.memory_space<vmem>>, vector<1x16xf32>,
        %swap3A_1867 = vector.shape_cast %swap3A_1866 : vector<1x16xf32> to vector<16xf32>
        %swap3A_1868 = vector.shape_cast %max3A_1854 : vector<16xf32> to vector<1x16xf32>
        tpu.vector_store %swap3A_1863[%swap3A_1864, %swap3A_1865], %swap3A_1868 {strides = array<i32>} : memref<128x128xf32, #tpu.memory_space<vmem>>, vector<1x16xf32>,
        %get3A_1869 = arith.constant 0 : i32
        %get3A_1870 = arith.constant 0 : i32
        %get3A_1871 = tpu.memref_slice %arg8[%scan3A_261, %get3A_1869, %get3A_1870] : memref<2x128x64xi32, #tpu.memory_space<vmem>> -> memref<1x128x64xi32, #tpu.memory_space<vmem>>
        %get3A_1872 = tpu.memref_squeeze %get3A_1871 : memref<1x128x64xi32, #tpu.memory_space<vmem>> -> memref<128x64xi32, #tpu.memory_space<vmem>>
        %get3A_1873 = arith.index_cast %add3A_1664 : i32 to index
        %get3A_1874 = arith.constant 32 : index
        %get3A_1875 = tpu.vector_load %get3A_1872[%get3A_1873, %get3A_1874] {strides = array<i32>} : memref<128x64xi32, #tpu.memory_space<vmem>>, vector<1x16xi32>,
        %get3A_1876 = vector.shape_cast %get3A_1875 : vector<1x16xi32> to vector<16xi32>
        %get3A_1877 = arith.constant 0 : i32
        %get3A_1878 = arith.constant 0 : i32
        %get3A_1879 = arith.constant 0 : i32
        %get3A_1880 = tpu.memref_slice %arg7[%scan3A_262, %get3A_1877, %get3A_1878, %get3A_1879] : memref<2x2x128x128xf32, #tpu.memory_space<vmem>> -> memref<1x2x128x128xf32, #tpu.memory_space<vmem>>
        %get3A_1881 = tpu.memref_squeeze %get3A_1880 : memref<1x2x128x128xf32, #tpu.memory_space<vmem>> -> memref<2x128x128xf32, #tpu.memory_space<vmem>>
        %get3A_1882 = arith.constant 0 : i32
        %get3A_1883 = arith.constant 0 : i32
        %get3A_1884 = tpu.memref_slice %get3A_1881[%scan3A_263, %get3A_1882, %get3A_1883] : memref<2x128x128xf32, #tpu.memory_space<vmem>> -> memref<1x128x128xf32, #tpu.memory_space<vmem>>
        %get3A_1885 = tpu.memref_squeeze %get3A_1884 : memref<1x128x128xf32, #tpu.memory_space<vmem>> -> memref<128x128xf32, #tpu.memory_space<vmem>>
        %get3A_1886 = arith.index_cast %add3A_1664 : i32 to index
        %get3A_1887 = arith.constant 64 : index
        %get3A_1888 = tpu.vector_load %get3A_1885[%get3A_1886, %get3A_1887] {strides = array<i32>} : memref<128x128xf32, #tpu.memory_space<vmem>>, vector<1x16xf32>,
        %get3A_1889 = vector.shape_cast %get3A_1888 : vector<1x16xf32> to vector<16xf32>
        %get3A_1890 = arith.constant 0 : i32
        %get3A_1891 = arith.constant 0 : i32
        %get3A_1892 = arith.constant 0 : i32
        %get3A_1893 = tpu.memref_slice %arg7[%scan3A_264, %get3A_1890, %get3A_1891, %get3A_1892] : memref<2x2x128x128xf32, #tpu.memory_space<vmem>> -> memref<1x2x128x128xf32, #tpu.memory_space<vmem>>
        %get3A_1894 = tpu.memref_squeeze %get3A_1893 : memref<1x2x128x128xf32, #tpu.memory_space<vmem>> -> memref<2x128x128xf32, #tpu.memory_space<vmem>>
        %get3A_1895 = arith.constant 0 : i32
        %get3A_1896 = arith.constant 0 : i32
        %get3A_1897 = tpu.memref_slice %get3A_1894[%scan3A_265, %get3A_1895, %get3A_1896] : memref<2x128x128xf32, #tpu.memory_space<vmem>> -> memref<1x128x128xf32, #tpu.memory_space<vmem>>
        %get3A_1898 = tpu.memref_squeeze %get3A_1897 : memref<1x128x128xf32, #tpu.memory_space<vmem>> -> memref<128x128xf32, #tpu.memory_space<vmem>>
        %get3A_1899 = arith.index_cast %add3A_1664 : i32 to index
        %get3A_1900 = arith.constant 64 : index
        %get3A_1901 = tpu.vector_load %get3A_1898[%get3A_1899, %get3A_1900] {strides = array<i32>} : memref<128x128xf32, #tpu.memory_space<vmem>>, vector<1x16xf32>,
        %get3A_1902 = vector.shape_cast %get3A_1901 : vector<1x16xf32> to vector<16xf32>
        %add3A_1903 = arith.addf %get3A_1889, %get3A_1902 : vector<16xf32>
        %shift_left3A_1904 = arith.shli %get3A_1876, %broadcast_in_dim3A_260 : vector<16xi32>
        %bitcast_convert_type3A_1905 = tpu.bitcast %shift_left3A_1904 : vector<16xi32> -> vector<16xf32>
        %add3A_1906 = arith.addf %add3A_1903, %bitcast_convert_type3A_1905 : vector<16xf32>
        %max3A_1907 = arith.constant 0.000000e+00 : f32
        %max3A_1908 = vector.broadcast %max3A_1907 : f32 to vector<16xf32>
        %max3A_1909 = arith.maximumf %add3A_1906, %max3A_1908 : vector<16xf32>
        %swap3A_1910 = arith.constant 0 : i32
        %swap3A_1911 = arith.constant 0 : i32
        %swap3A_1912 = arith.constant 0 : i32
        %swap3A_1913 = tpu.memref_slice %arg7[%scan3A_262, %swap3A_1910, %swap3A_1911, %swap3A_1912] : memref<2x2x128x128xf32, #tpu.memory_space<vmem>> -> memref<1x2x128x128xf32, #tpu.memory_space<vmem>>
        %swap3A_1914 = tpu.memref_squeeze %swap3A_1913 : memref<1x2x128x128xf32, #tpu.memory_space<vmem>> -> memref<2x128x128xf32, #tpu.memory_space<vmem>>
        %swap3A_1915 = arith.constant 0 : i32
        %swap3A_1916 = arith.constant 0 : i32
        %swap3A_1917 = tpu.memref_slice %swap3A_1914[%scan3A_263, %swap3A_1915, %swap3A_1916] : memref<2x128x128xf32, #tpu.memory_space<vmem>> -> memref<1x128x128xf32, #tpu.memory_space<vmem>>
        %swap3A_1918 = tpu.memref_squeeze %swap3A_1917 : memref<1x128x128xf32, #tpu.memory_space<vmem>> -> memref<128x128xf32, #tpu.memory_space<vmem>>
        %swap3A_1919 = arith.index_cast %add3A_1664 : i32 to index
        %swap3A_1920 = arith.constant 64 : index
        %swap3A_1921 = tpu.vector_load %swap3A_1918[%swap3A_1919, %swap3A_1920] {strides = array<i32>} : memref<128x128xf32, #tpu.memory_space<vmem>>, vector<1x16xf32>,
        %swap3A_1922 = vector.shape_cast %swap3A_1921 : vector<1x16xf32> to vector<16xf32>
        %swap3A_1923 = vector.shape_cast %max3A_1909 : vector<16xf32> to vector<1x16xf32>
        tpu.vector_store %swap3A_1918[%swap3A_1919, %swap3A_1920], %swap3A_1923 {strides = array<i32>} : memref<128x128xf32, #tpu.memory_space<vmem>>, vector<1x16xf32>,
        %get3A_1924 = arith.constant 0 : i32
        %get3A_1925 = arith.constant 0 : i32
        %get3A_1926 = arith.constant 0 : i32
        %get3A_1927 = tpu.memref_slice %arg7[%scan3A_262, %get3A_1924, %get3A_1925, %get3A_1926] : memref<2x2x128x128xf32, #tpu.memory_space<vmem>> -> memref<1x2x128x128xf32, #tpu.memory_space<vmem>>
        %get3A_1928 = tpu.memref_squeeze %get3A_1927 : memref<1x2x128x128xf32, #tpu.memory_space<vmem>> -> memref<2x128x128xf32, #tpu.memory_space<vmem>>
        %get3A_1929 = arith.constant 0 : i32
        %get3A_1930 = arith.constant 0 : i32
        %get3A_1931 = tpu.memref_slice %get3A_1928[%scan3A_263, %get3A_1929, %get3A_1930] : memref<2x128x128xf32, #tpu.memory_space<vmem>> -> memref<1x128x128xf32, #tpu.memory_space<vmem>>
        %get3A_1932 = tpu.memref_squeeze %get3A_1931 : memref<1x128x128xf32, #tpu.memory_space<vmem>> -> memref<128x128xf32, #tpu.memory_space<vmem>>
        %get3A_1933 = arith.index_cast %add3A_1664 : i32 to index
        %get3A_1934 = arith.constant 80 : index
        %get3A_1935 = tpu.vector_load %get3A_1932[%get3A_1933, %get3A_1934] {strides = array<i32>} : memref<128x128xf32, #tpu.memory_space<vmem>>, vector<1x16xf32>,
        %get3A_1936 = vector.shape_cast %get3A_1935 : vector<1x16xf32> to vector<16xf32>
        %get3A_1937 = arith.constant 0 : i32
        %get3A_1938 = arith.constant 0 : i32
        %get3A_1939 = arith.constant 0 : i32
        %get3A_1940 = tpu.memref_slice %arg7[%scan3A_264, %get3A_1937, %get3A_1938, %get3A_1939] : memref<2x2x128x128xf32, #tpu.memory_space<vmem>> -> memref<1x2x128x128xf32, #tpu.memory_space<vmem>>
        %get3A_1941 = tpu.memref_squeeze %get3A_1940 : memref<1x2x128x128xf32, #tpu.memory_space<vmem>> -> memref<2x128x128xf32, #tpu.memory_space<vmem>>
        %get3A_1942 = arith.constant 0 : i32
        %get3A_1943 = arith.constant 0 : i32
        %get3A_1944 = tpu.memref_slice %get3A_1941[%scan3A_265, %get3A_1942, %get3A_1943] : memref<2x128x128xf32, #tpu.memory_space<vmem>> -> memref<1x128x128xf32, #tpu.memory_space<vmem>>
        %get3A_1945 = tpu.memref_squeeze %get3A_1944 : memref<1x128x128xf32, #tpu.memory_space<vmem>> -> memref<128x128xf32, #tpu.memory_space<vmem>>
        %get3A_1946 = arith.index_cast %add3A_1664 : i32 to index
        %get3A_1947 = arith.constant 80 : index
        %get3A_1948 = tpu.vector_load %get3A_1945[%get3A_1946, %get3A_1947] {strides = array<i32>} : memref<128x128xf32, #tpu.memory_space<vmem>>, vector<1x16xf32>,
        %get3A_1949 = vector.shape_cast %get3A_1948 : vector<1x16xf32> to vector<16xf32>
        %add3A_1950 = arith.addf %get3A_1936, %get3A_1949 : vector<16xf32>
        %and3A_1951 = arith.andi %get3A_1876, %broadcast_in_dim3A_258 : vector<16xi32>
        %bitcast_convert_type3A_1952 = tpu.bitcast %and3A_1951 : vector<16xi32> -> vector<16xf32>
        %add3A_1953 = arith.addf %add3A_1950, %bitcast_convert_type3A_1952 : vector<16xf32>
        %max3A_1954 = arith.constant 0.000000e+00 : f32
        %max3A_1955 = vector.broadcast %max3A_1954 : f32 to vector<16xf32>
        %max3A_1956 = arith.maximumf %add3A_1953, %max3A_1955 : vector<16xf32>
        %swap3A_1957 = arith.constant 0 : i32
        %swap3A_1958 = arith.constant 0 : i32
        %swap3A_1959 = arith.constant 0 : i32
        %swap3A_1960 = tpu.memref_slice %arg7[%scan3A_262, %swap3A_1957, %swap3A_1958, %swap3A_1959] : memref<2x2x128x128xf32, #tpu.memory_space<vmem>> -> memref<1x2x128x128xf32, #tpu.memory_space<vmem>>
        %swap3A_1961 = tpu.memref_squeeze %swap3A_1960 : memref<1x2x128x128xf32, #tpu.memory_space<vmem>> -> memref<2x128x128xf32, #tpu.memory_space<vmem>>
        %swap3A_1962 = arith.constant 0 : i32
        %swap3A_1963 = arith.constant 0 : i32
        %swap3A_1964 = tpu.memref_slice %swap3A_1961[%scan3A_263, %swap3A_1962, %swap3A_1963] : memref<2x128x128xf32, #tpu.memory_space<vmem>> -> memref<1x128x128xf32, #tpu.memory_space<vmem>>
        %swap3A_1965 = tpu.memref_squeeze %swap3A_1964 : memref<1x128x128xf32, #tpu.memory_space<vmem>> -> memref<128x128xf32, #tpu.memory_space<vmem>>
        %swap3A_1966 = arith.index_cast %add3A_1664 : i32 to index
        %swap3A_1967 = arith.constant 80 : index
        %swap3A_1968 = tpu.vector_load %swap3A_1965[%swap3A_1966, %swap3A_1967] {strides = array<i32>} : memref<128x128xf32, #tpu.memory_space<vmem>>, vector<1x16xf32>,
        %swap3A_1969 = vector.shape_cast %swap3A_1968 : vector<1x16xf32> to vector<16xf32>
        %swap3A_1970 = vector.shape_cast %max3A_1956 : vector<16xf32> to vector<1x16xf32>
        tpu.vector_store %swap3A_1965[%swap3A_1966, %swap3A_1967], %swap3A_1970 {strides = array<i32>} : memref<128x128xf32, #tpu.memory_space<vmem>>, vector<1x16xf32>,
        %get3A_1971 = arith.constant 0 : i32
        %get3A_1972 = arith.constant 0 : i32
        %get3A_1973 = tpu.memref_slice %arg8[%scan3A_261, %get3A_1971, %get3A_1972] : memref<2x128x64xi32, #tpu.memory_space<vmem>> -> memref<1x128x64xi32, #tpu.memory_space<vmem>>
        %get3A_1974 = tpu.memref_squeeze %get3A_1973 : memref<1x128x64xi32, #tpu.memory_space<vmem>> -> memref<128x64xi32, #tpu.memory_space<vmem>>
        %get3A_1975 = arith.index_cast %add3A_1664 : i32 to index
        %get3A_1976 = arith.constant 48 : index
        %get3A_1977 = tpu.vector_load %get3A_1974[%get3A_1975, %get3A_1976] {strides = array<i32>} : memref<128x64xi32, #tpu.memory_space<vmem>>, vector<1x16xi32>,
        %get3A_1978 = vector.shape_cast %get3A_1977 : vector<1x16xi32> to vector<16xi32>
        %get3A_1979 = arith.constant 0 : i32
        %get3A_1980 = arith.constant 0 : i32
        %get3A_1981 = arith.constant 0 : i32
        %get3A_1982 = tpu.memref_slice %arg7[%scan3A_262, %get3A_1979, %get3A_1980, %get3A_1981] : memref<2x2x128x128xf32, #tpu.memory_space<vmem>> -> memref<1x2x128x128xf32, #tpu.memory_space<vmem>>
        %get3A_1983 = tpu.memref_squeeze %get3A_1982 : memref<1x2x128x128xf32, #tpu.memory_space<vmem>> -> memref<2x128x128xf32, #tpu.memory_space<vmem>>
        %get3A_1984 = arith.constant 0 : i32
        %get3A_1985 = arith.constant 0 : i32
        %get3A_1986 = tpu.memref_slice %get3A_1983[%scan3A_263, %get3A_1984, %get3A_1985] : memref<2x128x128xf32, #tpu.memory_space<vmem>> -> memref<1x128x128xf32, #tpu.memory_space<vmem>>
        %get3A_1987 = tpu.memref_squeeze %get3A_1986 : memref<1x128x128xf32, #tpu.memory_space<vmem>> -> memref<128x128xf32, #tpu.memory_space<vmem>>
        %get3A_1988 = arith.index_cast %add3A_1664 : i32 to index
        %get3A_1989 = arith.constant 96 : index
        %get3A_1990 = tpu.vector_load %get3A_1987[%get3A_1988, %get3A_1989] {strides = array<i32>} : memref<128x128xf32, #tpu.memory_space<vmem>>, vector<1x16xf32>,
        %get3A_1991 = vector.shape_cast %get3A_1990 : vector<1x16xf32> to vector<16xf32>
        %get3A_1992 = arith.constant 0 : i32
        %get3A_1993 = arith.constant 0 : i32
        %get3A_1994 = arith.constant 0 : i32
        %get3A_1995 = tpu.memref_slice %arg7[%scan3A_264, %get3A_1992, %get3A_1993, %get3A_1994] : memref<2x2x128x128xf32, #tpu.memory_space<vmem>> -> memref<1x2x128x128xf32, #tpu.memory_space<vmem>>
        %get3A_1996 = tpu.memref_squeeze %get3A_1995 : memref<1x2x128x128xf32, #tpu.memory_space<vmem>> -> memref<2x128x128xf32, #tpu.memory_space<vmem>>
        %get3A_1997 = arith.constant 0 : i32
        %get3A_1998 = arith.constant 0 : i32
        %get3A_1999 = tpu.memref_slice %get3A_1996[%scan3A_265, %get3A_1997, %get3A_1998] : memref<2x128x128xf32, #tpu.memory_space<vmem>> -> memref<1x128x128xf32, #tpu.memory_space<vmem>>
        %get3A_2000 = tpu.memref_squeeze %get3A_1999 : memref<1x128x128xf32, #tpu.memory_space<vmem>> -> memref<128x128xf32, #tpu.memory_space<vmem>>
        %get3A_2001 = arith.index_cast %add3A_1664 : i32 to index
        %get3A_2002 = arith.constant 96 : index
        %get3A_2003 = tpu.vector_load %get3A_2000[%get3A_2001, %get3A_2002] {strides = array<i32>} : memref<128x128xf32, #tpu.memory_space<vmem>>, vector<1x16xf32>,
        %get3A_2004 = vector.shape_cast %get3A_2003 : vector<1x16xf32> to vector<16xf32>
        %add3A_2005 = arith.addf %get3A_1991, %get3A_2004 : vector<16xf32>
        %shift_left3A_2006 = arith.shli %get3A_1978, %broadcast_in_dim3A_260 : vector<16xi32>
        %bitcast_convert_type3A_2007 = tpu.bitcast %shift_left3A_2006 : vector<16xi32> -> vector<16xf32>
        %add3A_2008 = arith.addf %add3A_2005, %bitcast_convert_type3A_2007 : vector<16xf32>
        %max3A_2009 = arith.constant 0.000000e+00 : f32
        %max3A_2010 = vector.broadcast %max3A_2009 : f32 to vector<16xf32>
        %max3A_2011 = arith.maximumf %add3A_2008, %max3A_2010 : vector<16xf32>
        %swap3A_2012 = arith.constant 0 : i32
        %swap3A_2013 = arith.constant 0 : i32
        %swap3A_2014 = arith.constant 0 : i32
        %swap3A_2015 = tpu.memref_slice %arg7[%scan3A_262, %swap3A_2012, %swap3A_2013, %swap3A_2014] : memref<2x2x128x128xf32, #tpu.memory_space<vmem>> -> memref<1x2x128x128xf32, #tpu.memory_space<vmem>>
        %swap3A_2016 = tpu.memref_squeeze %swap3A_2015 : memref<1x2x128x128xf32, #tpu.memory_space<vmem>> -> memref<2x128x128xf32, #tpu.memory_space<vmem>>
        %swap3A_2017 = arith.constant 0 : i32
        %swap3A_2018 = arith.constant 0 : i32
        %swap3A_2019 = tpu.memref_slice %swap3A_2016[%scan3A_263, %swap3A_2017, %swap3A_2018] : memref<2x128x128xf32, #tpu.memory_space<vmem>> -> memref<1x128x128xf32, #tpu.memory_space<vmem>>
        %swap3A_2020 = tpu.memref_squeeze %swap3A_2019 : memref<1x128x128xf32, #tpu.memory_space<vmem>> -> memref<128x128xf32, #tpu.memory_space<vmem>>
        %swap3A_2021 = arith.index_cast %add3A_1664 : i32 to index
        %swap3A_2022 = arith.constant 96 : index
        %swap3A_2023 = tpu.vector_load %swap3A_2020[%swap3A_2021, %swap3A_2022] {strides = array<i32>} : memref<128x128xf32, #tpu.memory_space<vmem>>, vector<1x16xf32>,
        %swap3A_2024 = vector.shape_cast %swap3A_2023 : vector<1x16xf32> to vector<16xf32>
        %swap3A_2025 = vector.shape_cast %max3A_2011 : vector<16xf32> to vector<1x16xf32>
        tpu.vector_store %swap3A_2020[%swap3A_2021, %swap3A_2022], %swap3A_2025 {strides = array<i32>} : memref<128x128xf32, #tpu.memory_space<vmem>>, vector<1x16xf32>,
        %get3A_2026 = arith.constant 0 : i32
        %get3A_2027 = arith.constant 0 : i32
        %get3A_2028 = arith.constant 0 : i32
        %get3A_2029 = tpu.memref_slice %arg7[%scan3A_262, %get3A_2026, %get3A_2027, %get3A_2028] : memref<2x2x128x128xf32, #tpu.memory_space<vmem>> -> memref<1x2x128x128xf32, #tpu.memory_space<vmem>>
        %get3A_2030 = tpu.memref_squeeze %get3A_2029 : memref<1x2x128x128xf32, #tpu.memory_space<vmem>> -> memref<2x128x128xf32, #tpu.memory_space<vmem>>
        %get3A_2031 = arith.constant 0 : i32
        %get3A_2032 = arith.constant 0 : i32
        %get3A_2033 = tpu.memref_slice %get3A_2030[%scan3A_263, %get3A_2031, %get3A_2032] : memref<2x128x128xf32, #tpu.memory_space<vmem>> -> memref<1x128x128xf32, #tpu.memory_space<vmem>>
        %get3A_2034 = tpu.memref_squeeze %get3A_2033 : memref<1x128x128xf32, #tpu.memory_space<vmem>> -> memref<128x128xf32, #tpu.memory_space<vmem>>
        %get3A_2035 = arith.index_cast %add3A_1664 : i32 to index
        %get3A_2036 = arith.constant 112 : index
        %get3A_2037 = tpu.vector_load %get3A_2034[%get3A_2035, %get3A_2036] {strides = array<i32>} : memref<128x128xf32, #tpu.memory_space<vmem>>, vector<1x16xf32>,
        %get3A_2038 = vector.shape_cast %get3A_2037 : vector<1x16xf32> to vector<16xf32>
        %get3A_2039 = arith.constant 0 : i32
        %get3A_2040 = arith.constant 0 : i32
        %get3A_2041 = arith.constant 0 : i32
        %get3A_2042 = tpu.memref_slice %arg7[%scan3A_264, %get3A_2039, %get3A_2040, %get3A_2041] : memref<2x2x128x128xf32, #tpu.memory_space<vmem>> -> memref<1x2x128x128xf32, #tpu.memory_space<vmem>>
        %get3A_2043 = tpu.memref_squeeze %get3A_2042 : memref<1x2x128x128xf32, #tpu.memory_space<vmem>> -> memref<2x128x128xf32, #tpu.memory_space<vmem>>
        %get3A_2044 = arith.constant 0 : i32
        %get3A_2045 = arith.constant 0 : i32
        %get3A_2046 = tpu.memref_slice %get3A_2043[%scan3A_265, %get3A_2044, %get3A_2045] : memref<2x128x128xf32, #tpu.memory_space<vmem>> -> memref<1x128x128xf32, #tpu.memory_space<vmem>>
        %get3A_2047 = tpu.memref_squeeze %get3A_2046 : memref<1x128x128xf32, #tpu.memory_space<vmem>> -> memref<128x128xf32, #tpu.memory_space<vmem>>
        %get3A_2048 = arith.index_cast %add3A_1664 : i32 to index
        %get3A_2049 = arith.constant 112 : index
        %get3A_2050 = tpu.vector_load %get3A_2047[%get3A_2048, %get3A_2049] {strides = array<i32>} : memref<128x128xf32, #tpu.memory_space<vmem>>, vector<1x16xf32>,
        %get3A_2051 = vector.shape_cast %get3A_2050 : vector<1x16xf32> to vector<16xf32>
        %add3A_2052 = arith.addf %get3A_2038, %get3A_2051 : vector<16xf32>
        %and3A_2053 = arith.andi %get3A_1978, %broadcast_in_dim3A_258 : vector<16xi32>
        %bitcast_convert_type3A_2054 = tpu.bitcast %and3A_2053 : vector<16xi32> -> vector<16xf32>
        %add3A_2055 = arith.addf %add3A_2052, %bitcast_convert_type3A_2054 : vector<16xf32>
        %max3A_2056 = arith.constant 0.000000e+00 : f32
        %max3A_2057 = vector.broadcast %max3A_2056 : f32 to vector<16xf32>
        %max3A_2058 = arith.maximumf %add3A_2055, %max3A_2057 : vector<16xf32>
        %swap3A_2059 = arith.constant 0 : i32
        %swap3A_2060 = arith.constant 0 : i32
        %swap3A_2061 = arith.constant 0 : i32
        %swap3A_2062 = tpu.memref_slice %arg7[%scan3A_262, %swap3A_2059, %swap3A_2060, %swap3A_2061] : memref<2x2x128x128xf32, #tpu.memory_space<vmem>> -> memref<1x2x128x128xf32, #tpu.memory_space<vmem>>
        %swap3A_2063 = tpu.memref_squeeze %swap3A_2062 : memref<1x2x128x128xf32, #tpu.memory_space<vmem>> -> memref<2x128x128xf32, #tpu.memory_space<vmem>>
        %swap3A_2064 = arith.constant 0 : i32
        %swap3A_2065 = arith.constant 0 : i32
        %swap3A_2066 = tpu.memref_slice %swap3A_2063[%scan3A_263, %swap3A_2064, %swap3A_2065] : memref<2x128x128xf32, #tpu.memory_space<vmem>> -> memref<1x128x128xf32, #tpu.memory_space<vmem>>
        %swap3A_2067 = tpu.memref_squeeze %swap3A_2066 : memref<1x128x128xf32, #tpu.memory_space<vmem>> -> memref<128x128xf32, #tpu.memory_space<vmem>>
        %swap3A_2068 = arith.index_cast %add3A_1664 : i32 to index
        %swap3A_2069 = arith.constant 112 : index
        %swap3A_2070 = tpu.vector_load %swap3A_2067[%swap3A_2068, %swap3A_2069] {strides = array<i32>} : memref<128x128xf32, #tpu.memory_space<vmem>>, vector<1x16xf32>,
        %swap3A_2071 = vector.shape_cast %swap3A_2070 : vector<1x16xf32> to vector<16xf32>
        %swap3A_2072 = vector.shape_cast %max3A_2058 : vector<16xf32> to vector<1x16xf32>
        tpu.vector_store %swap3A_2067[%swap3A_2068, %swap3A_2069], %swap3A_2072 {strides = array<i32>} : memref<128x128xf32, #tpu.memory_space<vmem>>, vector<1x16xf32>,
      }
      %scan3A_270 = arith.constant 128 : i32
      %mul3A_271 = arith.constant 32 : i32
      %mul3A_272 = arith.muli %add3A_185, %mul3A_271 : i32
      %add3A_273 = arith.addi %add3A, %mul3A_272 : i32
      %min3A_274 = arith.constant 2499 : i32
      %min3A_275 = arith.minsi %add3A_273, %min3A_274 : i32
      %mul3A_276 = arith.constant 128 : i32
      %mul3A_277 = arith.muli %min3A_275, %mul3A_276 : i32
      %dma_start3A_278 = arith.constant 0 : i32
      %dma_start3A_279 = arith.constant 0 : i32
      %dma_start3A_280 = arith.constant 0 : i32
      %dma_start3A_281 = arith.constant 0 : i32
      %dma_start3A_282 = arith.constant 0 : i32
      %dma_start3A_283 = tpu.memref_slice %arg7[%dma_start3A_278, %dma_start3A_280, %dma_start3A_281, %dma_start3A_282] : memref<2x2x128x128xf32, #tpu.memory_space<vmem>> -> memref<1x2x128x128xf32, #tpu.memory_space<vmem>>
      %dma_start3A_284 = tpu.memref_squeeze %dma_start3A_283 : memref<1x2x128x128xf32, #tpu.memory_space<vmem>> -> memref<2x128x128xf32, #tpu.memory_space<vmem>>
      %dma_start3A_285 = arith.constant 0 : i32
      %dma_start3A_286 = arith.constant 0 : i32
      %dma_start3A_287 = tpu.memref_slice %dma_start3A_284[%dma_start3A_279, %dma_start3A_285, %dma_start3A_286] : memref<2x128x128xf32, #tpu.memory_space<vmem>> -> memref<1x128x128xf32, #tpu.memory_space<vmem>>
      %dma_start3A_288 = tpu.memref_squeeze %dma_start3A_287 : memref<1x128x128xf32, #tpu.memory_space<vmem>> -> memref<128x128xf32, #tpu.memory_space<vmem>>
      %dma_start3A_289 = arith.constant 0 : i32
      %dma_start3A_290 = tpu.memref_slice %arg5[%mul3A_277, %dma_start3A_289] : memref<320000x128xf32, #tpu.memory_space<hbm>> -> memref<128x128xf32, #tpu.memory_space<hbm>>
      %dma_start3A_291 = arith.constant 0 : i32
      %dma_start3A_292 = tpu.memref_slice %arg5[%mul3A_277, %dma_start3A_291] : memref<320000x128xf32, #tpu.memory_space<hbm>> -> memref<128x128xf32, #tpu.memory_space<hbm>>
      %dma_start3A_293 = arith.constant 0 : i32
      %dma_start3A_294 = arith.constant 0 : i32
      %dma_start3A_295 = arith.constant 0 : i32
      %dma_start3A_296 = tpu.memref_slice %arg7[%dma_start3A_278, %dma_start3A_293, %dma_start3A_294, %dma_start3A_295] : memref<2x2x128x128xf32, #tpu.memory_space<vmem>> -> memref<1x2x128x128xf32, #tpu.memory_space<vmem>>
      %dma_start3A_297 = tpu.memref_squeeze %dma_start3A_296 : memref<1x2x128x128xf32, #tpu.memory_space<vmem>> -> memref<2x128x128xf32, #tpu.memory_space<vmem>>
      %dma_start3A_298 = arith.constant 0 : i32
      %dma_start3A_299 = arith.constant 0 : i32
      %dma_start3A_300 = tpu.memref_slice %dma_start3A_297[%dma_start3A_279, %dma_start3A_298, %dma_start3A_299] : memref<2x128x128xf32, #tpu.memory_space<vmem>> -> memref<1x128x128xf32, #tpu.memory_space<vmem>>
      %dma_start3A_301 = tpu.memref_squeeze %dma_start3A_300 : memref<1x128x128xf32, #tpu.memory_space<vmem>> -> memref<128x128xf32, #tpu.memory_space<vmem>>
      tpu.enqueue_dma source(%dma_start3A_301 : memref<128x128xf32, #tpu.memory_space<vmem>>) target(%dma_start3A_292 : memref<128x128xf32, #tpu.memory_space<hbm>>) target_semaphore(%arg13 : memref<!tpu.dma_semaphore, #tpu.memory_space<semaphore_mem>>)
      %add3A_302 = arith.constant 1 : i32
      %add3A_303 = arith.addi %add3A_183, %add3A_302 : i32
      %dma_wait3A_304 = arith.constant 1 : i32
      %dma_wait3A_305 = arith.constant 0 : i32
      %dma_wait3A_306 = arith.constant 0 : i32
      %dma_wait3A_307 = tpu.memref_slice %arg8[%dma_wait3A_304, %dma_wait3A_305, %dma_wait3A_306] : memref<2x128x64xi32, #tpu.memory_space<vmem>> -> memref<1x128x64xi32, #tpu.memory_space<vmem>>
      %dma_wait3A_308 = tpu.memref_squeeze %dma_wait3A_307 : memref<1x128x64xi32, #tpu.memory_space<vmem>> -> memref<128x64xi32, #tpu.memory_space<vmem>>
      %dma_wait3A_309 = arith.constant 0 : i32
      %dma_wait3A_310 = arith.constant 0 : i32
      %dma_wait3A_311 = tpu.memref_slice %arg3[%dma_wait3A_309, %dma_wait3A_310] : memref<320000x64xi32, #tpu.memory_space<hbm>> -> memref<128x64xi32, #tpu.memory_space<hbm>>
      %dma_wait3A_312 = arith.constant 0 : i32
      %dma_wait3A_313 = arith.constant 0 : i32
      %dma_wait3A_314 = tpu.memref_slice %arg8[%dma_wait3A_304, %dma_wait3A_312, %dma_wait3A_313] : memref<2x128x64xi32, #tpu.memory_space<vmem>> -> memref<1x128x64xi32, #tpu.memory_space<vmem>>
      %dma_wait3A_315 = tpu.memref_squeeze %dma_wait3A_314 : memref<1x128x64xi32, #tpu.memory_space<vmem>> -> memref<128x64xi32, #tpu.memory_space<vmem>>
      %dma_wait3A_316 = arith.constant 0 : i32
      %dma_wait3A_317 = arith.constant 0 : i32
      %dma_wait3A_318 = tpu.memref_slice %arg3[%dma_wait3A_316, %dma_wait3A_317] : memref<320000x64xi32, #tpu.memory_space<hbm>> -> memref<128x64xi32, #tpu.memory_space<hbm>>
      tpu.wait_dma2 semaphore(%arg12 : memref<!tpu.dma_semaphore, #tpu.memory_space<semaphore_mem>>) src(%dma_wait3A_318 : memref<128x64xi32, #tpu.memory_space<hbm>>) dst(%dma_wait3A_315 : memref<128x64xi32, #tpu.memory_space<vmem>>)
      %dma_wait3A_319 = arith.constant 1 : i32
      %dma_wait3A_320 = arith.constant 0 : i32
      %dma_wait3A_321 = arith.constant 1 : i32
      %dma_wait3A_322 = arith.constant 0 : i32
      %dma_wait3A_323 = arith.constant 0 : i32
      %dma_wait3A_324 = arith.constant 0 : i32
      %dma_wait3A_325 = arith.constant 0 : i32
      %dma_wait3A_326 = tpu.memref_slice %arg7[%dma_wait3A_321, %dma_wait3A_323, %dma_wait3A_324, %dma_wait3A_325] : memref<2x2x128x128xf32, #tpu.memory_space<vmem>> -> memref<1x2x128x128xf32, #tpu.memory_space<vmem>>
      %dma_wait3A_327 = tpu.memref_squeeze %dma_wait3A_326 : memref<1x2x128x128xf32, #tpu.memory_space<vmem>> -> memref<2x128x128xf32, #tpu.memory_space<vmem>>
      %dma_wait3A_328 = arith.constant 0 : i32
      %dma_wait3A_329 = arith.constant 0 : i32
      %dma_wait3A_330 = tpu.memref_slice %dma_wait3A_327[%dma_wait3A_322, %dma_wait3A_328, %dma_wait3A_329] : memref<2x128x128xf32, #tpu.memory_space<vmem>> -> memref<1x128x128xf32, #tpu.memory_space<vmem>>
      %dma_wait3A_331 = tpu.memref_squeeze %dma_wait3A_330 : memref<1x128x128xf32, #tpu.memory_space<vmem>> -> memref<128x128xf32, #tpu.memory_space<vmem>>
      %dma_wait3A_332 = arith.constant 0 : i32
      %dma_wait3A_333 = arith.constant 0 : i32
      %dma_wait3A_334 = tpu.memref_slice %arg6[%dma_wait3A_319, %dma_wait3A_332, %dma_wait3A_333] : memref<2x2x128xi32, #tpu.memory_space<vmem>> -> memref<1x2x128xi32, #tpu.memory_space<vmem>>
      %dma_wait3A_335 = tpu.memref_squeeze %dma_wait3A_334 : memref<1x2x128xi32, #tpu.memory_space<vmem>> -> memref<2x128xi32, #tpu.memory_space<vmem>>
      %dma_wait3A_336 = arith.constant 0 : i32
      %dma_wait3A_337 = tpu.memref_slice %dma_wait3A_335[%dma_wait3A_320, %dma_wait3A_336] : memref<2x128xi32, #tpu.memory_space<vmem>> -> memref<1x128xi32, #tpu.memory_space<vmem>>
      %dma_wait3A_338 = tpu.memref_squeeze %dma_wait3A_337 : memref<1x128xi32, #tpu.memory_space<vmem>> -> memref<128xi32, #tpu.memory_space<vmem>>
      %dma_wait3A_339 = arith.constant 0 : i32
      %dma_wait3A_340 = arith.constant 0 : i32
      %dma_wait3A_341 = tpu.memref_slice %arg2[%dma_wait3A_339, %dma_wait3A_340] : memref<20000x128xf32, #tpu.memory_space<hbm>> -> memref<20000x128xf32, #tpu.memory_space<hbm>>
      tpu.wait_indirect_dma semaphore(%arg12 : memref<!tpu.dma_semaphore, #tpu.memory_space<semaphore_mem>>) src(%dma_wait3A_341 : memref<20000x128xf32, #tpu.memory_space<hbm>>) dst(%dma_wait3A_331 : memref<128x128xf32, #tpu.memory_space<vmem>>)
      %dma_wait3A_342 = arith.constant 1 : i32
      %dma_wait3A_343 = arith.constant 1 : i32
      %dma_wait3A_344 = arith.constant 1 : i32
      %dma_wait3A_345 = arith.constant 1 : i32
      %dma_wait3A_346 = arith.constant 0 : i32
      %dma_wait3A_347 = arith.constant 0 : i32
      %dma_wait3A_348 = arith.constant 0 : i32
      %dma_wait3A_349 = tpu.memref_slice %arg7[%dma_wait3A_344, %dma_wait3A_346, %dma_wait3A_347, %dma_wait3A_348] : memref<2x2x128x128xf32, #tpu.memory_space<vmem>> -> memref<1x2x128x128xf32, #tpu.memory_space<vmem>>
      %dma_wait3A_350 = tpu.memref_squeeze %dma_wait3A_349 : memref<1x2x128x128xf32, #tpu.memory_space<vmem>> -> memref<2x128x128xf32, #tpu.memory_space<vmem>>
      %dma_wait3A_351 = arith.constant 0 : i32
      %dma_wait3A_352 = arith.constant 0 : i32
      %dma_wait3A_353 = tpu.memref_slice %dma_wait3A_350[%dma_wait3A_345, %dma_wait3A_351, %dma_wait3A_352] : memref<2x128x128xf32, #tpu.memory_space<vmem>> -> memref<1x128x128xf32, #tpu.memory_space<vmem>>
      %dma_wait3A_354 = tpu.memref_squeeze %dma_wait3A_353 : memref<1x128x128xf32, #tpu.memory_space<vmem>> -> memref<128x128xf32, #tpu.memory_space<vmem>>
      %dma_wait3A_355 = arith.constant 0 : i32
      %dma_wait3A_356 = arith.constant 0 : i32
      %dma_wait3A_357 = tpu.memref_slice %arg6[%dma_wait3A_342, %dma_wait3A_355, %dma_wait3A_356] : memref<2x2x128xi32, #tpu.memory_space<vmem>> -> memref<1x2x128xi32, #tpu.memory_space<vmem>>
      %dma_wait3A_358 = tpu.memref_squeeze %dma_wait3A_357 : memref<1x2x128xi32, #tpu.memory_space<vmem>> -> memref<2x128xi32, #tpu.memory_space<vmem>>
      %dma_wait3A_359 = arith.constant 0 : i32
      %dma_wait3A_360 = tpu.memref_slice %dma_wait3A_358[%dma_wait3A_343, %dma_wait3A_359] : memref<2x128xi32, #tpu.memory_space<vmem>> -> memref<1x128xi32, #tpu.memory_space<vmem>>
      %dma_wait3A_361 = tpu.memref_squeeze %dma_wait3A_360 : memref<1x128xi32, #tpu.memory_space<vmem>> -> memref<128xi32, #tpu.memory_space<vmem>>
      %dma_wait3A_362 = arith.constant 0 : i32
      %dma_wait3A_363 = arith.constant 0 : i32
      %dma_wait3A_364 = tpu.memref_slice %arg2[%dma_wait3A_362, %dma_wait3A_363] : memref<20000x128xf32, #tpu.memory_space<hbm>> -> memref<20000x128xf32, #tpu.memory_space<hbm>>
      tpu.wait_indirect_dma semaphore(%arg12 : memref<!tpu.dma_semaphore, #tpu.memory_space<semaphore_mem>>) src(%dma_wait3A_364 : memref<20000x128xf32, #tpu.memory_space<hbm>>) dst(%dma_wait3A_354 : memref<128x128xf32, #tpu.memory_space<vmem>>)
      %add3A_365 = arith.constant 1 : i32
      %add3A_366 = arith.addi %add3A_303, %add3A_365 : i32
      %lt3A_367 = arith.constant 80 : i32
      %lt3A_368 = arith.cmpi slt, %add3A_366, %lt3A_367 : i32
      %convert_element_type3A_369 = arith.extui %lt3A_368 : i1 to i32
      %cond3A_370 = arith.constant 0 : i32
      %cond3A_371 = arith.cmpi ne, %convert_element_type3A_369, %cond3A_370 : i32
      scf.if %cond3A_371 {
        %dma_wait3A_424 = arith.constant 0 : i32
        %dma_wait3A_425 = arith.constant 0 : i32
        %dma_wait3A_426 = arith.constant 0 : i32
        %dma_wait3A_427 = arith.constant 0 : i32
        %dma_wait3A_428 = tpu.memref_slice %arg6[%dma_wait3A_425, %dma_wait3A_426, %dma_wait3A_427] : memref<2x2x128xi32, #tpu.memory_space<vmem>> -> memref<1x2x128xi32, #tpu.memory_space<vmem>>
        %dma_wait3A_429 = tpu.memref_squeeze %dma_wait3A_428 : memref<1x2x128xi32, #tpu.memory_space<vmem>> -> memref<2x128xi32, #tpu.memory_space<vmem>>
        %dma_wait3A_430 = arith.constant 0 : i32
        %dma_wait3A_431 = arith.constant 0 : i32
        %dma_wait3A_432 = tpu.memref_slice %arg4[%dma_wait3A_424, %dma_wait3A_430, %dma_wait3A_431] : memref<2500x2x128xi32, #tpu.memory_space<hbm>> -> memref<1x2x128xi32, #tpu.memory_space<hbm>>
        %dma_wait3A_433 = tpu.memref_squeeze %dma_wait3A_432 : memref<1x2x128xi32, #tpu.memory_space<hbm>> -> memref<2x128xi32, #tpu.memory_space<hbm>>
        %dma_wait3A_434 = arith.constant 0 : i32
        %dma_wait3A_435 = arith.constant 0 : i32
        %dma_wait3A_436 = tpu.memref_slice %arg6[%dma_wait3A_425, %dma_wait3A_434, %dma_wait3A_435] : memref<2x2x128xi32, #tpu.memory_space<vmem>> -> memref<1x2x128xi32, #tpu.memory_space<vmem>>
        %dma_wait3A_437 = tpu.memref_squeeze %dma_wait3A_436 : memref<1x2x128xi32, #tpu.memory_space<vmem>> -> memref<2x128xi32, #tpu.memory_space<vmem>>
        %dma_wait3A_438 = arith.constant 0 : i32
        %dma_wait3A_439 = arith.constant 0 : i32
        %dma_wait3A_440 = tpu.memref_slice %arg4[%dma_wait3A_424, %dma_wait3A_438, %dma_wait3A_439] : memref<2500x2x128xi32, #tpu.memory_space<hbm>> -> memref<1x2x128xi32, #tpu.memory_space<hbm>>
        %dma_wait3A_441 = tpu.memref_squeeze %dma_wait3A_440 : memref<1x2x128xi32, #tpu.memory_space<hbm>> -> memref<2x128xi32, #tpu.memory_space<hbm>>
        tpu.wait_dma2 semaphore(%arg9 : memref<!tpu.dma_semaphore, #tpu.memory_space<semaphore_mem>>) src(%dma_wait3A_441 : memref<2x128xi32, #tpu.memory_space<hbm>>) dst(%dma_wait3A_437 : memref<2x128xi32, #tpu.memory_space<vmem>>)
        %ge3A = arith.constant 1 : i32
        %ge3A_442 = arith.cmpi sge, %add3A_303, %ge3A : i32
        %convert_element_type3A_443 = arith.extui %ge3A_442 : i1 to i32
        %cond3A_444 = arith.constant 0 : i32
        %cond3A_445 = arith.cmpi ne, %convert_element_type3A_443, %cond3A_444 : i32
        scf.if %cond3A_445 {
          %dma_wait3A_514 = arith.constant 0 : i32
          %dma_wait3A_515 = arith.constant 0 : i32
          %dma_wait3A_516 = arith.constant 0 : i32
          %dma_wait3A_517 = arith.constant 0 : i32
          %dma_wait3A_518 = arith.constant 0 : i32
          %dma_wait3A_519 = tpu.memref_slice %arg7[%dma_wait3A_514, %dma_wait3A_516, %dma_wait3A_517, %dma_wait3A_518] : memref<2x2x128x128xf32, #tpu.memory_space<vmem>> -> memref<1x2x128x128xf32, #tpu.memory_space<vmem>>
          %dma_wait3A_520 = tpu.memref_squeeze %dma_wait3A_519 : memref<1x2x128x128xf32, #tpu.memory_space<vmem>> -> memref<2x128x128xf32, #tpu.memory_space<vmem>>
          %dma_wait3A_521 = arith.constant 0 : i32
          %dma_wait3A_522 = arith.constant 0 : i32
          %dma_wait3A_523 = tpu.memref_slice %dma_wait3A_520[%dma_wait3A_515, %dma_wait3A_521, %dma_wait3A_522] : memref<2x128x128xf32, #tpu.memory_space<vmem>> -> memref<1x128x128xf32, #tpu.memory_space<vmem>>
          %dma_wait3A_524 = tpu.memref_squeeze %dma_wait3A_523 : memref<1x128x128xf32, #tpu.memory_space<vmem>> -> memref<128x128xf32, #tpu.memory_space<vmem>>
          %dma_wait3A_525 = arith.constant 0 : i32
          %dma_wait3A_526 = arith.constant 0 : i32
          %dma_wait3A_527 = tpu.memref_slice %arg5[%dma_wait3A_525, %dma_wait3A_526] : memref<320000x128xf32, #tpu.memory_space<hbm>> -> memref<128x128xf32, #tpu.memory_space<hbm>>
          %dma_wait3A_528 = arith.constant 0 : i32
          %dma_wait3A_529 = arith.constant 0 : i32
          %dma_wait3A_530 = tpu.memref_slice %arg5[%dma_wait3A_528, %dma_wait3A_529] : memref<320000x128xf32, #tpu.memory_space<hbm>> -> memref<128x128xf32, #tpu.memory_space<hbm>>
          %dma_wait3A_531 = arith.constant 0 : i32
          %dma_wait3A_532 = arith.constant 0 : i32
          %dma_wait3A_533 = arith.constant 0 : i32
          %dma_wait3A_534 = tpu.memref_slice %arg7[%dma_wait3A_514, %dma_wait3A_531, %dma_wait3A_532, %dma_wait3A_533] : memref<2x2x128x128xf32, #tpu.memory_space<vmem>> -> memref<1x2x128x128xf32, #tpu.memory_space<vmem>>
          %dma_wait3A_535 = tpu.memref_squeeze %dma_wait3A_534 : memref<1x2x128x128xf32, #tpu.memory_space<vmem>> -> memref<2x128x128xf32, #tpu.memory_space<vmem>>
          %dma_wait3A_536 = arith.constant 0 : i32
          %dma_wait3A_537 = arith.constant 0 : i32
          %dma_wait3A_538 = tpu.memref_slice %dma_wait3A_535[%dma_wait3A_515, %dma_wait3A_536, %dma_wait3A_537] : memref<2x128x128xf32, #tpu.memory_space<vmem>> -> memref<1x128x128xf32, #tpu.memory_space<vmem>>
          %dma_wait3A_539 = tpu.memref_squeeze %dma_wait3A_538 : memref<1x128x128xf32, #tpu.memory_space<vmem>> -> memref<128x128xf32, #tpu.memory_space<vmem>>
          tpu.wait_dma2 semaphore(%arg13 : memref<!tpu.dma_semaphore, #tpu.memory_space<semaphore_mem>>) src(%dma_wait3A_539 : memref<128x128xf32, #tpu.memory_space<vmem>>) dst(%dma_wait3A_530 : memref<128x128xf32, #tpu.memory_space<hbm>>)
        } else {
        }
        %add3A_446 = arith.constant 1 : i32
        %add3A_447 = arith.addi %add3A_303, %add3A_446 : i32
        %mul3A_448 = arith.constant 32 : i32
        %mul3A_449 = arith.muli %add3A_447, %mul3A_448 : i32
        %add3A_450 = arith.addi %add3A, %mul3A_449 : i32
        %min3A_451 = arith.constant 2499 : i32
        %min3A_452 = arith.minsi %add3A_450, %min3A_451 : i32
        %mul3A_453 = arith.constant 128 : i32
        %mul3A_454 = arith.muli %min3A_452, %mul3A_453 : i32
        %dma_start3A_455 = arith.constant 0 : i32
        %dma_start3A_456 = arith.constant 0 : i32
        %dma_start3A_457 = arith.constant 0 : i32
        %dma_start3A_458 = tpu.memref_slice %arg8[%dma_start3A_455, %dma_start3A_456, %dma_start3A_457] : memref<2x128x64xi32, #tpu.memory_space<vmem>> -> memref<1x128x64xi32, #tpu.memory_space<vmem>>
        %dma_start3A_459 = tpu.memref_squeeze %dma_start3A_458 : memref<1x128x64xi32, #tpu.memory_space<vmem>> -> memref<128x64xi32, #tpu.memory_space<vmem>>
        %dma_start3A_460 = arith.constant 0 : i32
        %dma_start3A_461 = tpu.memref_slice %arg3[%mul3A_454, %dma_start3A_460] : memref<320000x64xi32, #tpu.memory_space<hbm>> -> memref<128x64xi32, #tpu.memory_space<hbm>>
        %dma_start3A_462 = arith.constant 0 : i32
        %dma_start3A_463 = arith.constant 0 : i32
        %dma_start3A_464 = tpu.memref_slice %arg8[%dma_start3A_455, %dma_start3A_462, %dma_start3A_463] : memref<2x128x64xi32, #tpu.memory_space<vmem>> -> memref<1x128x64xi32, #tpu.memory_space<vmem>>
        %dma_start3A_465 = tpu.memref_squeeze %dma_start3A_464 : memref<1x128x64xi32, #tpu.memory_space<vmem>> -> memref<128x64xi32, #tpu.memory_space<vmem>>
        %dma_start3A_466 = arith.constant 0 : i32
        %dma_start3A_467 = tpu.memref_slice %arg3[%mul3A_454, %dma_start3A_466] : memref<320000x64xi32, #tpu.memory_space<hbm>> -> memref<128x64xi32, #tpu.memory_space<hbm>>
        tpu.enqueue_dma source(%dma_start3A_467 : memref<128x64xi32, #tpu.memory_space<hbm>>) target(%dma_start3A_465 : memref<128x64xi32, #tpu.memory_space<vmem>>) target_semaphore(%arg11 : memref<!tpu.dma_semaphore, #tpu.memory_space<semaphore_mem>>)
        %dma_start3A_468 = arith.constant 0 : i32
        %dma_start3A_469 = arith.constant 0 : i32
        %dma_start3A_470 = arith.constant 0 : i32
        %dma_start3A_471 = arith.constant 0 : i32
        %dma_start3A_472 = arith.constant 0 : i32
        %dma_start3A_473 = arith.constant 0 : i32
        %dma_start3A_474 = arith.constant 0 : i32
        %dma_start3A_475 = tpu.memref_slice %arg7[%dma_start3A_470, %dma_start3A_472, %dma_start3A_473, %dma_start3A_474] : memref<2x2x128x128xf32, #tpu.memory_space<vmem>> -> memref<1x2x128x128xf32, #tpu.memory_space<vmem>>
        %dma_start3A_476 = tpu.memref_squeeze %dma_start3A_475 : memref<1x2x128x128xf32, #tpu.memory_space<vmem>> -> memref<2x128x128xf32, #tpu.memory_space<vmem>>
        %dma_start3A_477 = arith.constant 0 : i32
        %dma_start3A_478 = arith.constant 0 : i32
        %dma_start3A_479 = tpu.memref_slice %dma_start3A_476[%dma_start3A_471, %dma_start3A_477, %dma_start3A_478] : memref<2x128x128xf32, #tpu.memory_space<vmem>> -> memref<1x128x128xf32, #tpu.memory_space<vmem>>
        %dma_start3A_480 = tpu.memref_squeeze %dma_start3A_479 : memref<1x128x128xf32, #tpu.memory_space<vmem>> -> memref<128x128xf32, #tpu.memory_space<vmem>>
        %dma_start3A_481 = arith.constant 0 : i32
        %dma_start3A_482 = arith.constant 0 : i32
        %dma_start3A_483 = tpu.memref_slice %arg6[%dma_start3A_468, %dma_start3A_481, %dma_start3A_482] : memref<2x2x128xi32, #tpu.memory_space<vmem>> -> memref<1x2x128xi32, #tpu.memory_space<vmem>>
        %dma_start3A_484 = tpu.memref_squeeze %dma_start3A_483 : memref<1x2x128xi32, #tpu.memory_space<vmem>> -> memref<2x128xi32, #tpu.memory_space<vmem>>
        %dma_start3A_485 = arith.constant 0 : i32
        %dma_start3A_486 = tpu.memref_slice %dma_start3A_484[%dma_start3A_469, %dma_start3A_485] : memref<2x128xi32, #tpu.memory_space<vmem>> -> memref<1x128xi32, #tpu.memory_space<vmem>>
        %dma_start3A_487 = tpu.memref_squeeze %dma_start3A_486 : memref<1x128xi32, #tpu.memory_space<vmem>> -> memref<128xi32, #tpu.memory_space<vmem>>
        %dma_start3A_488 = arith.constant 0 : i32
        %dma_start3A_489 = arith.constant 0 : i32
        %dma_start3A_490 = tpu.memref_slice %arg2[%dma_start3A_488, %dma_start3A_489] : memref<20000x128xf32, #tpu.memory_space<hbm>> -> memref<20000x128xf32, #tpu.memory_space<hbm>>
        tpu.enqueue_indirect_dma source(%dma_start3A_490 : memref<20000x128xf32, #tpu.memory_space<hbm>>) target(%dma_start3A_480 : memref<128x128xf32, #tpu.memory_space<vmem>>) offsets(%dma_start3A_487 : memref<128xi32, #tpu.memory_space<vmem>>) semaphore(%arg11 : memref<!tpu.dma_semaphore, #tpu.memory_space<semaphore_mem>>)
        %dma_start3A_491 = arith.constant 0 : i32
        %dma_start3A_492 = arith.constant 1 : i32
        %dma_start3A_493 = arith.constant 0 : i32
        %dma_start3A_494 = arith.constant 1 : i32
        %dma_start3A_495 = arith.constant 0 : i32
        %dma_start3A_496 = arith.constant 0 : i32
        %dma_start3A_497 = arith.constant 0 : i32
        %dma_start3A_498 = tpu.memref_slice %arg7[%dma_start3A_493, %dma_start3A_495, %dma_start3A_496, %dma_start3A_497] : memref<2x2x128x128xf32, #tpu.memory_space<vmem>> -> memref<1x2x128x128xf32, #tpu.memory_space<vmem>>
        %dma_start3A_499 = tpu.memref_squeeze %dma_start3A_498 : memref<1x2x128x128xf32, #tpu.memory_space<vmem>> -> memref<2x128x128xf32, #tpu.memory_space<vmem>>
        %dma_start3A_500 = arith.constant 0 : i32
        %dma_start3A_501 = arith.constant 0 : i32
        %dma_start3A_502 = tpu.memref_slice %dma_start3A_499[%dma_start3A_494, %dma_start3A_500, %dma_start3A_501] : memref<2x128x128xf32, #tpu.memory_space<vmem>> -> memref<1x128x128xf32, #tpu.memory_space<vmem>>
        %dma_start3A_503 = tpu.memref_squeeze %dma_start3A_502 : memref<1x128x128xf32, #tpu.memory_space<vmem>> -> memref<128x128xf32, #tpu.memory_space<vmem>>
        %dma_start3A_504 = arith.constant 0 : i32
        %dma_start3A_505 = arith.constant 0 : i32
        %dma_start3A_506 = tpu.memref_slice %arg6[%dma_start3A_491, %dma_start3A_504, %dma_start3A_505] : memref<2x2x128xi32, #tpu.memory_space<vmem>> -> memref<1x2x128xi32, #tpu.memory_space<vmem>>
        %dma_start3A_507 = tpu.memref_squeeze %dma_start3A_506 : memref<1x2x128xi32, #tpu.memory_space<vmem>> -> memref<2x128xi32, #tpu.memory_space<vmem>>
        %dma_start3A_508 = arith.constant 0 : i32
        %dma_start3A_509 = tpu.memref_slice %dma_start3A_507[%dma_start3A_492, %dma_start3A_508] : memref<2x128xi32, #tpu.memory_space<vmem>> -> memref<1x128xi32, #tpu.memory_space<vmem>>
        %dma_start3A_510 = tpu.memref_squeeze %dma_start3A_509 : memref<1x128xi32, #tpu.memory_space<vmem>> -> memref<128xi32, #tpu.memory_space<vmem>>
        %dma_start3A_511 = arith.constant 0 : i32
        %dma_start3A_512 = arith.constant 0 : i32
        %dma_start3A_513 = tpu.memref_slice %arg2[%dma_start3A_511, %dma_start3A_512] : memref<20000x128xf32, #tpu.memory_space<hbm>> -> memref<20000x128xf32, #tpu.memory_space<hbm>>
        tpu.enqueue_indirect_dma source(%dma_start3A_513 : memref<20000x128xf32, #tpu.memory_space<hbm>>) target(%dma_start3A_503 : memref<128x128xf32, #tpu.memory_space<vmem>>) offsets(%dma_start3A_510 : memref<128xi32, #tpu.memory_space<vmem>>) semaphore(%arg11 : memref<!tpu.dma_semaphore, #tpu.memory_space<semaphore_mem>>)
      } else {
      }
      %add3A_372 = arith.constant 2 : i32
      %add3A_373 = arith.addi %add3A_303, %add3A_372 : i32
      %lt3A_374 = arith.constant 80 : i32
      %lt3A_375 = arith.cmpi slt, %add3A_373, %lt3A_374 : i32
      %convert_element_type3A_376 = arith.extui %lt3A_375 : i1 to i32
      %cond3A_377 = arith.constant 0 : i32
      %cond3A_378 = arith.cmpi ne, %convert_element_type3A_376, %cond3A_377 : i32
      scf.if %cond3A_378 {
        %add3A_424 = arith.constant 2 : i32
        %add3A_425 = arith.addi %add3A_303, %add3A_424 : i32
        %mul3A_426 = arith.constant 32 : i32
        %mul3A_427 = arith.muli %add3A_425, %mul3A_426 : i32
        %add3A_428 = arith.addi %add3A, %mul3A_427 : i32
        %min3A_429 = arith.constant 2499 : i32
        %min3A_430 = arith.minsi %add3A_428, %min3A_429 : i32
        %dma_start3A_431 = arith.constant 1 : i32
        %dma_start3A_432 = arith.constant 0 : i32
        %dma_start3A_433 = arith.constant 0 : i32
        %dma_start3A_434 = tpu.memref_slice %arg6[%dma_start3A_431, %dma_start3A_432, %dma_start3A_433] : memref<2x2x128xi32, #tpu.memory_space<vmem>> -> memref<1x2x128xi32, #tpu.memory_space<vmem>>
        %dma_start3A_435 = tpu.memref_squeeze %dma_start3A_434 : memref<1x2x128xi32, #tpu.memory_space<vmem>> -> memref<2x128xi32, #tpu.memory_space<vmem>>
        %dma_start3A_436 = arith.constant 0 : i32
        %dma_start3A_437 = arith.constant 0 : i32
        %dma_start3A_438 = tpu.memref_slice %arg4[%min3A_430, %dma_start3A_436, %dma_start3A_437] : memref<2500x2x128xi32, #tpu.memory_space<hbm>> -> memref<1x2x128xi32, #tpu.memory_space<hbm>>
        %dma_start3A_439 = tpu.memref_squeeze %dma_start3A_438 : memref<1x2x128xi32, #tpu.memory_space<hbm>> -> memref<2x128xi32, #tpu.memory_space<hbm>>
        %dma_start3A_440 = arith.constant 0 : i32
        %dma_start3A_441 = arith.constant 0 : i32
        %dma_start3A_442 = tpu.memref_slice %arg6[%dma_start3A_431, %dma_start3A_440, %dma_start3A_441] : memref<2x2x128xi32, #tpu.memory_space<vmem>> -> memref<1x2x128xi32, #tpu.memory_space<vmem>>
        %dma_start3A_443 = tpu.memref_squeeze %dma_start3A_442 : memref<1x2x128xi32, #tpu.memory_space<vmem>> -> memref<2x128xi32, #tpu.memory_space<vmem>>
        %dma_start3A_444 = arith.constant 0 : i32
        %dma_start3A_445 = arith.constant 0 : i32
        %dma_start3A_446 = tpu.memref_slice %arg4[%min3A_430, %dma_start3A_444, %dma_start3A_445] : memref<2500x2x128xi32, #tpu.memory_space<hbm>> -> memref<1x2x128xi32, #tpu.memory_space<hbm>>
        %dma_start3A_447 = tpu.memref_squeeze %dma_start3A_446 : memref<1x2x128xi32, #tpu.memory_space<hbm>> -> memref<2x128xi32, #tpu.memory_space<hbm>>
        tpu.enqueue_dma source(%dma_start3A_447 : memref<2x128xi32, #tpu.memory_space<hbm>>) target(%dma_start3A_443 : memref<2x128xi32, #tpu.memory_space<vmem>>) target_semaphore(%arg10 : memref<!tpu.dma_semaphore, #tpu.memory_space<semaphore_mem>>)
      } else {
      }
      %broadcast_in_dim3A_379 = arith.constant -65536 : i32
      %broadcast_in_dim3A_380 = vector.broadcast %broadcast_in_dim3A_379 : i32 to vector<16xi32>
      %broadcast_in_dim3A_381 = arith.constant 16 : i32
      %broadcast_in_dim3A_382 = vector.broadcast %broadcast_in_dim3A_381 : i32 to vector<16xi32>
      %scan3A_383 = arith.constant 1 : i32
      %scan3A_384 = arith.constant 1 : i32
      %scan3A_385 = arith.constant 0 : i32
      %scan3A_386 = arith.constant 1 : i32
      %scan3A_387 = arith.constant 1 : i32
      %scan3A_388 = arith.constant 0 : i32
      %scan3A_389 = arith.constant 128 : i32
      %scan3A_390 = arith.addi %scan3A_388, %scan3A_389 : i32
      %scan3A_391 = arith.constant 4 : i32
      scf.for %scan3A_424 = %scan3A_388 to %scan3A_390 step %scan3A_391  : i32 {
        %mul3A_425 = arith.constant 1 : i32
        %mul3A_426 = arith.muli %scan3A_424, %mul3A_425 : i32
        %add3A_427 = arith.constant 0 : i32
        %add3A_428 = arith.addi %add3A_427, %mul3A_426 : i32
        %get3A = arith.constant 0 : i32
        %get3A_429 = arith.constant 0 : i32
        %get3A_430 = tpu.memref_slice %arg8[%scan3A_383, %get3A, %get3A_429] : memref<2x128x64xi32, #tpu.memory_space<vmem>> -> memref<1x128x64xi32, #tpu.memory_space<vmem>>
        %get3A_431 = tpu.memref_squeeze %get3A_430 : memref<1x128x64xi32, #tpu.memory_space<vmem>> -> memref<128x64xi32, #tpu.memory_space<vmem>>
        %get3A_432 = arith.index_cast %add3A_428 : i32 to index
        %get3A_433 = arith.constant 0 : index
        %get3A_434 = tpu.vector_load %get3A_431[%get3A_432, %get3A_433] {strides = array<i32>} : memref<128x64xi32, #tpu.memory_space<vmem>>, vector<1x16xi32>,
        %get3A_435 = vector.shape_cast %get3A_434 : vector<1x16xi32> to vector<16xi32>
        %get3A_436 = arith.constant 0 : i32
        %get3A_437 = arith.constant 0 : i32
        %get3A_438 = arith.constant 0 : i32
        %get3A_439 = tpu.memref_slice %arg7[%scan3A_384, %get3A_436, %get3A_437, %get3A_438] : memref<2x2x128x128xf32, #tpu.memory_space<vmem>> -> memref<1x2x128x128xf32, #tpu.memory_space<vmem>>
        %get3A_440 = tpu.memref_squeeze %get3A_439 : memref<1x2x128x128xf32, #tpu.memory_space<vmem>> -> memref<2x128x128xf32, #tpu.memory_space<vmem>>
        %get3A_441 = arith.constant 0 : i32
        %get3A_442 = arith.constant 0 : i32
        %get3A_443 = tpu.memref_slice %get3A_440[%scan3A_385, %get3A_441, %get3A_442] : memref<2x128x128xf32, #tpu.memory_space<vmem>> -> memref<1x128x128xf32, #tpu.memory_space<vmem>>
        %get3A_444 = tpu.memref_squeeze %get3A_443 : memref<1x128x128xf32, #tpu.memory_space<vmem>> -> memref<128x128xf32, #tpu.memory_space<vmem>>
        %get3A_445 = arith.index_cast %add3A_428 : i32 to index
        %get3A_446 = arith.constant 0 : index
        %get3A_447 = tpu.vector_load %get3A_444[%get3A_445, %get3A_446] {strides = array<i32>} : memref<128x128xf32, #tpu.memory_space<vmem>>, vector<1x16xf32>,
        %get3A_448 = vector.shape_cast %get3A_447 : vector<1x16xf32> to vector<16xf32>
        %get3A_449 = arith.constant 0 : i32
        %get3A_450 = arith.constant 0 : i32
        %get3A_451 = arith.constant 0 : i32
        %get3A_452 = tpu.memref_slice %arg7[%scan3A_386, %get3A_449, %get3A_450, %get3A_451] : memref<2x2x128x128xf32, #tpu.memory_space<vmem>> -> memref<1x2x128x128xf32, #tpu.memory_space<vmem>>
        %get3A_453 = tpu.memref_squeeze %get3A_452 : memref<1x2x128x128xf32, #tpu.memory_space<vmem>> -> memref<2x128x128xf32, #tpu.memory_space<vmem>>
        %get3A_454 = arith.constant 0 : i32
        %get3A_455 = arith.constant 0 : i32
        %get3A_456 = tpu.memref_slice %get3A_453[%scan3A_387, %get3A_454, %get3A_455] : memref<2x128x128xf32, #tpu.memory_space<vmem>> -> memref<1x128x128xf32, #tpu.memory_space<vmem>>
        %get3A_457 = tpu.memref_squeeze %get3A_456 : memref<1x128x128xf32, #tpu.memory_space<vmem>> -> memref<128x128xf32, #tpu.memory_space<vmem>>
        %get3A_458 = arith.index_cast %add3A_428 : i32 to index
        %get3A_459 = arith.constant 0 : index
        %get3A_460 = tpu.vector_load %get3A_457[%get3A_458, %get3A_459] {strides = array<i32>} : memref<128x128xf32, #tpu.memory_space<vmem>>, vector<1x16xf32>,
        %get3A_461 = vector.shape_cast %get3A_460 : vector<1x16xf32> to vector<16xf32>
        %add3A_462 = arith.addf %get3A_448, %get3A_461 : vector<16xf32>
        %shift_left3A = arith.shli %get3A_435, %broadcast_in_dim3A_382 : vector<16xi32>
        %bitcast_convert_type3A = tpu.bitcast %shift_left3A : vector<16xi32> -> vector<16xf32>
        %add3A_463 = arith.addf %add3A_462, %bitcast_convert_type3A : vector<16xf32>
        %max3A = arith.constant 0.000000e+00 : f32
        %max3A_464 = vector.broadcast %max3A : f32 to vector<16xf32>
        %max3A_465 = arith.maximumf %add3A_463, %max3A_464 : vector<16xf32>
        %swap3A = arith.constant 0 : i32
        %swap3A_466 = arith.constant 0 : i32
        %swap3A_467 = arith.constant 0 : i32
        %swap3A_468 = tpu.memref_slice %arg7[%scan3A_384, %swap3A, %swap3A_466, %swap3A_467] : memref<2x2x128x128xf32, #tpu.memory_space<vmem>> -> memref<1x2x128x128xf32, #tpu.memory_space<vmem>>
        %swap3A_469 = tpu.memref_squeeze %swap3A_468 : memref<1x2x128x128xf32, #tpu.memory_space<vmem>> -> memref<2x128x128xf32, #tpu.memory_space<vmem>>
        %swap3A_470 = arith.constant 0 : i32
        %swap3A_471 = arith.constant 0 : i32
        %swap3A_472 = tpu.memref_slice %swap3A_469[%scan3A_385, %swap3A_470, %swap3A_471] : memref<2x128x128xf32, #tpu.memory_space<vmem>> -> memref<1x128x128xf32, #tpu.memory_space<vmem>>
        %swap3A_473 = tpu.memref_squeeze %swap3A_472 : memref<1x128x128xf32, #tpu.memory_space<vmem>> -> memref<128x128xf32, #tpu.memory_space<vmem>>
        %swap3A_474 = arith.index_cast %add3A_428 : i32 to index
        %swap3A_475 = arith.constant 0 : index
        %swap3A_476 = tpu.vector_load %swap3A_473[%swap3A_474, %swap3A_475] {strides = array<i32>} : memref<128x128xf32, #tpu.memory_space<vmem>>, vector<1x16xf32>,
        %swap3A_477 = vector.shape_cast %swap3A_476 : vector<1x16xf32> to vector<16xf32>
        %swap3A_478 = vector.shape_cast %max3A_465 : vector<16xf32> to vector<1x16xf32>
        tpu.vector_store %swap3A_473[%swap3A_474, %swap3A_475], %swap3A_478 {strides = array<i32>} : memref<128x128xf32, #tpu.memory_space<vmem>>, vector<1x16xf32>,
        %get3A_479 = arith.constant 0 : i32
        %get3A_480 = arith.constant 0 : i32
        %get3A_481 = arith.constant 0 : i32
        %get3A_482 = tpu.memref_slice %arg7[%scan3A_384, %get3A_479, %get3A_480, %get3A_481] : memref<2x2x128x128xf32, #tpu.memory_space<vmem>> -> memref<1x2x128x128xf32, #tpu.memory_space<vmem>>
        %get3A_483 = tpu.memref_squeeze %get3A_482 : memref<1x2x128x128xf32, #tpu.memory_space<vmem>> -> memref<2x128x128xf32, #tpu.memory_space<vmem>>
        %get3A_484 = arith.constant 0 : i32
        %get3A_485 = arith.constant 0 : i32
        %get3A_486 = tpu.memref_slice %get3A_483[%scan3A_385, %get3A_484, %get3A_485] : memref<2x128x128xf32, #tpu.memory_space<vmem>> -> memref<1x128x128xf32, #tpu.memory_space<vmem>>
        %get3A_487 = tpu.memref_squeeze %get3A_486 : memref<1x128x128xf32, #tpu.memory_space<vmem>> -> memref<128x128xf32, #tpu.memory_space<vmem>>
        %get3A_488 = arith.index_cast %add3A_428 : i32 to index
        %get3A_489 = arith.constant 16 : index
        %get3A_490 = tpu.vector_load %get3A_487[%get3A_488, %get3A_489] {strides = array<i32>} : memref<128x128xf32, #tpu.memory_space<vmem>>, vector<1x16xf32>,
        %get3A_491 = vector.shape_cast %get3A_490 : vector<1x16xf32> to vector<16xf32>
        %get3A_492 = arith.constant 0 : i32
        %get3A_493 = arith.constant 0 : i32
        %get3A_494 = arith.constant 0 : i32
        %get3A_495 = tpu.memref_slice %arg7[%scan3A_386, %get3A_492, %get3A_493, %get3A_494] : memref<2x2x128x128xf32, #tpu.memory_space<vmem>> -> memref<1x2x128x128xf32, #tpu.memory_space<vmem>>
        %get3A_496 = tpu.memref_squeeze %get3A_495 : memref<1x2x128x128xf32, #tpu.memory_space<vmem>> -> memref<2x128x128xf32, #tpu.memory_space<vmem>>
        %get3A_497 = arith.constant 0 : i32
        %get3A_498 = arith.constant 0 : i32
        %get3A_499 = tpu.memref_slice %get3A_496[%scan3A_387, %get3A_497, %get3A_498] : memref<2x128x128xf32, #tpu.memory_space<vmem>> -> memref<1x128x128xf32, #tpu.memory_space<vmem>>
        %get3A_500 = tpu.memref_squeeze %get3A_499 : memref<1x128x128xf32, #tpu.memory_space<vmem>> -> memref<128x128xf32, #tpu.memory_space<vmem>>
        %get3A_501 = arith.index_cast %add3A_428 : i32 to index
        %get3A_502 = arith.constant 16 : index
        %get3A_503 = tpu.vector_load %get3A_500[%get3A_501, %get3A_502] {strides = array<i32>} : memref<128x128xf32, #tpu.memory_space<vmem>>, vector<1x16xf32>,
        %get3A_504 = vector.shape_cast %get3A_503 : vector<1x16xf32> to vector<16xf32>
        %add3A_505 = arith.addf %get3A_491, %get3A_504 : vector<16xf32>
        %and3A = arith.andi %get3A_435, %broadcast_in_dim3A_380 : vector<16xi32>
        %bitcast_convert_type3A_506 = tpu.bitcast %and3A : vector<16xi32> -> vector<16xf32>
        %add3A_507 = arith.addf %add3A_505, %bitcast_convert_type3A_506 : vector<16xf32>
        %max3A_508 = arith.constant 0.000000e+00 : f32
        %max3A_509 = vector.broadcast %max3A_508 : f32 to vector<16xf32>
        %max3A_510 = arith.maximumf %add3A_507, %max3A_509 : vector<16xf32>
        %swap3A_511 = arith.constant 0 : i32
        %swap3A_512 = arith.constant 0 : i32
        %swap3A_513 = arith.constant 0 : i32
        %swap3A_514 = tpu.memref_slice %arg7[%scan3A_384, %swap3A_511, %swap3A_512, %swap3A_513] : memref<2x2x128x128xf32, #tpu.memory_space<vmem>> -> memref<1x2x128x128xf32, #tpu.memory_space<vmem>>
        %swap3A_515 = tpu.memref_squeeze %swap3A_514 : memref<1x2x128x128xf32, #tpu.memory_space<vmem>> -> memref<2x128x128xf32, #tpu.memory_space<vmem>>
        %swap3A_516 = arith.constant 0 : i32
        %swap3A_517 = arith.constant 0 : i32
        %swap3A_518 = tpu.memref_slice %swap3A_515[%scan3A_385, %swap3A_516, %swap3A_517] : memref<2x128x128xf32, #tpu.memory_space<vmem>> -> memref<1x128x128xf32, #tpu.memory_space<vmem>>
        %swap3A_519 = tpu.memref_squeeze %swap3A_518 : memref<1x128x128xf32, #tpu.memory_space<vmem>> -> memref<128x128xf32, #tpu.memory_space<vmem>>
        %swap3A_520 = arith.index_cast %add3A_428 : i32 to index
        %swap3A_521 = arith.constant 16 : index
        %swap3A_522 = tpu.vector_load %swap3A_519[%swap3A_520, %swap3A_521] {strides = array<i32>} : memref<128x128xf32, #tpu.memory_space<vmem>>, vector<1x16xf32>,
        %swap3A_523 = vector.shape_cast %swap3A_522 : vector<1x16xf32> to vector<16xf32>
        %swap3A_524 = vector.shape_cast %max3A_510 : vector<16xf32> to vector<1x16xf32>
        tpu.vector_store %swap3A_519[%swap3A_520, %swap3A_521], %swap3A_524 {strides = array<i32>} : memref<128x128xf32, #tpu.memory_space<vmem>>, vector<1x16xf32>,
        %get3A_525 = arith.constant 0 : i32
        %get3A_526 = arith.constant 0 : i32
        %get3A_527 = tpu.memref_slice %arg8[%scan3A_383, %get3A_525, %get3A_526] : memref<2x128x64xi32, #tpu.memory_space<vmem>> -> memref<1x128x64xi32, #tpu.memory_space<vmem>>
        %get3A_528 = tpu.memref_squeeze %get3A_527 : memref<1x128x64xi32, #tpu.memory_space<vmem>> -> memref<128x64xi32, #tpu.memory_space<vmem>>
        %get3A_529 = arith.index_cast %add3A_428 : i32 to index
        %get3A_530 = arith.constant 16 : index
        %get3A_531 = tpu.vector_load %get3A_528[%get3A_529, %get3A_530] {strides = array<i32>} : memref<128x64xi32, #tpu.memory_space<vmem>>, vector<1x16xi32>,
        %get3A_532 = vector.shape_cast %get3A_531 : vector<1x16xi32> to vector<16xi32>
        %get3A_533 = arith.constant 0 : i32
        %get3A_534 = arith.constant 0 : i32
        %get3A_535 = arith.constant 0 : i32
        %get3A_536 = tpu.memref_slice %arg7[%scan3A_384, %get3A_533, %get3A_534, %get3A_535] : memref<2x2x128x128xf32, #tpu.memory_space<vmem>> -> memref<1x2x128x128xf32, #tpu.memory_space<vmem>>
        %get3A_537 = tpu.memref_squeeze %get3A_536 : memref<1x2x128x128xf32, #tpu.memory_space<vmem>> -> memref<2x128x128xf32, #tpu.memory_space<vmem>>
        %get3A_538 = arith.constant 0 : i32
        %get3A_539 = arith.constant 0 : i32
        %get3A_540 = tpu.memref_slice %get3A_537[%scan3A_385, %get3A_538, %get3A_539] : memref<2x128x128xf32, #tpu.memory_space<vmem>> -> memref<1x128x128xf32, #tpu.memory_space<vmem>>
        %get3A_541 = tpu.memref_squeeze %get3A_540 : memref<1x128x128xf32, #tpu.memory_space<vmem>> -> memref<128x128xf32, #tpu.memory_space<vmem>>
        %get3A_542 = arith.index_cast %add3A_428 : i32 to index
        %get3A_543 = arith.constant 32 : index
        %get3A_544 = tpu.vector_load %get3A_541[%get3A_542, %get3A_543] {strides = array<i32>} : memref<128x128xf32, #tpu.memory_space<vmem>>, vector<1x16xf32>,
        %get3A_545 = vector.shape_cast %get3A_544 : vector<1x16xf32> to vector<16xf32>
        %get3A_546 = arith.constant 0 : i32
        %get3A_547 = arith.constant 0 : i32
        %get3A_548 = arith.constant 0 : i32
        %get3A_549 = tpu.memref_slice %arg7[%scan3A_386, %get3A_546, %get3A_547, %get3A_548] : memref<2x2x128x128xf32, #tpu.memory_space<vmem>> -> memref<1x2x128x128xf32, #tpu.memory_space<vmem>>
        %get3A_550 = tpu.memref_squeeze %get3A_549 : memref<1x2x128x128xf32, #tpu.memory_space<vmem>> -> memref<2x128x128xf32, #tpu.memory_space<vmem>>
        %get3A_551 = arith.constant 0 : i32
        %get3A_552 = arith.constant 0 : i32
        %get3A_553 = tpu.memref_slice %get3A_550[%scan3A_387, %get3A_551, %get3A_552] : memref<2x128x128xf32, #tpu.memory_space<vmem>> -> memref<1x128x128xf32, #tpu.memory_space<vmem>>
        %get3A_554 = tpu.memref_squeeze %get3A_553 : memref<1x128x128xf32, #tpu.memory_space<vmem>> -> memref<128x128xf32, #tpu.memory_space<vmem>>
        %get3A_555 = arith.index_cast %add3A_428 : i32 to index
        %get3A_556 = arith.constant 32 : index
        %get3A_557 = tpu.vector_load %get3A_554[%get3A_555, %get3A_556] {strides = array<i32>} : memref<128x128xf32, #tpu.memory_space<vmem>>, vector<1x16xf32>,
        %get3A_558 = vector.shape_cast %get3A_557 : vector<1x16xf32> to vector<16xf32>
        %add3A_559 = arith.addf %get3A_545, %get3A_558 : vector<16xf32>
        %shift_left3A_560 = arith.shli %get3A_532, %broadcast_in_dim3A_382 : vector<16xi32>
        %bitcast_convert_type3A_561 = tpu.bitcast %shift_left3A_560 : vector<16xi32> -> vector<16xf32>
        %add3A_562 = arith.addf %add3A_559, %bitcast_convert_type3A_561 : vector<16xf32>
        %max3A_563 = arith.constant 0.000000e+00 : f32
        %max3A_564 = vector.broadcast %max3A_563 : f32 to vector<16xf32>
        %max3A_565 = arith.maximumf %add3A_562, %max3A_564 : vector<16xf32>
        %swap3A_566 = arith.constant 0 : i32
        %swap3A_567 = arith.constant 0 : i32
        %swap3A_568 = arith.constant 0 : i32
        %swap3A_569 = tpu.memref_slice %arg7[%scan3A_384, %swap3A_566, %swap3A_567, %swap3A_568] : memref<2x2x128x128xf32, #tpu.memory_space<vmem>> -> memref<1x2x128x128xf32, #tpu.memory_space<vmem>>
        %swap3A_570 = tpu.memref_squeeze %swap3A_569 : memref<1x2x128x128xf32, #tpu.memory_space<vmem>> -> memref<2x128x128xf32, #tpu.memory_space<vmem>>
        %swap3A_571 = arith.constant 0 : i32
        %swap3A_572 = arith.constant 0 : i32
        %swap3A_573 = tpu.memref_slice %swap3A_570[%scan3A_385, %swap3A_571, %swap3A_572] : memref<2x128x128xf32, #tpu.memory_space<vmem>> -> memref<1x128x128xf32, #tpu.memory_space<vmem>>
        %swap3A_574 = tpu.memref_squeeze %swap3A_573 : memref<1x128x128xf32, #tpu.memory_space<vmem>> -> memref<128x128xf32, #tpu.memory_space<vmem>>
        %swap3A_575 = arith.index_cast %add3A_428 : i32 to index
        %swap3A_576 = arith.constant 32 : index
        %swap3A_577 = tpu.vector_load %swap3A_574[%swap3A_575, %swap3A_576] {strides = array<i32>} : memref<128x128xf32, #tpu.memory_space<vmem>>, vector<1x16xf32>,
        %swap3A_578 = vector.shape_cast %swap3A_577 : vector<1x16xf32> to vector<16xf32>
        %swap3A_579 = vector.shape_cast %max3A_565 : vector<16xf32> to vector<1x16xf32>
        tpu.vector_store %swap3A_574[%swap3A_575, %swap3A_576], %swap3A_579 {strides = array<i32>} : memref<128x128xf32, #tpu.memory_space<vmem>>, vector<1x16xf32>,
        %get3A_580 = arith.constant 0 : i32
        %get3A_581 = arith.constant 0 : i32
        %get3A_582 = arith.constant 0 : i32
        %get3A_583 = tpu.memref_slice %arg7[%scan3A_384, %get3A_580, %get3A_581, %get3A_582] : memref<2x2x128x128xf32, #tpu.memory_space<vmem>> -> memref<1x2x128x128xf32, #tpu.memory_space<vmem>>
        %get3A_584 = tpu.memref_squeeze %get3A_583 : memref<1x2x128x128xf32, #tpu.memory_space<vmem>> -> memref<2x128x128xf32, #tpu.memory_space<vmem>>
        %get3A_585 = arith.constant 0 : i32
        %get3A_586 = arith.constant 0 : i32
        %get3A_587 = tpu.memref_slice %get3A_584[%scan3A_385, %get3A_585, %get3A_586] : memref<2x128x128xf32, #tpu.memory_space<vmem>> -> memref<1x128x128xf32, #tpu.memory_space<vmem>>
        %get3A_588 = tpu.memref_squeeze %get3A_587 : memref<1x128x128xf32, #tpu.memory_space<vmem>> -> memref<128x128xf32, #tpu.memory_space<vmem>>
        %get3A_589 = arith.index_cast %add3A_428 : i32 to index
        %get3A_590 = arith.constant 48 : index
        %get3A_591 = tpu.vector_load %get3A_588[%get3A_589, %get3A_590] {strides = array<i32>} : memref<128x128xf32, #tpu.memory_space<vmem>>, vector<1x16xf32>,
        %get3A_592 = vector.shape_cast %get3A_591 : vector<1x16xf32> to vector<16xf32>
        %get3A_593 = arith.constant 0 : i32
        %get3A_594 = arith.constant 0 : i32
        %get3A_595 = arith.constant 0 : i32
        %get3A_596 = tpu.memref_slice %arg7[%scan3A_386, %get3A_593, %get3A_594, %get3A_595] : memref<2x2x128x128xf32, #tpu.memory_space<vmem>> -> memref<1x2x128x128xf32, #tpu.memory_space<vmem>>
        %get3A_597 = tpu.memref_squeeze %get3A_596 : memref<1x2x128x128xf32, #tpu.memory_space<vmem>> -> memref<2x128x128xf32, #tpu.memory_space<vmem>>
        %get3A_598 = arith.constant 0 : i32
        %get3A_599 = arith.constant 0 : i32
        %get3A_600 = tpu.memref_slice %get3A_597[%scan3A_387, %get3A_598, %get3A_599] : memref<2x128x128xf32, #tpu.memory_space<vmem>> -> memref<1x128x128xf32, #tpu.memory_space<vmem>>
        %get3A_601 = tpu.memref_squeeze %get3A_600 : memref<1x128x128xf32, #tpu.memory_space<vmem>> -> memref<128x128xf32, #tpu.memory_space<vmem>>
        %get3A_602 = arith.index_cast %add3A_428 : i32 to index
        %get3A_603 = arith.constant 48 : index
        %get3A_604 = tpu.vector_load %get3A_601[%get3A_602, %get3A_603] {strides = array<i32>} : memref<128x128xf32, #tpu.memory_space<vmem>>, vector<1x16xf32>,
        %get3A_605 = vector.shape_cast %get3A_604 : vector<1x16xf32> to vector<16xf32>
        %add3A_606 = arith.addf %get3A_592, %get3A_605 : vector<16xf32>
        %and3A_607 = arith.andi %get3A_532, %broadcast_in_dim3A_380 : vector<16xi32>
        %bitcast_convert_type3A_608 = tpu.bitcast %and3A_607 : vector<16xi32> -> vector<16xf32>
        %add3A_609 = arith.addf %add3A_606, %bitcast_convert_type3A_608 : vector<16xf32>
        %max3A_610 = arith.constant 0.000000e+00 : f32
        %max3A_611 = vector.broadcast %max3A_610 : f32 to vector<16xf32>
        %max3A_612 = arith.maximumf %add3A_609, %max3A_611 : vector<16xf32>
        %swap3A_613 = arith.constant 0 : i32
        %swap3A_614 = arith.constant 0 : i32
        %swap3A_615 = arith.constant 0 : i32
        %swap3A_616 = tpu.memref_slice %arg7[%scan3A_384, %swap3A_613, %swap3A_614, %swap3A_615] : memref<2x2x128x128xf32, #tpu.memory_space<vmem>> -> memref<1x2x128x128xf32, #tpu.memory_space<vmem>>
        %swap3A_617 = tpu.memref_squeeze %swap3A_616 : memref<1x2x128x128xf32, #tpu.memory_space<vmem>> -> memref<2x128x128xf32, #tpu.memory_space<vmem>>
        %swap3A_618 = arith.constant 0 : i32
        %swap3A_619 = arith.constant 0 : i32
        %swap3A_620 = tpu.memref_slice %swap3A_617[%scan3A_385, %swap3A_618, %swap3A_619] : memref<2x128x128xf32, #tpu.memory_space<vmem>> -> memref<1x128x128xf32, #tpu.memory_space<vmem>>
        %swap3A_621 = tpu.memref_squeeze %swap3A_620 : memref<1x128x128xf32, #tpu.memory_space<vmem>> -> memref<128x128xf32, #tpu.memory_space<vmem>>
        %swap3A_622 = arith.index_cast %add3A_428 : i32 to index
        %swap3A_623 = arith.constant 48 : index
        %swap3A_624 = tpu.vector_load %swap3A_621[%swap3A_622, %swap3A_623] {strides = array<i32>} : memref<128x128xf32, #tpu.memory_space<vmem>>, vector<1x16xf32>,
        %swap3A_625 = vector.shape_cast %swap3A_624 : vector<1x16xf32> to vector<16xf32>
        %swap3A_626 = vector.shape_cast %max3A_612 : vector<16xf32> to vector<1x16xf32>
        tpu.vector_store %swap3A_621[%swap3A_622, %swap3A_623], %swap3A_626 {strides = array<i32>} : memref<128x128xf32, #tpu.memory_space<vmem>>, vector<1x16xf32>,
        %get3A_627 = arith.constant 0 : i32
        %get3A_628 = arith.constant 0 : i32
        %get3A_629 = tpu.memref_slice %arg8[%scan3A_383, %get3A_627, %get3A_628] : memref<2x128x64xi32, #tpu.memory_space<vmem>> -> memref<1x128x64xi32, #tpu.memory_space<vmem>>
        %get3A_630 = tpu.memref_squeeze %get3A_629 : memref<1x128x64xi32, #tpu.memory_space<vmem>> -> memref<128x64xi32, #tpu.memory_space<vmem>>
        %get3A_631 = arith.index_cast %add3A_428 : i32 to index
        %get3A_632 = arith.constant 32 : index
        %get3A_633 = tpu.vector_load %get3A_630[%get3A_631, %get3A_632] {strides = array<i32>} : memref<128x64xi32, #tpu.memory_space<vmem>>, vector<1x16xi32>,
        %get3A_634 = vector.shape_cast %get3A_633 : vector<1x16xi32> to vector<16xi32>
        %get3A_635 = arith.constant 0 : i32
        %get3A_636 = arith.constant 0 : i32
        %get3A_637 = arith.constant 0 : i32
        %get3A_638 = tpu.memref_slice %arg7[%scan3A_384, %get3A_635, %get3A_636, %get3A_637] : memref<2x2x128x128xf32, #tpu.memory_space<vmem>> -> memref<1x2x128x128xf32, #tpu.memory_space<vmem>>
        %get3A_639 = tpu.memref_squeeze %get3A_638 : memref<1x2x128x128xf32, #tpu.memory_space<vmem>> -> memref<2x128x128xf32, #tpu.memory_space<vmem>>
        %get3A_640 = arith.constant 0 : i32
        %get3A_641 = arith.constant 0 : i32
        %get3A_642 = tpu.memref_slice %get3A_639[%scan3A_385, %get3A_640, %get3A_641] : memref<2x128x128xf32, #tpu.memory_space<vmem>> -> memref<1x128x128xf32, #tpu.memory_space<vmem>>
        %get3A_643 = tpu.memref_squeeze %get3A_642 : memref<1x128x128xf32, #tpu.memory_space<vmem>> -> memref<128x128xf32, #tpu.memory_space<vmem>>
        %get3A_644 = arith.index_cast %add3A_428 : i32 to index
        %get3A_645 = arith.constant 64 : index
        %get3A_646 = tpu.vector_load %get3A_643[%get3A_644, %get3A_645] {strides = array<i32>} : memref<128x128xf32, #tpu.memory_space<vmem>>, vector<1x16xf32>,
        %get3A_647 = vector.shape_cast %get3A_646 : vector<1x16xf32> to vector<16xf32>
        %get3A_648 = arith.constant 0 : i32
        %get3A_649 = arith.constant 0 : i32
        %get3A_650 = arith.constant 0 : i32
        %get3A_651 = tpu.memref_slice %arg7[%scan3A_386, %get3A_648, %get3A_649, %get3A_650] : memref<2x2x128x128xf32, #tpu.memory_space<vmem>> -> memref<1x2x128x128xf32, #tpu.memory_space<vmem>>
        %get3A_652 = tpu.memref_squeeze %get3A_651 : memref<1x2x128x128xf32, #tpu.memory_space<vmem>> -> memref<2x128x128xf32, #tpu.memory_space<vmem>>
        %get3A_653 = arith.constant 0 : i32
        %get3A_654 = arith.constant 0 : i32
        %get3A_655 = tpu.memref_slice %get3A_652[%scan3A_387, %get3A_653, %get3A_654] : memref<2x128x128xf32, #tpu.memory_space<vmem>> -> memref<1x128x128xf32, #tpu.memory_space<vmem>>
        %get3A_656 = tpu.memref_squeeze %get3A_655 : memref<1x128x128xf32, #tpu.memory_space<vmem>> -> memref<128x128xf32, #tpu.memory_space<vmem>>
        %get3A_657 = arith.index_cast %add3A_428 : i32 to index
        %get3A_658 = arith.constant 64 : index
        %get3A_659 = tpu.vector_load %get3A_656[%get3A_657, %get3A_658] {strides = array<i32>} : memref<128x128xf32, #tpu.memory_space<vmem>>, vector<1x16xf32>,
        %get3A_660 = vector.shape_cast %get3A_659 : vector<1x16xf32> to vector<16xf32>
        %add3A_661 = arith.addf %get3A_647, %get3A_660 : vector<16xf32>
        %shift_left3A_662 = arith.shli %get3A_634, %broadcast_in_dim3A_382 : vector<16xi32>
        %bitcast_convert_type3A_663 = tpu.bitcast %shift_left3A_662 : vector<16xi32> -> vector<16xf32>
        %add3A_664 = arith.addf %add3A_661, %bitcast_convert_type3A_663 : vector<16xf32>
        %max3A_665 = arith.constant 0.000000e+00 : f32
        %max3A_666 = vector.broadcast %max3A_665 : f32 to vector<16xf32>
        %max3A_667 = arith.maximumf %add3A_664, %max3A_666 : vector<16xf32>
        %swap3A_668 = arith.constant 0 : i32
        %swap3A_669 = arith.constant 0 : i32
        %swap3A_670 = arith.constant 0 : i32
        %swap3A_671 = tpu.memref_slice %arg7[%scan3A_384, %swap3A_668, %swap3A_669, %swap3A_670] : memref<2x2x128x128xf32, #tpu.memory_space<vmem>> -> memref<1x2x128x128xf32, #tpu.memory_space<vmem>>
        %swap3A_672 = tpu.memref_squeeze %swap3A_671 : memref<1x2x128x128xf32, #tpu.memory_space<vmem>> -> memref<2x128x128xf32, #tpu.memory_space<vmem>>
        %swap3A_673 = arith.constant 0 : i32
        %swap3A_674 = arith.constant 0 : i32
        %swap3A_675 = tpu.memref_slice %swap3A_672[%scan3A_385, %swap3A_673, %swap3A_674] : memref<2x128x128xf32, #tpu.memory_space<vmem>> -> memref<1x128x128xf32, #tpu.memory_space<vmem>>
        %swap3A_676 = tpu.memref_squeeze %swap3A_675 : memref<1x128x128xf32, #tpu.memory_space<vmem>> -> memref<128x128xf32, #tpu.memory_space<vmem>>
        %swap3A_677 = arith.index_cast %add3A_428 : i32 to index
        %swap3A_678 = arith.constant 64 : index
        %swap3A_679 = tpu.vector_load %swap3A_676[%swap3A_677, %swap3A_678] {strides = array<i32>} : memref<128x128xf32, #tpu.memory_space<vmem>>, vector<1x16xf32>,
        %swap3A_680 = vector.shape_cast %swap3A_679 : vector<1x16xf32> to vector<16xf32>
        %swap3A_681 = vector.shape_cast %max3A_667 : vector<16xf32> to vector<1x16xf32>
        tpu.vector_store %swap3A_676[%swap3A_677, %swap3A_678], %swap3A_681 {strides = array<i32>} : memref<128x128xf32, #tpu.memory_space<vmem>>, vector<1x16xf32>,
        %get3A_682 = arith.constant 0 : i32
        %get3A_683 = arith.constant 0 : i32
        %get3A_684 = arith.constant 0 : i32
        %get3A_685 = tpu.memref_slice %arg7[%scan3A_384, %get3A_682, %get3A_683, %get3A_684] : memref<2x2x128x128xf32, #tpu.memory_space<vmem>> -> memref<1x2x128x128xf32, #tpu.memory_space<vmem>>
        %get3A_686 = tpu.memref_squeeze %get3A_685 : memref<1x2x128x128xf32, #tpu.memory_space<vmem>> -> memref<2x128x128xf32, #tpu.memory_space<vmem>>
        %get3A_687 = arith.constant 0 : i32
        %get3A_688 = arith.constant 0 : i32
        %get3A_689 = tpu.memref_slice %get3A_686[%scan3A_385, %get3A_687, %get3A_688] : memref<2x128x128xf32, #tpu.memory_space<vmem>> -> memref<1x128x128xf32, #tpu.memory_space<vmem>>
        %get3A_690 = tpu.memref_squeeze %get3A_689 : memref<1x128x128xf32, #tpu.memory_space<vmem>> -> memref<128x128xf32, #tpu.memory_space<vmem>>
        %get3A_691 = arith.index_cast %add3A_428 : i32 to index
        %get3A_692 = arith.constant 80 : index
        %get3A_693 = tpu.vector_load %get3A_690[%get3A_691, %get3A_692] {strides = array<i32>} : memref<128x128xf32, #tpu.memory_space<vmem>>, vector<1x16xf32>,
        %get3A_694 = vector.shape_cast %get3A_693 : vector<1x16xf32> to vector<16xf32>
        %get3A_695 = arith.constant 0 : i32
        %get3A_696 = arith.constant 0 : i32
        %get3A_697 = arith.constant 0 : i32
        %get3A_698 = tpu.memref_slice %arg7[%scan3A_386, %get3A_695, %get3A_696, %get3A_697] : memref<2x2x128x128xf32, #tpu.memory_space<vmem>> -> memref<1x2x128x128xf32, #tpu.memory_space<vmem>>
        %get3A_699 = tpu.memref_squeeze %get3A_698 : memref<1x2x128x128xf32, #tpu.memory_space<vmem>> -> memref<2x128x128xf32, #tpu.memory_space<vmem>>
        %get3A_700 = arith.constant 0 : i32
        %get3A_701 = arith.constant 0 : i32
        %get3A_702 = tpu.memref_slice %get3A_699[%scan3A_387, %get3A_700, %get3A_701] : memref<2x128x128xf32, #tpu.memory_space<vmem>> -> memref<1x128x128xf32, #tpu.memory_space<vmem>>
        %get3A_703 = tpu.memref_squeeze %get3A_702 : memref<1x128x128xf32, #tpu.memory_space<vmem>> -> memref<128x128xf32, #tpu.memory_space<vmem>>
        %get3A_704 = arith.index_cast %add3A_428 : i32 to index
        %get3A_705 = arith.constant 80 : index
        %get3A_706 = tpu.vector_load %get3A_703[%get3A_704, %get3A_705] {strides = array<i32>} : memref<128x128xf32, #tpu.memory_space<vmem>>, vector<1x16xf32>,
        %get3A_707 = vector.shape_cast %get3A_706 : vector<1x16xf32> to vector<16xf32>
        %add3A_708 = arith.addf %get3A_694, %get3A_707 : vector<16xf32>
        %and3A_709 = arith.andi %get3A_634, %broadcast_in_dim3A_380 : vector<16xi32>
        %bitcast_convert_type3A_710 = tpu.bitcast %and3A_709 : vector<16xi32> -> vector<16xf32>
        %add3A_711 = arith.addf %add3A_708, %bitcast_convert_type3A_710 : vector<16xf32>
        %max3A_712 = arith.constant 0.000000e+00 : f32
        %max3A_713 = vector.broadcast %max3A_712 : f32 to vector<16xf32>
        %max3A_714 = arith.maximumf %add3A_711, %max3A_713 : vector<16xf32>
        %swap3A_715 = arith.constant 0 : i32
        %swap3A_716 = arith.constant 0 : i32
        %swap3A_717 = arith.constant 0 : i32
        %swap3A_718 = tpu.memref_slice %arg7[%scan3A_384, %swap3A_715, %swap3A_716, %swap3A_717] : memref<2x2x128x128xf32, #tpu.memory_space<vmem>> -> memref<1x2x128x128xf32, #tpu.memory_space<vmem>>
        %swap3A_719 = tpu.memref_squeeze %swap3A_718 : memref<1x2x128x128xf32, #tpu.memory_space<vmem>> -> memref<2x128x128xf32, #tpu.memory_space<vmem>>
        %swap3A_720 = arith.constant 0 : i32
        %swap3A_721 = arith.constant 0 : i32
        %swap3A_722 = tpu.memref_slice %swap3A_719[%scan3A_385, %swap3A_720, %swap3A_721] : memref<2x128x128xf32, #tpu.memory_space<vmem>> -> memref<1x128x128xf32, #tpu.memory_space<vmem>>
        %swap3A_723 = tpu.memref_squeeze %swap3A_722 : memref<1x128x128xf32, #tpu.memory_space<vmem>> -> memref<128x128xf32, #tpu.memory_space<vmem>>
        %swap3A_724 = arith.index_cast %add3A_428 : i32 to index
        %swap3A_725 = arith.constant 80 : index
        %swap3A_726 = tpu.vector_load %swap3A_723[%swap3A_724, %swap3A_725] {strides = array<i32>} : memref<128x128xf32, #tpu.memory_space<vmem>>, vector<1x16xf32>,
        %swap3A_727 = vector.shape_cast %swap3A_726 : vector<1x16xf32> to vector<16xf32>
        %swap3A_728 = vector.shape_cast %max3A_714 : vector<16xf32> to vector<1x16xf32>
        tpu.vector_store %swap3A_723[%swap3A_724, %swap3A_725], %swap3A_728 {strides = array<i32>} : memref<128x128xf32, #tpu.memory_space<vmem>>, vector<1x16xf32>,
        %get3A_729 = arith.constant 0 : i32
        %get3A_730 = arith.constant 0 : i32
        %get3A_731 = tpu.memref_slice %arg8[%scan3A_383, %get3A_729, %get3A_730] : memref<2x128x64xi32, #tpu.memory_space<vmem>> -> memref<1x128x64xi32, #tpu.memory_space<vmem>>
        %get3A_732 = tpu.memref_squeeze %get3A_731 : memref<1x128x64xi32, #tpu.memory_space<vmem>> -> memref<128x64xi32, #tpu.memory_space<vmem>>
        %get3A_733 = arith.index_cast %add3A_428 : i32 to index
        %get3A_734 = arith.constant 48 : index
        %get3A_735 = tpu.vector_load %get3A_732[%get3A_733, %get3A_734] {strides = array<i32>} : memref<128x64xi32, #tpu.memory_space<vmem>>, vector<1x16xi32>,
        %get3A_736 = vector.shape_cast %get3A_735 : vector<1x16xi32> to vector<16xi32>
        %get3A_737 = arith.constant 0 : i32
        %get3A_738 = arith.constant 0 : i32
        %get3A_739 = arith.constant 0 : i32
        %get3A_740 = tpu.memref_slice %arg7[%scan3A_384, %get3A_737, %get3A_738, %get3A_739] : memref<2x2x128x128xf32, #tpu.memory_space<vmem>> -> memref<1x2x128x128xf32, #tpu.memory_space<vmem>>
        %get3A_741 = tpu.memref_squeeze %get3A_740 : memref<1x2x128x128xf32, #tpu.memory_space<vmem>> -> memref<2x128x128xf32, #tpu.memory_space<vmem>>
        %get3A_742 = arith.constant 0 : i32
        %get3A_743 = arith.constant 0 : i32
        %get3A_744 = tpu.memref_slice %get3A_741[%scan3A_385, %get3A_742, %get3A_743] : memref<2x128x128xf32, #tpu.memory_space<vmem>> -> memref<1x128x128xf32, #tpu.memory_space<vmem>>
        %get3A_745 = tpu.memref_squeeze %get3A_744 : memref<1x128x128xf32, #tpu.memory_space<vmem>> -> memref<128x128xf32, #tpu.memory_space<vmem>>
        %get3A_746 = arith.index_cast %add3A_428 : i32 to index
        %get3A_747 = arith.constant 96 : index
        %get3A_748 = tpu.vector_load %get3A_745[%get3A_746, %get3A_747] {strides = array<i32>} : memref<128x128xf32, #tpu.memory_space<vmem>>, vector<1x16xf32>,
        %get3A_749 = vector.shape_cast %get3A_748 : vector<1x16xf32> to vector<16xf32>
        %get3A_750 = arith.constant 0 : i32
        %get3A_751 = arith.constant 0 : i32
        %get3A_752 = arith.constant 0 : i32
        %get3A_753 = tpu.memref_slice %arg7[%scan3A_386, %get3A_750, %get3A_751, %get3A_752] : memref<2x2x128x128xf32, #tpu.memory_space<vmem>> -> memref<1x2x128x128xf32, #tpu.memory_space<vmem>>
        %get3A_754 = tpu.memref_squeeze %get3A_753 : memref<1x2x128x128xf32, #tpu.memory_space<vmem>> -> memref<2x128x128xf32, #tpu.memory_space<vmem>>
        %get3A_755 = arith.constant 0 : i32
        %get3A_756 = arith.constant 0 : i32
        %get3A_757 = tpu.memref_slice %get3A_754[%scan3A_387, %get3A_755, %get3A_756] : memref<2x128x128xf32, #tpu.memory_space<vmem>> -> memref<1x128x128xf32, #tpu.memory_space<vmem>>
        %get3A_758 = tpu.memref_squeeze %get3A_757 : memref<1x128x128xf32, #tpu.memory_space<vmem>> -> memref<128x128xf32, #tpu.memory_space<vmem>>
        %get3A_759 = arith.index_cast %add3A_428 : i32 to index
        %get3A_760 = arith.constant 96 : index
        %get3A_761 = tpu.vector_load %get3A_758[%get3A_759, %get3A_760] {strides = array<i32>} : memref<128x128xf32, #tpu.memory_space<vmem>>, vector<1x16xf32>,
        %get3A_762 = vector.shape_cast %get3A_761 : vector<1x16xf32> to vector<16xf32>
        %add3A_763 = arith.addf %get3A_749, %get3A_762 : vector<16xf32>
        %shift_left3A_764 = arith.shli %get3A_736, %broadcast_in_dim3A_382 : vector<16xi32>
        %bitcast_convert_type3A_765 = tpu.bitcast %shift_left3A_764 : vector<16xi32> -> vector<16xf32>
        %add3A_766 = arith.addf %add3A_763, %bitcast_convert_type3A_765 : vector<16xf32>
        %max3A_767 = arith.constant 0.000000e+00 : f32
        %max3A_768 = vector.broadcast %max3A_767 : f32 to vector<16xf32>
        %max3A_769 = arith.maximumf %add3A_766, %max3A_768 : vector<16xf32>
        %swap3A_770 = arith.constant 0 : i32
        %swap3A_771 = arith.constant 0 : i32
        %swap3A_772 = arith.constant 0 : i32
        %swap3A_773 = tpu.memref_slice %arg7[%scan3A_384, %swap3A_770, %swap3A_771, %swap3A_772] : memref<2x2x128x128xf32, #tpu.memory_space<vmem>> -> memref<1x2x128x128xf32, #tpu.memory_space<vmem>>
        %swap3A_774 = tpu.memref_squeeze %swap3A_773 : memref<1x2x128x128xf32, #tpu.memory_space<vmem>> -> memref<2x128x128xf32, #tpu.memory_space<vmem>>
        %swap3A_775 = arith.constant 0 : i32
        %swap3A_776 = arith.constant 0 : i32
        %swap3A_777 = tpu.memref_slice %swap3A_774[%scan3A_385, %swap3A_775, %swap3A_776] : memref<2x128x128xf32, #tpu.memory_space<vmem>> -> memref<1x128x128xf32, #tpu.memory_space<vmem>>
        %swap3A_778 = tpu.memref_squeeze %swap3A_777 : memref<1x128x128xf32, #tpu.memory_space<vmem>> -> memref<128x128xf32, #tpu.memory_space<vmem>>
        %swap3A_779 = arith.index_cast %add3A_428 : i32 to index
        %swap3A_780 = arith.constant 96 : index
        %swap3A_781 = tpu.vector_load %swap3A_778[%swap3A_779, %swap3A_780] {strides = array<i32>} : memref<128x128xf32, #tpu.memory_space<vmem>>, vector<1x16xf32>,
        %swap3A_782 = vector.shape_cast %swap3A_781 : vector<1x16xf32> to vector<16xf32>
        %swap3A_783 = vector.shape_cast %max3A_769 : vector<16xf32> to vector<1x16xf32>
        tpu.vector_store %swap3A_778[%swap3A_779, %swap3A_780], %swap3A_783 {strides = array<i32>} : memref<128x128xf32, #tpu.memory_space<vmem>>, vector<1x16xf32>,
        %get3A_784 = arith.constant 0 : i32
        %get3A_785 = arith.constant 0 : i32
        %get3A_786 = arith.constant 0 : i32
        %get3A_787 = tpu.memref_slice %arg7[%scan3A_384, %get3A_784, %get3A_785, %get3A_786] : memref<2x2x128x128xf32, #tpu.memory_space<vmem>> -> memref<1x2x128x128xf32, #tpu.memory_space<vmem>>
        %get3A_788 = tpu.memref_squeeze %get3A_787 : memref<1x2x128x128xf32, #tpu.memory_space<vmem>> -> memref<2x128x128xf32, #tpu.memory_space<vmem>>
        %get3A_789 = arith.constant 0 : i32
        %get3A_790 = arith.constant 0 : i32
        %get3A_791 = tpu.memref_slice %get3A_788[%scan3A_385, %get3A_789, %get3A_790] : memref<2x128x128xf32, #tpu.memory_space<vmem>> -> memref<1x128x128xf32, #tpu.memory_space<vmem>>
        %get3A_792 = tpu.memref_squeeze %get3A_791 : memref<1x128x128xf32, #tpu.memory_space<vmem>> -> memref<128x128xf32, #tpu.memory_space<vmem>>
        %get3A_793 = arith.index_cast %add3A_428 : i32 to index
        %get3A_794 = arith.constant 112 : index
        %get3A_795 = tpu.vector_load %get3A_792[%get3A_793, %get3A_794] {strides = array<i32>} : memref<128x128xf32, #tpu.memory_space<vmem>>, vector<1x16xf32>,
        %get3A_796 = vector.shape_cast %get3A_795 : vector<1x16xf32> to vector<16xf32>
        %get3A_797 = arith.constant 0 : i32
        %get3A_798 = arith.constant 0 : i32
        %get3A_799 = arith.constant 0 : i32
        %get3A_800 = tpu.memref_slice %arg7[%scan3A_386, %get3A_797, %get3A_798, %get3A_799] : memref<2x2x128x128xf32, #tpu.memory_space<vmem>> -> memref<1x2x128x128xf32, #tpu.memory_space<vmem>>
        %get3A_801 = tpu.memref_squeeze %get3A_800 : memref<1x2x128x128xf32, #tpu.memory_space<vmem>> -> memref<2x128x128xf32, #tpu.memory_space<vmem>>
        %get3A_802 = arith.constant 0 : i32
        %get3A_803 = arith.constant 0 : i32
        %get3A_804 = tpu.memref_slice %get3A_801[%scan3A_387, %get3A_802, %get3A_803] : memref<2x128x128xf32, #tpu.memory_space<vmem>> -> memref<1x128x128xf32, #tpu.memory_space<vmem>>
        %get3A_805 = tpu.memref_squeeze %get3A_804 : memref<1x128x128xf32, #tpu.memory_space<vmem>> -> memref<128x128xf32, #tpu.memory_space<vmem>>
        %get3A_806 = arith.index_cast %add3A_428 : i32 to index
        %get3A_807 = arith.constant 112 : index
        %get3A_808 = tpu.vector_load %get3A_805[%get3A_806, %get3A_807] {strides = array<i32>} : memref<128x128xf32, #tpu.memory_space<vmem>>, vector<1x16xf32>,
        %get3A_809 = vector.shape_cast %get3A_808 : vector<1x16xf32> to vector<16xf32>
        %add3A_810 = arith.addf %get3A_796, %get3A_809 : vector<16xf32>
        %and3A_811 = arith.andi %get3A_736, %broadcast_in_dim3A_380 : vector<16xi32>
        %bitcast_convert_type3A_812 = tpu.bitcast %and3A_811 : vector<16xi32> -> vector<16xf32>
        %add3A_813 = arith.addf %add3A_810, %bitcast_convert_type3A_812 : vector<16xf32>
        %max3A_814 = arith.constant 0.000000e+00 : f32
        %max3A_815 = vector.broadcast %max3A_814 : f32 to vector<16xf32>
        %max3A_816 = arith.maximumf %add3A_813, %max3A_815 : vector<16xf32>
        %swap3A_817 = arith.constant 0 : i32
        %swap3A_818 = arith.constant 0 : i32
        %swap3A_819 = arith.constant 0 : i32
        %swap3A_820 = tpu.memref_slice %arg7[%scan3A_384, %swap3A_817, %swap3A_818, %swap3A_819] : memref<2x2x128x128xf32, #tpu.memory_space<vmem>> -> memref<1x2x128x128xf32, #tpu.memory_space<vmem>>
        %swap3A_821 = tpu.memref_squeeze %swap3A_820 : memref<1x2x128x128xf32, #tpu.memory_space<vmem>> -> memref<2x128x128xf32, #tpu.memory_space<vmem>>
        %swap3A_822 = arith.constant 0 : i32
        %swap3A_823 = arith.constant 0 : i32
        %swap3A_824 = tpu.memref_slice %swap3A_821[%scan3A_385, %swap3A_822, %swap3A_823] : memref<2x128x128xf32, #tpu.memory_space<vmem>> -> memref<1x128x128xf32, #tpu.memory_space<vmem>>
        %swap3A_825 = tpu.memref_squeeze %swap3A_824 : memref<1x128x128xf32, #tpu.memory_space<vmem>> -> memref<128x128xf32, #tpu.memory_space<vmem>>
        %swap3A_826 = arith.index_cast %add3A_428 : i32 to index
        %swap3A_827 = arith.constant 112 : index
        %swap3A_828 = tpu.vector_load %swap3A_825[%swap3A_826, %swap3A_827] {strides = array<i32>} : memref<128x128xf32, #tpu.memory_space<vmem>>, vector<1x16xf32>,
        %swap3A_829 = vector.shape_cast %swap3A_828 : vector<1x16xf32> to vector<16xf32>
        %swap3A_830 = vector.shape_cast %max3A_816 : vector<16xf32> to vector<1x16xf32>
        tpu.vector_store %swap3A_825[%swap3A_826, %swap3A_827], %swap3A_830 {strides = array<i32>} : memref<128x128xf32, #tpu.memory_space<vmem>>, vector<1x16xf32>,
        %scan3A_831 = arith.constant 1 : i32
        %scan3A_832 = arith.addi %scan3A_424, %scan3A_831 : i32
        %mul3A_833 = arith.constant 1 : i32
        %mul3A_834 = arith.muli %scan3A_832, %mul3A_833 : i32
        %add3A_835 = arith.constant 0 : i32
        %add3A_836 = arith.addi %add3A_835, %mul3A_834 : i32
        %get3A_837 = arith.constant 0 : i32
        %get3A_838 = arith.constant 0 : i32
        %get3A_839 = tpu.memref_slice %arg8[%scan3A_383, %get3A_837, %get3A_838] : memref<2x128x64xi32, #tpu.memory_space<vmem>> -> memref<1x128x64xi32, #tpu.memory_space<vmem>>
        %get3A_840 = tpu.memref_squeeze %get3A_839 : memref<1x128x64xi32, #tpu.memory_space<vmem>> -> memref<128x64xi32, #tpu.memory_space<vmem>>
        %get3A_841 = arith.index_cast %add3A_836 : i32 to index
        %get3A_842 = arith.constant 0 : index
        %get3A_843 = tpu.vector_load %get3A_840[%get3A_841, %get3A_842] {strides = array<i32>} : memref<128x64xi32, #tpu.memory_space<vmem>>, vector<1x16xi32>,
        %get3A_844 = vector.shape_cast %get3A_843 : vector<1x16xi32> to vector<16xi32>
        %get3A_845 = arith.constant 0 : i32
        %get3A_846 = arith.constant 0 : i32
        %get3A_847 = arith.constant 0 : i32
        %get3A_848 = tpu.memref_slice %arg7[%scan3A_384, %get3A_845, %get3A_846, %get3A_847] : memref<2x2x128x128xf32, #tpu.memory_space<vmem>> -> memref<1x2x128x128xf32, #tpu.memory_space<vmem>>
        %get3A_849 = tpu.memref_squeeze %get3A_848 : memref<1x2x128x128xf32, #tpu.memory_space<vmem>> -> memref<2x128x128xf32, #tpu.memory_space<vmem>>
        %get3A_850 = arith.constant 0 : i32
        %get3A_851 = arith.constant 0 : i32
        %get3A_852 = tpu.memref_slice %get3A_849[%scan3A_385, %get3A_850, %get3A_851] : memref<2x128x128xf32, #tpu.memory_space<vmem>> -> memref<1x128x128xf32, #tpu.memory_space<vmem>>
        %get3A_853 = tpu.memref_squeeze %get3A_852 : memref<1x128x128xf32, #tpu.memory_space<vmem>> -> memref<128x128xf32, #tpu.memory_space<vmem>>
        %get3A_854 = arith.index_cast %add3A_836 : i32 to index
        %get3A_855 = arith.constant 0 : index
        %get3A_856 = tpu.vector_load %get3A_853[%get3A_854, %get3A_855] {strides = array<i32>} : memref<128x128xf32, #tpu.memory_space<vmem>>, vector<1x16xf32>,
        %get3A_857 = vector.shape_cast %get3A_856 : vector<1x16xf32> to vector<16xf32>
        %get3A_858 = arith.constant 0 : i32
        %get3A_859 = arith.constant 0 : i32
        %get3A_860 = arith.constant 0 : i32
        %get3A_861 = tpu.memref_slice %arg7[%scan3A_386, %get3A_858, %get3A_859, %get3A_860] : memref<2x2x128x128xf32, #tpu.memory_space<vmem>> -> memref<1x2x128x128xf32, #tpu.memory_space<vmem>>
        %get3A_862 = tpu.memref_squeeze %get3A_861 : memref<1x2x128x128xf32, #tpu.memory_space<vmem>> -> memref<2x128x128xf32, #tpu.memory_space<vmem>>
        %get3A_863 = arith.constant 0 : i32
        %get3A_864 = arith.constant 0 : i32
        %get3A_865 = tpu.memref_slice %get3A_862[%scan3A_387, %get3A_863, %get3A_864] : memref<2x128x128xf32, #tpu.memory_space<vmem>> -> memref<1x128x128xf32, #tpu.memory_space<vmem>>
        %get3A_866 = tpu.memref_squeeze %get3A_865 : memref<1x128x128xf32, #tpu.memory_space<vmem>> -> memref<128x128xf32, #tpu.memory_space<vmem>>
        %get3A_867 = arith.index_cast %add3A_836 : i32 to index
        %get3A_868 = arith.constant 0 : index
        %get3A_869 = tpu.vector_load %get3A_866[%get3A_867, %get3A_868] {strides = array<i32>} : memref<128x128xf32, #tpu.memory_space<vmem>>, vector<1x16xf32>,
        %get3A_870 = vector.shape_cast %get3A_869 : vector<1x16xf32> to vector<16xf32>
        %add3A_871 = arith.addf %get3A_857, %get3A_870 : vector<16xf32>
        %shift_left3A_872 = arith.shli %get3A_844, %broadcast_in_dim3A_382 : vector<16xi32>
        %bitcast_convert_type3A_873 = tpu.bitcast %shift_left3A_872 : vector<16xi32> -> vector<16xf32>
        %add3A_874 = arith.addf %add3A_871, %bitcast_convert_type3A_873 : vector<16xf32>
        %max3A_875 = arith.constant 0.000000e+00 : f32
        %max3A_876 = vector.broadcast %max3A_875 : f32 to vector<16xf32>
        %max3A_877 = arith.maximumf %add3A_874, %max3A_876 : vector<16xf32>
        %swap3A_878 = arith.constant 0 : i32
        %swap3A_879 = arith.constant 0 : i32
        %swap3A_880 = arith.constant 0 : i32
        %swap3A_881 = tpu.memref_slice %arg7[%scan3A_384, %swap3A_878, %swap3A_879, %swap3A_880] : memref<2x2x128x128xf32, #tpu.memory_space<vmem>> -> memref<1x2x128x128xf32, #tpu.memory_space<vmem>>
        %swap3A_882 = tpu.memref_squeeze %swap3A_881 : memref<1x2x128x128xf32, #tpu.memory_space<vmem>> -> memref<2x128x128xf32, #tpu.memory_space<vmem>>
        %swap3A_883 = arith.constant 0 : i32
        %swap3A_884 = arith.constant 0 : i32
        %swap3A_885 = tpu.memref_slice %swap3A_882[%scan3A_385, %swap3A_883, %swap3A_884] : memref<2x128x128xf32, #tpu.memory_space<vmem>> -> memref<1x128x128xf32, #tpu.memory_space<vmem>>
        %swap3A_886 = tpu.memref_squeeze %swap3A_885 : memref<1x128x128xf32, #tpu.memory_space<vmem>> -> memref<128x128xf32, #tpu.memory_space<vmem>>
        %swap3A_887 = arith.index_cast %add3A_836 : i32 to index
        %swap3A_888 = arith.constant 0 : index
        %swap3A_889 = tpu.vector_load %swap3A_886[%swap3A_887, %swap3A_888] {strides = array<i32>} : memref<128x128xf32, #tpu.memory_space<vmem>>, vector<1x16xf32>,
        %swap3A_890 = vector.shape_cast %swap3A_889 : vector<1x16xf32> to vector<16xf32>
        %swap3A_891 = vector.shape_cast %max3A_877 : vector<16xf32> to vector<1x16xf32>
        tpu.vector_store %swap3A_886[%swap3A_887, %swap3A_888], %swap3A_891 {strides = array<i32>} : memref<128x128xf32, #tpu.memory_space<vmem>>, vector<1x16xf32>,
        %get3A_892 = arith.constant 0 : i32
        %get3A_893 = arith.constant 0 : i32
        %get3A_894 = arith.constant 0 : i32
        %get3A_895 = tpu.memref_slice %arg7[%scan3A_384, %get3A_892, %get3A_893, %get3A_894] : memref<2x2x128x128xf32, #tpu.memory_space<vmem>> -> memref<1x2x128x128xf32, #tpu.memory_space<vmem>>
        %get3A_896 = tpu.memref_squeeze %get3A_895 : memref<1x2x128x128xf32, #tpu.memory_space<vmem>> -> memref<2x128x128xf32, #tpu.memory_space<vmem>>
        %get3A_897 = arith.constant 0 : i32
        %get3A_898 = arith.constant 0 : i32
        %get3A_899 = tpu.memref_slice %get3A_896[%scan3A_385, %get3A_897, %get3A_898] : memref<2x128x128xf32, #tpu.memory_space<vmem>> -> memref<1x128x128xf32, #tpu.memory_space<vmem>>
        %get3A_900 = tpu.memref_squeeze %get3A_899 : memref<1x128x128xf32, #tpu.memory_space<vmem>> -> memref<128x128xf32, #tpu.memory_space<vmem>>
        %get3A_901 = arith.index_cast %add3A_836 : i32 to index
        %get3A_902 = arith.constant 16 : index
        %get3A_903 = tpu.vector_load %get3A_900[%get3A_901, %get3A_902] {strides = array<i32>} : memref<128x128xf32, #tpu.memory_space<vmem>>, vector<1x16xf32>,
        %get3A_904 = vector.shape_cast %get3A_903 : vector<1x16xf32> to vector<16xf32>
        %get3A_905 = arith.constant 0 : i32
        %get3A_906 = arith.constant 0 : i32
        %get3A_907 = arith.constant 0 : i32
        %get3A_908 = tpu.memref_slice %arg7[%scan3A_386, %get3A_905, %get3A_906, %get3A_907] : memref<2x2x128x128xf32, #tpu.memory_space<vmem>> -> memref<1x2x128x128xf32, #tpu.memory_space<vmem>>
        %get3A_909 = tpu.memref_squeeze %get3A_908 : memref<1x2x128x128xf32, #tpu.memory_space<vmem>> -> memref<2x128x128xf32, #tpu.memory_space<vmem>>
        %get3A_910 = arith.constant 0 : i32
        %get3A_911 = arith.constant 0 : i32
        %get3A_912 = tpu.memref_slice %get3A_909[%scan3A_387, %get3A_910, %get3A_911] : memref<2x128x128xf32, #tpu.memory_space<vmem>> -> memref<1x128x128xf32, #tpu.memory_space<vmem>>
        %get3A_913 = tpu.memref_squeeze %get3A_912 : memref<1x128x128xf32, #tpu.memory_space<vmem>> -> memref<128x128xf32, #tpu.memory_space<vmem>>
        %get3A_914 = arith.index_cast %add3A_836 : i32 to index
        %get3A_915 = arith.constant 16 : index
        %get3A_916 = tpu.vector_load %get3A_913[%get3A_914, %get3A_915] {strides = array<i32>} : memref<128x128xf32, #tpu.memory_space<vmem>>, vector<1x16xf32>,
        %get3A_917 = vector.shape_cast %get3A_916 : vector<1x16xf32> to vector<16xf32>
        %add3A_918 = arith.addf %get3A_904, %get3A_917 : vector<16xf32>
        %and3A_919 = arith.andi %get3A_844, %broadcast_in_dim3A_380 : vector<16xi32>
        %bitcast_convert_type3A_920 = tpu.bitcast %and3A_919 : vector<16xi32> -> vector<16xf32>
        %add3A_921 = arith.addf %add3A_918, %bitcast_convert_type3A_920 : vector<16xf32>
        %max3A_922 = arith.constant 0.000000e+00 : f32
        %max3A_923 = vector.broadcast %max3A_922 : f32 to vector<16xf32>
        %max3A_924 = arith.maximumf %add3A_921, %max3A_923 : vector<16xf32>
        %swap3A_925 = arith.constant 0 : i32
        %swap3A_926 = arith.constant 0 : i32
        %swap3A_927 = arith.constant 0 : i32
        %swap3A_928 = tpu.memref_slice %arg7[%scan3A_384, %swap3A_925, %swap3A_926, %swap3A_927] : memref<2x2x128x128xf32, #tpu.memory_space<vmem>> -> memref<1x2x128x128xf32, #tpu.memory_space<vmem>>
        %swap3A_929 = tpu.memref_squeeze %swap3A_928 : memref<1x2x128x128xf32, #tpu.memory_space<vmem>> -> memref<2x128x128xf32, #tpu.memory_space<vmem>>
        %swap3A_930 = arith.constant 0 : i32
        %swap3A_931 = arith.constant 0 : i32
        %swap3A_932 = tpu.memref_slice %swap3A_929[%scan3A_385, %swap3A_930, %swap3A_931] : memref<2x128x128xf32, #tpu.memory_space<vmem>> -> memref<1x128x128xf32, #tpu.memory_space<vmem>>
        %swap3A_933 = tpu.memref_squeeze %swap3A_932 : memref<1x128x128xf32, #tpu.memory_space<vmem>> -> memref<128x128xf32, #tpu.memory_space<vmem>>
        %swap3A_934 = arith.index_cast %add3A_836 : i32 to index
        %swap3A_935 = arith.constant 16 : index
        %swap3A_936 = tpu.vector_load %swap3A_933[%swap3A_934, %swap3A_935] {strides = array<i32>} : memref<128x128xf32, #tpu.memory_space<vmem>>, vector<1x16xf32>,
        %swap3A_937 = vector.shape_cast %swap3A_936 : vector<1x16xf32> to vector<16xf32>
        %swap3A_938 = vector.shape_cast %max3A_924 : vector<16xf32> to vector<1x16xf32>
        tpu.vector_store %swap3A_933[%swap3A_934, %swap3A_935], %swap3A_938 {strides = array<i32>} : memref<128x128xf32, #tpu.memory_space<vmem>>, vector<1x16xf32>,
        %get3A_939 = arith.constant 0 : i32
        %get3A_940 = arith.constant 0 : i32
        %get3A_941 = tpu.memref_slice %arg8[%scan3A_383, %get3A_939, %get3A_940] : memref<2x128x64xi32, #tpu.memory_space<vmem>> -> memref<1x128x64xi32, #tpu.memory_space<vmem>>
        %get3A_942 = tpu.memref_squeeze %get3A_941 : memref<1x128x64xi32, #tpu.memory_space<vmem>> -> memref<128x64xi32, #tpu.memory_space<vmem>>
        %get3A_943 = arith.index_cast %add3A_836 : i32 to index
        %get3A_944 = arith.constant 16 : index
        %get3A_945 = tpu.vector_load %get3A_942[%get3A_943, %get3A_944] {strides = array<i32>} : memref<128x64xi32, #tpu.memory_space<vmem>>, vector<1x16xi32>,
        %get3A_946 = vector.shape_cast %get3A_945 : vector<1x16xi32> to vector<16xi32>
        %get3A_947 = arith.constant 0 : i32
        %get3A_948 = arith.constant 0 : i32
        %get3A_949 = arith.constant 0 : i32
        %get3A_950 = tpu.memref_slice %arg7[%scan3A_384, %get3A_947, %get3A_948, %get3A_949] : memref<2x2x128x128xf32, #tpu.memory_space<vmem>> -> memref<1x2x128x128xf32, #tpu.memory_space<vmem>>
        %get3A_951 = tpu.memref_squeeze %get3A_950 : memref<1x2x128x128xf32, #tpu.memory_space<vmem>> -> memref<2x128x128xf32, #tpu.memory_space<vmem>>
        %get3A_952 = arith.constant 0 : i32
        %get3A_953 = arith.constant 0 : i32
        %get3A_954 = tpu.memref_slice %get3A_951[%scan3A_385, %get3A_952, %get3A_953] : memref<2x128x128xf32, #tpu.memory_space<vmem>> -> memref<1x128x128xf32, #tpu.memory_space<vmem>>
        %get3A_955 = tpu.memref_squeeze %get3A_954 : memref<1x128x128xf32, #tpu.memory_space<vmem>> -> memref<128x128xf32, #tpu.memory_space<vmem>>
        %get3A_956 = arith.index_cast %add3A_836 : i32 to index
        %get3A_957 = arith.constant 32 : index
        %get3A_958 = tpu.vector_load %get3A_955[%get3A_956, %get3A_957] {strides = array<i32>} : memref<128x128xf32, #tpu.memory_space<vmem>>, vector<1x16xf32>,
        %get3A_959 = vector.shape_cast %get3A_958 : vector<1x16xf32> to vector<16xf32>
        %get3A_960 = arith.constant 0 : i32
        %get3A_961 = arith.constant 0 : i32
        %get3A_962 = arith.constant 0 : i32
        %get3A_963 = tpu.memref_slice %arg7[%scan3A_386, %get3A_960, %get3A_961, %get3A_962] : memref<2x2x128x128xf32, #tpu.memory_space<vmem>> -> memref<1x2x128x128xf32, #tpu.memory_space<vmem>>
        %get3A_964 = tpu.memref_squeeze %get3A_963 : memref<1x2x128x128xf32, #tpu.memory_space<vmem>> -> memref<2x128x128xf32, #tpu.memory_space<vmem>>
        %get3A_965 = arith.constant 0 : i32
        %get3A_966 = arith.constant 0 : i32
        %get3A_967 = tpu.memref_slice %get3A_964[%scan3A_387, %get3A_965, %get3A_966] : memref<2x128x128xf32, #tpu.memory_space<vmem>> -> memref<1x128x128xf32, #tpu.memory_space<vmem>>
        %get3A_968 = tpu.memref_squeeze %get3A_967 : memref<1x128x128xf32, #tpu.memory_space<vmem>> -> memref<128x128xf32, #tpu.memory_space<vmem>>
        %get3A_969 = arith.index_cast %add3A_836 : i32 to index
        %get3A_970 = arith.constant 32 : index
        %get3A_971 = tpu.vector_load %get3A_968[%get3A_969, %get3A_970] {strides = array<i32>} : memref<128x128xf32, #tpu.memory_space<vmem>>, vector<1x16xf32>,
        %get3A_972 = vector.shape_cast %get3A_971 : vector<1x16xf32> to vector<16xf32>
        %add3A_973 = arith.addf %get3A_959, %get3A_972 : vector<16xf32>
        %shift_left3A_974 = arith.shli %get3A_946, %broadcast_in_dim3A_382 : vector<16xi32>
        %bitcast_convert_type3A_975 = tpu.bitcast %shift_left3A_974 : vector<16xi32> -> vector<16xf32>
        %add3A_976 = arith.addf %add3A_973, %bitcast_convert_type3A_975 : vector<16xf32>
        %max3A_977 = arith.constant 0.000000e+00 : f32
        %max3A_978 = vector.broadcast %max3A_977 : f32 to vector<16xf32>
        %max3A_979 = arith.maximumf %add3A_976, %max3A_978 : vector<16xf32>
        %swap3A_980 = arith.constant 0 : i32
        %swap3A_981 = arith.constant 0 : i32
        %swap3A_982 = arith.constant 0 : i32
        %swap3A_983 = tpu.memref_slice %arg7[%scan3A_384, %swap3A_980, %swap3A_981, %swap3A_982] : memref<2x2x128x128xf32, #tpu.memory_space<vmem>> -> memref<1x2x128x128xf32, #tpu.memory_space<vmem>>
        %swap3A_984 = tpu.memref_squeeze %swap3A_983 : memref<1x2x128x128xf32, #tpu.memory_space<vmem>> -> memref<2x128x128xf32, #tpu.memory_space<vmem>>
        %swap3A_985 = arith.constant 0 : i32
        %swap3A_986 = arith.constant 0 : i32
        %swap3A_987 = tpu.memref_slice %swap3A_984[%scan3A_385, %swap3A_985, %swap3A_986] : memref<2x128x128xf32, #tpu.memory_space<vmem>> -> memref<1x128x128xf32, #tpu.memory_space<vmem>>
        %swap3A_988 = tpu.memref_squeeze %swap3A_987 : memref<1x128x128xf32, #tpu.memory_space<vmem>> -> memref<128x128xf32, #tpu.memory_space<vmem>>
        %swap3A_989 = arith.index_cast %add3A_836 : i32 to index
        %swap3A_990 = arith.constant 32 : index
        %swap3A_991 = tpu.vector_load %swap3A_988[%swap3A_989, %swap3A_990] {strides = array<i32>} : memref<128x128xf32, #tpu.memory_space<vmem>>, vector<1x16xf32>,
        %swap3A_992 = vector.shape_cast %swap3A_991 : vector<1x16xf32> to vector<16xf32>
        %swap3A_993 = vector.shape_cast %max3A_979 : vector<16xf32> to vector<1x16xf32>
        tpu.vector_store %swap3A_988[%swap3A_989, %swap3A_990], %swap3A_993 {strides = array<i32>} : memref<128x128xf32, #tpu.memory_space<vmem>>, vector<1x16xf32>,
        %get3A_994 = arith.constant 0 : i32
        %get3A_995 = arith.constant 0 : i32
        %get3A_996 = arith.constant 0 : i32
        %get3A_997 = tpu.memref_slice %arg7[%scan3A_384, %get3A_994, %get3A_995, %get3A_996] : memref<2x2x128x128xf32, #tpu.memory_space<vmem>> -> memref<1x2x128x128xf32, #tpu.memory_space<vmem>>
        %get3A_998 = tpu.memref_squeeze %get3A_997 : memref<1x2x128x128xf32, #tpu.memory_space<vmem>> -> memref<2x128x128xf32, #tpu.memory_space<vmem>>
        %get3A_999 = arith.constant 0 : i32
        %get3A_1000 = arith.constant 0 : i32
        %get3A_1001 = tpu.memref_slice %get3A_998[%scan3A_385, %get3A_999, %get3A_1000] : memref<2x128x128xf32, #tpu.memory_space<vmem>> -> memref<1x128x128xf32, #tpu.memory_space<vmem>>
        %get3A_1002 = tpu.memref_squeeze %get3A_1001 : memref<1x128x128xf32, #tpu.memory_space<vmem>> -> memref<128x128xf32, #tpu.memory_space<vmem>>
        %get3A_1003 = arith.index_cast %add3A_836 : i32 to index
        %get3A_1004 = arith.constant 48 : index
        %get3A_1005 = tpu.vector_load %get3A_1002[%get3A_1003, %get3A_1004] {strides = array<i32>} : memref<128x128xf32, #tpu.memory_space<vmem>>, vector<1x16xf32>,
        %get3A_1006 = vector.shape_cast %get3A_1005 : vector<1x16xf32> to vector<16xf32>
        %get3A_1007 = arith.constant 0 : i32
        %get3A_1008 = arith.constant 0 : i32
        %get3A_1009 = arith.constant 0 : i32
        %get3A_1010 = tpu.memref_slice %arg7[%scan3A_386, %get3A_1007, %get3A_1008, %get3A_1009] : memref<2x2x128x128xf32, #tpu.memory_space<vmem>> -> memref<1x2x128x128xf32, #tpu.memory_space<vmem>>
        %get3A_1011 = tpu.memref_squeeze %get3A_1010 : memref<1x2x128x128xf32, #tpu.memory_space<vmem>> -> memref<2x128x128xf32, #tpu.memory_space<vmem>>
        %get3A_1012 = arith.constant 0 : i32
        %get3A_1013 = arith.constant 0 : i32
        %get3A_1014 = tpu.memref_slice %get3A_1011[%scan3A_387, %get3A_1012, %get3A_1013] : memref<2x128x128xf32, #tpu.memory_space<vmem>> -> memref<1x128x128xf32, #tpu.memory_space<vmem>>
        %get3A_1015 = tpu.memref_squeeze %get3A_1014 : memref<1x128x128xf32, #tpu.memory_space<vmem>> -> memref<128x128xf32, #tpu.memory_space<vmem>>
        %get3A_1016 = arith.index_cast %add3A_836 : i32 to index
        %get3A_1017 = arith.constant 48 : index
        %get3A_1018 = tpu.vector_load %get3A_1015[%get3A_1016, %get3A_1017] {strides = array<i32>} : memref<128x128xf32, #tpu.memory_space<vmem>>, vector<1x16xf32>,
        %get3A_1019 = vector.shape_cast %get3A_1018 : vector<1x16xf32> to vector<16xf32>
        %add3A_1020 = arith.addf %get3A_1006, %get3A_1019 : vector<16xf32>
        %and3A_1021 = arith.andi %get3A_946, %broadcast_in_dim3A_380 : vector<16xi32>
        %bitcast_convert_type3A_1022 = tpu.bitcast %and3A_1021 : vector<16xi32> -> vector<16xf32>
        %add3A_1023 = arith.addf %add3A_1020, %bitcast_convert_type3A_1022 : vector<16xf32>
        %max3A_1024 = arith.constant 0.000000e+00 : f32
        %max3A_1025 = vector.broadcast %max3A_1024 : f32 to vector<16xf32>
        %max3A_1026 = arith.maximumf %add3A_1023, %max3A_1025 : vector<16xf32>
        %swap3A_1027 = arith.constant 0 : i32
        %swap3A_1028 = arith.constant 0 : i32
        %swap3A_1029 = arith.constant 0 : i32
        %swap3A_1030 = tpu.memref_slice %arg7[%scan3A_384, %swap3A_1027, %swap3A_1028, %swap3A_1029] : memref<2x2x128x128xf32, #tpu.memory_space<vmem>> -> memref<1x2x128x128xf32, #tpu.memory_space<vmem>>
        %swap3A_1031 = tpu.memref_squeeze %swap3A_1030 : memref<1x2x128x128xf32, #tpu.memory_space<vmem>> -> memref<2x128x128xf32, #tpu.memory_space<vmem>>
        %swap3A_1032 = arith.constant 0 : i32
        %swap3A_1033 = arith.constant 0 : i32
        %swap3A_1034 = tpu.memref_slice %swap3A_1031[%scan3A_385, %swap3A_1032, %swap3A_1033] : memref<2x128x128xf32, #tpu.memory_space<vmem>> -> memref<1x128x128xf32, #tpu.memory_space<vmem>>
        %swap3A_1035 = tpu.memref_squeeze %swap3A_1034 : memref<1x128x128xf32, #tpu.memory_space<vmem>> -> memref<128x128xf32, #tpu.memory_space<vmem>>
        %swap3A_1036 = arith.index_cast %add3A_836 : i32 to index
        %swap3A_1037 = arith.constant 48 : index
        %swap3A_1038 = tpu.vector_load %swap3A_1035[%swap3A_1036, %swap3A_1037] {strides = array<i32>} : memref<128x128xf32, #tpu.memory_space<vmem>>, vector<1x16xf32>,
        %swap3A_1039 = vector.shape_cast %swap3A_1038 : vector<1x16xf32> to vector<16xf32>
        %swap3A_1040 = vector.shape_cast %max3A_1026 : vector<16xf32> to vector<1x16xf32>
        tpu.vector_store %swap3A_1035[%swap3A_1036, %swap3A_1037], %swap3A_1040 {strides = array<i32>} : memref<128x128xf32, #tpu.memory_space<vmem>>, vector<1x16xf32>,
        %get3A_1041 = arith.constant 0 : i32
        %get3A_1042 = arith.constant 0 : i32
        %get3A_1043 = tpu.memref_slice %arg8[%scan3A_383, %get3A_1041, %get3A_1042] : memref<2x128x64xi32, #tpu.memory_space<vmem>> -> memref<1x128x64xi32, #tpu.memory_space<vmem>>
        %get3A_1044 = tpu.memref_squeeze %get3A_1043 : memref<1x128x64xi32, #tpu.memory_space<vmem>> -> memref<128x64xi32, #tpu.memory_space<vmem>>
        %get3A_1045 = arith.index_cast %add3A_836 : i32 to index
        %get3A_1046 = arith.constant 32 : index
        %get3A_1047 = tpu.vector_load %get3A_1044[%get3A_1045, %get3A_1046] {strides = array<i32>} : memref<128x64xi32, #tpu.memory_space<vmem>>, vector<1x16xi32>,
        %get3A_1048 = vector.shape_cast %get3A_1047 : vector<1x16xi32> to vector<16xi32>
        %get3A_1049 = arith.constant 0 : i32
        %get3A_1050 = arith.constant 0 : i32
        %get3A_1051 = arith.constant 0 : i32
        %get3A_1052 = tpu.memref_slice %arg7[%scan3A_384, %get3A_1049, %get3A_1050, %get3A_1051] : memref<2x2x128x128xf32, #tpu.memory_space<vmem>> -> memref<1x2x128x128xf32, #tpu.memory_space<vmem>>
        %get3A_1053 = tpu.memref_squeeze %get3A_1052 : memref<1x2x128x128xf32, #tpu.memory_space<vmem>> -> memref<2x128x128xf32, #tpu.memory_space<vmem>>
        %get3A_1054 = arith.constant 0 : i32
        %get3A_1055 = arith.constant 0 : i32
        %get3A_1056 = tpu.memref_slice %get3A_1053[%scan3A_385, %get3A_1054, %get3A_1055] : memref<2x128x128xf32, #tpu.memory_space<vmem>> -> memref<1x128x128xf32, #tpu.memory_space<vmem>>
        %get3A_1057 = tpu.memref_squeeze %get3A_1056 : memref<1x128x128xf32, #tpu.memory_space<vmem>> -> memref<128x128xf32, #tpu.memory_space<vmem>>
        %get3A_1058 = arith.index_cast %add3A_836 : i32 to index
        %get3A_1059 = arith.constant 64 : index
        %get3A_1060 = tpu.vector_load %get3A_1057[%get3A_1058, %get3A_1059] {strides = array<i32>} : memref<128x128xf32, #tpu.memory_space<vmem>>, vector<1x16xf32>,
        %get3A_1061 = vector.shape_cast %get3A_1060 : vector<1x16xf32> to vector<16xf32>
        %get3A_1062 = arith.constant 0 : i32
        %get3A_1063 = arith.constant 0 : i32
        %get3A_1064 = arith.constant 0 : i32
        %get3A_1065 = tpu.memref_slice %arg7[%scan3A_386, %get3A_1062, %get3A_1063, %get3A_1064] : memref<2x2x128x128xf32, #tpu.memory_space<vmem>> -> memref<1x2x128x128xf32, #tpu.memory_space<vmem>>
        %get3A_1066 = tpu.memref_squeeze %get3A_1065 : memref<1x2x128x128xf32, #tpu.memory_space<vmem>> -> memref<2x128x128xf32, #tpu.memory_space<vmem>>
        %get3A_1067 = arith.constant 0 : i32
        %get3A_1068 = arith.constant 0 : i32
        %get3A_1069 = tpu.memref_slice %get3A_1066[%scan3A_387, %get3A_1067, %get3A_1068] : memref<2x128x128xf32, #tpu.memory_space<vmem>> -> memref<1x128x128xf32, #tpu.memory_space<vmem>>
        %get3A_1070 = tpu.memref_squeeze %get3A_1069 : memref<1x128x128xf32, #tpu.memory_space<vmem>> -> memref<128x128xf32, #tpu.memory_space<vmem>>
        %get3A_1071 = arith.index_cast %add3A_836 : i32 to index
        %get3A_1072 = arith.constant 64 : index
        %get3A_1073 = tpu.vector_load %get3A_1070[%get3A_1071, %get3A_1072] {strides = array<i32>} : memref<128x128xf32, #tpu.memory_space<vmem>>, vector<1x16xf32>,
        %get3A_1074 = vector.shape_cast %get3A_1073 : vector<1x16xf32> to vector<16xf32>
        %add3A_1075 = arith.addf %get3A_1061, %get3A_1074 : vector<16xf32>
        %shift_left3A_1076 = arith.shli %get3A_1048, %broadcast_in_dim3A_382 : vector<16xi32>
        %bitcast_convert_type3A_1077 = tpu.bitcast %shift_left3A_1076 : vector<16xi32> -> vector<16xf32>
        %add3A_1078 = arith.addf %add3A_1075, %bitcast_convert_type3A_1077 : vector<16xf32>
        %max3A_1079 = arith.constant 0.000000e+00 : f32
        %max3A_1080 = vector.broadcast %max3A_1079 : f32 to vector<16xf32>
        %max3A_1081 = arith.maximumf %add3A_1078, %max3A_1080 : vector<16xf32>
        %swap3A_1082 = arith.constant 0 : i32
        %swap3A_1083 = arith.constant 0 : i32
        %swap3A_1084 = arith.constant 0 : i32
        %swap3A_1085 = tpu.memref_slice %arg7[%scan3A_384, %swap3A_1082, %swap3A_1083, %swap3A_1084] : memref<2x2x128x128xf32, #tpu.memory_space<vmem>> -> memref<1x2x128x128xf32, #tpu.memory_space<vmem>>
        %swap3A_1086 = tpu.memref_squeeze %swap3A_1085 : memref<1x2x128x128xf32, #tpu.memory_space<vmem>> -> memref<2x128x128xf32, #tpu.memory_space<vmem>>
        %swap3A_1087 = arith.constant 0 : i32
        %swap3A_1088 = arith.constant 0 : i32
        %swap3A_1089 = tpu.memref_slice %swap3A_1086[%scan3A_385, %swap3A_1087, %swap3A_1088] : memref<2x128x128xf32, #tpu.memory_space<vmem>> -> memref<1x128x128xf32, #tpu.memory_space<vmem>>
        %swap3A_1090 = tpu.memref_squeeze %swap3A_1089 : memref<1x128x128xf32, #tpu.memory_space<vmem>> -> memref<128x128xf32, #tpu.memory_space<vmem>>
        %swap3A_1091 = arith.index_cast %add3A_836 : i32 to index
        %swap3A_1092 = arith.constant 64 : index
        %swap3A_1093 = tpu.vector_load %swap3A_1090[%swap3A_1091, %swap3A_1092] {strides = array<i32>} : memref<128x128xf32, #tpu.memory_space<vmem>>, vector<1x16xf32>,
        %swap3A_1094 = vector.shape_cast %swap3A_1093 : vector<1x16xf32> to vector<16xf32>
        %swap3A_1095 = vector.shape_cast %max3A_1081 : vector<16xf32> to vector<1x16xf32>
        tpu.vector_store %swap3A_1090[%swap3A_1091, %swap3A_1092], %swap3A_1095 {strides = array<i32>} : memref<128x128xf32, #tpu.memory_space<vmem>>, vector<1x16xf32>,
        %get3A_1096 = arith.constant 0 : i32
        %get3A_1097 = arith.constant 0 : i32
        %get3A_1098 = arith.constant 0 : i32
        %get3A_1099 = tpu.memref_slice %arg7[%scan3A_384, %get3A_1096, %get3A_1097, %get3A_1098] : memref<2x2x128x128xf32, #tpu.memory_space<vmem>> -> memref<1x2x128x128xf32, #tpu.memory_space<vmem>>
        %get3A_1100 = tpu.memref_squeeze %get3A_1099 : memref<1x2x128x128xf32, #tpu.memory_space<vmem>> -> memref<2x128x128xf32, #tpu.memory_space<vmem>>
        %get3A_1101 = arith.constant 0 : i32
        %get3A_1102 = arith.constant 0 : i32
        %get3A_1103 = tpu.memref_slice %get3A_1100[%scan3A_385, %get3A_1101, %get3A_1102] : memref<2x128x128xf32, #tpu.memory_space<vmem>> -> memref<1x128x128xf32, #tpu.memory_space<vmem>>
        %get3A_1104 = tpu.memref_squeeze %get3A_1103 : memref<1x128x128xf32, #tpu.memory_space<vmem>> -> memref<128x128xf32, #tpu.memory_space<vmem>>
        %get3A_1105 = arith.index_cast %add3A_836 : i32 to index
        %get3A_1106 = arith.constant 80 : index
        %get3A_1107 = tpu.vector_load %get3A_1104[%get3A_1105, %get3A_1106] {strides = array<i32>} : memref<128x128xf32, #tpu.memory_space<vmem>>, vector<1x16xf32>,
        %get3A_1108 = vector.shape_cast %get3A_1107 : vector<1x16xf32> to vector<16xf32>
        %get3A_1109 = arith.constant 0 : i32
        %get3A_1110 = arith.constant 0 : i32
        %get3A_1111 = arith.constant 0 : i32
        %get3A_1112 = tpu.memref_slice %arg7[%scan3A_386, %get3A_1109, %get3A_1110, %get3A_1111] : memref<2x2x128x128xf32, #tpu.memory_space<vmem>> -> memref<1x2x128x128xf32, #tpu.memory_space<vmem>>
        %get3A_1113 = tpu.memref_squeeze %get3A_1112 : memref<1x2x128x128xf32, #tpu.memory_space<vmem>> -> memref<2x128x128xf32, #tpu.memory_space<vmem>>
        %get3A_1114 = arith.constant 0 : i32
        %get3A_1115 = arith.constant 0 : i32
        %get3A_1116 = tpu.memref_slice %get3A_1113[%scan3A_387, %get3A_1114, %get3A_1115] : memref<2x128x128xf32, #tpu.memory_space<vmem>> -> memref<1x128x128xf32, #tpu.memory_space<vmem>>
        %get3A_1117 = tpu.memref_squeeze %get3A_1116 : memref<1x128x128xf32, #tpu.memory_space<vmem>> -> memref<128x128xf32, #tpu.memory_space<vmem>>
        %get3A_1118 = arith.index_cast %add3A_836 : i32 to index
        %get3A_1119 = arith.constant 80 : index
        %get3A_1120 = tpu.vector_load %get3A_1117[%get3A_1118, %get3A_1119] {strides = array<i32>} : memref<128x128xf32, #tpu.memory_space<vmem>>, vector<1x16xf32>,
        %get3A_1121 = vector.shape_cast %get3A_1120 : vector<1x16xf32> to vector<16xf32>
        %add3A_1122 = arith.addf %get3A_1108, %get3A_1121 : vector<16xf32>
        %and3A_1123 = arith.andi %get3A_1048, %broadcast_in_dim3A_380 : vector<16xi32>
        %bitcast_convert_type3A_1124 = tpu.bitcast %and3A_1123 : vector<16xi32> -> vector<16xf32>
        %add3A_1125 = arith.addf %add3A_1122, %bitcast_convert_type3A_1124 : vector<16xf32>
        %max3A_1126 = arith.constant 0.000000e+00 : f32
        %max3A_1127 = vector.broadcast %max3A_1126 : f32 to vector<16xf32>
        %max3A_1128 = arith.maximumf %add3A_1125, %max3A_1127 : vector<16xf32>
        %swap3A_1129 = arith.constant 0 : i32
        %swap3A_1130 = arith.constant 0 : i32
        %swap3A_1131 = arith.constant 0 : i32
        %swap3A_1132 = tpu.memref_slice %arg7[%scan3A_384, %swap3A_1129, %swap3A_1130, %swap3A_1131] : memref<2x2x128x128xf32, #tpu.memory_space<vmem>> -> memref<1x2x128x128xf32, #tpu.memory_space<vmem>>
        %swap3A_1133 = tpu.memref_squeeze %swap3A_1132 : memref<1x2x128x128xf32, #tpu.memory_space<vmem>> -> memref<2x128x128xf32, #tpu.memory_space<vmem>>
        %swap3A_1134 = arith.constant 0 : i32
        %swap3A_1135 = arith.constant 0 : i32
        %swap3A_1136 = tpu.memref_slice %swap3A_1133[%scan3A_385, %swap3A_1134, %swap3A_1135] : memref<2x128x128xf32, #tpu.memory_space<vmem>> -> memref<1x128x128xf32, #tpu.memory_space<vmem>>
        %swap3A_1137 = tpu.memref_squeeze %swap3A_1136 : memref<1x128x128xf32, #tpu.memory_space<vmem>> -> memref<128x128xf32, #tpu.memory_space<vmem>>
        %swap3A_1138 = arith.index_cast %add3A_836 : i32 to index
        %swap3A_1139 = arith.constant 80 : index
        %swap3A_1140 = tpu.vector_load %swap3A_1137[%swap3A_1138, %swap3A_1139] {strides = array<i32>} : memref<128x128xf32, #tpu.memory_space<vmem>>, vector<1x16xf32>,
        %swap3A_1141 = vector.shape_cast %swap3A_1140 : vector<1x16xf32> to vector<16xf32>
        %swap3A_1142 = vector.shape_cast %max3A_1128 : vector<16xf32> to vector<1x16xf32>
        tpu.vector_store %swap3A_1137[%swap3A_1138, %swap3A_1139], %swap3A_1142 {strides = array<i32>} : memref<128x128xf32, #tpu.memory_space<vmem>>, vector<1x16xf32>,
        %get3A_1143 = arith.constant 0 : i32
        %get3A_1144 = arith.constant 0 : i32
        %get3A_1145 = tpu.memref_slice %arg8[%scan3A_383, %get3A_1143, %get3A_1144] : memref<2x128x64xi32, #tpu.memory_space<vmem>> -> memref<1x128x64xi32, #tpu.memory_space<vmem>>
        %get3A_1146 = tpu.memref_squeeze %get3A_1145 : memref<1x128x64xi32, #tpu.memory_space<vmem>> -> memref<128x64xi32, #tpu.memory_space<vmem>>
        %get3A_1147 = arith.index_cast %add3A_836 : i32 to index
        %get3A_1148 = arith.constant 48 : index
        %get3A_1149 = tpu.vector_load %get3A_1146[%get3A_1147, %get3A_1148] {strides = array<i32>} : memref<128x64xi32, #tpu.memory_space<vmem>>, vector<1x16xi32>,
        %get3A_1150 = vector.shape_cast %get3A_1149 : vector<1x16xi32> to vector<16xi32>
        %get3A_1151 = arith.constant 0 : i32
        %get3A_1152 = arith.constant 0 : i32
        %get3A_1153 = arith.constant 0 : i32
        %get3A_1154 = tpu.memref_slice %arg7[%scan3A_384, %get3A_1151, %get3A_1152, %get3A_1153] : memref<2x2x128x128xf32, #tpu.memory_space<vmem>> -> memref<1x2x128x128xf32, #tpu.memory_space<vmem>>
        %get3A_1155 = tpu.memref_squeeze %get3A_1154 : memref<1x2x128x128xf32, #tpu.memory_space<vmem>> -> memref<2x128x128xf32, #tpu.memory_space<vmem>>
        %get3A_1156 = arith.constant 0 : i32
        %get3A_1157 = arith.constant 0 : i32
        %get3A_1158 = tpu.memref_slice %get3A_1155[%scan3A_385, %get3A_1156, %get3A_1157] : memref<2x128x128xf32, #tpu.memory_space<vmem>> -> memref<1x128x128xf32, #tpu.memory_space<vmem>>
        %get3A_1159 = tpu.memref_squeeze %get3A_1158 : memref<1x128x128xf32, #tpu.memory_space<vmem>> -> memref<128x128xf32, #tpu.memory_space<vmem>>
        %get3A_1160 = arith.index_cast %add3A_836 : i32 to index
        %get3A_1161 = arith.constant 96 : index
        %get3A_1162 = tpu.vector_load %get3A_1159[%get3A_1160, %get3A_1161] {strides = array<i32>} : memref<128x128xf32, #tpu.memory_space<vmem>>, vector<1x16xf32>,
        %get3A_1163 = vector.shape_cast %get3A_1162 : vector<1x16xf32> to vector<16xf32>
        %get3A_1164 = arith.constant 0 : i32
        %get3A_1165 = arith.constant 0 : i32
        %get3A_1166 = arith.constant 0 : i32
        %get3A_1167 = tpu.memref_slice %arg7[%scan3A_386, %get3A_1164, %get3A_1165, %get3A_1166] : memref<2x2x128x128xf32, #tpu.memory_space<vmem>> -> memref<1x2x128x128xf32, #tpu.memory_space<vmem>>
        %get3A_1168 = tpu.memref_squeeze %get3A_1167 : memref<1x2x128x128xf32, #tpu.memory_space<vmem>> -> memref<2x128x128xf32, #tpu.memory_space<vmem>>
        %get3A_1169 = arith.constant 0 : i32
        %get3A_1170 = arith.constant 0 : i32
        %get3A_1171 = tpu.memref_slice %get3A_1168[%scan3A_387, %get3A_1169, %get3A_1170] : memref<2x128x128xf32, #tpu.memory_space<vmem>> -> memref<1x128x128xf32, #tpu.memory_space<vmem>>
        %get3A_1172 = tpu.memref_squeeze %get3A_1171 : memref<1x128x128xf32, #tpu.memory_space<vmem>> -> memref<128x128xf32, #tpu.memory_space<vmem>>
        %get3A_1173 = arith.index_cast %add3A_836 : i32 to index
        %get3A_1174 = arith.constant 96 : index
        %get3A_1175 = tpu.vector_load %get3A_1172[%get3A_1173, %get3A_1174] {strides = array<i32>} : memref<128x128xf32, #tpu.memory_space<vmem>>, vector<1x16xf32>,
        %get3A_1176 = vector.shape_cast %get3A_1175 : vector<1x16xf32> to vector<16xf32>
        %add3A_1177 = arith.addf %get3A_1163, %get3A_1176 : vector<16xf32>
        %shift_left3A_1178 = arith.shli %get3A_1150, %broadcast_in_dim3A_382 : vector<16xi32>
        %bitcast_convert_type3A_1179 = tpu.bitcast %shift_left3A_1178 : vector<16xi32> -> vector<16xf32>
        %add3A_1180 = arith.addf %add3A_1177, %bitcast_convert_type3A_1179 : vector<16xf32>
        %max3A_1181 = arith.constant 0.000000e+00 : f32
        %max3A_1182 = vector.broadcast %max3A_1181 : f32 to vector<16xf32>
        %max3A_1183 = arith.maximumf %add3A_1180, %max3A_1182 : vector<16xf32>
        %swap3A_1184 = arith.constant 0 : i32
        %swap3A_1185 = arith.constant 0 : i32
        %swap3A_1186 = arith.constant 0 : i32
        %swap3A_1187 = tpu.memref_slice %arg7[%scan3A_384, %swap3A_1184, %swap3A_1185, %swap3A_1186] : memref<2x2x128x128xf32, #tpu.memory_space<vmem>> -> memref<1x2x128x128xf32, #tpu.memory_space<vmem>>
        %swap3A_1188 = tpu.memref_squeeze %swap3A_1187 : memref<1x2x128x128xf32, #tpu.memory_space<vmem>> -> memref<2x128x128xf32, #tpu.memory_space<vmem>>
        %swap3A_1189 = arith.constant 0 : i32
        %swap3A_1190 = arith.constant 0 : i32
        %swap3A_1191 = tpu.memref_slice %swap3A_1188[%scan3A_385, %swap3A_1189, %swap3A_1190] : memref<2x128x128xf32, #tpu.memory_space<vmem>> -> memref<1x128x128xf32, #tpu.memory_space<vmem>>
        %swap3A_1192 = tpu.memref_squeeze %swap3A_1191 : memref<1x128x128xf32, #tpu.memory_space<vmem>> -> memref<128x128xf32, #tpu.memory_space<vmem>>
        %swap3A_1193 = arith.index_cast %add3A_836 : i32 to index
        %swap3A_1194 = arith.constant 96 : index
        %swap3A_1195 = tpu.vector_load %swap3A_1192[%swap3A_1193, %swap3A_1194] {strides = array<i32>} : memref<128x128xf32, #tpu.memory_space<vmem>>, vector<1x16xf32>,
        %swap3A_1196 = vector.shape_cast %swap3A_1195 : vector<1x16xf32> to vector<16xf32>
        %swap3A_1197 = vector.shape_cast %max3A_1183 : vector<16xf32> to vector<1x16xf32>
        tpu.vector_store %swap3A_1192[%swap3A_1193, %swap3A_1194], %swap3A_1197 {strides = array<i32>} : memref<128x128xf32, #tpu.memory_space<vmem>>, vector<1x16xf32>,
        %get3A_1198 = arith.constant 0 : i32
        %get3A_1199 = arith.constant 0 : i32
        %get3A_1200 = arith.constant 0 : i32
        %get3A_1201 = tpu.memref_slice %arg7[%scan3A_384, %get3A_1198, %get3A_1199, %get3A_1200] : memref<2x2x128x128xf32, #tpu.memory_space<vmem>> -> memref<1x2x128x128xf32, #tpu.memory_space<vmem>>
        %get3A_1202 = tpu.memref_squeeze %get3A_1201 : memref<1x2x128x128xf32, #tpu.memory_space<vmem>> -> memref<2x128x128xf32, #tpu.memory_space<vmem>>
        %get3A_1203 = arith.constant 0 : i32
        %get3A_1204 = arith.constant 0 : i32
        %get3A_1205 = tpu.memref_slice %get3A_1202[%scan3A_385, %get3A_1203, %get3A_1204] : memref<2x128x128xf32, #tpu.memory_space<vmem>> -> memref<1x128x128xf32, #tpu.memory_space<vmem>>
        %get3A_1206 = tpu.memref_squeeze %get3A_1205 : memref<1x128x128xf32, #tpu.memory_space<vmem>> -> memref<128x128xf32, #tpu.memory_space<vmem>>
        %get3A_1207 = arith.index_cast %add3A_836 : i32 to index
        %get3A_1208 = arith.constant 112 : index
        %get3A_1209 = tpu.vector_load %get3A_1206[%get3A_1207, %get3A_1208] {strides = array<i32>} : memref<128x128xf32, #tpu.memory_space<vmem>>, vector<1x16xf32>,
        %get3A_1210 = vector.shape_cast %get3A_1209 : vector<1x16xf32> to vector<16xf32>
        %get3A_1211 = arith.constant 0 : i32
        %get3A_1212 = arith.constant 0 : i32
        %get3A_1213 = arith.constant 0 : i32
        %get3A_1214 = tpu.memref_slice %arg7[%scan3A_386, %get3A_1211, %get3A_1212, %get3A_1213] : memref<2x2x128x128xf32, #tpu.memory_space<vmem>> -> memref<1x2x128x128xf32, #tpu.memory_space<vmem>>
        %get3A_1215 = tpu.memref_squeeze %get3A_1214 : memref<1x2x128x128xf32, #tpu.memory_space<vmem>> -> memref<2x128x128xf32, #tpu.memory_space<vmem>>
        %get3A_1216 = arith.constant 0 : i32
        %get3A_1217 = arith.constant 0 : i32
        %get3A_1218 = tpu.memref_slice %get3A_1215[%scan3A_387, %get3A_1216, %get3A_1217] : memref<2x128x128xf32, #tpu.memory_space<vmem>> -> memref<1x128x128xf32, #tpu.memory_space<vmem>>
        %get3A_1219 = tpu.memref_squeeze %get3A_1218 : memref<1x128x128xf32, #tpu.memory_space<vmem>> -> memref<128x128xf32, #tpu.memory_space<vmem>>
        %get3A_1220 = arith.index_cast %add3A_836 : i32 to index
        %get3A_1221 = arith.constant 112 : index
        %get3A_1222 = tpu.vector_load %get3A_1219[%get3A_1220, %get3A_1221] {strides = array<i32>} : memref<128x128xf32, #tpu.memory_space<vmem>>, vector<1x16xf32>,
        %get3A_1223 = vector.shape_cast %get3A_1222 : vector<1x16xf32> to vector<16xf32>
        %add3A_1224 = arith.addf %get3A_1210, %get3A_1223 : vector<16xf32>
        %and3A_1225 = arith.andi %get3A_1150, %broadcast_in_dim3A_380 : vector<16xi32>
        %bitcast_convert_type3A_1226 = tpu.bitcast %and3A_1225 : vector<16xi32> -> vector<16xf32>
        %add3A_1227 = arith.addf %add3A_1224, %bitcast_convert_type3A_1226 : vector<16xf32>
        %max3A_1228 = arith.constant 0.000000e+00 : f32
        %max3A_1229 = vector.broadcast %max3A_1228 : f32 to vector<16xf32>
        %max3A_1230 = arith.maximumf %add3A_1227, %max3A_1229 : vector<16xf32>
        %swap3A_1231 = arith.constant 0 : i32
        %swap3A_1232 = arith.constant 0 : i32
        %swap3A_1233 = arith.constant 0 : i32
        %swap3A_1234 = tpu.memref_slice %arg7[%scan3A_384, %swap3A_1231, %swap3A_1232, %swap3A_1233] : memref<2x2x128x128xf32, #tpu.memory_space<vmem>> -> memref<1x2x128x128xf32, #tpu.memory_space<vmem>>
        %swap3A_1235 = tpu.memref_squeeze %swap3A_1234 : memref<1x2x128x128xf32, #tpu.memory_space<vmem>> -> memref<2x128x128xf32, #tpu.memory_space<vmem>>
        %swap3A_1236 = arith.constant 0 : i32
        %swap3A_1237 = arith.constant 0 : i32
        %swap3A_1238 = tpu.memref_slice %swap3A_1235[%scan3A_385, %swap3A_1236, %swap3A_1237] : memref<2x128x128xf32, #tpu.memory_space<vmem>> -> memref<1x128x128xf32, #tpu.memory_space<vmem>>
        %swap3A_1239 = tpu.memref_squeeze %swap3A_1238 : memref<1x128x128xf32, #tpu.memory_space<vmem>> -> memref<128x128xf32, #tpu.memory_space<vmem>>
        %swap3A_1240 = arith.index_cast %add3A_836 : i32 to index
        %swap3A_1241 = arith.constant 112 : index
        %swap3A_1242 = tpu.vector_load %swap3A_1239[%swap3A_1240, %swap3A_1241] {strides = array<i32>} : memref<128x128xf32, #tpu.memory_space<vmem>>, vector<1x16xf32>,
        %swap3A_1243 = vector.shape_cast %swap3A_1242 : vector<1x16xf32> to vector<16xf32>
        %swap3A_1244 = vector.shape_cast %max3A_1230 : vector<16xf32> to vector<1x16xf32>
        tpu.vector_store %swap3A_1239[%swap3A_1240, %swap3A_1241], %swap3A_1244 {strides = array<i32>} : memref<128x128xf32, #tpu.memory_space<vmem>>, vector<1x16xf32>,
        %scan3A_1245 = arith.constant 2 : i32
        %scan3A_1246 = arith.addi %scan3A_424, %scan3A_1245 : i32
        %mul3A_1247 = arith.constant 1 : i32
        %mul3A_1248 = arith.muli %scan3A_1246, %mul3A_1247 : i32
        %add3A_1249 = arith.constant 0 : i32
        %add3A_1250 = arith.addi %add3A_1249, %mul3A_1248 : i32
        %get3A_1251 = arith.constant 0 : i32
        %get3A_1252 = arith.constant 0 : i32
        %get3A_1253 = tpu.memref_slice %arg8[%scan3A_383, %get3A_1251, %get3A_1252] : memref<2x128x64xi32, #tpu.memory_space<vmem>> -> memref<1x128x64xi32, #tpu.memory_space<vmem>>
        %get3A_1254 = tpu.memref_squeeze %get3A_1253 : memref<1x128x64xi32, #tpu.memory_space<vmem>> -> memref<128x64xi32, #tpu.memory_space<vmem>>
        %get3A_1255 = arith.index_cast %add3A_1250 : i32 to index
        %get3A_1256 = arith.constant 0 : index
        %get3A_1257 = tpu.vector_load %get3A_1254[%get3A_1255, %get3A_1256] {strides = array<i32>} : memref<128x64xi32, #tpu.memory_space<vmem>>, vector<1x16xi32>,
        %get3A_1258 = vector.shape_cast %get3A_1257 : vector<1x16xi32> to vector<16xi32>
        %get3A_1259 = arith.constant 0 : i32
        %get3A_1260 = arith.constant 0 : i32
        %get3A_1261 = arith.constant 0 : i32
        %get3A_1262 = tpu.memref_slice %arg7[%scan3A_384, %get3A_1259, %get3A_1260, %get3A_1261] : memref<2x2x128x128xf32, #tpu.memory_space<vmem>> -> memref<1x2x128x128xf32, #tpu.memory_space<vmem>>
        %get3A_1263 = tpu.memref_squeeze %get3A_1262 : memref<1x2x128x128xf32, #tpu.memory_space<vmem>> -> memref<2x128x128xf32, #tpu.memory_space<vmem>>
        %get3A_1264 = arith.constant 0 : i32
        %get3A_1265 = arith.constant 0 : i32
        %get3A_1266 = tpu.memref_slice %get3A_1263[%scan3A_385, %get3A_1264, %get3A_1265] : memref<2x128x128xf32, #tpu.memory_space<vmem>> -> memref<1x128x128xf32, #tpu.memory_space<vmem>>
        %get3A_1267 = tpu.memref_squeeze %get3A_1266 : memref<1x128x128xf32, #tpu.memory_space<vmem>> -> memref<128x128xf32, #tpu.memory_space<vmem>>
        %get3A_1268 = arith.index_cast %add3A_1250 : i32 to index
        %get3A_1269 = arith.constant 0 : index
        %get3A_1270 = tpu.vector_load %get3A_1267[%get3A_1268, %get3A_1269] {strides = array<i32>} : memref<128x128xf32, #tpu.memory_space<vmem>>, vector<1x16xf32>,
        %get3A_1271 = vector.shape_cast %get3A_1270 : vector<1x16xf32> to vector<16xf32>
        %get3A_1272 = arith.constant 0 : i32
        %get3A_1273 = arith.constant 0 : i32
        %get3A_1274 = arith.constant 0 : i32
        %get3A_1275 = tpu.memref_slice %arg7[%scan3A_386, %get3A_1272, %get3A_1273, %get3A_1274] : memref<2x2x128x128xf32, #tpu.memory_space<vmem>> -> memref<1x2x128x128xf32, #tpu.memory_space<vmem>>
        %get3A_1276 = tpu.memref_squeeze %get3A_1275 : memref<1x2x128x128xf32, #tpu.memory_space<vmem>> -> memref<2x128x128xf32, #tpu.memory_space<vmem>>
        %get3A_1277 = arith.constant 0 : i32
        %get3A_1278 = arith.constant 0 : i32
        %get3A_1279 = tpu.memref_slice %get3A_1276[%scan3A_387, %get3A_1277, %get3A_1278] : memref<2x128x128xf32, #tpu.memory_space<vmem>> -> memref<1x128x128xf32, #tpu.memory_space<vmem>>
        %get3A_1280 = tpu.memref_squeeze %get3A_1279 : memref<1x128x128xf32, #tpu.memory_space<vmem>> -> memref<128x128xf32, #tpu.memory_space<vmem>>
        %get3A_1281 = arith.index_cast %add3A_1250 : i32 to index
        %get3A_1282 = arith.constant 0 : index
        %get3A_1283 = tpu.vector_load %get3A_1280[%get3A_1281, %get3A_1282] {strides = array<i32>} : memref<128x128xf32, #tpu.memory_space<vmem>>, vector<1x16xf32>,
        %get3A_1284 = vector.shape_cast %get3A_1283 : vector<1x16xf32> to vector<16xf32>
        %add3A_1285 = arith.addf %get3A_1271, %get3A_1284 : vector<16xf32>
        %shift_left3A_1286 = arith.shli %get3A_1258, %broadcast_in_dim3A_382 : vector<16xi32>
        %bitcast_convert_type3A_1287 = tpu.bitcast %shift_left3A_1286 : vector<16xi32> -> vector<16xf32>
        %add3A_1288 = arith.addf %add3A_1285, %bitcast_convert_type3A_1287 : vector<16xf32>
        %max3A_1289 = arith.constant 0.000000e+00 : f32
        %max3A_1290 = vector.broadcast %max3A_1289 : f32 to vector<16xf32>
        %max3A_1291 = arith.maximumf %add3A_1288, %max3A_1290 : vector<16xf32>
        %swap3A_1292 = arith.constant 0 : i32
        %swap3A_1293 = arith.constant 0 : i32
        %swap3A_1294 = arith.constant 0 : i32
        %swap3A_1295 = tpu.memref_slice %arg7[%scan3A_384, %swap3A_1292, %swap3A_1293, %swap3A_1294] : memref<2x2x128x128xf32, #tpu.memory_space<vmem>> -> memref<1x2x128x128xf32, #tpu.memory_space<vmem>>
        %swap3A_1296 = tpu.memref_squeeze %swap3A_1295 : memref<1x2x128x128xf32, #tpu.memory_space<vmem>> -> memref<2x128x128xf32, #tpu.memory_space<vmem>>
        %swap3A_1297 = arith.constant 0 : i32
        %swap3A_1298 = arith.constant 0 : i32
        %swap3A_1299 = tpu.memref_slice %swap3A_1296[%scan3A_385, %swap3A_1297, %swap3A_1298] : memref<2x128x128xf32, #tpu.memory_space<vmem>> -> memref<1x128x128xf32, #tpu.memory_space<vmem>>
        %swap3A_1300 = tpu.memref_squeeze %swap3A_1299 : memref<1x128x128xf32, #tpu.memory_space<vmem>> -> memref<128x128xf32, #tpu.memory_space<vmem>>
        %swap3A_1301 = arith.index_cast %add3A_1250 : i32 to index
        %swap3A_1302 = arith.constant 0 : index
        %swap3A_1303 = tpu.vector_load %swap3A_1300[%swap3A_1301, %swap3A_1302] {strides = array<i32>} : memref<128x128xf32, #tpu.memory_space<vmem>>, vector<1x16xf32>,
        %swap3A_1304 = vector.shape_cast %swap3A_1303 : vector<1x16xf32> to vector<16xf32>
        %swap3A_1305 = vector.shape_cast %max3A_1291 : vector<16xf32> to vector<1x16xf32>
        tpu.vector_store %swap3A_1300[%swap3A_1301, %swap3A_1302], %swap3A_1305 {strides = array<i32>} : memref<128x128xf32, #tpu.memory_space<vmem>>, vector<1x16xf32>,
        %get3A_1306 = arith.constant 0 : i32
        %get3A_1307 = arith.constant 0 : i32
        %get3A_1308 = arith.constant 0 : i32
        %get3A_1309 = tpu.memref_slice %arg7[%scan3A_384, %get3A_1306, %get3A_1307, %get3A_1308] : memref<2x2x128x128xf32, #tpu.memory_space<vmem>> -> memref<1x2x128x128xf32, #tpu.memory_space<vmem>>
        %get3A_1310 = tpu.memref_squeeze %get3A_1309 : memref<1x2x128x128xf32, #tpu.memory_space<vmem>> -> memref<2x128x128xf32, #tpu.memory_space<vmem>>
        %get3A_1311 = arith.constant 0 : i32
        %get3A_1312 = arith.constant 0 : i32
        %get3A_1313 = tpu.memref_slice %get3A_1310[%scan3A_385, %get3A_1311, %get3A_1312] : memref<2x128x128xf32, #tpu.memory_space<vmem>> -> memref<1x128x128xf32, #tpu.memory_space<vmem>>
        %get3A_1314 = tpu.memref_squeeze %get3A_1313 : memref<1x128x128xf32, #tpu.memory_space<vmem>> -> memref<128x128xf32, #tpu.memory_space<vmem>>
        %get3A_1315 = arith.index_cast %add3A_1250 : i32 to index
        %get3A_1316 = arith.constant 16 : index
        %get3A_1317 = tpu.vector_load %get3A_1314[%get3A_1315, %get3A_1316] {strides = array<i32>} : memref<128x128xf32, #tpu.memory_space<vmem>>, vector<1x16xf32>,
        %get3A_1318 = vector.shape_cast %get3A_1317 : vector<1x16xf32> to vector<16xf32>
        %get3A_1319 = arith.constant 0 : i32
        %get3A_1320 = arith.constant 0 : i32
        %get3A_1321 = arith.constant 0 : i32
        %get3A_1322 = tpu.memref_slice %arg7[%scan3A_386, %get3A_1319, %get3A_1320, %get3A_1321] : memref<2x2x128x128xf32, #tpu.memory_space<vmem>> -> memref<1x2x128x128xf32, #tpu.memory_space<vmem>>
        %get3A_1323 = tpu.memref_squeeze %get3A_1322 : memref<1x2x128x128xf32, #tpu.memory_space<vmem>> -> memref<2x128x128xf32, #tpu.memory_space<vmem>>
        %get3A_1324 = arith.constant 0 : i32
        %get3A_1325 = arith.constant 0 : i32
        %get3A_1326 = tpu.memref_slice %get3A_1323[%scan3A_387, %get3A_1324, %get3A_1325] : memref<2x128x128xf32, #tpu.memory_space<vmem>> -> memref<1x128x128xf32, #tpu.memory_space<vmem>>
        %get3A_1327 = tpu.memref_squeeze %get3A_1326 : memref<1x128x128xf32, #tpu.memory_space<vmem>> -> memref<128x128xf32, #tpu.memory_space<vmem>>
        %get3A_1328 = arith.index_cast %add3A_1250 : i32 to index
        %get3A_1329 = arith.constant 16 : index
        %get3A_1330 = tpu.vector_load %get3A_1327[%get3A_1328, %get3A_1329] {strides = array<i32>} : memref<128x128xf32, #tpu.memory_space<vmem>>, vector<1x16xf32>,
        %get3A_1331 = vector.shape_cast %get3A_1330 : vector<1x16xf32> to vector<16xf32>
        %add3A_1332 = arith.addf %get3A_1318, %get3A_1331 : vector<16xf32>
        %and3A_1333 = arith.andi %get3A_1258, %broadcast_in_dim3A_380 : vector<16xi32>
        %bitcast_convert_type3A_1334 = tpu.bitcast %and3A_1333 : vector<16xi32> -> vector<16xf32>
        %add3A_1335 = arith.addf %add3A_1332, %bitcast_convert_type3A_1334 : vector<16xf32>
        %max3A_1336 = arith.constant 0.000000e+00 : f32
        %max3A_1337 = vector.broadcast %max3A_1336 : f32 to vector<16xf32>
        %max3A_1338 = arith.maximumf %add3A_1335, %max3A_1337 : vector<16xf32>
        %swap3A_1339 = arith.constant 0 : i32
        %swap3A_1340 = arith.constant 0 : i32
        %swap3A_1341 = arith.constant 0 : i32
        %swap3A_1342 = tpu.memref_slice %arg7[%scan3A_384, %swap3A_1339, %swap3A_1340, %swap3A_1341] : memref<2x2x128x128xf32, #tpu.memory_space<vmem>> -> memref<1x2x128x128xf32, #tpu.memory_space<vmem>>
        %swap3A_1343 = tpu.memref_squeeze %swap3A_1342 : memref<1x2x128x128xf32, #tpu.memory_space<vmem>> -> memref<2x128x128xf32, #tpu.memory_space<vmem>>
        %swap3A_1344 = arith.constant 0 : i32
        %swap3A_1345 = arith.constant 0 : i32
        %swap3A_1346 = tpu.memref_slice %swap3A_1343[%scan3A_385, %swap3A_1344, %swap3A_1345] : memref<2x128x128xf32, #tpu.memory_space<vmem>> -> memref<1x128x128xf32, #tpu.memory_space<vmem>>
        %swap3A_1347 = tpu.memref_squeeze %swap3A_1346 : memref<1x128x128xf32, #tpu.memory_space<vmem>> -> memref<128x128xf32, #tpu.memory_space<vmem>>
        %swap3A_1348 = arith.index_cast %add3A_1250 : i32 to index
        %swap3A_1349 = arith.constant 16 : index
        %swap3A_1350 = tpu.vector_load %swap3A_1347[%swap3A_1348, %swap3A_1349] {strides = array<i32>} : memref<128x128xf32, #tpu.memory_space<vmem>>, vector<1x16xf32>,
        %swap3A_1351 = vector.shape_cast %swap3A_1350 : vector<1x16xf32> to vector<16xf32>
        %swap3A_1352 = vector.shape_cast %max3A_1338 : vector<16xf32> to vector<1x16xf32>
        tpu.vector_store %swap3A_1347[%swap3A_1348, %swap3A_1349], %swap3A_1352 {strides = array<i32>} : memref<128x128xf32, #tpu.memory_space<vmem>>, vector<1x16xf32>,
        %get3A_1353 = arith.constant 0 : i32
        %get3A_1354 = arith.constant 0 : i32
        %get3A_1355 = tpu.memref_slice %arg8[%scan3A_383, %get3A_1353, %get3A_1354] : memref<2x128x64xi32, #tpu.memory_space<vmem>> -> memref<1x128x64xi32, #tpu.memory_space<vmem>>
        %get3A_1356 = tpu.memref_squeeze %get3A_1355 : memref<1x128x64xi32, #tpu.memory_space<vmem>> -> memref<128x64xi32, #tpu.memory_space<vmem>>
        %get3A_1357 = arith.index_cast %add3A_1250 : i32 to index
        %get3A_1358 = arith.constant 16 : index
        %get3A_1359 = tpu.vector_load %get3A_1356[%get3A_1357, %get3A_1358] {strides = array<i32>} : memref<128x64xi32, #tpu.memory_space<vmem>>, vector<1x16xi32>,
        %get3A_1360 = vector.shape_cast %get3A_1359 : vector<1x16xi32> to vector<16xi32>
        %get3A_1361 = arith.constant 0 : i32
        %get3A_1362 = arith.constant 0 : i32
        %get3A_1363 = arith.constant 0 : i32
        %get3A_1364 = tpu.memref_slice %arg7[%scan3A_384, %get3A_1361, %get3A_1362, %get3A_1363] : memref<2x2x128x128xf32, #tpu.memory_space<vmem>> -> memref<1x2x128x128xf32, #tpu.memory_space<vmem>>
        %get3A_1365 = tpu.memref_squeeze %get3A_1364 : memref<1x2x128x128xf32, #tpu.memory_space<vmem>> -> memref<2x128x128xf32, #tpu.memory_space<vmem>>
        %get3A_1366 = arith.constant 0 : i32
        %get3A_1367 = arith.constant 0 : i32
        %get3A_1368 = tpu.memref_slice %get3A_1365[%scan3A_385, %get3A_1366, %get3A_1367] : memref<2x128x128xf32, #tpu.memory_space<vmem>> -> memref<1x128x128xf32, #tpu.memory_space<vmem>>
        %get3A_1369 = tpu.memref_squeeze %get3A_1368 : memref<1x128x128xf32, #tpu.memory_space<vmem>> -> memref<128x128xf32, #tpu.memory_space<vmem>>
        %get3A_1370 = arith.index_cast %add3A_1250 : i32 to index
        %get3A_1371 = arith.constant 32 : index
        %get3A_1372 = tpu.vector_load %get3A_1369[%get3A_1370, %get3A_1371] {strides = array<i32>} : memref<128x128xf32, #tpu.memory_space<vmem>>, vector<1x16xf32>,
        %get3A_1373 = vector.shape_cast %get3A_1372 : vector<1x16xf32> to vector<16xf32>
        %get3A_1374 = arith.constant 0 : i32
        %get3A_1375 = arith.constant 0 : i32
        %get3A_1376 = arith.constant 0 : i32
        %get3A_1377 = tpu.memref_slice %arg7[%scan3A_386, %get3A_1374, %get3A_1375, %get3A_1376] : memref<2x2x128x128xf32, #tpu.memory_space<vmem>> -> memref<1x2x128x128xf32, #tpu.memory_space<vmem>>
        %get3A_1378 = tpu.memref_squeeze %get3A_1377 : memref<1x2x128x128xf32, #tpu.memory_space<vmem>> -> memref<2x128x128xf32, #tpu.memory_space<vmem>>
        %get3A_1379 = arith.constant 0 : i32
        %get3A_1380 = arith.constant 0 : i32
        %get3A_1381 = tpu.memref_slice %get3A_1378[%scan3A_387, %get3A_1379, %get3A_1380] : memref<2x128x128xf32, #tpu.memory_space<vmem>> -> memref<1x128x128xf32, #tpu.memory_space<vmem>>
        %get3A_1382 = tpu.memref_squeeze %get3A_1381 : memref<1x128x128xf32, #tpu.memory_space<vmem>> -> memref<128x128xf32, #tpu.memory_space<vmem>>
        %get3A_1383 = arith.index_cast %add3A_1250 : i32 to index
        %get3A_1384 = arith.constant 32 : index
        %get3A_1385 = tpu.vector_load %get3A_1382[%get3A_1383, %get3A_1384] {strides = array<i32>} : memref<128x128xf32, #tpu.memory_space<vmem>>, vector<1x16xf32>,
        %get3A_1386 = vector.shape_cast %get3A_1385 : vector<1x16xf32> to vector<16xf32>
        %add3A_1387 = arith.addf %get3A_1373, %get3A_1386 : vector<16xf32>
        %shift_left3A_1388 = arith.shli %get3A_1360, %broadcast_in_dim3A_382 : vector<16xi32>
        %bitcast_convert_type3A_1389 = tpu.bitcast %shift_left3A_1388 : vector<16xi32> -> vector<16xf32>
        %add3A_1390 = arith.addf %add3A_1387, %bitcast_convert_type3A_1389 : vector<16xf32>
        %max3A_1391 = arith.constant 0.000000e+00 : f32
        %max3A_1392 = vector.broadcast %max3A_1391 : f32 to vector<16xf32>
        %max3A_1393 = arith.maximumf %add3A_1390, %max3A_1392 : vector<16xf32>
        %swap3A_1394 = arith.constant 0 : i32
        %swap3A_1395 = arith.constant 0 : i32
        %swap3A_1396 = arith.constant 0 : i32
        %swap3A_1397 = tpu.memref_slice %arg7[%scan3A_384, %swap3A_1394, %swap3A_1395, %swap3A_1396] : memref<2x2x128x128xf32, #tpu.memory_space<vmem>> -> memref<1x2x128x128xf32, #tpu.memory_space<vmem>>
        %swap3A_1398 = tpu.memref_squeeze %swap3A_1397 : memref<1x2x128x128xf32, #tpu.memory_space<vmem>> -> memref<2x128x128xf32, #tpu.memory_space<vmem>>
        %swap3A_1399 = arith.constant 0 : i32
        %swap3A_1400 = arith.constant 0 : i32
        %swap3A_1401 = tpu.memref_slice %swap3A_1398[%scan3A_385, %swap3A_1399, %swap3A_1400] : memref<2x128x128xf32, #tpu.memory_space<vmem>> -> memref<1x128x128xf32, #tpu.memory_space<vmem>>
        %swap3A_1402 = tpu.memref_squeeze %swap3A_1401 : memref<1x128x128xf32, #tpu.memory_space<vmem>> -> memref<128x128xf32, #tpu.memory_space<vmem>>
        %swap3A_1403 = arith.index_cast %add3A_1250 : i32 to index
        %swap3A_1404 = arith.constant 32 : index
        %swap3A_1405 = tpu.vector_load %swap3A_1402[%swap3A_1403, %swap3A_1404] {strides = array<i32>} : memref<128x128xf32, #tpu.memory_space<vmem>>, vector<1x16xf32>,
        %swap3A_1406 = vector.shape_cast %swap3A_1405 : vector<1x16xf32> to vector<16xf32>
        %swap3A_1407 = vector.shape_cast %max3A_1393 : vector<16xf32> to vector<1x16xf32>
        tpu.vector_store %swap3A_1402[%swap3A_1403, %swap3A_1404], %swap3A_1407 {strides = array<i32>} : memref<128x128xf32, #tpu.memory_space<vmem>>, vector<1x16xf32>,
        %get3A_1408 = arith.constant 0 : i32
        %get3A_1409 = arith.constant 0 : i32
        %get3A_1410 = arith.constant 0 : i32
        %get3A_1411 = tpu.memref_slice %arg7[%scan3A_384, %get3A_1408, %get3A_1409, %get3A_1410] : memref<2x2x128x128xf32, #tpu.memory_space<vmem>> -> memref<1x2x128x128xf32, #tpu.memory_space<vmem>>
        %get3A_1412 = tpu.memref_squeeze %get3A_1411 : memref<1x2x128x128xf32, #tpu.memory_space<vmem>> -> memref<2x128x128xf32, #tpu.memory_space<vmem>>
        %get3A_1413 = arith.constant 0 : i32
        %get3A_1414 = arith.constant 0 : i32
        %get3A_1415 = tpu.memref_slice %get3A_1412[%scan3A_385, %get3A_1413, %get3A_1414] : memref<2x128x128xf32, #tpu.memory_space<vmem>> -> memref<1x128x128xf32, #tpu.memory_space<vmem>>
        %get3A_1416 = tpu.memref_squeeze %get3A_1415 : memref<1x128x128xf32, #tpu.memory_space<vmem>> -> memref<128x128xf32, #tpu.memory_space<vmem>>
        %get3A_1417 = arith.index_cast %add3A_1250 : i32 to index
        %get3A_1418 = arith.constant 48 : index
        %get3A_1419 = tpu.vector_load %get3A_1416[%get3A_1417, %get3A_1418] {strides = array<i32>} : memref<128x128xf32, #tpu.memory_space<vmem>>, vector<1x16xf32>,
        %get3A_1420 = vector.shape_cast %get3A_1419 : vector<1x16xf32> to vector<16xf32>
        %get3A_1421 = arith.constant 0 : i32
        %get3A_1422 = arith.constant 0 : i32
        %get3A_1423 = arith.constant 0 : i32
        %get3A_1424 = tpu.memref_slice %arg7[%scan3A_386, %get3A_1421, %get3A_1422, %get3A_1423] : memref<2x2x128x128xf32, #tpu.memory_space<vmem>> -> memref<1x2x128x128xf32, #tpu.memory_space<vmem>>
        %get3A_1425 = tpu.memref_squeeze %get3A_1424 : memref<1x2x128x128xf32, #tpu.memory_space<vmem>> -> memref<2x128x128xf32, #tpu.memory_space<vmem>>
        %get3A_1426 = arith.constant 0 : i32
        %get3A_1427 = arith.constant 0 : i32
        %get3A_1428 = tpu.memref_slice %get3A_1425[%scan3A_387, %get3A_1426, %get3A_1427] : memref<2x128x128xf32, #tpu.memory_space<vmem>> -> memref<1x128x128xf32, #tpu.memory_space<vmem>>
        %get3A_1429 = tpu.memref_squeeze %get3A_1428 : memref<1x128x128xf32, #tpu.memory_space<vmem>> -> memref<128x128xf32, #tpu.memory_space<vmem>>
        %get3A_1430 = arith.index_cast %add3A_1250 : i32 to index
        %get3A_1431 = arith.constant 48 : index
        %get3A_1432 = tpu.vector_load %get3A_1429[%get3A_1430, %get3A_1431] {strides = array<i32>} : memref<128x128xf32, #tpu.memory_space<vmem>>, vector<1x16xf32>,
        %get3A_1433 = vector.shape_cast %get3A_1432 : vector<1x16xf32> to vector<16xf32>
        %add3A_1434 = arith.addf %get3A_1420, %get3A_1433 : vector<16xf32>
        %and3A_1435 = arith.andi %get3A_1360, %broadcast_in_dim3A_380 : vector<16xi32>
        %bitcast_convert_type3A_1436 = tpu.bitcast %and3A_1435 : vector<16xi32> -> vector<16xf32>
        %add3A_1437 = arith.addf %add3A_1434, %bitcast_convert_type3A_1436 : vector<16xf32>
        %max3A_1438 = arith.constant 0.000000e+00 : f32
        %max3A_1439 = vector.broadcast %max3A_1438 : f32 to vector<16xf32>
        %max3A_1440 = arith.maximumf %add3A_1437, %max3A_1439 : vector<16xf32>
        %swap3A_1441 = arith.constant 0 : i32
        %swap3A_1442 = arith.constant 0 : i32
        %swap3A_1443 = arith.constant 0 : i32
        %swap3A_1444 = tpu.memref_slice %arg7[%scan3A_384, %swap3A_1441, %swap3A_1442, %swap3A_1443] : memref<2x2x128x128xf32, #tpu.memory_space<vmem>> -> memref<1x2x128x128xf32, #tpu.memory_space<vmem>>
        %swap3A_1445 = tpu.memref_squeeze %swap3A_1444 : memref<1x2x128x128xf32, #tpu.memory_space<vmem>> -> memref<2x128x128xf32, #tpu.memory_space<vmem>>
        %swap3A_1446 = arith.constant 0 : i32
        %swap3A_1447 = arith.constant 0 : i32
        %swap3A_1448 = tpu.memref_slice %swap3A_1445[%scan3A_385, %swap3A_1446, %swap3A_1447] : memref<2x128x128xf32, #tpu.memory_space<vmem>> -> memref<1x128x128xf32, #tpu.memory_space<vmem>>
        %swap3A_1449 = tpu.memref_squeeze %swap3A_1448 : memref<1x128x128xf32, #tpu.memory_space<vmem>> -> memref<128x128xf32, #tpu.memory_space<vmem>>
        %swap3A_1450 = arith.index_cast %add3A_1250 : i32 to index
        %swap3A_1451 = arith.constant 48 : index
        %swap3A_1452 = tpu.vector_load %swap3A_1449[%swap3A_1450, %swap3A_1451] {strides = array<i32>} : memref<128x128xf32, #tpu.memory_space<vmem>>, vector<1x16xf32>,
        %swap3A_1453 = vector.shape_cast %swap3A_1452 : vector<1x16xf32> to vector<16xf32>
        %swap3A_1454 = vector.shape_cast %max3A_1440 : vector<16xf32> to vector<1x16xf32>
        tpu.vector_store %swap3A_1449[%swap3A_1450, %swap3A_1451], %swap3A_1454 {strides = array<i32>} : memref<128x128xf32, #tpu.memory_space<vmem>>, vector<1x16xf32>,
        %get3A_1455 = arith.constant 0 : i32
        %get3A_1456 = arith.constant 0 : i32
        %get3A_1457 = tpu.memref_slice %arg8[%scan3A_383, %get3A_1455, %get3A_1456] : memref<2x128x64xi32, #tpu.memory_space<vmem>> -> memref<1x128x64xi32, #tpu.memory_space<vmem>>
        %get3A_1458 = tpu.memref_squeeze %get3A_1457 : memref<1x128x64xi32, #tpu.memory_space<vmem>> -> memref<128x64xi32, #tpu.memory_space<vmem>>
        %get3A_1459 = arith.index_cast %add3A_1250 : i32 to index
        %get3A_1460 = arith.constant 32 : index
        %get3A_1461 = tpu.vector_load %get3A_1458[%get3A_1459, %get3A_1460] {strides = array<i32>} : memref<128x64xi32, #tpu.memory_space<vmem>>, vector<1x16xi32>,
        %get3A_1462 = vector.shape_cast %get3A_1461 : vector<1x16xi32> to vector<16xi32>
        %get3A_1463 = arith.constant 0 : i32
        %get3A_1464 = arith.constant 0 : i32
        %get3A_1465 = arith.constant 0 : i32
        %get3A_1466 = tpu.memref_slice %arg7[%scan3A_384, %get3A_1463, %get3A_1464, %get3A_1465] : memref<2x2x128x128xf32, #tpu.memory_space<vmem>> -> memref<1x2x128x128xf32, #tpu.memory_space<vmem>>
        %get3A_1467 = tpu.memref_squeeze %get3A_1466 : memref<1x2x128x128xf32, #tpu.memory_space<vmem>> -> memref<2x128x128xf32, #tpu.memory_space<vmem>>
        %get3A_1468 = arith.constant 0 : i32
        %get3A_1469 = arith.constant 0 : i32
        %get3A_1470 = tpu.memref_slice %get3A_1467[%scan3A_385, %get3A_1468, %get3A_1469] : memref<2x128x128xf32, #tpu.memory_space<vmem>> -> memref<1x128x128xf32, #tpu.memory_space<vmem>>
        %get3A_1471 = tpu.memref_squeeze %get3A_1470 : memref<1x128x128xf32, #tpu.memory_space<vmem>> -> memref<128x128xf32, #tpu.memory_space<vmem>>
        %get3A_1472 = arith.index_cast %add3A_1250 : i32 to index
        %get3A_1473 = arith.constant 64 : index
        %get3A_1474 = tpu.vector_load %get3A_1471[%get3A_1472, %get3A_1473] {strides = array<i32>} : memref<128x128xf32, #tpu.memory_space<vmem>>, vector<1x16xf32>,
        %get3A_1475 = vector.shape_cast %get3A_1474 : vector<1x16xf32> to vector<16xf32>
        %get3A_1476 = arith.constant 0 : i32
        %get3A_1477 = arith.constant 0 : i32
        %get3A_1478 = arith.constant 0 : i32
        %get3A_1479 = tpu.memref_slice %arg7[%scan3A_386, %get3A_1476, %get3A_1477, %get3A_1478] : memref<2x2x128x128xf32, #tpu.memory_space<vmem>> -> memref<1x2x128x128xf32, #tpu.memory_space<vmem>>
        %get3A_1480 = tpu.memref_squeeze %get3A_1479 : memref<1x2x128x128xf32, #tpu.memory_space<vmem>> -> memref<2x128x128xf32, #tpu.memory_space<vmem>>
        %get3A_1481 = arith.constant 0 : i32
        %get3A_1482 = arith.constant 0 : i32
        %get3A_1483 = tpu.memref_slice %get3A_1480[%scan3A_387, %get3A_1481, %get3A_1482] : memref<2x128x128xf32, #tpu.memory_space<vmem>> -> memref<1x128x128xf32, #tpu.memory_space<vmem>>
        %get3A_1484 = tpu.memref_squeeze %get3A_1483 : memref<1x128x128xf32, #tpu.memory_space<vmem>> -> memref<128x128xf32, #tpu.memory_space<vmem>>
        %get3A_1485 = arith.index_cast %add3A_1250 : i32 to index
        %get3A_1486 = arith.constant 64 : index
        %get3A_1487 = tpu.vector_load %get3A_1484[%get3A_1485, %get3A_1486] {strides = array<i32>} : memref<128x128xf32, #tpu.memory_space<vmem>>, vector<1x16xf32>,
        %get3A_1488 = vector.shape_cast %get3A_1487 : vector<1x16xf32> to vector<16xf32>
        %add3A_1489 = arith.addf %get3A_1475, %get3A_1488 : vector<16xf32>
        %shift_left3A_1490 = arith.shli %get3A_1462, %broadcast_in_dim3A_382 : vector<16xi32>
        %bitcast_convert_type3A_1491 = tpu.bitcast %shift_left3A_1490 : vector<16xi32> -> vector<16xf32>
        %add3A_1492 = arith.addf %add3A_1489, %bitcast_convert_type3A_1491 : vector<16xf32>
        %max3A_1493 = arith.constant 0.000000e+00 : f32
        %max3A_1494 = vector.broadcast %max3A_1493 : f32 to vector<16xf32>
        %max3A_1495 = arith.maximumf %add3A_1492, %max3A_1494 : vector<16xf32>
        %swap3A_1496 = arith.constant 0 : i32
        %swap3A_1497 = arith.constant 0 : i32
        %swap3A_1498 = arith.constant 0 : i32
        %swap3A_1499 = tpu.memref_slice %arg7[%scan3A_384, %swap3A_1496, %swap3A_1497, %swap3A_1498] : memref<2x2x128x128xf32, #tpu.memory_space<vmem>> -> memref<1x2x128x128xf32, #tpu.memory_space<vmem>>
        %swap3A_1500 = tpu.memref_squeeze %swap3A_1499 : memref<1x2x128x128xf32, #tpu.memory_space<vmem>> -> memref<2x128x128xf32, #tpu.memory_space<vmem>>
        %swap3A_1501 = arith.constant 0 : i32
        %swap3A_1502 = arith.constant 0 : i32
        %swap3A_1503 = tpu.memref_slice %swap3A_1500[%scan3A_385, %swap3A_1501, %swap3A_1502] : memref<2x128x128xf32, #tpu.memory_space<vmem>> -> memref<1x128x128xf32, #tpu.memory_space<vmem>>
        %swap3A_1504 = tpu.memref_squeeze %swap3A_1503 : memref<1x128x128xf32, #tpu.memory_space<vmem>> -> memref<128x128xf32, #tpu.memory_space<vmem>>
        %swap3A_1505 = arith.index_cast %add3A_1250 : i32 to index
        %swap3A_1506 = arith.constant 64 : index
        %swap3A_1507 = tpu.vector_load %swap3A_1504[%swap3A_1505, %swap3A_1506] {strides = array<i32>} : memref<128x128xf32, #tpu.memory_space<vmem>>, vector<1x16xf32>,
        %swap3A_1508 = vector.shape_cast %swap3A_1507 : vector<1x16xf32> to vector<16xf32>
        %swap3A_1509 = vector.shape_cast %max3A_1495 : vector<16xf32> to vector<1x16xf32>
        tpu.vector_store %swap3A_1504[%swap3A_1505, %swap3A_1506], %swap3A_1509 {strides = array<i32>} : memref<128x128xf32, #tpu.memory_space<vmem>>, vector<1x16xf32>,
        %get3A_1510 = arith.constant 0 : i32
        %get3A_1511 = arith.constant 0 : i32
        %get3A_1512 = arith.constant 0 : i32
        %get3A_1513 = tpu.memref_slice %arg7[%scan3A_384, %get3A_1510, %get3A_1511, %get3A_1512] : memref<2x2x128x128xf32, #tpu.memory_space<vmem>> -> memref<1x2x128x128xf32, #tpu.memory_space<vmem>>
        %get3A_1514 = tpu.memref_squeeze %get3A_1513 : memref<1x2x128x128xf32, #tpu.memory_space<vmem>> -> memref<2x128x128xf32, #tpu.memory_space<vmem>>
        %get3A_1515 = arith.constant 0 : i32
        %get3A_1516 = arith.constant 0 : i32
        %get3A_1517 = tpu.memref_slice %get3A_1514[%scan3A_385, %get3A_1515, %get3A_1516] : memref<2x128x128xf32, #tpu.memory_space<vmem>> -> memref<1x128x128xf32, #tpu.memory_space<vmem>>
        %get3A_1518 = tpu.memref_squeeze %get3A_1517 : memref<1x128x128xf32, #tpu.memory_space<vmem>> -> memref<128x128xf32, #tpu.memory_space<vmem>>
        %get3A_1519 = arith.index_cast %add3A_1250 : i32 to index
        %get3A_1520 = arith.constant 80 : index
        %get3A_1521 = tpu.vector_load %get3A_1518[%get3A_1519, %get3A_1520] {strides = array<i32>} : memref<128x128xf32, #tpu.memory_space<vmem>>, vector<1x16xf32>,
        %get3A_1522 = vector.shape_cast %get3A_1521 : vector<1x16xf32> to vector<16xf32>
        %get3A_1523 = arith.constant 0 : i32
        %get3A_1524 = arith.constant 0 : i32
        %get3A_1525 = arith.constant 0 : i32
        %get3A_1526 = tpu.memref_slice %arg7[%scan3A_386, %get3A_1523, %get3A_1524, %get3A_1525] : memref<2x2x128x128xf32, #tpu.memory_space<vmem>> -> memref<1x2x128x128xf32, #tpu.memory_space<vmem>>
        %get3A_1527 = tpu.memref_squeeze %get3A_1526 : memref<1x2x128x128xf32, #tpu.memory_space<vmem>> -> memref<2x128x128xf32, #tpu.memory_space<vmem>>
        %get3A_1528 = arith.constant 0 : i32
        %get3A_1529 = arith.constant 0 : i32
        %get3A_1530 = tpu.memref_slice %get3A_1527[%scan3A_387, %get3A_1528, %get3A_1529] : memref<2x128x128xf32, #tpu.memory_space<vmem>> -> memref<1x128x128xf32, #tpu.memory_space<vmem>>
        %get3A_1531 = tpu.memref_squeeze %get3A_1530 : memref<1x128x128xf32, #tpu.memory_space<vmem>> -> memref<128x128xf32, #tpu.memory_space<vmem>>
        %get3A_1532 = arith.index_cast %add3A_1250 : i32 to index
        %get3A_1533 = arith.constant 80 : index
        %get3A_1534 = tpu.vector_load %get3A_1531[%get3A_1532, %get3A_1533] {strides = array<i32>} : memref<128x128xf32, #tpu.memory_space<vmem>>, vector<1x16xf32>,
        %get3A_1535 = vector.shape_cast %get3A_1534 : vector<1x16xf32> to vector<16xf32>
        %add3A_1536 = arith.addf %get3A_1522, %get3A_1535 : vector<16xf32>
        %and3A_1537 = arith.andi %get3A_1462, %broadcast_in_dim3A_380 : vector<16xi32>
        %bitcast_convert_type3A_1538 = tpu.bitcast %and3A_1537 : vector<16xi32> -> vector<16xf32>
        %add3A_1539 = arith.addf %add3A_1536, %bitcast_convert_type3A_1538 : vector<16xf32>
        %max3A_1540 = arith.constant 0.000000e+00 : f32
        %max3A_1541 = vector.broadcast %max3A_1540 : f32 to vector<16xf32>
        %max3A_1542 = arith.maximumf %add3A_1539, %max3A_1541 : vector<16xf32>
        %swap3A_1543 = arith.constant 0 : i32
        %swap3A_1544 = arith.constant 0 : i32
        %swap3A_1545 = arith.constant 0 : i32
        %swap3A_1546 = tpu.memref_slice %arg7[%scan3A_384, %swap3A_1543, %swap3A_1544, %swap3A_1545] : memref<2x2x128x128xf32, #tpu.memory_space<vmem>> -> memref<1x2x128x128xf32, #tpu.memory_space<vmem>>
        %swap3A_1547 = tpu.memref_squeeze %swap3A_1546 : memref<1x2x128x128xf32, #tpu.memory_space<vmem>> -> memref<2x128x128xf32, #tpu.memory_space<vmem>>
        %swap3A_1548 = arith.constant 0 : i32
        %swap3A_1549 = arith.constant 0 : i32
        %swap3A_1550 = tpu.memref_slice %swap3A_1547[%scan3A_385, %swap3A_1548, %swap3A_1549] : memref<2x128x128xf32, #tpu.memory_space<vmem>> -> memref<1x128x128xf32, #tpu.memory_space<vmem>>
        %swap3A_1551 = tpu.memref_squeeze %swap3A_1550 : memref<1x128x128xf32, #tpu.memory_space<vmem>> -> memref<128x128xf32, #tpu.memory_space<vmem>>
        %swap3A_1552 = arith.index_cast %add3A_1250 : i32 to index
        %swap3A_1553 = arith.constant 80 : index
        %swap3A_1554 = tpu.vector_load %swap3A_1551[%swap3A_1552, %swap3A_1553] {strides = array<i32>} : memref<128x128xf32, #tpu.memory_space<vmem>>, vector<1x16xf32>,
        %swap3A_1555 = vector.shape_cast %swap3A_1554 : vector<1x16xf32> to vector<16xf32>
        %swap3A_1556 = vector.shape_cast %max3A_1542 : vector<16xf32> to vector<1x16xf32>
        tpu.vector_store %swap3A_1551[%swap3A_1552, %swap3A_1553], %swap3A_1556 {strides = array<i32>} : memref<128x128xf32, #tpu.memory_space<vmem>>, vector<1x16xf32>,
        %get3A_1557 = arith.constant 0 : i32
        %get3A_1558 = arith.constant 0 : i32
        %get3A_1559 = tpu.memref_slice %arg8[%scan3A_383, %get3A_1557, %get3A_1558] : memref<2x128x64xi32, #tpu.memory_space<vmem>> -> memref<1x128x64xi32, #tpu.memory_space<vmem>>
        %get3A_1560 = tpu.memref_squeeze %get3A_1559 : memref<1x128x64xi32, #tpu.memory_space<vmem>> -> memref<128x64xi32, #tpu.memory_space<vmem>>
        %get3A_1561 = arith.index_cast %add3A_1250 : i32 to index
        %get3A_1562 = arith.constant 48 : index
        %get3A_1563 = tpu.vector_load %get3A_1560[%get3A_1561, %get3A_1562] {strides = array<i32>} : memref<128x64xi32, #tpu.memory_space<vmem>>, vector<1x16xi32>,
        %get3A_1564 = vector.shape_cast %get3A_1563 : vector<1x16xi32> to vector<16xi32>
        %get3A_1565 = arith.constant 0 : i32
        %get3A_1566 = arith.constant 0 : i32
        %get3A_1567 = arith.constant 0 : i32
        %get3A_1568 = tpu.memref_slice %arg7[%scan3A_384, %get3A_1565, %get3A_1566, %get3A_1567] : memref<2x2x128x128xf32, #tpu.memory_space<vmem>> -> memref<1x2x128x128xf32, #tpu.memory_space<vmem>>
        %get3A_1569 = tpu.memref_squeeze %get3A_1568 : memref<1x2x128x128xf32, #tpu.memory_space<vmem>> -> memref<2x128x128xf32, #tpu.memory_space<vmem>>
        %get3A_1570 = arith.constant 0 : i32
        %get3A_1571 = arith.constant 0 : i32
        %get3A_1572 = tpu.memref_slice %get3A_1569[%scan3A_385, %get3A_1570, %get3A_1571] : memref<2x128x128xf32, #tpu.memory_space<vmem>> -> memref<1x128x128xf32, #tpu.memory_space<vmem>>
        %get3A_1573 = tpu.memref_squeeze %get3A_1572 : memref<1x128x128xf32, #tpu.memory_space<vmem>> -> memref<128x128xf32, #tpu.memory_space<vmem>>
        %get3A_1574 = arith.index_cast %add3A_1250 : i32 to index
        %get3A_1575 = arith.constant 96 : index
        %get3A_1576 = tpu.vector_load %get3A_1573[%get3A_1574, %get3A_1575] {strides = array<i32>} : memref<128x128xf32, #tpu.memory_space<vmem>>, vector<1x16xf32>,
        %get3A_1577 = vector.shape_cast %get3A_1576 : vector<1x16xf32> to vector<16xf32>
        %get3A_1578 = arith.constant 0 : i32
        %get3A_1579 = arith.constant 0 : i32
        %get3A_1580 = arith.constant 0 : i32
        %get3A_1581 = tpu.memref_slice %arg7[%scan3A_386, %get3A_1578, %get3A_1579, %get3A_1580] : memref<2x2x128x128xf32, #tpu.memory_space<vmem>> -> memref<1x2x128x128xf32, #tpu.memory_space<vmem>>
        %get3A_1582 = tpu.memref_squeeze %get3A_1581 : memref<1x2x128x128xf32, #tpu.memory_space<vmem>> -> memref<2x128x128xf32, #tpu.memory_space<vmem>>
        %get3A_1583 = arith.constant 0 : i32
        %get3A_1584 = arith.constant 0 : i32
        %get3A_1585 = tpu.memref_slice %get3A_1582[%scan3A_387, %get3A_1583, %get3A_1584] : memref<2x128x128xf32, #tpu.memory_space<vmem>> -> memref<1x128x128xf32, #tpu.memory_space<vmem>>
        %get3A_1586 = tpu.memref_squeeze %get3A_1585 : memref<1x128x128xf32, #tpu.memory_space<vmem>> -> memref<128x128xf32, #tpu.memory_space<vmem>>
        %get3A_1587 = arith.index_cast %add3A_1250 : i32 to index
        %get3A_1588 = arith.constant 96 : index
        %get3A_1589 = tpu.vector_load %get3A_1586[%get3A_1587, %get3A_1588] {strides = array<i32>} : memref<128x128xf32, #tpu.memory_space<vmem>>, vector<1x16xf32>,
        %get3A_1590 = vector.shape_cast %get3A_1589 : vector<1x16xf32> to vector<16xf32>
        %add3A_1591 = arith.addf %get3A_1577, %get3A_1590 : vector<16xf32>
        %shift_left3A_1592 = arith.shli %get3A_1564, %broadcast_in_dim3A_382 : vector<16xi32>
        %bitcast_convert_type3A_1593 = tpu.bitcast %shift_left3A_1592 : vector<16xi32> -> vector<16xf32>
        %add3A_1594 = arith.addf %add3A_1591, %bitcast_convert_type3A_1593 : vector<16xf32>
        %max3A_1595 = arith.constant 0.000000e+00 : f32
        %max3A_1596 = vector.broadcast %max3A_1595 : f32 to vector<16xf32>
        %max3A_1597 = arith.maximumf %add3A_1594, %max3A_1596 : vector<16xf32>
        %swap3A_1598 = arith.constant 0 : i32
        %swap3A_1599 = arith.constant 0 : i32
        %swap3A_1600 = arith.constant 0 : i32
        %swap3A_1601 = tpu.memref_slice %arg7[%scan3A_384, %swap3A_1598, %swap3A_1599, %swap3A_1600] : memref<2x2x128x128xf32, #tpu.memory_space<vmem>> -> memref<1x2x128x128xf32, #tpu.memory_space<vmem>>
        %swap3A_1602 = tpu.memref_squeeze %swap3A_1601 : memref<1x2x128x128xf32, #tpu.memory_space<vmem>> -> memref<2x128x128xf32, #tpu.memory_space<vmem>>
        %swap3A_1603 = arith.constant 0 : i32
        %swap3A_1604 = arith.constant 0 : i32
        %swap3A_1605 = tpu.memref_slice %swap3A_1602[%scan3A_385, %swap3A_1603, %swap3A_1604] : memref<2x128x128xf32, #tpu.memory_space<vmem>> -> memref<1x128x128xf32, #tpu.memory_space<vmem>>
        %swap3A_1606 = tpu.memref_squeeze %swap3A_1605 : memref<1x128x128xf32, #tpu.memory_space<vmem>> -> memref<128x128xf32, #tpu.memory_space<vmem>>
        %swap3A_1607 = arith.index_cast %add3A_1250 : i32 to index
        %swap3A_1608 = arith.constant 96 : index
        %swap3A_1609 = tpu.vector_load %swap3A_1606[%swap3A_1607, %swap3A_1608] {strides = array<i32>} : memref<128x128xf32, #tpu.memory_space<vmem>>, vector<1x16xf32>,
        %swap3A_1610 = vector.shape_cast %swap3A_1609 : vector<1x16xf32> to vector<16xf32>
        %swap3A_1611 = vector.shape_cast %max3A_1597 : vector<16xf32> to vector<1x16xf32>
        tpu.vector_store %swap3A_1606[%swap3A_1607, %swap3A_1608], %swap3A_1611 {strides = array<i32>} : memref<128x128xf32, #tpu.memory_space<vmem>>, vector<1x16xf32>,
        %get3A_1612 = arith.constant 0 : i32
        %get3A_1613 = arith.constant 0 : i32
        %get3A_1614 = arith.constant 0 : i32
        %get3A_1615 = tpu.memref_slice %arg7[%scan3A_384, %get3A_1612, %get3A_1613, %get3A_1614] : memref<2x2x128x128xf32, #tpu.memory_space<vmem>> -> memref<1x2x128x128xf32, #tpu.memory_space<vmem>>
        %get3A_1616 = tpu.memref_squeeze %get3A_1615 : memref<1x2x128x128xf32, #tpu.memory_space<vmem>> -> memref<2x128x128xf32, #tpu.memory_space<vmem>>
        %get3A_1617 = arith.constant 0 : i32
        %get3A_1618 = arith.constant 0 : i32
        %get3A_1619 = tpu.memref_slice %get3A_1616[%scan3A_385, %get3A_1617, %get3A_1618] : memref<2x128x128xf32, #tpu.memory_space<vmem>> -> memref<1x128x128xf32, #tpu.memory_space<vmem>>
        %get3A_1620 = tpu.memref_squeeze %get3A_1619 : memref<1x128x128xf32, #tpu.memory_space<vmem>> -> memref<128x128xf32, #tpu.memory_space<vmem>>
        %get3A_1621 = arith.index_cast %add3A_1250 : i32 to index
        %get3A_1622 = arith.constant 112 : index
        %get3A_1623 = tpu.vector_load %get3A_1620[%get3A_1621, %get3A_1622] {strides = array<i32>} : memref<128x128xf32, #tpu.memory_space<vmem>>, vector<1x16xf32>,
        %get3A_1624 = vector.shape_cast %get3A_1623 : vector<1x16xf32> to vector<16xf32>
        %get3A_1625 = arith.constant 0 : i32
        %get3A_1626 = arith.constant 0 : i32
        %get3A_1627 = arith.constant 0 : i32
        %get3A_1628 = tpu.memref_slice %arg7[%scan3A_386, %get3A_1625, %get3A_1626, %get3A_1627] : memref<2x2x128x128xf32, #tpu.memory_space<vmem>> -> memref<1x2x128x128xf32, #tpu.memory_space<vmem>>
        %get3A_1629 = tpu.memref_squeeze %get3A_1628 : memref<1x2x128x128xf32, #tpu.memory_space<vmem>> -> memref<2x128x128xf32, #tpu.memory_space<vmem>>
        %get3A_1630 = arith.constant 0 : i32
        %get3A_1631 = arith.constant 0 : i32
        %get3A_1632 = tpu.memref_slice %get3A_1629[%scan3A_387, %get3A_1630, %get3A_1631] : memref<2x128x128xf32, #tpu.memory_space<vmem>> -> memref<1x128x128xf32, #tpu.memory_space<vmem>>
        %get3A_1633 = tpu.memref_squeeze %get3A_1632 : memref<1x128x128xf32, #tpu.memory_space<vmem>> -> memref<128x128xf32, #tpu.memory_space<vmem>>
        %get3A_1634 = arith.index_cast %add3A_1250 : i32 to index
        %get3A_1635 = arith.constant 112 : index
        %get3A_1636 = tpu.vector_load %get3A_1633[%get3A_1634, %get3A_1635] {strides = array<i32>} : memref<128x128xf32, #tpu.memory_space<vmem>>, vector<1x16xf32>,
        %get3A_1637 = vector.shape_cast %get3A_1636 : vector<1x16xf32> to vector<16xf32>
        %add3A_1638 = arith.addf %get3A_1624, %get3A_1637 : vector<16xf32>
        %and3A_1639 = arith.andi %get3A_1564, %broadcast_in_dim3A_380 : vector<16xi32>
        %bitcast_convert_type3A_1640 = tpu.bitcast %and3A_1639 : vector<16xi32> -> vector<16xf32>
        %add3A_1641 = arith.addf %add3A_1638, %bitcast_convert_type3A_1640 : vector<16xf32>
        %max3A_1642 = arith.constant 0.000000e+00 : f32
        %max3A_1643 = vector.broadcast %max3A_1642 : f32 to vector<16xf32>
        %max3A_1644 = arith.maximumf %add3A_1641, %max3A_1643 : vector<16xf32>
        %swap3A_1645 = arith.constant 0 : i32
        %swap3A_1646 = arith.constant 0 : i32
        %swap3A_1647 = arith.constant 0 : i32
        %swap3A_1648 = tpu.memref_slice %arg7[%scan3A_384, %swap3A_1645, %swap3A_1646, %swap3A_1647] : memref<2x2x128x128xf32, #tpu.memory_space<vmem>> -> memref<1x2x128x128xf32, #tpu.memory_space<vmem>>
        %swap3A_1649 = tpu.memref_squeeze %swap3A_1648 : memref<1x2x128x128xf32, #tpu.memory_space<vmem>> -> memref<2x128x128xf32, #tpu.memory_space<vmem>>
        %swap3A_1650 = arith.constant 0 : i32
        %swap3A_1651 = arith.constant 0 : i32
        %swap3A_1652 = tpu.memref_slice %swap3A_1649[%scan3A_385, %swap3A_1650, %swap3A_1651] : memref<2x128x128xf32, #tpu.memory_space<vmem>> -> memref<1x128x128xf32, #tpu.memory_space<vmem>>
        %swap3A_1653 = tpu.memref_squeeze %swap3A_1652 : memref<1x128x128xf32, #tpu.memory_space<vmem>> -> memref<128x128xf32, #tpu.memory_space<vmem>>
        %swap3A_1654 = arith.index_cast %add3A_1250 : i32 to index
        %swap3A_1655 = arith.constant 112 : index
        %swap3A_1656 = tpu.vector_load %swap3A_1653[%swap3A_1654, %swap3A_1655] {strides = array<i32>} : memref<128x128xf32, #tpu.memory_space<vmem>>, vector<1x16xf32>,
        %swap3A_1657 = vector.shape_cast %swap3A_1656 : vector<1x16xf32> to vector<16xf32>
        %swap3A_1658 = vector.shape_cast %max3A_1644 : vector<16xf32> to vector<1x16xf32>
        tpu.vector_store %swap3A_1653[%swap3A_1654, %swap3A_1655], %swap3A_1658 {strides = array<i32>} : memref<128x128xf32, #tpu.memory_space<vmem>>, vector<1x16xf32>,
        %scan3A_1659 = arith.constant 3 : i32
        %scan3A_1660 = arith.addi %scan3A_424, %scan3A_1659 : i32
        %mul3A_1661 = arith.constant 1 : i32
        %mul3A_1662 = arith.muli %scan3A_1660, %mul3A_1661 : i32
        %add3A_1663 = arith.constant 0 : i32
        %add3A_1664 = arith.addi %add3A_1663, %mul3A_1662 : i32
        %get3A_1665 = arith.constant 0 : i32
        %get3A_1666 = arith.constant 0 : i32
        %get3A_1667 = tpu.memref_slice %arg8[%scan3A_383, %get3A_1665, %get3A_1666] : memref<2x128x64xi32, #tpu.memory_space<vmem>> -> memref<1x128x64xi32, #tpu.memory_space<vmem>>
        %get3A_1668 = tpu.memref_squeeze %get3A_1667 : memref<1x128x64xi32, #tpu.memory_space<vmem>> -> memref<128x64xi32, #tpu.memory_space<vmem>>
        %get3A_1669 = arith.index_cast %add3A_1664 : i32 to index
        %get3A_1670 = arith.constant 0 : index
        %get3A_1671 = tpu.vector_load %get3A_1668[%get3A_1669, %get3A_1670] {strides = array<i32>} : memref<128x64xi32, #tpu.memory_space<vmem>>, vector<1x16xi32>,
        %get3A_1672 = vector.shape_cast %get3A_1671 : vector<1x16xi32> to vector<16xi32>
        %get3A_1673 = arith.constant 0 : i32
        %get3A_1674 = arith.constant 0 : i32
        %get3A_1675 = arith.constant 0 : i32
        %get3A_1676 = tpu.memref_slice %arg7[%scan3A_384, %get3A_1673, %get3A_1674, %get3A_1675] : memref<2x2x128x128xf32, #tpu.memory_space<vmem>> -> memref<1x2x128x128xf32, #tpu.memory_space<vmem>>
        %get3A_1677 = tpu.memref_squeeze %get3A_1676 : memref<1x2x128x128xf32, #tpu.memory_space<vmem>> -> memref<2x128x128xf32, #tpu.memory_space<vmem>>
        %get3A_1678 = arith.constant 0 : i32
        %get3A_1679 = arith.constant 0 : i32
        %get3A_1680 = tpu.memref_slice %get3A_1677[%scan3A_385, %get3A_1678, %get3A_1679] : memref<2x128x128xf32, #tpu.memory_space<vmem>> -> memref<1x128x128xf32, #tpu.memory_space<vmem>>
        %get3A_1681 = tpu.memref_squeeze %get3A_1680 : memref<1x128x128xf32, #tpu.memory_space<vmem>> -> memref<128x128xf32, #tpu.memory_space<vmem>>
        %get3A_1682 = arith.index_cast %add3A_1664 : i32 to index
        %get3A_1683 = arith.constant 0 : index
        %get3A_1684 = tpu.vector_load %get3A_1681[%get3A_1682, %get3A_1683] {strides = array<i32>} : memref<128x128xf32, #tpu.memory_space<vmem>>, vector<1x16xf32>,
        %get3A_1685 = vector.shape_cast %get3A_1684 : vector<1x16xf32> to vector<16xf32>
        %get3A_1686 = arith.constant 0 : i32
        %get3A_1687 = arith.constant 0 : i32
        %get3A_1688 = arith.constant 0 : i32
        %get3A_1689 = tpu.memref_slice %arg7[%scan3A_386, %get3A_1686, %get3A_1687, %get3A_1688] : memref<2x2x128x128xf32, #tpu.memory_space<vmem>> -> memref<1x2x128x128xf32, #tpu.memory_space<vmem>>
        %get3A_1690 = tpu.memref_squeeze %get3A_1689 : memref<1x2x128x128xf32, #tpu.memory_space<vmem>> -> memref<2x128x128xf32, #tpu.memory_space<vmem>>
        %get3A_1691 = arith.constant 0 : i32
        %get3A_1692 = arith.constant 0 : i32
        %get3A_1693 = tpu.memref_slice %get3A_1690[%scan3A_387, %get3A_1691, %get3A_1692] : memref<2x128x128xf32, #tpu.memory_space<vmem>> -> memref<1x128x128xf32, #tpu.memory_space<vmem>>
        %get3A_1694 = tpu.memref_squeeze %get3A_1693 : memref<1x128x128xf32, #tpu.memory_space<vmem>> -> memref<128x128xf32, #tpu.memory_space<vmem>>
        %get3A_1695 = arith.index_cast %add3A_1664 : i32 to index
        %get3A_1696 = arith.constant 0 : index
        %get3A_1697 = tpu.vector_load %get3A_1694[%get3A_1695, %get3A_1696] {strides = array<i32>} : memref<128x128xf32, #tpu.memory_space<vmem>>, vector<1x16xf32>,
        %get3A_1698 = vector.shape_cast %get3A_1697 : vector<1x16xf32> to vector<16xf32>
        %add3A_1699 = arith.addf %get3A_1685, %get3A_1698 : vector<16xf32>
        %shift_left3A_1700 = arith.shli %get3A_1672, %broadcast_in_dim3A_382 : vector<16xi32>
        %bitcast_convert_type3A_1701 = tpu.bitcast %shift_left3A_1700 : vector<16xi32> -> vector<16xf32>
        %add3A_1702 = arith.addf %add3A_1699, %bitcast_convert_type3A_1701 : vector<16xf32>
        %max3A_1703 = arith.constant 0.000000e+00 : f32
        %max3A_1704 = vector.broadcast %max3A_1703 : f32 to vector<16xf32>
        %max3A_1705 = arith.maximumf %add3A_1702, %max3A_1704 : vector<16xf32>
        %swap3A_1706 = arith.constant 0 : i32
        %swap3A_1707 = arith.constant 0 : i32
        %swap3A_1708 = arith.constant 0 : i32
        %swap3A_1709 = tpu.memref_slice %arg7[%scan3A_384, %swap3A_1706, %swap3A_1707, %swap3A_1708] : memref<2x2x128x128xf32, #tpu.memory_space<vmem>> -> memref<1x2x128x128xf32, #tpu.memory_space<vmem>>
        %swap3A_1710 = tpu.memref_squeeze %swap3A_1709 : memref<1x2x128x128xf32, #tpu.memory_space<vmem>> -> memref<2x128x128xf32, #tpu.memory_space<vmem>>
        %swap3A_1711 = arith.constant 0 : i32
        %swap3A_1712 = arith.constant 0 : i32
        %swap3A_1713 = tpu.memref_slice %swap3A_1710[%scan3A_385, %swap3A_1711, %swap3A_1712] : memref<2x128x128xf32, #tpu.memory_space<vmem>> -> memref<1x128x128xf32, #tpu.memory_space<vmem>>
        %swap3A_1714 = tpu.memref_squeeze %swap3A_1713 : memref<1x128x128xf32, #tpu.memory_space<vmem>> -> memref<128x128xf32, #tpu.memory_space<vmem>>
        %swap3A_1715 = arith.index_cast %add3A_1664 : i32 to index
        %swap3A_1716 = arith.constant 0 : index
        %swap3A_1717 = tpu.vector_load %swap3A_1714[%swap3A_1715, %swap3A_1716] {strides = array<i32>} : memref<128x128xf32, #tpu.memory_space<vmem>>, vector<1x16xf32>,
        %swap3A_1718 = vector.shape_cast %swap3A_1717 : vector<1x16xf32> to vector<16xf32>
        %swap3A_1719 = vector.shape_cast %max3A_1705 : vector<16xf32> to vector<1x16xf32>
        tpu.vector_store %swap3A_1714[%swap3A_1715, %swap3A_1716], %swap3A_1719 {strides = array<i32>} : memref<128x128xf32, #tpu.memory_space<vmem>>, vector<1x16xf32>,
        %get3A_1720 = arith.constant 0 : i32
        %get3A_1721 = arith.constant 0 : i32
        %get3A_1722 = arith.constant 0 : i32
        %get3A_1723 = tpu.memref_slice %arg7[%scan3A_384, %get3A_1720, %get3A_1721, %get3A_1722] : memref<2x2x128x128xf32, #tpu.memory_space<vmem>> -> memref<1x2x128x128xf32, #tpu.memory_space<vmem>>
        %get3A_1724 = tpu.memref_squeeze %get3A_1723 : memref<1x2x128x128xf32, #tpu.memory_space<vmem>> -> memref<2x128x128xf32, #tpu.memory_space<vmem>>
        %get3A_1725 = arith.constant 0 : i32
        %get3A_1726 = arith.constant 0 : i32
        %get3A_1727 = tpu.memref_slice %get3A_1724[%scan3A_385, %get3A_1725, %get3A_1726] : memref<2x128x128xf32, #tpu.memory_space<vmem>> -> memref<1x128x128xf32, #tpu.memory_space<vmem>>
        %get3A_1728 = tpu.memref_squeeze %get3A_1727 : memref<1x128x128xf32, #tpu.memory_space<vmem>> -> memref<128x128xf32, #tpu.memory_space<vmem>>
        %get3A_1729 = arith.index_cast %add3A_1664 : i32 to index
        %get3A_1730 = arith.constant 16 : index
        %get3A_1731 = tpu.vector_load %get3A_1728[%get3A_1729, %get3A_1730] {strides = array<i32>} : memref<128x128xf32, #tpu.memory_space<vmem>>, vector<1x16xf32>,
        %get3A_1732 = vector.shape_cast %get3A_1731 : vector<1x16xf32> to vector<16xf32>
        %get3A_1733 = arith.constant 0 : i32
        %get3A_1734 = arith.constant 0 : i32
        %get3A_1735 = arith.constant 0 : i32
        %get3A_1736 = tpu.memref_slice %arg7[%scan3A_386, %get3A_1733, %get3A_1734, %get3A_1735] : memref<2x2x128x128xf32, #tpu.memory_space<vmem>> -> memref<1x2x128x128xf32, #tpu.memory_space<vmem>>
        %get3A_1737 = tpu.memref_squeeze %get3A_1736 : memref<1x2x128x128xf32, #tpu.memory_space<vmem>> -> memref<2x128x128xf32, #tpu.memory_space<vmem>>
        %get3A_1738 = arith.constant 0 : i32
        %get3A_1739 = arith.constant 0 : i32
        %get3A_1740 = tpu.memref_slice %get3A_1737[%scan3A_387, %get3A_1738, %get3A_1739] : memref<2x128x128xf32, #tpu.memory_space<vmem>> -> memref<1x128x128xf32, #tpu.memory_space<vmem>>
        %get3A_1741 = tpu.memref_squeeze %get3A_1740 : memref<1x128x128xf32, #tpu.memory_space<vmem>> -> memref<128x128xf32, #tpu.memory_space<vmem>>
        %get3A_1742 = arith.index_cast %add3A_1664 : i32 to index
        %get3A_1743 = arith.constant 16 : index
        %get3A_1744 = tpu.vector_load %get3A_1741[%get3A_1742, %get3A_1743] {strides = array<i32>} : memref<128x128xf32, #tpu.memory_space<vmem>>, vector<1x16xf32>,
        %get3A_1745 = vector.shape_cast %get3A_1744 : vector<1x16xf32> to vector<16xf32>
        %add3A_1746 = arith.addf %get3A_1732, %get3A_1745 : vector<16xf32>
        %and3A_1747 = arith.andi %get3A_1672, %broadcast_in_dim3A_380 : vector<16xi32>
        %bitcast_convert_type3A_1748 = tpu.bitcast %and3A_1747 : vector<16xi32> -> vector<16xf32>
        %add3A_1749 = arith.addf %add3A_1746, %bitcast_convert_type3A_1748 : vector<16xf32>
        %max3A_1750 = arith.constant 0.000000e+00 : f32
        %max3A_1751 = vector.broadcast %max3A_1750 : f32 to vector<16xf32>
        %max3A_1752 = arith.maximumf %add3A_1749, %max3A_1751 : vector<16xf32>
        %swap3A_1753 = arith.constant 0 : i32
        %swap3A_1754 = arith.constant 0 : i32
        %swap3A_1755 = arith.constant 0 : i32
        %swap3A_1756 = tpu.memref_slice %arg7[%scan3A_384, %swap3A_1753, %swap3A_1754, %swap3A_1755] : memref<2x2x128x128xf32, #tpu.memory_space<vmem>> -> memref<1x2x128x128xf32, #tpu.memory_space<vmem>>
        %swap3A_1757 = tpu.memref_squeeze %swap3A_1756 : memref<1x2x128x128xf32, #tpu.memory_space<vmem>> -> memref<2x128x128xf32, #tpu.memory_space<vmem>>
        %swap3A_1758 = arith.constant 0 : i32
        %swap3A_1759 = arith.constant 0 : i32
        %swap3A_1760 = tpu.memref_slice %swap3A_1757[%scan3A_385, %swap3A_1758, %swap3A_1759] : memref<2x128x128xf32, #tpu.memory_space<vmem>> -> memref<1x128x128xf32, #tpu.memory_space<vmem>>
        %swap3A_1761 = tpu.memref_squeeze %swap3A_1760 : memref<1x128x128xf32, #tpu.memory_space<vmem>> -> memref<128x128xf32, #tpu.memory_space<vmem>>
        %swap3A_1762 = arith.index_cast %add3A_1664 : i32 to index
        %swap3A_1763 = arith.constant 16 : index
        %swap3A_1764 = tpu.vector_load %swap3A_1761[%swap3A_1762, %swap3A_1763] {strides = array<i32>} : memref<128x128xf32, #tpu.memory_space<vmem>>, vector<1x16xf32>,
        %swap3A_1765 = vector.shape_cast %swap3A_1764 : vector<1x16xf32> to vector<16xf32>
        %swap3A_1766 = vector.shape_cast %max3A_1752 : vector<16xf32> to vector<1x16xf32>
        tpu.vector_store %swap3A_1761[%swap3A_1762, %swap3A_1763], %swap3A_1766 {strides = array<i32>} : memref<128x128xf32, #tpu.memory_space<vmem>>, vector<1x16xf32>,
        %get3A_1767 = arith.constant 0 : i32
        %get3A_1768 = arith.constant 0 : i32
        %get3A_1769 = tpu.memref_slice %arg8[%scan3A_383, %get3A_1767, %get3A_1768] : memref<2x128x64xi32, #tpu.memory_space<vmem>> -> memref<1x128x64xi32, #tpu.memory_space<vmem>>
        %get3A_1770 = tpu.memref_squeeze %get3A_1769 : memref<1x128x64xi32, #tpu.memory_space<vmem>> -> memref<128x64xi32, #tpu.memory_space<vmem>>
        %get3A_1771 = arith.index_cast %add3A_1664 : i32 to index
        %get3A_1772 = arith.constant 16 : index
        %get3A_1773 = tpu.vector_load %get3A_1770[%get3A_1771, %get3A_1772] {strides = array<i32>} : memref<128x64xi32, #tpu.memory_space<vmem>>, vector<1x16xi32>,
        %get3A_1774 = vector.shape_cast %get3A_1773 : vector<1x16xi32> to vector<16xi32>
        %get3A_1775 = arith.constant 0 : i32
        %get3A_1776 = arith.constant 0 : i32
        %get3A_1777 = arith.constant 0 : i32
        %get3A_1778 = tpu.memref_slice %arg7[%scan3A_384, %get3A_1775, %get3A_1776, %get3A_1777] : memref<2x2x128x128xf32, #tpu.memory_space<vmem>> -> memref<1x2x128x128xf32, #tpu.memory_space<vmem>>
        %get3A_1779 = tpu.memref_squeeze %get3A_1778 : memref<1x2x128x128xf32, #tpu.memory_space<vmem>> -> memref<2x128x128xf32, #tpu.memory_space<vmem>>
        %get3A_1780 = arith.constant 0 : i32
        %get3A_1781 = arith.constant 0 : i32
        %get3A_1782 = tpu.memref_slice %get3A_1779[%scan3A_385, %get3A_1780, %get3A_1781] : memref<2x128x128xf32, #tpu.memory_space<vmem>> -> memref<1x128x128xf32, #tpu.memory_space<vmem>>
        %get3A_1783 = tpu.memref_squeeze %get3A_1782 : memref<1x128x128xf32, #tpu.memory_space<vmem>> -> memref<128x128xf32, #tpu.memory_space<vmem>>
        %get3A_1784 = arith.index_cast %add3A_1664 : i32 to index
        %get3A_1785 = arith.constant 32 : index
        %get3A_1786 = tpu.vector_load %get3A_1783[%get3A_1784, %get3A_1785] {strides = array<i32>} : memref<128x128xf32, #tpu.memory_space<vmem>>, vector<1x16xf32>,
        %get3A_1787 = vector.shape_cast %get3A_1786 : vector<1x16xf32> to vector<16xf32>
        %get3A_1788 = arith.constant 0 : i32
        %get3A_1789 = arith.constant 0 : i32
        %get3A_1790 = arith.constant 0 : i32
        %get3A_1791 = tpu.memref_slice %arg7[%scan3A_386, %get3A_1788, %get3A_1789, %get3A_1790] : memref<2x2x128x128xf32, #tpu.memory_space<vmem>> -> memref<1x2x128x128xf32, #tpu.memory_space<vmem>>
        %get3A_1792 = tpu.memref_squeeze %get3A_1791 : memref<1x2x128x128xf32, #tpu.memory_space<vmem>> -> memref<2x128x128xf32, #tpu.memory_space<vmem>>
        %get3A_1793 = arith.constant 0 : i32
        %get3A_1794 = arith.constant 0 : i32
        %get3A_1795 = tpu.memref_slice %get3A_1792[%scan3A_387, %get3A_1793, %get3A_1794] : memref<2x128x128xf32, #tpu.memory_space<vmem>> -> memref<1x128x128xf32, #tpu.memory_space<vmem>>
        %get3A_1796 = tpu.memref_squeeze %get3A_1795 : memref<1x128x128xf32, #tpu.memory_space<vmem>> -> memref<128x128xf32, #tpu.memory_space<vmem>>
        %get3A_1797 = arith.index_cast %add3A_1664 : i32 to index
        %get3A_1798 = arith.constant 32 : index
        %get3A_1799 = tpu.vector_load %get3A_1796[%get3A_1797, %get3A_1798] {strides = array<i32>} : memref<128x128xf32, #tpu.memory_space<vmem>>, vector<1x16xf32>,
        %get3A_1800 = vector.shape_cast %get3A_1799 : vector<1x16xf32> to vector<16xf32>
        %add3A_1801 = arith.addf %get3A_1787, %get3A_1800 : vector<16xf32>
        %shift_left3A_1802 = arith.shli %get3A_1774, %broadcast_in_dim3A_382 : vector<16xi32>
        %bitcast_convert_type3A_1803 = tpu.bitcast %shift_left3A_1802 : vector<16xi32> -> vector<16xf32>
        %add3A_1804 = arith.addf %add3A_1801, %bitcast_convert_type3A_1803 : vector<16xf32>
        %max3A_1805 = arith.constant 0.000000e+00 : f32
        %max3A_1806 = vector.broadcast %max3A_1805 : f32 to vector<16xf32>
        %max3A_1807 = arith.maximumf %add3A_1804, %max3A_1806 : vector<16xf32>
        %swap3A_1808 = arith.constant 0 : i32
        %swap3A_1809 = arith.constant 0 : i32
        %swap3A_1810 = arith.constant 0 : i32
        %swap3A_1811 = tpu.memref_slice %arg7[%scan3A_384, %swap3A_1808, %swap3A_1809, %swap3A_1810] : memref<2x2x128x128xf32, #tpu.memory_space<vmem>> -> memref<1x2x128x128xf32, #tpu.memory_space<vmem>>
        %swap3A_1812 = tpu.memref_squeeze %swap3A_1811 : memref<1x2x128x128xf32, #tpu.memory_space<vmem>> -> memref<2x128x128xf32, #tpu.memory_space<vmem>>
        %swap3A_1813 = arith.constant 0 : i32
        %swap3A_1814 = arith.constant 0 : i32
        %swap3A_1815 = tpu.memref_slice %swap3A_1812[%scan3A_385, %swap3A_1813, %swap3A_1814] : memref<2x128x128xf32, #tpu.memory_space<vmem>> -> memref<1x128x128xf32, #tpu.memory_space<vmem>>
        %swap3A_1816 = tpu.memref_squeeze %swap3A_1815 : memref<1x128x128xf32, #tpu.memory_space<vmem>> -> memref<128x128xf32, #tpu.memory_space<vmem>>
        %swap3A_1817 = arith.index_cast %add3A_1664 : i32 to index
        %swap3A_1818 = arith.constant 32 : index
        %swap3A_1819 = tpu.vector_load %swap3A_1816[%swap3A_1817, %swap3A_1818] {strides = array<i32>} : memref<128x128xf32, #tpu.memory_space<vmem>>, vector<1x16xf32>,
        %swap3A_1820 = vector.shape_cast %swap3A_1819 : vector<1x16xf32> to vector<16xf32>
        %swap3A_1821 = vector.shape_cast %max3A_1807 : vector<16xf32> to vector<1x16xf32>
        tpu.vector_store %swap3A_1816[%swap3A_1817, %swap3A_1818], %swap3A_1821 {strides = array<i32>} : memref<128x128xf32, #tpu.memory_space<vmem>>, vector<1x16xf32>,
        %get3A_1822 = arith.constant 0 : i32
        %get3A_1823 = arith.constant 0 : i32
        %get3A_1824 = arith.constant 0 : i32
        %get3A_1825 = tpu.memref_slice %arg7[%scan3A_384, %get3A_1822, %get3A_1823, %get3A_1824] : memref<2x2x128x128xf32, #tpu.memory_space<vmem>> -> memref<1x2x128x128xf32, #tpu.memory_space<vmem>>
        %get3A_1826 = tpu.memref_squeeze %get3A_1825 : memref<1x2x128x128xf32, #tpu.memory_space<vmem>> -> memref<2x128x128xf32, #tpu.memory_space<vmem>>
        %get3A_1827 = arith.constant 0 : i32
        %get3A_1828 = arith.constant 0 : i32
        %get3A_1829 = tpu.memref_slice %get3A_1826[%scan3A_385, %get3A_1827, %get3A_1828] : memref<2x128x128xf32, #tpu.memory_space<vmem>> -> memref<1x128x128xf32, #tpu.memory_space<vmem>>
        %get3A_1830 = tpu.memref_squeeze %get3A_1829 : memref<1x128x128xf32, #tpu.memory_space<vmem>> -> memref<128x128xf32, #tpu.memory_space<vmem>>
        %get3A_1831 = arith.index_cast %add3A_1664 : i32 to index
        %get3A_1832 = arith.constant 48 : index
        %get3A_1833 = tpu.vector_load %get3A_1830[%get3A_1831, %get3A_1832] {strides = array<i32>} : memref<128x128xf32, #tpu.memory_space<vmem>>, vector<1x16xf32>,
        %get3A_1834 = vector.shape_cast %get3A_1833 : vector<1x16xf32> to vector<16xf32>
        %get3A_1835 = arith.constant 0 : i32
        %get3A_1836 = arith.constant 0 : i32
        %get3A_1837 = arith.constant 0 : i32
        %get3A_1838 = tpu.memref_slice %arg7[%scan3A_386, %get3A_1835, %get3A_1836, %get3A_1837] : memref<2x2x128x128xf32, #tpu.memory_space<vmem>> -> memref<1x2x128x128xf32, #tpu.memory_space<vmem>>
        %get3A_1839 = tpu.memref_squeeze %get3A_1838 : memref<1x2x128x128xf32, #tpu.memory_space<vmem>> -> memref<2x128x128xf32, #tpu.memory_space<vmem>>
        %get3A_1840 = arith.constant 0 : i32
        %get3A_1841 = arith.constant 0 : i32
        %get3A_1842 = tpu.memref_slice %get3A_1839[%scan3A_387, %get3A_1840, %get3A_1841] : memref<2x128x128xf32, #tpu.memory_space<vmem>> -> memref<1x128x128xf32, #tpu.memory_space<vmem>>
        %get3A_1843 = tpu.memref_squeeze %get3A_1842 : memref<1x128x128xf32, #tpu.memory_space<vmem>> -> memref<128x128xf32, #tpu.memory_space<vmem>>
        %get3A_1844 = arith.index_cast %add3A_1664 : i32 to index
        %get3A_1845 = arith.constant 48 : index
        %get3A_1846 = tpu.vector_load %get3A_1843[%get3A_1844, %get3A_1845] {strides = array<i32>} : memref<128x128xf32, #tpu.memory_space<vmem>>, vector<1x16xf32>,
        %get3A_1847 = vector.shape_cast %get3A_1846 : vector<1x16xf32> to vector<16xf32>
        %add3A_1848 = arith.addf %get3A_1834, %get3A_1847 : vector<16xf32>
        %and3A_1849 = arith.andi %get3A_1774, %broadcast_in_dim3A_380 : vector<16xi32>
        %bitcast_convert_type3A_1850 = tpu.bitcast %and3A_1849 : vector<16xi32> -> vector<16xf32>
        %add3A_1851 = arith.addf %add3A_1848, %bitcast_convert_type3A_1850 : vector<16xf32>
        %max3A_1852 = arith.constant 0.000000e+00 : f32
        %max3A_1853 = vector.broadcast %max3A_1852 : f32 to vector<16xf32>
        %max3A_1854 = arith.maximumf %add3A_1851, %max3A_1853 : vector<16xf32>
        %swap3A_1855 = arith.constant 0 : i32
        %swap3A_1856 = arith.constant 0 : i32
        %swap3A_1857 = arith.constant 0 : i32
        %swap3A_1858 = tpu.memref_slice %arg7[%scan3A_384, %swap3A_1855, %swap3A_1856, %swap3A_1857] : memref<2x2x128x128xf32, #tpu.memory_space<vmem>> -> memref<1x2x128x128xf32, #tpu.memory_space<vmem>>
        %swap3A_1859 = tpu.memref_squeeze %swap3A_1858 : memref<1x2x128x128xf32, #tpu.memory_space<vmem>> -> memref<2x128x128xf32, #tpu.memory_space<vmem>>
        %swap3A_1860 = arith.constant 0 : i32
        %swap3A_1861 = arith.constant 0 : i32
        %swap3A_1862 = tpu.memref_slice %swap3A_1859[%scan3A_385, %swap3A_1860, %swap3A_1861] : memref<2x128x128xf32, #tpu.memory_space<vmem>> -> memref<1x128x128xf32, #tpu.memory_space<vmem>>
        %swap3A_1863 = tpu.memref_squeeze %swap3A_1862 : memref<1x128x128xf32, #tpu.memory_space<vmem>> -> memref<128x128xf32, #tpu.memory_space<vmem>>
        %swap3A_1864 = arith.index_cast %add3A_1664 : i32 to index
        %swap3A_1865 = arith.constant 48 : index
        %swap3A_1866 = tpu.vector_load %swap3A_1863[%swap3A_1864, %swap3A_1865] {strides = array<i32>} : memref<128x128xf32, #tpu.memory_space<vmem>>, vector<1x16xf32>,
        %swap3A_1867 = vector.shape_cast %swap3A_1866 : vector<1x16xf32> to vector<16xf32>
        %swap3A_1868 = vector.shape_cast %max3A_1854 : vector<16xf32> to vector<1x16xf32>
        tpu.vector_store %swap3A_1863[%swap3A_1864, %swap3A_1865], %swap3A_1868 {strides = array<i32>} : memref<128x128xf32, #tpu.memory_space<vmem>>, vector<1x16xf32>,
        %get3A_1869 = arith.constant 0 : i32
        %get3A_1870 = arith.constant 0 : i32
        %get3A_1871 = tpu.memref_slice %arg8[%scan3A_383, %get3A_1869, %get3A_1870] : memref<2x128x64xi32, #tpu.memory_space<vmem>> -> memref<1x128x64xi32, #tpu.memory_space<vmem>>
        %get3A_1872 = tpu.memref_squeeze %get3A_1871 : memref<1x128x64xi32, #tpu.memory_space<vmem>> -> memref<128x64xi32, #tpu.memory_space<vmem>>
        %get3A_1873 = arith.index_cast %add3A_1664 : i32 to index
        %get3A_1874 = arith.constant 32 : index
        %get3A_1875 = tpu.vector_load %get3A_1872[%get3A_1873, %get3A_1874] {strides = array<i32>} : memref<128x64xi32, #tpu.memory_space<vmem>>, vector<1x16xi32>,
        %get3A_1876 = vector.shape_cast %get3A_1875 : vector<1x16xi32> to vector<16xi32>
        %get3A_1877 = arith.constant 0 : i32
        %get3A_1878 = arith.constant 0 : i32
        %get3A_1879 = arith.constant 0 : i32
        %get3A_1880 = tpu.memref_slice %arg7[%scan3A_384, %get3A_1877, %get3A_1878, %get3A_1879] : memref<2x2x128x128xf32, #tpu.memory_space<vmem>> -> memref<1x2x128x128xf32, #tpu.memory_space<vmem>>
        %get3A_1881 = tpu.memref_squeeze %get3A_1880 : memref<1x2x128x128xf32, #tpu.memory_space<vmem>> -> memref<2x128x128xf32, #tpu.memory_space<vmem>>
        %get3A_1882 = arith.constant 0 : i32
        %get3A_1883 = arith.constant 0 : i32
        %get3A_1884 = tpu.memref_slice %get3A_1881[%scan3A_385, %get3A_1882, %get3A_1883] : memref<2x128x128xf32, #tpu.memory_space<vmem>> -> memref<1x128x128xf32, #tpu.memory_space<vmem>>
        %get3A_1885 = tpu.memref_squeeze %get3A_1884 : memref<1x128x128xf32, #tpu.memory_space<vmem>> -> memref<128x128xf32, #tpu.memory_space<vmem>>
        %get3A_1886 = arith.index_cast %add3A_1664 : i32 to index
        %get3A_1887 = arith.constant 64 : index
        %get3A_1888 = tpu.vector_load %get3A_1885[%get3A_1886, %get3A_1887] {strides = array<i32>} : memref<128x128xf32, #tpu.memory_space<vmem>>, vector<1x16xf32>,
        %get3A_1889 = vector.shape_cast %get3A_1888 : vector<1x16xf32> to vector<16xf32>
        %get3A_1890 = arith.constant 0 : i32
        %get3A_1891 = arith.constant 0 : i32
        %get3A_1892 = arith.constant 0 : i32
        %get3A_1893 = tpu.memref_slice %arg7[%scan3A_386, %get3A_1890, %get3A_1891, %get3A_1892] : memref<2x2x128x128xf32, #tpu.memory_space<vmem>> -> memref<1x2x128x128xf32, #tpu.memory_space<vmem>>
        %get3A_1894 = tpu.memref_squeeze %get3A_1893 : memref<1x2x128x128xf32, #tpu.memory_space<vmem>> -> memref<2x128x128xf32, #tpu.memory_space<vmem>>
        %get3A_1895 = arith.constant 0 : i32
        %get3A_1896 = arith.constant 0 : i32
        %get3A_1897 = tpu.memref_slice %get3A_1894[%scan3A_387, %get3A_1895, %get3A_1896] : memref<2x128x128xf32, #tpu.memory_space<vmem>> -> memref<1x128x128xf32, #tpu.memory_space<vmem>>
        %get3A_1898 = tpu.memref_squeeze %get3A_1897 : memref<1x128x128xf32, #tpu.memory_space<vmem>> -> memref<128x128xf32, #tpu.memory_space<vmem>>
        %get3A_1899 = arith.index_cast %add3A_1664 : i32 to index
        %get3A_1900 = arith.constant 64 : index
        %get3A_1901 = tpu.vector_load %get3A_1898[%get3A_1899, %get3A_1900] {strides = array<i32>} : memref<128x128xf32, #tpu.memory_space<vmem>>, vector<1x16xf32>,
        %get3A_1902 = vector.shape_cast %get3A_1901 : vector<1x16xf32> to vector<16xf32>
        %add3A_1903 = arith.addf %get3A_1889, %get3A_1902 : vector<16xf32>
        %shift_left3A_1904 = arith.shli %get3A_1876, %broadcast_in_dim3A_382 : vector<16xi32>
        %bitcast_convert_type3A_1905 = tpu.bitcast %shift_left3A_1904 : vector<16xi32> -> vector<16xf32>
        %add3A_1906 = arith.addf %add3A_1903, %bitcast_convert_type3A_1905 : vector<16xf32>
        %max3A_1907 = arith.constant 0.000000e+00 : f32
        %max3A_1908 = vector.broadcast %max3A_1907 : f32 to vector<16xf32>
        %max3A_1909 = arith.maximumf %add3A_1906, %max3A_1908 : vector<16xf32>
        %swap3A_1910 = arith.constant 0 : i32
        %swap3A_1911 = arith.constant 0 : i32
        %swap3A_1912 = arith.constant 0 : i32
        %swap3A_1913 = tpu.memref_slice %arg7[%scan3A_384, %swap3A_1910, %swap3A_1911, %swap3A_1912] : memref<2x2x128x128xf32, #tpu.memory_space<vmem>> -> memref<1x2x128x128xf32, #tpu.memory_space<vmem>>
        %swap3A_1914 = tpu.memref_squeeze %swap3A_1913 : memref<1x2x128x128xf32, #tpu.memory_space<vmem>> -> memref<2x128x128xf32, #tpu.memory_space<vmem>>
        %swap3A_1915 = arith.constant 0 : i32
        %swap3A_1916 = arith.constant 0 : i32
        %swap3A_1917 = tpu.memref_slice %swap3A_1914[%scan3A_385, %swap3A_1915, %swap3A_1916] : memref<2x128x128xf32, #tpu.memory_space<vmem>> -> memref<1x128x128xf32, #tpu.memory_space<vmem>>
        %swap3A_1918 = tpu.memref_squeeze %swap3A_1917 : memref<1x128x128xf32, #tpu.memory_space<vmem>> -> memref<128x128xf32, #tpu.memory_space<vmem>>
        %swap3A_1919 = arith.index_cast %add3A_1664 : i32 to index
        %swap3A_1920 = arith.constant 64 : index
        %swap3A_1921 = tpu.vector_load %swap3A_1918[%swap3A_1919, %swap3A_1920] {strides = array<i32>} : memref<128x128xf32, #tpu.memory_space<vmem>>, vector<1x16xf32>,
        %swap3A_1922 = vector.shape_cast %swap3A_1921 : vector<1x16xf32> to vector<16xf32>
        %swap3A_1923 = vector.shape_cast %max3A_1909 : vector<16xf32> to vector<1x16xf32>
        tpu.vector_store %swap3A_1918[%swap3A_1919, %swap3A_1920], %swap3A_1923 {strides = array<i32>} : memref<128x128xf32, #tpu.memory_space<vmem>>, vector<1x16xf32>,
        %get3A_1924 = arith.constant 0 : i32
        %get3A_1925 = arith.constant 0 : i32
        %get3A_1926 = arith.constant 0 : i32
        %get3A_1927 = tpu.memref_slice %arg7[%scan3A_384, %get3A_1924, %get3A_1925, %get3A_1926] : memref<2x2x128x128xf32, #tpu.memory_space<vmem>> -> memref<1x2x128x128xf32, #tpu.memory_space<vmem>>
        %get3A_1928 = tpu.memref_squeeze %get3A_1927 : memref<1x2x128x128xf32, #tpu.memory_space<vmem>> -> memref<2x128x128xf32, #tpu.memory_space<vmem>>
        %get3A_1929 = arith.constant 0 : i32
        %get3A_1930 = arith.constant 0 : i32
        %get3A_1931 = tpu.memref_slice %get3A_1928[%scan3A_385, %get3A_1929, %get3A_1930] : memref<2x128x128xf32, #tpu.memory_space<vmem>> -> memref<1x128x128xf32, #tpu.memory_space<vmem>>
        %get3A_1932 = tpu.memref_squeeze %get3A_1931 : memref<1x128x128xf32, #tpu.memory_space<vmem>> -> memref<128x128xf32, #tpu.memory_space<vmem>>
        %get3A_1933 = arith.index_cast %add3A_1664 : i32 to index
        %get3A_1934 = arith.constant 80 : index
        %get3A_1935 = tpu.vector_load %get3A_1932[%get3A_1933, %get3A_1934] {strides = array<i32>} : memref<128x128xf32, #tpu.memory_space<vmem>>, vector<1x16xf32>,
        %get3A_1936 = vector.shape_cast %get3A_1935 : vector<1x16xf32> to vector<16xf32>
        %get3A_1937 = arith.constant 0 : i32
        %get3A_1938 = arith.constant 0 : i32
        %get3A_1939 = arith.constant 0 : i32
        %get3A_1940 = tpu.memref_slice %arg7[%scan3A_386, %get3A_1937, %get3A_1938, %get3A_1939] : memref<2x2x128x128xf32, #tpu.memory_space<vmem>> -> memref<1x2x128x128xf32, #tpu.memory_space<vmem>>
        %get3A_1941 = tpu.memref_squeeze %get3A_1940 : memref<1x2x128x128xf32, #tpu.memory_space<vmem>> -> memref<2x128x128xf32, #tpu.memory_space<vmem>>
        %get3A_1942 = arith.constant 0 : i32
        %get3A_1943 = arith.constant 0 : i32
        %get3A_1944 = tpu.memref_slice %get3A_1941[%scan3A_387, %get3A_1942, %get3A_1943] : memref<2x128x128xf32, #tpu.memory_space<vmem>> -> memref<1x128x128xf32, #tpu.memory_space<vmem>>
        %get3A_1945 = tpu.memref_squeeze %get3A_1944 : memref<1x128x128xf32, #tpu.memory_space<vmem>> -> memref<128x128xf32, #tpu.memory_space<vmem>>
        %get3A_1946 = arith.index_cast %add3A_1664 : i32 to index
        %get3A_1947 = arith.constant 80 : index
        %get3A_1948 = tpu.vector_load %get3A_1945[%get3A_1946, %get3A_1947] {strides = array<i32>} : memref<128x128xf32, #tpu.memory_space<vmem>>, vector<1x16xf32>,
        %get3A_1949 = vector.shape_cast %get3A_1948 : vector<1x16xf32> to vector<16xf32>
        %add3A_1950 = arith.addf %get3A_1936, %get3A_1949 : vector<16xf32>
        %and3A_1951 = arith.andi %get3A_1876, %broadcast_in_dim3A_380 : vector<16xi32>
        %bitcast_convert_type3A_1952 = tpu.bitcast %and3A_1951 : vector<16xi32> -> vector<16xf32>
        %add3A_1953 = arith.addf %add3A_1950, %bitcast_convert_type3A_1952 : vector<16xf32>
        %max3A_1954 = arith.constant 0.000000e+00 : f32
        %max3A_1955 = vector.broadcast %max3A_1954 : f32 to vector<16xf32>
        %max3A_1956 = arith.maximumf %add3A_1953, %max3A_1955 : vector<16xf32>
        %swap3A_1957 = arith.constant 0 : i32
        %swap3A_1958 = arith.constant 0 : i32
        %swap3A_1959 = arith.constant 0 : i32
        %swap3A_1960 = tpu.memref_slice %arg7[%scan3A_384, %swap3A_1957, %swap3A_1958, %swap3A_1959] : memref<2x2x128x128xf32, #tpu.memory_space<vmem>> -> memref<1x2x128x128xf32, #tpu.memory_space<vmem>>
        %swap3A_1961 = tpu.memref_squeeze %swap3A_1960 : memref<1x2x128x128xf32, #tpu.memory_space<vmem>> -> memref<2x128x128xf32, #tpu.memory_space<vmem>>
        %swap3A_1962 = arith.constant 0 : i32
        %swap3A_1963 = arith.constant 0 : i32
        %swap3A_1964 = tpu.memref_slice %swap3A_1961[%scan3A_385, %swap3A_1962, %swap3A_1963] : memref<2x128x128xf32, #tpu.memory_space<vmem>> -> memref<1x128x128xf32, #tpu.memory_space<vmem>>
        %swap3A_1965 = tpu.memref_squeeze %swap3A_1964 : memref<1x128x128xf32, #tpu.memory_space<vmem>> -> memref<128x128xf32, #tpu.memory_space<vmem>>
        %swap3A_1966 = arith.index_cast %add3A_1664 : i32 to index
        %swap3A_1967 = arith.constant 80 : index
        %swap3A_1968 = tpu.vector_load %swap3A_1965[%swap3A_1966, %swap3A_1967] {strides = array<i32>} : memref<128x128xf32, #tpu.memory_space<vmem>>, vector<1x16xf32>,
        %swap3A_1969 = vector.shape_cast %swap3A_1968 : vector<1x16xf32> to vector<16xf32>
        %swap3A_1970 = vector.shape_cast %max3A_1956 : vector<16xf32> to vector<1x16xf32>
        tpu.vector_store %swap3A_1965[%swap3A_1966, %swap3A_1967], %swap3A_1970 {strides = array<i32>} : memref<128x128xf32, #tpu.memory_space<vmem>>, vector<1x16xf32>,
        %get3A_1971 = arith.constant 0 : i32
        %get3A_1972 = arith.constant 0 : i32
        %get3A_1973 = tpu.memref_slice %arg8[%scan3A_383, %get3A_1971, %get3A_1972] : memref<2x128x64xi32, #tpu.memory_space<vmem>> -> memref<1x128x64xi32, #tpu.memory_space<vmem>>
        %get3A_1974 = tpu.memref_squeeze %get3A_1973 : memref<1x128x64xi32, #tpu.memory_space<vmem>> -> memref<128x64xi32, #tpu.memory_space<vmem>>
        %get3A_1975 = arith.index_cast %add3A_1664 : i32 to index
        %get3A_1976 = arith.constant 48 : index
        %get3A_1977 = tpu.vector_load %get3A_1974[%get3A_1975, %get3A_1976] {strides = array<i32>} : memref<128x64xi32, #tpu.memory_space<vmem>>, vector<1x16xi32>,
        %get3A_1978 = vector.shape_cast %get3A_1977 : vector<1x16xi32> to vector<16xi32>
        %get3A_1979 = arith.constant 0 : i32
        %get3A_1980 = arith.constant 0 : i32
        %get3A_1981 = arith.constant 0 : i32
        %get3A_1982 = tpu.memref_slice %arg7[%scan3A_384, %get3A_1979, %get3A_1980, %get3A_1981] : memref<2x2x128x128xf32, #tpu.memory_space<vmem>> -> memref<1x2x128x128xf32, #tpu.memory_space<vmem>>
        %get3A_1983 = tpu.memref_squeeze %get3A_1982 : memref<1x2x128x128xf32, #tpu.memory_space<vmem>> -> memref<2x128x128xf32, #tpu.memory_space<vmem>>
        %get3A_1984 = arith.constant 0 : i32
        %get3A_1985 = arith.constant 0 : i32
        %get3A_1986 = tpu.memref_slice %get3A_1983[%scan3A_385, %get3A_1984, %get3A_1985] : memref<2x128x128xf32, #tpu.memory_space<vmem>> -> memref<1x128x128xf32, #tpu.memory_space<vmem>>
        %get3A_1987 = tpu.memref_squeeze %get3A_1986 : memref<1x128x128xf32, #tpu.memory_space<vmem>> -> memref<128x128xf32, #tpu.memory_space<vmem>>
        %get3A_1988 = arith.index_cast %add3A_1664 : i32 to index
        %get3A_1989 = arith.constant 96 : index
        %get3A_1990 = tpu.vector_load %get3A_1987[%get3A_1988, %get3A_1989] {strides = array<i32>} : memref<128x128xf32, #tpu.memory_space<vmem>>, vector<1x16xf32>,
        %get3A_1991 = vector.shape_cast %get3A_1990 : vector<1x16xf32> to vector<16xf32>
        %get3A_1992 = arith.constant 0 : i32
        %get3A_1993 = arith.constant 0 : i32
        %get3A_1994 = arith.constant 0 : i32
        %get3A_1995 = tpu.memref_slice %arg7[%scan3A_386, %get3A_1992, %get3A_1993, %get3A_1994] : memref<2x2x128x128xf32, #tpu.memory_space<vmem>> -> memref<1x2x128x128xf32, #tpu.memory_space<vmem>>
        %get3A_1996 = tpu.memref_squeeze %get3A_1995 : memref<1x2x128x128xf32, #tpu.memory_space<vmem>> -> memref<2x128x128xf32, #tpu.memory_space<vmem>>
        %get3A_1997 = arith.constant 0 : i32
        %get3A_1998 = arith.constant 0 : i32
        %get3A_1999 = tpu.memref_slice %get3A_1996[%scan3A_387, %get3A_1997, %get3A_1998] : memref<2x128x128xf32, #tpu.memory_space<vmem>> -> memref<1x128x128xf32, #tpu.memory_space<vmem>>
        %get3A_2000 = tpu.memref_squeeze %get3A_1999 : memref<1x128x128xf32, #tpu.memory_space<vmem>> -> memref<128x128xf32, #tpu.memory_space<vmem>>
        %get3A_2001 = arith.index_cast %add3A_1664 : i32 to index
        %get3A_2002 = arith.constant 96 : index
        %get3A_2003 = tpu.vector_load %get3A_2000[%get3A_2001, %get3A_2002] {strides = array<i32>} : memref<128x128xf32, #tpu.memory_space<vmem>>, vector<1x16xf32>,
        %get3A_2004 = vector.shape_cast %get3A_2003 : vector<1x16xf32> to vector<16xf32>
        %add3A_2005 = arith.addf %get3A_1991, %get3A_2004 : vector<16xf32>
        %shift_left3A_2006 = arith.shli %get3A_1978, %broadcast_in_dim3A_382 : vector<16xi32>
        %bitcast_convert_type3A_2007 = tpu.bitcast %shift_left3A_2006 : vector<16xi32> -> vector<16xf32>
        %add3A_2008 = arith.addf %add3A_2005, %bitcast_convert_type3A_2007 : vector<16xf32>
        %max3A_2009 = arith.constant 0.000000e+00 : f32
        %max3A_2010 = vector.broadcast %max3A_2009 : f32 to vector<16xf32>
        %max3A_2011 = arith.maximumf %add3A_2008, %max3A_2010 : vector<16xf32>
        %swap3A_2012 = arith.constant 0 : i32
        %swap3A_2013 = arith.constant 0 : i32
        %swap3A_2014 = arith.constant 0 : i32
        %swap3A_2015 = tpu.memref_slice %arg7[%scan3A_384, %swap3A_2012, %swap3A_2013, %swap3A_2014] : memref<2x2x128x128xf32, #tpu.memory_space<vmem>> -> memref<1x2x128x128xf32, #tpu.memory_space<vmem>>
        %swap3A_2016 = tpu.memref_squeeze %swap3A_2015 : memref<1x2x128x128xf32, #tpu.memory_space<vmem>> -> memref<2x128x128xf32, #tpu.memory_space<vmem>>
        %swap3A_2017 = arith.constant 0 : i32
        %swap3A_2018 = arith.constant 0 : i32
        %swap3A_2019 = tpu.memref_slice %swap3A_2016[%scan3A_385, %swap3A_2017, %swap3A_2018] : memref<2x128x128xf32, #tpu.memory_space<vmem>> -> memref<1x128x128xf32, #tpu.memory_space<vmem>>
        %swap3A_2020 = tpu.memref_squeeze %swap3A_2019 : memref<1x128x128xf32, #tpu.memory_space<vmem>> -> memref<128x128xf32, #tpu.memory_space<vmem>>
        %swap3A_2021 = arith.index_cast %add3A_1664 : i32 to index
        %swap3A_2022 = arith.constant 96 : index
        %swap3A_2023 = tpu.vector_load %swap3A_2020[%swap3A_2021, %swap3A_2022] {strides = array<i32>} : memref<128x128xf32, #tpu.memory_space<vmem>>, vector<1x16xf32>,
        %swap3A_2024 = vector.shape_cast %swap3A_2023 : vector<1x16xf32> to vector<16xf32>
        %swap3A_2025 = vector.shape_cast %max3A_2011 : vector<16xf32> to vector<1x16xf32>
        tpu.vector_store %swap3A_2020[%swap3A_2021, %swap3A_2022], %swap3A_2025 {strides = array<i32>} : memref<128x128xf32, #tpu.memory_space<vmem>>, vector<1x16xf32>,
        %get3A_2026 = arith.constant 0 : i32
        %get3A_2027 = arith.constant 0 : i32
        %get3A_2028 = arith.constant 0 : i32
        %get3A_2029 = tpu.memref_slice %arg7[%scan3A_384, %get3A_2026, %get3A_2027, %get3A_2028] : memref<2x2x128x128xf32, #tpu.memory_space<vmem>> -> memref<1x2x128x128xf32, #tpu.memory_space<vmem>>
        %get3A_2030 = tpu.memref_squeeze %get3A_2029 : memref<1x2x128x128xf32, #tpu.memory_space<vmem>> -> memref<2x128x128xf32, #tpu.memory_space<vmem>>
        %get3A_2031 = arith.constant 0 : i32
        %get3A_2032 = arith.constant 0 : i32
        %get3A_2033 = tpu.memref_slice %get3A_2030[%scan3A_385, %get3A_2031, %get3A_2032] : memref<2x128x128xf32, #tpu.memory_space<vmem>> -> memref<1x128x128xf32, #tpu.memory_space<vmem>>
        %get3A_2034 = tpu.memref_squeeze %get3A_2033 : memref<1x128x128xf32, #tpu.memory_space<vmem>> -> memref<128x128xf32, #tpu.memory_space<vmem>>
        %get3A_2035 = arith.index_cast %add3A_1664 : i32 to index
        %get3A_2036 = arith.constant 112 : index
        %get3A_2037 = tpu.vector_load %get3A_2034[%get3A_2035, %get3A_2036] {strides = array<i32>} : memref<128x128xf32, #tpu.memory_space<vmem>>, vector<1x16xf32>,
        %get3A_2038 = vector.shape_cast %get3A_2037 : vector<1x16xf32> to vector<16xf32>
        %get3A_2039 = arith.constant 0 : i32
        %get3A_2040 = arith.constant 0 : i32
        %get3A_2041 = arith.constant 0 : i32
        %get3A_2042 = tpu.memref_slice %arg7[%scan3A_386, %get3A_2039, %get3A_2040, %get3A_2041] : memref<2x2x128x128xf32, #tpu.memory_space<vmem>> -> memref<1x2x128x128xf32, #tpu.memory_space<vmem>>
        %get3A_2043 = tpu.memref_squeeze %get3A_2042 : memref<1x2x128x128xf32, #tpu.memory_space<vmem>> -> memref<2x128x128xf32, #tpu.memory_space<vmem>>
        %get3A_2044 = arith.constant 0 : i32
        %get3A_2045 = arith.constant 0 : i32
        %get3A_2046 = tpu.memref_slice %get3A_2043[%scan3A_387, %get3A_2044, %get3A_2045] : memref<2x128x128xf32, #tpu.memory_space<vmem>> -> memref<1x128x128xf32, #tpu.memory_space<vmem>>
        %get3A_2047 = tpu.memref_squeeze %get3A_2046 : memref<1x128x128xf32, #tpu.memory_space<vmem>> -> memref<128x128xf32, #tpu.memory_space<vmem>>
        %get3A_2048 = arith.index_cast %add3A_1664 : i32 to index
        %get3A_2049 = arith.constant 112 : index
        %get3A_2050 = tpu.vector_load %get3A_2047[%get3A_2048, %get3A_2049] {strides = array<i32>} : memref<128x128xf32, #tpu.memory_space<vmem>>, vector<1x16xf32>,
        %get3A_2051 = vector.shape_cast %get3A_2050 : vector<1x16xf32> to vector<16xf32>
        %add3A_2052 = arith.addf %get3A_2038, %get3A_2051 : vector<16xf32>
        %and3A_2053 = arith.andi %get3A_1978, %broadcast_in_dim3A_380 : vector<16xi32>
        %bitcast_convert_type3A_2054 = tpu.bitcast %and3A_2053 : vector<16xi32> -> vector<16xf32>
        %add3A_2055 = arith.addf %add3A_2052, %bitcast_convert_type3A_2054 : vector<16xf32>
        %max3A_2056 = arith.constant 0.000000e+00 : f32
        %max3A_2057 = vector.broadcast %max3A_2056 : f32 to vector<16xf32>
        %max3A_2058 = arith.maximumf %add3A_2055, %max3A_2057 : vector<16xf32>
        %swap3A_2059 = arith.constant 0 : i32
        %swap3A_2060 = arith.constant 0 : i32
        %swap3A_2061 = arith.constant 0 : i32
        %swap3A_2062 = tpu.memref_slice %arg7[%scan3A_384, %swap3A_2059, %swap3A_2060, %swap3A_2061] : memref<2x2x128x128xf32, #tpu.memory_space<vmem>> -> memref<1x2x128x128xf32, #tpu.memory_space<vmem>>
        %swap3A_2063 = tpu.memref_squeeze %swap3A_2062 : memref<1x2x128x128xf32, #tpu.memory_space<vmem>> -> memref<2x128x128xf32, #tpu.memory_space<vmem>>
        %swap3A_2064 = arith.constant 0 : i32
        %swap3A_2065 = arith.constant 0 : i32
        %swap3A_2066 = tpu.memref_slice %swap3A_2063[%scan3A_385, %swap3A_2064, %swap3A_2065] : memref<2x128x128xf32, #tpu.memory_space<vmem>> -> memref<1x128x128xf32, #tpu.memory_space<vmem>>
        %swap3A_2067 = tpu.memref_squeeze %swap3A_2066 : memref<1x128x128xf32, #tpu.memory_space<vmem>> -> memref<128x128xf32, #tpu.memory_space<vmem>>
        %swap3A_2068 = arith.index_cast %add3A_1664 : i32 to index
        %swap3A_2069 = arith.constant 112 : index
        %swap3A_2070 = tpu.vector_load %swap3A_2067[%swap3A_2068, %swap3A_2069] {strides = array<i32>} : memref<128x128xf32, #tpu.memory_space<vmem>>, vector<1x16xf32>,
        %swap3A_2071 = vector.shape_cast %swap3A_2070 : vector<1x16xf32> to vector<16xf32>
        %swap3A_2072 = vector.shape_cast %max3A_2058 : vector<16xf32> to vector<1x16xf32>
        tpu.vector_store %swap3A_2067[%swap3A_2068, %swap3A_2069], %swap3A_2072 {strides = array<i32>} : memref<128x128xf32, #tpu.memory_space<vmem>>, vector<1x16xf32>,
      }
      %scan3A_392 = arith.constant 128 : i32
      %mul3A_393 = arith.constant 32 : i32
      %mul3A_394 = arith.muli %add3A_303, %mul3A_393 : i32
      %add3A_395 = arith.addi %add3A, %mul3A_394 : i32
      %min3A_396 = arith.constant 2499 : i32
      %min3A_397 = arith.minsi %add3A_395, %min3A_396 : i32
      %mul3A_398 = arith.constant 128 : i32
      %mul3A_399 = arith.muli %min3A_397, %mul3A_398 : i32
      %dma_start3A_400 = arith.constant 1 : i32
      %dma_start3A_401 = arith.constant 0 : i32
      %dma_start3A_402 = arith.constant 0 : i32
      %dma_start3A_403 = arith.constant 0 : i32
      %dma_start3A_404 = arith.constant 0 : i32
      %dma_start3A_405 = tpu.memref_slice %arg7[%dma_start3A_400, %dma_start3A_402, %dma_start3A_403, %dma_start3A_404] : memref<2x2x128x128xf32, #tpu.memory_space<vmem>> -> memref<1x2x128x128xf32, #tpu.memory_space<vmem>>
      %dma_start3A_406 = tpu.memref_squeeze %dma_start3A_405 : memref<1x2x128x128xf32, #tpu.memory_space<vmem>> -> memref<2x128x128xf32, #tpu.memory_space<vmem>>
      %dma_start3A_407 = arith.constant 0 : i32
      %dma_start3A_408 = arith.constant 0 : i32
      %dma_start3A_409 = tpu.memref_slice %dma_start3A_406[%dma_start3A_401, %dma_start3A_407, %dma_start3A_408] : memref<2x128x128xf32, #tpu.memory_space<vmem>> -> memref<1x128x128xf32, #tpu.memory_space<vmem>>
      %dma_start3A_410 = tpu.memref_squeeze %dma_start3A_409 : memref<1x128x128xf32, #tpu.memory_space<vmem>> -> memref<128x128xf32, #tpu.memory_space<vmem>>
      %dma_start3A_411 = arith.constant 0 : i32
      %dma_start3A_412 = tpu.memref_slice %arg5[%mul3A_399, %dma_start3A_411] : memref<320000x128xf32, #tpu.memory_space<hbm>> -> memref<128x128xf32, #tpu.memory_space<hbm>>
      %dma_start3A_413 = arith.constant 0 : i32
      %dma_start3A_414 = tpu.memref_slice %arg5[%mul3A_399, %dma_start3A_413] : memref<320000x128xf32, #tpu.memory_space<hbm>> -> memref<128x128xf32, #tpu.memory_space<hbm>>
      %dma_start3A_415 = arith.constant 0 : i32
      %dma_start3A_416 = arith.constant 0 : i32
      %dma_start3A_417 = arith.constant 0 : i32
      %dma_start3A_418 = tpu.memref_slice %arg7[%dma_start3A_400, %dma_start3A_415, %dma_start3A_416, %dma_start3A_417] : memref<2x2x128x128xf32, #tpu.memory_space<vmem>> -> memref<1x2x128x128xf32, #tpu.memory_space<vmem>>
      %dma_start3A_419 = tpu.memref_squeeze %dma_start3A_418 : memref<1x2x128x128xf32, #tpu.memory_space<vmem>> -> memref<2x128x128xf32, #tpu.memory_space<vmem>>
      %dma_start3A_420 = arith.constant 0 : i32
      %dma_start3A_421 = arith.constant 0 : i32
      %dma_start3A_422 = tpu.memref_slice %dma_start3A_419[%dma_start3A_401, %dma_start3A_420, %dma_start3A_421] : memref<2x128x128xf32, #tpu.memory_space<vmem>> -> memref<1x128x128xf32, #tpu.memory_space<vmem>>
      %dma_start3A_423 = tpu.memref_squeeze %dma_start3A_422 : memref<1x128x128xf32, #tpu.memory_space<vmem>> -> memref<128x128xf32, #tpu.memory_space<vmem>>
      tpu.enqueue_dma source(%dma_start3A_423 : memref<128x128xf32, #tpu.memory_space<vmem>>) target(%dma_start3A_414 : memref<128x128xf32, #tpu.memory_space<hbm>>) target_semaphore(%arg14 : memref<!tpu.dma_semaphore, #tpu.memory_space<semaphore_mem>>)
    }
    %scan3A_126 = arith.constant 40 : i32
    %dma_wait3A_127 = arith.constant 0 : i32
    %dma_wait3A_128 = arith.constant 0 : i32
    %dma_wait3A_129 = arith.constant 0 : i32
    %dma_wait3A_130 = arith.constant 0 : i32
    %dma_wait3A_131 = arith.constant 0 : i32
    %dma_wait3A_132 = tpu.memref_slice %arg7[%dma_wait3A_127, %dma_wait3A_129, %dma_wait3A_130, %dma_wait3A_131] : memref<2x2x128x128xf32, #tpu.memory_space<vmem>> -> memref<1x2x128x128xf32, #tpu.memory_space<vmem>>
    %dma_wait3A_133 = tpu.memref_squeeze %dma_wait3A_132 : memref<1x2x128x128xf32, #tpu.memory_space<vmem>> -> memref<2x128x128xf32, #tpu.memory_space<vmem>>
    %dma_wait3A_134 = arith.constant 0 : i32
    %dma_wait3A_135 = arith.constant 0 : i32
    %dma_wait3A_136 = tpu.memref_slice %dma_wait3A_133[%dma_wait3A_128, %dma_wait3A_134, %dma_wait3A_135] : memref<2x128x128xf32, #tpu.memory_space<vmem>> -> memref<1x128x128xf32, #tpu.memory_space<vmem>>
    %dma_wait3A_137 = tpu.memref_squeeze %dma_wait3A_136 : memref<1x128x128xf32, #tpu.memory_space<vmem>> -> memref<128x128xf32, #tpu.memory_space<vmem>>
    %dma_wait3A_138 = arith.constant 0 : i32
    %dma_wait3A_139 = arith.constant 0 : i32
    %dma_wait3A_140 = tpu.memref_slice %arg5[%dma_wait3A_138, %dma_wait3A_139] : memref<320000x128xf32, #tpu.memory_space<hbm>> -> memref<128x128xf32, #tpu.memory_space<hbm>>
    %dma_wait3A_141 = arith.constant 0 : i32
    %dma_wait3A_142 = arith.constant 0 : i32
    %dma_wait3A_143 = tpu.memref_slice %arg5[%dma_wait3A_141, %dma_wait3A_142] : memref<320000x128xf32, #tpu.memory_space<hbm>> -> memref<128x128xf32, #tpu.memory_space<hbm>>
    %dma_wait3A_144 = arith.constant 0 : i32
    %dma_wait3A_145 = arith.constant 0 : i32
    %dma_wait3A_146 = arith.constant 0 : i32
    %dma_wait3A_147 = tpu.memref_slice %arg7[%dma_wait3A_127, %dma_wait3A_144, %dma_wait3A_145, %dma_wait3A_146] : memref<2x2x128x128xf32, #tpu.memory_space<vmem>> -> memref<1x2x128x128xf32, #tpu.memory_space<vmem>>
    %dma_wait3A_148 = tpu.memref_squeeze %dma_wait3A_147 : memref<1x2x128x128xf32, #tpu.memory_space<vmem>> -> memref<2x128x128xf32, #tpu.memory_space<vmem>>
    %dma_wait3A_149 = arith.constant 0 : i32
    %dma_wait3A_150 = arith.constant 0 : i32
    %dma_wait3A_151 = tpu.memref_slice %dma_wait3A_148[%dma_wait3A_128, %dma_wait3A_149, %dma_wait3A_150] : memref<2x128x128xf32, #tpu.memory_space<vmem>> -> memref<1x128x128xf32, #tpu.memory_space<vmem>>
    %dma_wait3A_152 = tpu.memref_squeeze %dma_wait3A_151 : memref<1x128x128xf32, #tpu.memory_space<vmem>> -> memref<128x128xf32, #tpu.memory_space<vmem>>
    tpu.wait_dma2 semaphore(%arg13 : memref<!tpu.dma_semaphore, #tpu.memory_space<semaphore_mem>>) src(%dma_wait3A_152 : memref<128x128xf32, #tpu.memory_space<vmem>>) dst(%dma_wait3A_143 : memref<128x128xf32, #tpu.memory_space<hbm>>)
    %dma_wait3A_153 = arith.constant 1 : i32
    %dma_wait3A_154 = arith.constant 0 : i32
    %dma_wait3A_155 = arith.constant 0 : i32
    %dma_wait3A_156 = arith.constant 0 : i32
    %dma_wait3A_157 = arith.constant 0 : i32
    %dma_wait3A_158 = tpu.memref_slice %arg7[%dma_wait3A_153, %dma_wait3A_155, %dma_wait3A_156, %dma_wait3A_157] : memref<2x2x128x128xf32, #tpu.memory_space<vmem>> -> memref<1x2x128x128xf32, #tpu.memory_space<vmem>>
    %dma_wait3A_159 = tpu.memref_squeeze %dma_wait3A_158 : memref<1x2x128x128xf32, #tpu.memory_space<vmem>> -> memref<2x128x128xf32, #tpu.memory_space<vmem>>
    %dma_wait3A_160 = arith.constant 0 : i32
    %dma_wait3A_161 = arith.constant 0 : i32
    %dma_wait3A_162 = tpu.memref_slice %dma_wait3A_159[%dma_wait3A_154, %dma_wait3A_160, %dma_wait3A_161] : memref<2x128x128xf32, #tpu.memory_space<vmem>> -> memref<1x128x128xf32, #tpu.memory_space<vmem>>
    %dma_wait3A_163 = tpu.memref_squeeze %dma_wait3A_162 : memref<1x128x128xf32, #tpu.memory_space<vmem>> -> memref<128x128xf32, #tpu.memory_space<vmem>>
    %dma_wait3A_164 = arith.constant 0 : i32
    %dma_wait3A_165 = arith.constant 0 : i32
    %dma_wait3A_166 = tpu.memref_slice %arg5[%dma_wait3A_164, %dma_wait3A_165] : memref<320000x128xf32, #tpu.memory_space<hbm>> -> memref<128x128xf32, #tpu.memory_space<hbm>>
    %dma_wait3A_167 = arith.constant 0 : i32
    %dma_wait3A_168 = arith.constant 0 : i32
    %dma_wait3A_169 = tpu.memref_slice %arg5[%dma_wait3A_167, %dma_wait3A_168] : memref<320000x128xf32, #tpu.memory_space<hbm>> -> memref<128x128xf32, #tpu.memory_space<hbm>>
    %dma_wait3A_170 = arith.constant 0 : i32
    %dma_wait3A_171 = arith.constant 0 : i32
    %dma_wait3A_172 = arith.constant 0 : i32
    %dma_wait3A_173 = tpu.memref_slice %arg7[%dma_wait3A_153, %dma_wait3A_170, %dma_wait3A_171, %dma_wait3A_172] : memref<2x2x128x128xf32, #tpu.memory_space<vmem>> -> memref<1x2x128x128xf32, #tpu.memory_space<vmem>>
    %dma_wait3A_174 = tpu.memref_squeeze %dma_wait3A_173 : memref<1x2x128x128xf32, #tpu.memory_space<vmem>> -> memref<2x128x128xf32, #tpu.memory_space<vmem>>
    %dma_wait3A_175 = arith.constant 0 : i32
    %dma_wait3A_176 = arith.constant 0 : i32
    %dma_wait3A_177 = tpu.memref_slice %dma_wait3A_174[%dma_wait3A_154, %dma_wait3A_175, %dma_wait3A_176] : memref<2x128x128xf32, #tpu.memory_space<vmem>> -> memref<1x128x128xf32, #tpu.memory_space<vmem>>
    %dma_wait3A_178 = tpu.memref_squeeze %dma_wait3A_177 : memref<1x128x128xf32, #tpu.memory_space<vmem>> -> memref<128x128xf32, #tpu.memory_space<vmem>>
    tpu.wait_dma2 semaphore(%arg14 : memref<!tpu.dma_semaphore, #tpu.memory_space<semaphore_mem>>) src(%dma_wait3A_178 : memref<128x128xf32, #tpu.memory_space<vmem>>) dst(%dma_wait3A_169 : memref<128x128xf32, #tpu.memory_space<hbm>>)
    return
  }
}

module attributes {stable_mosaic.version = 14 : i64} {
  func.func @_tc_body(%arg0: i32, %arg1: memref<10000x128xf32, #tpu.memory_space<vmem>>, %arg2: memref<128x128xf32, #tpu.memory_space<vmem>>, %arg3: memref<128x128xf32, #tpu.memory_space<vmem>>, %arg4: memref<8000x16xf32, #tpu.memory_space<vmem>>, %arg5: memref<16x64xf32, #tpu.memory_space<vmem>>, %arg6: memref<16x64xf32, #tpu.memory_space<vmem>>, %arg7: memref<1x64xf32, #tpu.memory_space<vmem>>, %arg8: memref<1x64xf32, #tpu.memory_space<vmem>>, %arg9: memref<20000x128xf32, #tpu.memory_space<vmem>>, %arg10: memref<8000x64xi32, #tpu.memory_space<vmem>>) attributes {dimension_semantics = [#tpu.dimension_semantics<arbitrary>], iteration_bounds = array<i64: 40>, scalar_prefetch = 0 : i64, scratch_operands = 0 : i64, tpu.core_type = #tpu.core_type<tc>, window_params = [{pipeline_mode = #tpu.pipeline_mode<synchronous>, transform_indices = @transform_0, window_bounds = array<i64: 10000, 128>}, {pipeline_mode = #tpu.pipeline_mode<synchronous>, transform_indices = @transform_1, window_bounds = array<i64: 128, 128>}, {pipeline_mode = #tpu.pipeline_mode<synchronous>, transform_indices = @transform_2, window_bounds = array<i64: 128, 128>}, {transform_indices = @transform_3, window_bounds = array<i64: 8000, 16>}, {pipeline_mode = #tpu.pipeline_mode<synchronous>, transform_indices = @transform_4, window_bounds = array<i64: 16, 64>}, {pipeline_mode = #tpu.pipeline_mode<synchronous>, transform_indices = @transform_5, window_bounds = array<i64: 16, 64>}, {pipeline_mode = #tpu.pipeline_mode<synchronous>, transform_indices = @transform_6, window_bounds = array<i64: 1, 64>}, {pipeline_mode = #tpu.pipeline_mode<synchronous>, transform_indices = @transform_7, window_bounds = array<i64: 1, 64>}, {pipeline_mode = #tpu.pipeline_mode<synchronous>, transform_indices = @transform_8, window_bounds = array<i64: 20000, 128>}, {transform_indices = @transform_9, window_bounds = array<i64: 8000, 64>}]} {
    %eq3A = arith.constant 0 : i32
    %eq3A_0 = arith.cmpi eq, %arg0, %eq3A : i32
    %convert_element_type3A = arith.extui %eq3A_0 : i1 to i32
    %cond3A = arith.constant 0 : i32
    %cond3A_1 = arith.cmpi ne, %convert_element_type3A, %cond3A : i32
    scf.if %cond3A_1 {
      %get3A_33 = arith.constant 0 : index
      %get3A_34 = arith.constant 0 : index
      %get3A_35 = vector.load %arg1[%get3A_33, %get3A_34] : memref<10000x128xf32, #tpu.memory_space<vmem>>, vector<10000x128xf32>
      %get3A_36 = arith.constant 0 : index
      %get3A_37 = arith.constant 0 : index
      %get3A_38 = vector.load %arg2[%get3A_36, %get3A_37] : memref<128x128xf32, #tpu.memory_space<vmem>>, vector<128x128xf32>
      %dot_general3A_39 = arith.constant dense<0.000000e+00> : vector<10000x128xf32>
      %dot_general3A_40 = tpu.matmul %get3A_35, %get3A_38, %dot_general3A_39 {dimension_numbers = #tpu.dot_dimension_numbers<[1], [0], [0], [1], [0, 0, 1, 1], [], []>, transpose_lhs_hint = false} : vector<10000x128xf32>, vector<128x128xf32>, vector<10000x128xf32> -> vector<10000x128xf32>
      %swap3A_41 = arith.constant 0 : index
      %swap3A_42 = arith.constant 0 : index
      %swap3A_43 = vector.load %arg9[%swap3A_41, %swap3A_42] : memref<20000x128xf32, #tpu.memory_space<vmem>>, vector<10000x128xf32>
      tpu.vector_store %arg9[%swap3A_41, %swap3A_42], %dot_general3A_40 {strides = array<i32>} : memref<20000x128xf32, #tpu.memory_space<vmem>>, vector<10000x128xf32>,
      %get3A_44 = arith.constant 0 : index
      %get3A_45 = arith.constant 0 : index
      %get3A_46 = vector.load %arg3[%get3A_44, %get3A_45] : memref<128x128xf32, #tpu.memory_space<vmem>>, vector<128x128xf32>
      %dot_general3A_47 = arith.constant dense<0.000000e+00> : vector<10000x128xf32>
      %dot_general3A_48 = tpu.matmul %get3A_35, %get3A_46, %dot_general3A_47 {dimension_numbers = #tpu.dot_dimension_numbers<[1], [0], [0], [1], [0, 0, 1, 1], [], []>, transpose_lhs_hint = false} : vector<10000x128xf32>, vector<128x128xf32>, vector<10000x128xf32> -> vector<10000x128xf32>
      %swap3A_49 = arith.constant 10000 : index
      %swap3A_50 = arith.constant 0 : index
      %swap3A_51 = vector.load %arg9[%swap3A_49, %swap3A_50] : memref<20000x128xf32, #tpu.memory_space<vmem>>, vector<10000x128xf32>
      tpu.vector_store %arg9[%swap3A_49, %swap3A_50], %dot_general3A_48 {strides = array<i32>} : memref<20000x128xf32, #tpu.memory_space<vmem>>, vector<10000x128xf32>,
    } else {
    }
    %get3A = arith.constant 0 : index
    %get3A_2 = arith.constant 0 : index
    %get3A_3 = vector.load %arg4[%get3A, %get3A_2] : memref<8000x16xf32, #tpu.memory_space<vmem>>, vector<8000x16xf32>
    %get3A_4 = arith.constant 0 : index
    %get3A_5 = arith.constant 0 : index
    %get3A_6 = vector.load %arg5[%get3A_4, %get3A_5] : memref<16x64xf32, #tpu.memory_space<vmem>>, vector<16x64xf32>
    %dot_general3A = arith.constant dense<0.000000e+00> : vector<8000x64xf32>
    %dot_general3A_7 = tpu.matmul %get3A_3, %get3A_6, %dot_general3A {dimension_numbers = #tpu.dot_dimension_numbers<[1], [0], [0], [1], [0, 0, 1, 1], [], []>, transpose_lhs_hint = false} : vector<8000x16xf32>, vector<16x64xf32>, vector<8000x64xf32> -> vector<8000x64xf32>
    %get3A_8 = arith.constant 0 : index
    %get3A_9 = arith.constant 0 : index
    %get3A_10 = vector.load %arg7[%get3A_8, %get3A_9] : memref<1x64xf32, #tpu.memory_space<vmem>>, vector<1x64xf32>
    %add3A = vector.broadcast %get3A_10 : vector<1x64xf32> to vector<8000x64xf32>
    %add3A_11 = arith.addf %dot_general3A_7, %add3A : vector<8000x64xf32>
    %convert_element_type3A_12 = arith.truncf %add3A_11 : vector<8000x64xf32> to vector<8000x64xbf16>
    %get3A_13 = arith.constant 0 : index
    %get3A_14 = arith.constant 0 : index
    %get3A_15 = vector.load %arg6[%get3A_13, %get3A_14] : memref<16x64xf32, #tpu.memory_space<vmem>>, vector<16x64xf32>
    %dot_general3A_16 = arith.constant dense<0.000000e+00> : vector<8000x64xf32>
    %dot_general3A_17 = tpu.matmul %get3A_3, %get3A_15, %dot_general3A_16 {dimension_numbers = #tpu.dot_dimension_numbers<[1], [0], [0], [1], [0, 0, 1, 1], [], []>, transpose_lhs_hint = false} : vector<8000x16xf32>, vector<16x64xf32>, vector<8000x64xf32> -> vector<8000x64xf32>
    %get3A_18 = arith.constant 0 : index
    %get3A_19 = arith.constant 0 : index
    %get3A_20 = vector.load %arg8[%get3A_18, %get3A_19] : memref<1x64xf32, #tpu.memory_space<vmem>>, vector<1x64xf32>
    %add3A_21 = vector.broadcast %get3A_20 : vector<1x64xf32> to vector<8000x64xf32>
    %add3A_22 = arith.addf %dot_general3A_17, %add3A_21 : vector<8000x64xf32>
    %convert_element_type3A_23 = arith.truncf %add3A_22 : vector<8000x64xf32> to vector<8000x64xbf16>
    %bitcast_convert_type3A = tpu.bitcast %convert_element_type3A_12 : vector<8000x64xbf16> -> vector<8000x64xi16>
    %convert_element_type3A_24 = arith.extsi %bitcast_convert_type3A : vector<8000x64xi16> to vector<8000x64xi32>
    %and3A = arith.constant 65535 : i32
    %and3A_25 = vector.broadcast %and3A : i32 to vector<8000x64xi32>
    %and3A_26 = arith.andi %convert_element_type3A_24, %and3A_25 : vector<8000x64xi32>
    %bitcast_convert_type3A_27 = tpu.bitcast %convert_element_type3A_23 : vector<8000x64xbf16> -> vector<8000x64xi16>
    %convert_element_type3A_28 = arith.extsi %bitcast_convert_type3A_27 : vector<8000x64xi16> to vector<8000x64xi32>
    %shift_left3A = arith.constant 16 : i32
    %shift_left3A_29 = vector.broadcast %shift_left3A : i32 to vector<8000x64xi32>
    %shift_left3A_30 = arith.shli %convert_element_type3A_28, %shift_left3A_29 : vector<8000x64xi32>
    %or3A = arith.ori %and3A_26, %shift_left3A_30 : vector<8000x64xi32>
    %swap3A = arith.constant 0 : index
    %swap3A_31 = arith.constant 0 : index
    %swap3A_32 = vector.load %arg10[%swap3A, %swap3A_31] : memref<8000x64xi32, #tpu.memory_space<vmem>>, vector<8000x64xi32>
    tpu.vector_store %arg10[%swap3A, %swap3A_31], %or3A {strides = array<i32>} : memref<8000x64xi32, #tpu.memory_space<vmem>>, vector<8000x64xi32>,
    return
  }
  func.func @transform_0(%arg0: i32) -> (i32, i32) {
    %c0_i32 = arith.constant 0 : i32
    %c0_i32_0 = arith.constant 0 : i32
    %c0_i32_1 = arith.constant 0 : i32
    return %c0_i32, %c0_i32_0 : i32, i32
  }
  func.func @transform_1(%arg0: i32) -> (i32, i32) {
    %c0_i32 = arith.constant 0 : i32
    %c0_i32_0 = arith.constant 0 : i32
    %c0_i32_1 = arith.constant 0 : i32
    return %c0_i32, %c0_i32_0 : i32, i32
  }
  func.func @transform_2(%arg0: i32) -> (i32, i32) {
    %c0_i32 = arith.constant 0 : i32
    %c0_i32_0 = arith.constant 0 : i32
    %c0_i32_1 = arith.constant 0 : i32
    return %c0_i32, %c0_i32_0 : i32, i32
  }
  func.func @transform_3(%arg0: i32) -> (i32, i32) {
    %c0_i32 = arith.constant 0 : i32
    %c0_i32_0 = arith.constant 0 : i32
    return %arg0, %c0_i32 : i32, i32
  }
  func.func @transform_4(%arg0: i32) -> (i32, i32) {
    %c0_i32 = arith.constant 0 : i32
    %c0_i32_0 = arith.constant 0 : i32
    %c0_i32_1 = arith.constant 0 : i32
    return %c0_i32, %c0_i32_0 : i32, i32
  }
  func.func @transform_5(%arg0: i32) -> (i32, i32) {
    %c0_i32 = arith.constant 0 : i32
    %c0_i32_0 = arith.constant 0 : i32
    %c0_i32_1 = arith.constant 0 : i32
    return %c0_i32, %c0_i32_0 : i32, i32
  }
  func.func @transform_6(%arg0: i32) -> (i32, i32) {
    %c0_i32 = arith.constant 0 : i32
    %c0_i32_0 = arith.constant 0 : i32
    %c0_i32_1 = arith.constant 0 : i32
    return %c0_i32, %c0_i32_0 : i32, i32
  }
  func.func @transform_7(%arg0: i32) -> (i32, i32) {
    %c0_i32 = arith.constant 0 : i32
    %c0_i32_0 = arith.constant 0 : i32
    %c0_i32_1 = arith.constant 0 : i32
    return %c0_i32, %c0_i32_0 : i32, i32
  }
  func.func @transform_8(%arg0: i32) -> (i32, i32) {
    %c0_i32 = arith.constant 0 : i32
    %c0_i32_0 = arith.constant 0 : i32
    %c0_i32_1 = arith.constant 0 : i32
    return %c0_i32, %c0_i32_0 : i32, i32
  }
  func.func @transform_9(%arg0: i32) -> (i32, i32) {
    %c0_i32 = arith.constant 0 : i32
    %c0_i32_0 = arith.constant 0 : i32
    return %arg0, %c0_i32 : i32, i32
  }
}

</mosaic_0001>

<sc_bundles>
// kernel: _impl.4.cloned.1.call-start
scs
__scs_entry_jumppad:
0x0: {  	(pc) =	sbr.rel $0x88, $3  }
0x1: {  	(tag) =	ssettag $0x0;
	lr =	simm.s32 $0x1  }
0x2: {  	[smem:$0x3F9B] =	sst lr;
	_ =	strace $0xD0000000  }
0x3: {  	_ = 	snop  }
0x4: {  	_ = 	snop  }
0x5: {  	_ = 	snop  }
0x6: {  	_ = 	snop  }
0x7: {  	_ = 	snop  }
__scs_overlays_trampoline_lowered:
0x8: {  	[smem:$0x3FAA] =	sst s0  }
0x9: {  	[smem:$0x3FAB] =	sst s1  }
0xa: {  	[smem:$0x3FAC] =	sst s2  }
0xb: {  	[smem:$0x3FAD] =	sst s3  }
0xc: {  	[smem:$0x3FAE] =	sst s4  }
0xd: {  	[smem:$0x3FAF] =	sst s5  }
0xe: {  	[smem:$0x3FB0] =	sst s6  }
0xf: {  	[smem:$0x3FB1] =	sst s7  }
0x10: {  	[smem:$0x3FB2] =	sst s8  }
0x11: {  	[smem:$0x3FB3] =	sst s9;
	s0 =	simm.s32 @!p0 $0x0  }
0x12: {  	s1 =	sld [smem:$0x3F99];
	s0 =	simm.s32 @p0 $0x1  }
0x13: {  	[smem:$0x3FB4] =	sst s0;
	s0 =	simm.s32 @!p1 $0x0  }
0x14: {  	s2 =	sld [smem:$0x3F98];
	s0 =	simm.s32 @p1 $0x1  }
0x15: {  	[smem:$0x3FB5] =	sst s0;
	s0 =	simm.s32 @!p2 $0x0  }
0x16: {  	s3 =	sld [smem:$0x3FDB];
	s0 =	simm.s32 @p2 $0x1  }
0x17: {  	s4 =	simm.s32 $0x1BF5;
	[smem:$0x3FB7] =	sst s0  }
0x18: {  	s0 =	sld [smem:$0x3F9A];
	_ =	swait.ge [sflag:s4], $0x0  }
0x19: {  	s7 =	sld [smem:$0x3F9B]  }
0x1a: {  	s8 =	sadd.s32 $0xFFFFE003, lr  }
0x1b: {  	s9 =	sadd.s32 $0xFFFFFEF7, lr;
	s5 =	simm.s32 $0xFFFFFFFF;
	p2 =	slt.u32 s8, $0xFFFFF086  }
0x1c: {  	p1 =	slt.u32 s9, $0xF7A;
	s5 =	simm.s32 @!p2 $0x0  }
0x1d: {  	s5 =	simm.s32 @p1 $0x1;
	p0 =	seq.s32 s7, s2  }
0x1e: {  	s7 =	smul.u32 @!p0 $0xF7A, s2;
	p2 =	seq.s32 @!p0 s5, $0x0  }
0x1f: {  	s9 =	smul.u32 $0xF7A, s1;
	s8 =	simm.s32 @!p0 $0x1BF5;
	p2 =	por !p2, p0  }
0x20: {  	[sflag:s8] =	ssyncset.s32 @!p0 $0xFFFFF086;
	s6 =	sadd.s32 @!p0 s3, s7;
	s7 =	simm.s32 @!p0 $0x108  }
0x21: {  	s3 =	sadd.s32 s3, s9;
	s6 =	sadd.s32 @!p0 $0x88, s6;
	s7 =	simm.s32 @p2 $0x1082  }
0x22: {  	[simem:s7], [sflag:s8] =	dma.local @!p0 [hbm:s6], $0xF7A  }
0x23: {  	s9 =	sor.u32 $0xD0000000, s2;
	s6 =	simm.s32 $0x108;
	_ =	swait.ge @!p0 [sflag:s8], $0x0  }
0x24: {  	s3 =	sadd.s32 $0x88, s3;
	s6 =	simm.s32 @!p1 $0x1082;
	[sflag:s4] =	ssyncset.s32 $0xFFFFF086  }
0x25: {  	[simem:s6], [sflag:s4] =	dma.local [hbm:s3], $0xF7A  }
0x26: {  	[smem:$0x3F9B] =	sst s1;
	(tag) =	ssettag s2;
	_ =	strace s9  }
0x27: {  	s1 =	sld [smem:$0x3FAB]  }
0x28: {  	s2 =	sld [smem:$0x3FAC]  }
0x29: {  	s4 =	sld [smem:$0x3FAE]  }
0x2a: {  	p0 =	seq.s32 s5, $0x0;
	s5 =	sld [smem:$0x3FAF]  }
0x2b: {  	s6 =	sld [smem:$0x3FB0]  }
0x2c: {  	s7 =	sld [smem:$0x3FB1]  }
0x2d: {  	s3 =	simm.s32 $0x108;
	s8 =	sld [smem:$0x3FB2]  }
0x2e: {  	s3 =	simm.s32 @!p0 $0x1082;
	s9 =	sld [smem:$0x3FB3]  }
0x2f: {  	lr =	sadd.s32 s0, s3;
	s0 =	sld [smem:$0x3FAA]  }
0x30: {  	s3 =	sld [smem:$0x3FAD]  }
0x31: {  	[smem:$0x3FB6] =	sst s10  }
0x32: {  	s10 =	sld [smem:$0x3FB4];
	_ =	sdelay $0x3  }
0x33: {  	p0 =	seq.s32 s10, $0x1;
	s10 =	sld [smem:$0x3FB6];
	_ =	sdelay $0x3  }
0x34: {  	[smem:$0x3FB6] =	sst s10  }
0x35: {  	s10 =	sld [smem:$0x3FB5];
	_ =	sdelay $0x3  }
0x36: {  	p1 =	seq.s32 s10, $0x1;
	s10 =	sld [smem:$0x3FB6];
	_ =	sdelay $0x3  }
0x37: {  	[smem:$0x3FB6] =	sst s10  }
0x38: {  	s10 =	sld [smem:$0x3FB7]  }
0x39: {  	_ = 	snop;
	(pc) =	sbr.ind lr, $3  }
0x3a: {  	_ = 	snop  }
0x3b: {  	_ = 	snop  }
0x3c: {  	p2 =	seq.s32 s10, $0x1;
	s10 =	sld [smem:$0x3FB6]  }
0x3d: {  	_ =	shalt  }
0x3e: {  	_ =	shalt  }
0x3f: {  	_ =	shalt  }
0x40: {  	_ =	shalt  }
0x41: {  	_ =	shalt  }
0x42: {  	_ =	shalt  }
0x43: {  	_ =	shalt  }
0x44: {  	_ =	shalt  }
0x45: {  	_ =	shalt  }
0x46: {  	_ =	shalt  }
0x47: {  	_ =	shalt  }
0x48: {  	_ =	shalt  }
0x49: {  	_ =	shalt  }
0x4a: {  	_ =	shalt  }
0x4b: {  	_ =	shalt  }
0x4c: {  	_ =	shalt  }
0x4d: {  	_ =	shalt  }
0x4e: {  	_ =	shalt  }
0x4f: {  	_ =	shalt  }
0x50: {  	_ =	shalt  }
0x51: {  	_ =	shalt  }
0x52: {  	_ =	shalt  }
0x53: {  	_ =	shalt  }
0x54: {  	_ =	shalt  }
0x55: {  	_ =	shalt  }
0x56: {  	_ =	shalt  }
0x57: {  	_ =	shalt  }
0x58: {  	_ =	shalt  }
0x59: {  	_ =	shalt  }
0x5a: {  	_ =	shalt  }
0x5b: {  	_ =	shalt  }
0x5c: {  	_ =	shalt  }
0x5d: {  	_ =	shalt  }
0x5e: {  	_ =	shalt  }
0x5f: {  	_ =	shalt  }
0x60: {  	_ =	shalt  }
0x61: {  	_ =	shalt  }
0x62: {  	_ =	shalt  }
0x63: {  	_ =	shalt  }
0x64: {  	_ =	shalt  }
0x65: {  	_ =	shalt  }
0x66: {  	_ =	shalt  }
0x67: {  	_ =	shalt  }
0x68: {  	_ =	shalt  }
0x69: {  	_ =	shalt  }
0x6a: {  	_ =	shalt  }
0x6b: {  	_ =	shalt  }
0x6c: {  	_ =	shalt  }
0x6d: {  	_ =	shalt  }
0x6e: {  	_ =	shalt  }
0x6f: {  	_ =	shalt  }
0x70: {  	_ =	shalt  }
0x71: {  	_ =	shalt  }
0x72: {  	_ =	shalt  }
0x73: {  	_ =	shalt  }
0x74: {  	_ =	shalt  }
0x75: {  	_ =	shalt  }
0x76: {  	_ =	shalt  }
0x77: {  	_ =	shalt  }
0x78: {  	_ =	shalt  }
0x79: {  	_ =	shalt  }
0x7a: {  	_ =	shalt  }
0x7b: {  	_ =	shalt  }
0x7c: {  	_ =	shalt  }
0x7d: {  	_ =	shalt  }
0x7e: {  	_ =	shalt  }
0x7f: {  	_ =	shalt  }
0x80: {  	_ =	shalt  }
0x81: {  	_ =	shalt  }
0x82: {  	_ =	shalt  }
0x83: {  	_ =	shalt  }
0x84: {  	_ =	shalt  }
0x85: {  	_ =	shalt  }
0x86: {  	_ =	shalt  }
0x87: {  	_ =	shalt  }
.Lfunc_end0:
.L_simem_size_0:
called_computation_lowered:
.L_overlay_start_0:
0x88: {  	s2 =	sld [smem:$0x3FD9]  }
0x89: {  	s3 =	sld [smem:$0x3FFE];
	_ =	sdelay $0x1  }
0x8a: {  	s1 =	srdreg.scid  }
0x8b: {  	s0 =	sand.u32 $0x1, s1  }
0x8c: {  	s17 =	sshll.u32 s0, $0xA;
	s2 =	sadd.s32 s3, s2  }
0x8d: {  	s2 =	sadd.s32 s2, s17  }
0x8e: {  	[smem:$0x3FC2] =	sst s2  }
0x8f: {  	_ = 	snop  }
0x90: {  	s2 =	sld [smem:$0x3FD0];
	(tm) =	ssettm $0x1  }
0x91: {  	s18 =	sld [smem:$0x3FFB];
	_ =	sdelay $0x3  }
0x92: {  	_ =	strace s18  }
0x93: {  	s3 =	sld [smem:$0x3FFC];
	_ =	sdelay $0x3  }
0x94: {  	_ =	strace s3  }
0x95: {  	s3 =	sld [smem:$0x3FFD];
	_ =	sdelay $0x3  }
0x96: {  	_ =	strace s3  }
0x97: {  	_ =	strace $0x8FFFFFFF  }
0x98: {  	s19 =	sld [smem:$0x3FDB];
	_ =	sdelay $0x1  }
0x99: {  	s4 =	simm.s32 $_scs_section_size  }
0x9a: {  	s5 =	simm.s32 $_size__tile_overlayer_lowered;
	s6 =	simm.s32 $_tile_overlayer_lowered  }
0x9b: {  	s22 =	simm.s32 $0x1BFF;
	s21 =	sshll.u32 s6, $0x1;
	s3 =	sadd.s32 s4, s19  }
0x9c: {  	s7 =	simm.s32 $0x0;
	s20 =	sshll.u32 s5, $0x1;
	s5 =	sadd.s32 s21, s3  }
0x9d: {  	[timem:s7], [sflag:s22] =	dma.local [hbm:s5], s20  }
0x9e: {  	_ =	swait.ge [sflag:s22], s20  }
0x9f: {  	s4 =	ssub.s32 $0x0, s20;
	[sflag:s22] =	ssyncset.done $0x0  }
0xa0: {  	[sflag:s22] =	ssyncadd.s32 s4;
	_ =	sdelay $0x1  }
0xa1: {  	s23 =	simm.s32 $0x1B8B  }
0xa2: {  	_ =	swait.ge [sflag:s23], $0x1  }
0xa3: {  	[sflag:s23] =	ssyncset.done $0x0  }
0xa4: {  	s25 =	simm.s32 $0x1B8E;
	s24 =	sld [smem:$0x3FFE];
	[sflag:s23] =	ssyncadd.s32 $0xFFFFFFFF  }
0xa5: {  	s26 =	simm.s32 $execute0_lowered;
	[smem:$0x3FD2] =	sst s25  }
0xa6: {  	s5 =	sshll.u32 s26, $0x1;
	_ =	strace $0x80000046;
	[dreg:$0x1] =	wrdreg $0xFFFFFFFF  }
0xa7: {  	s28 =	simm.s32 $_size_execute0_lowered;
	s3 =	sadd.s32 s3, s5;
	[dreg:$0x0] =	wrdreg $0x0  }
0xa8: {  	s5 =	sshll.u32 s28, $0x1;
	[dreg:$0x2] =	wrdreg s3  }
0xa9: {  	[dreg:$0x3] =	wrdreg s5  }
0xaa: {  	[dreg:$0x4] =	wrdreg $0xC0  }
0xab: {  	_ =	task [dreg:s7], $0x5FFFF  }
0xac: {  	[dreg:$0x1] =	wrdreg $0xFFFFFFFF  }
0xad: {  	[dreg:$0x0] =	wrdreg $0x60  }
0xae: {  	[dreg:$0x2] =	wrdreg s24  }
0xaf: {  	[dreg:$0x3] =	wrdreg s2  }
0xb0: {  	[dreg:$0x4] =	wrdreg $0x9  }
0xb1: {  	_ =	task.clear_ibuf [dreg:s7], $0x5FFFF;
	_ =	strace $0x90000046  }
0xb2: {  	s29 =	simm.s32 $0x9;
	_ =	strace $0x80000048  }
0xb3: {  	_ =	swait.ge [sflag:s29], $0x1  }
0xb4: {  	[sflag:s29] =	ssyncadd.s32 $0xFFFFFFFF  }
0xb5: {  	_ =	strace $0x90000048  }
0xb6: {  	_ =	sfence  }
0xb7: {  	s30 =	sld [smem:$0x0];
	_ =	sdelay $0x2  }
0xb8: {  	s31 =	sshll.u32 s1, $0xD;
	s1 =	sshrl.u32 s1, $0x2  }
0xb9: {  	s3 =	sand.u32 $0x4000, s31;
	s1 =	sadd.s32 s1, s30  }
0xba: {  	s0 =	sor.u32 s3, s0;
	s1 =	sshll.u32 s1, $0x11  }
0xbb: {  	s0 =	sor.u32 s1, s0  }
0xbc: {  	s0 =	sadd.s32 $0x8F2B, s0  }
0xbd: {  	[sflag:s0] =	ssyncadd.remote.s32 $0x1  }
0xbe: {  	_ =	sfence.sel $0xFFFF  }
0xbf: {  	[dreg:$0x0] =	wrdreg $0xFFFFFFFF;
	(pc) =	sbr.abs _section_cstart, $3  }
0xc0: {  	[dreg:$0x1] =	wrdreg $0xFFFFFFFF  }
0xc1: {  	_ =	task.clear_ibuf [dreg:s7], $0x2FFFF;
	_ =	strace $0x9FFFFFFF  }
0xc2: {  	(tm) =	ssettm $0x7FFFFFFF  }
0xc3: {  	_ =	shalt  }
tec
execute0_lowered:
.L_overlay_start_1:
0x0: {  	(tag) =	ssettag $0x1  }
0x1: {  	s0 =	rddreg [dreg:$0x0]  }
0x2: {  	s1 =	rddreg [dreg:$0x1]  }
0x3: {  	s3 =	simm.s32 $0x0;
	s2 =	srdreg.scid;
	s5 =	stileid.u32  }
0x4: {  	s14 =	simm.s32 $0x100;
	s15 =	simm.s32 $0x1;
	s17 =	simm.s32 $0x80  }
0x5: {  	s18 =	simm.s32 $0x200;
	s20 =	simm.s32 $0x3;
	s21 =	simm.s32 $0x2  }
0x6: {  	s22 =	simm.s32 $0x14200;
	s23 =	simm.s32 $0x8200;
	s24 =	simm.s32 $0x180  }
0x7: {  	s25 =	simm.s32 $0xC200;
	s28 =	simm.s32 $0x5;
	s29 =	simm.s32 $0x6  }
0x8: {  	s30 =	simm.s32 $0x0;
	[smem:$0x7FF] =	sst s3;
	s4 =	sadd.s32 $0x4F7200, s0  }
0x9: {  	s2 =	sand.u32 $0x1, s2;
	s6 =	sshll.u32 s5, $0x1;
	s5 =	sadd.s32 $0x15200, s0  }
0xa: {  	s7 =	sadd.s32 $0x1800, s0;
	s8 =	ssub.s32 $0x2, s2;
	s6 =	sor.u32 s2, s6  }
0xb: {  	s26 =	sshrl.u32 s8, $0x1;
	s2 =	sshll.u32 s6, $0x5;
	s31 =	sshll.u32 s6, $0xB  }
0xc: {  	s0 =	ssub.s32 s8, s26;
	s8 =	sadd.s32 s7, s2;
	s2 =	sadd.s32 s5, s31  }
0xd: {  	_ =	strace $0x80000047;
	s9 =	sadd.s32 $0x400, s8;
	[dreg:$0x4] =	wrdreg s2  }
0xe: {  	s11 =	sor.u32 $0x20, s6;
	s0 =	smax.u32 s0, $0x1;
	[dreg:$0x3] =	wrdreg s9  }
0xf: {  	s12 =	sor.u32 $0x60, s6;
	s26 =	simm.s32 $0x4;
	[dreg:$0x5] =	wrdreg s0  }
.LBB2_1:
0x10: {  	[tilespmem:s3], [sflag:$0x1] =	stream.linear.gather [hbm4b:s8+s3], $0x100, $0x38;
	[tilespmem:$0x18200] =	vst v63  }
0x11: {  	s0 =	rddreg [dreg:$0x3]  }
0x12: {  	[tilespmem:s14], [sflag:$0x2] =	stream.linear.gather [hbm4b:s0+s3], $0x100, $0x38;
	[tilespmem:$0x18200] =	vst v63  }
0x13: {  	_ =	swait.ge [sflag:s15], $0x100  }
0x14: {  	[sflag:s15] =	ssyncset.done $0x0  }
0x15: {  	s2 =	simm.s32 $0x10200;
	s16 =	rddreg [dreg:$0x4];
	[sflag:s15] =	ssyncadd.s32 $0xFFFFFF00  }
0x16: {  	[tilespmem:s2], [sflag:$0x3] =	stream.linear.gather [hbm4b:s16+s3], $0x4000, $0x38;
	[tilespmem:$0x18200] =	vst v63  }
0x17: {  	_ = 	snop  }
0x18: {  	[tilespmem:s18], [sflag:$0x3] =	stream.indirect.gather [hbm4b:s4+s17], $0x80, s3, s17, $0xb8;
	[tilespmem:$0x18200] =	vst v63  }
0x19: {  	s19 =	simm.s32 $0x4200;
	s31 =	simm.s32 $0x0  }
0x1a: {  	[tilespmem:s19], [sflag:$0x3] =	stream.indirect.gather [hbm4b:s4+s17], $0x80, s17, s17, $0xb8;
	[tilespmem:$0x18200] =	vst v63  }
.LBB2_2:
0x1b: {  	_ =	swait.ge [sflag:s20], $0x4000  }
0x1c: {  	[sflag:s20] =	ssyncset.done $0x0  }
0x1d: {  	[sflag:s20] =	ssyncadd.s32 $0xFFFFC000  }
0x1e: {  	_ =	swait.ge [sflag:s20], $0x4000  }
0x1f: {  	[sflag:s20] =	ssyncset.done $0x0  }
0x20: {  	[sflag:s20] =	ssyncadd.s32 $0xFFFFC000  }
0x21: {  	_ =	swait.ge [sflag:s20], $0x4000  }
0x22: {  	[sflag:s20] =	ssyncset.done $0x0  }
0x23: {  	[sflag:s20] =	ssyncadd.s32 $0xFFFFC000  }
0x24: {  	s2 =	sshll.u32 s31, $0x6;
	_ =	swait.ge [sflag:s21], $0x100  }
0x25: {  	p0 =	seq.s32 s31, $0x0;
	s0 =	sor.u32 s11, s2;
	[sflag:s21] =	ssyncset.done $0x0  }
0x26: {  	s9 =	simm.s32 @!p0 $0x6;
	s0 =	smin.u32 s0, $0x9C3;
	[sflag:s21] =	ssyncadd.s32 $0xFFFFFF00  }
0x27: {  	s0 =	sshll.u32 s0, $0xB;
	_ =	swait.ge @!p0 [sflag:s9], $0x4000  }
0x28: {  	s19 =	sshll.u32 s31, $0x1;
	s16 =	sadd.s32 s5, s0;
	[sflag:s9] =	ssyncset.done @!p0 $0x0  }
0x29: {  	[sflag:s9] =	ssyncadd.s32 @!p0 $0xFFFFC000;
	s9 =	sadd.s32 $0x2, s19;
	p0 =	seq.s32 s31, $0x27  }
0x2a: {  	[tilespmem:s22], [sflag:$0x4] =	stream.linear.gather [hbm4b:s16+s3], $0x4000, $0x38;
	[tilespmem:$0x18200] =	vst v63  }
0x2b: {  	s9 =	sshll.u32 @!p0 s9, $0x5  }
0x2c: {  	s9 =	sor.u32 @!p0 s6, s9  }
0x2d: {  	[tilespmem:s23], [sflag:$0x4] =	stream.indirect.gather [hbm4b:s4+s17], $0x80, s14, s17, $0xb8;
	[tilespmem:$0x18200] =	vst v63  }
0x2e: {  	s16 =	smin.u32 @!p0 s9, $0x9C3  }
0x2f: {  	s9 =	sshll.u32 @!p0 s16, $0x5  }
0x30: {  	[tilespmem:s25], [sflag:$0x4] =	stream.indirect.gather [hbm4b:s4+s17], $0x80, s24, s17, $0xb8;
	[tilespmem:$0x18200] =	vst v63  }
0x31: {  	s19 =	simm.s32 $0x0;
	s10 =	simm.s32 @!p0 $0x0;
	s9 =	sadd.s32 @!p0 s7, s9  }
0x32: {  	[tilespmem:s10], [sflag:$0x1] =	stream.linear.gather @!p0 [hbm4b:s9+s10], $0x100, $0x38;
	[tilespmem:$0x18200] =	vst v63  }
0x33: {  	v0 =	vld [tilespmem:s19+$0x42A0]  }
0x34: {  	v20 =	vld [tilespmem:s19+$0x102B0]  }
0x35: {  	v3 =	vld [tilespmem:s19+$0x4290]  }
0x36: {  	v21 =	vld [tilespmem:s19+$0x10300]  }
0x37: {  	v2 =	vld [tilespmem:s19+$0x4250]  }
0x38: {  	v7 =	vld [tilespmem:s19+$0x250]  }
0x39: {  	v8 =	vld [tilespmem:s19+$0x4230]  }
0x3a: {  	v5 =	vld [tilespmem:s19+$0x4270]  }
0x3b: {  	v15 =	vld [tilespmem:s19+$0x230]  }
0x3c: {  	v12 =	vld [tilespmem:s19+$0x270]  }
0x3d: {  	v13 =	vld [tilespmem:s19+$0x4260]  }
0x3e: {  	v16 =	vld [tilespmem:s19+$0x260]  }
0x3f: {  	v9 =	vld [tilespmem:s19+$0x4240]  }
0x40: {  	v14 =	vld [tilespmem:s19+$0x240]  }
0x41: {  	v6 =	vld [tilespmem:s19+$0x4220]  }
0x42: {  	v10 =	vld [tilespmem:s19+$0x220]  }
0x43: {  	v11 =	vld [tilespmem:s19+$0x4200]  }
0x44: {  	v22 =	vld [tilespmem:s19+$0x10310]  }
0x45: {  	v4 =	vld [tilespmem:s19+$0x103B0]  }
0x46: {  	v23 =	vld [tilespmem:s19+$0x103A0]  }
0x47: {  	v24 =	vld [tilespmem:s19+$0x10320]  }
0x48: {  	v25 =	vld [tilespmem:s19+$0x10390]  }
0x49: {  	v17 =	vld [tilespmem:s19+$0x200]  }
0x4a: {  	v26 =	vld [tilespmem:s19+$0x10380]  }
0x4b: {  	v27 =	vld [tilespmem:s19+$0x10330]  }
0x4c: {  	v18 =	vld [tilespmem:s19+$0x2D0]  }
0x4d: {  	v19 =	vld [tilespmem:s19+$0x42D0]  }
0x4e: {  	v28 =	vld [tilespmem:s19+$0x2E0]  }
0x4f: {  	v29 =	vld [tilespmem:s19+$0x42E0]  }
0x50: {  	v30 =	vld [tilespmem:s19+$0x2F0]  }
0x51: {  	v31 =	vld [tilespmem:s19+$0x42F0]  }
0x52: {  	v32 =	vld [tilespmem:s19+$0x300]  }
0x53: {  	v33 =	vld [tilespmem:s19+$0x4300]  }
0x54: {  	v63 =	vld [tilespmem:s19+$0x310]  }
0x55: {  	v35 =	vld [tilespmem:s19+$0x4310]  }
0x56: {  	v40 =	vld [tilespmem:s19+$0x320]  }
0x57: {  	v41 =	vld [tilespmem:s19+$0x4320];
	v30 =	vadd.f32 v31, v30  }
0x58: {  	v36 =	vld [tilespmem:s19+$0x330];
	v34 =	vshll.u32 v20, $0x10;
	v20 =	vand.u32 $0xFFFF0000, v20  }
0x59: {  	v43 =	vld [tilespmem:s19+$0x4330];
	v20 =	vadd.f32 v20, v30  }
0x5a: {  	v45 =	vld [tilespmem:s19+$0x340]  }
0x5b: {  	v46 =	vld [tilespmem:s19+$0x4340];
	v20 =	vmax.f32 v20, $0.0e+00  }
0x5c: {  	v47 =	vld [tilespmem:s19+$0x350];
	[tilespmem:s19+$0x2F0] =	vst v20;
	v20 =	vadd.f32 v35, v63  }
0x5d: {  	v49 =	vld [tilespmem:s19+$0x4350];
	v44 =	vshll.u32 v21, $0x10;
	v21 =	vand.u32 $0xFFFF0000, v21  }
0x5e: {  	v51 =	vld [tilespmem:s19+$0x360];
	v20 =	vadd.f32 v21, v20  }
0x5f: {  	v52 =	vld [tilespmem:s19+$0x4360]  }
0x60: {  	v53 =	vld [tilespmem:s19+$0x370];
	v20 =	vmax.f32 v20, $0.0e+00  }
0x61: {  	v55 =	vld [tilespmem:s19+$0x4370];
	[tilespmem:s19+$0x310] =	vst v20;
	v20 =	vadd.f32 v43, v36  }
0x62: {  	v57 =	vld [tilespmem:s19+$0x380];
	v28 =	vadd.f32 v29, v28;
	v50 =	vshll.u32 v22, $0x10;
	v22 =	vand.u32 $0xFFFF0000, v22  }
0x63: {  	v58 =	vld [tilespmem:s19+$0x4380];
	v42 =	vadd.f32 v33, v32;
	v20 =	vadd.f32 v22, v20  }
0x64: {  	v59 =	vld [tilespmem:s19+$0x390];
	v48 =	vadd.f32 v41, v40;
	v54 =	vadd.f32 v46, v45  }
0x65: {  	v61 =	vld [tilespmem:s19+$0x4390];
	v56 =	vshll.u32 v24, $0x10;
	v60 =	vadd.f32 v52, v51;
	v20 =	vmax.f32 v20, $0.0e+00  }
0x66: {  	v37 =	vld [tilespmem:s19+$0x43B0];
	v24 =	vand.u32 $0xFFFF0000, v24;
	v21 =	vadd.f32 v50, v48;
	[tilespmem:s19+$0x330] =	vst v20;
	v20 =	vadd.f32 v49, v47  }
0x67: {  	v39 =	vld [tilespmem:s19+$0x3C0];
	v62 =	vshll.u32 v27, $0x10;
	v27 =	vand.u32 $0xFFFF0000, v27;
	v38 =	vshll.u32 v26, $0x10  }
0x68: {  	v40 =	vld [tilespmem:s19+$0x43C0];
	v26 =	vand.u32 $0xFFFF0000, v26;
	v21 =	vmax.f32 v21, $0.0e+00;
	v20 =	vadd.f32 v24, v20  }
0x69: {  	v51 =	vshll.u32 v23, $0x10;
	v28 =	vadd.f32 v34, v28;
	v34 =	vld [tilespmem:s19+$0x43A0];
	[tilespmem:s19+$0x320] =	vst v21;
	v21 =	vadd.f32 v56, v54  }
0x6a: {  	v8 =	vadd.f32 v8, v15;
	v5 =	vadd.f32 v5, v12;
	v63 =	vld [tilespmem:s19+$0x3A0];
	v20 =	vmax.f32 v20, $0.0e+00  }
0x6b: {  	v41 =	vld [tilespmem:s19+$0x3D0];
	v14 =	vadd.f32 v9, v14;
	v21 =	vmax.f32 v21, $0.0e+00;
	[tilespmem:s19+$0x350] =	vst v20;
	v20 =	vadd.f32 v55, v53  }
0x6c: {  	v23 =	vand.u32 $0xFFFF0000, v23;
	v10 =	vadd.f32 v6, v10;
	v35 =	vld [tilespmem:s19+$0x3B0];
	[tilespmem:s19+$0x340] =	vst v21;
	v21 =	vadd.f32 v62, v60  }
0x6d: {  	v52 =	vld [tilespmem:s19+$0x10210];
	v6 =	vadd.f32 v11, v17;
	v28 =	vmax.f32 v28, $0.0e+00;
	v20 =	vadd.f32 v27, v20  }
0x6e: {  	v11 =	vshll.u32 v4, $0x10;
	[tilespmem:s19+$0x2E0] =	vst v28;
	v50 =	vld [tilespmem:s19+$0x10200];
	v36 =	vadd.f32 v58, v57;
	v21 =	vmax.f32 v21, $0.0e+00  }
0x6f: {  	v28 =	vadd.f32 v44, v42;
	v42 =	vadd.f32 v34, v63;
	v43 =	vld [tilespmem:s19+$0x43D0];
	[tilespmem:s19+$0x360] =	vst v21;
	v20 =	vmax.f32 v20, $0.0e+00  }
0x70: {  	v44 =	vshll.u32 v25, $0x10;
	v54 =	vld [tilespmem:s19+$0x10220];
	v21 =	vadd.f32 v38, v36;
	[tilespmem:s19+$0x370] =	vst v20;
	v20 =	vadd.f32 v61, v59  }
0x71: {  	v45 =	vld [tilespmem:s19+$0x3E0];
	v25 =	vand.u32 $0xFFFF0000, v25;
	v46 =	vadd.f32 v37, v35;
	v56 =	vadd.f32 v2, v7  }
0x72: {  	v15 =	vld [tilespmem:s19+$0x210];
	v7 =	vadd.f32 v13, v16;
	v21 =	vmax.f32 v21, $0.0e+00;
	v20 =	vadd.f32 v26, v20  }
0x73: {  	v16 =	vld [tilespmem:s19+$0x4210];
	v48 =	vadd.f32 v25, v46;
	v12 =	vshll.u32 v50, $0x10;
	[tilespmem:s19+$0x380] =	vst v21;
	v21 =	vadd.f32 v44, v42  }
0x74: {  	v58 =	vadd.f32 v12, v6;
	v12 =	vshll.u32 v52, $0x10;
	v55 =	vld [tilespmem:s19+$0x10230];
	v20 =	vmax.f32 v20, $0.0e+00  }
0x75: {  	v17 =	vand.u32 $0xFFFF0000, v54;
	v53 =	vadd.f32 v43, v41;
	v21 =	vmax.f32 v21, $0.0e+00;
	[tilespmem:s19+$0x390] =	vst v20;
	v20 =	vld [tilespmem:s19+$0x43E0]  }
0x76: {  	v12 =	vadd.f32 v12, v10;
	v47 =	vld [tilespmem:s19+$0x3F0];
	v17 =	vadd.f32 v17, v56;
	[tilespmem:s19+$0x3A0] =	vst v21;
	v21 =	vmax.f32 v48, $0.0e+00  }
0x77: {  	v49 =	vld [tilespmem:s19+$0x43F0];
	v22 =	vshll.u32 v54, $0x10;
	v24 =	vadd.f32 v40, v39;
	[tilespmem:s19+$0x3B0] =	vst v21;
	v21 =	vadd.f32 v23, v53  }
0x78: {  	v57 =	vld [tilespmem:s19+$0x10280];
	v62 =	vmax.f32 v17, $0.0e+00;
	v17 =	vadd.f32 v22, v14;
	v14 =	vadd.f32 v16, v15  }
0x79: {  	v1 =	vld [tilespmem:s19+$0x42C0];
	v24 =	vadd.f32 v51, v24;
	v2 =	vmax.f32 v21, $0.0e+00;
	v13 =	vshll.u32 v55, $0x10  }
0x7a: {  	v6 =	vld [tilespmem:s19+$0x10290];
	v59 =	vand.u32 $0xFFFF0000, v52;
	[tilespmem:s19+$0x3D0] =	vst v2;
	v2 =	vadd.f32 v19, v18;
	v9 =	vadd.f32 v20, v45  }
0x7b: {  	v4 =	vand.u32 $0xFFFF0000, v4;
	v18 =	vld [tilespmem:s19+$0x290];
	v13 =	vadd.f32 v13, v7;
	v10 =	vadd.f32 v59, v8  }
0x7c: {  	v28 =	vmax.f32 v28, $0.0e+00;
	v7 =	vld [tilespmem:s19+$0x2A0];
	v19 =	vadd.f32 v11, v9;
	v11 =	vadd.f32 v49, v47  }
0x7d: {  	[tilespmem:s19+$0x300] =	vst v28;
	v24 =	vmax.f32 v24, $0.0e+00;
	v8 =	vshll.u32 v57, $0x10;
	v60 =	vmax.f32 v13, $0.0e+00;
	v13 =	vld [tilespmem:s19+$0x4280]  }
0x7e: {  	[tilespmem:s19+$0x250] =	vst v62;
	v15 =	vmax.f32 v10, $0.0e+00;
	v9 =	vld [tilespmem:s19+$0x280];
	v61 =	vadd.f32 v4, v11;
	v4 =	vand.u32 $0xFFFF0000, v55  }
0x7f: {  	v16 =	vld [tilespmem:s19+$0x42B0];
	[tilespmem:s19+$0x3C0] =	vst v24;
	v10 =	vand.u32 $0xFFFF0000, v57;
	v20 =	vand.u32 $0xFFFF0000, v50;
	v63 =	vadd.f32 v4, v5  }
0x80: {  	[tilespmem:s19+$0x260] =	vst v60;
	v11 =	vld [tilespmem:s19+$0x2B0];
	v19 =	vmax.f32 v19, $0.0e+00;
	v5 =	vadd.f32 v3, v18;
	v4 =	vmax.f32 v58, $0.0e+00  }
0x81: {  	s9 =	simm.s32 $0x0;
	s10 =	simm.s32 $0x800;
	v18 =	vadd.f32 v20, v14;
	v14 =	vld [tilespmem:s19+$0x102A0];
	[tilespmem:s19+$0x3E0] =	vst v19;
	v19 =	vmax.f32 v61, $0.0e+00;
	v3 =	vmax.f32 v63, $0.0e+00  }
.LBB2_3:
0x82: {  	s13 =	sshra.s32 s10, $0x2;
	s9 =	sadd.s32 $0x4, s9;
	v12 =	vmax.f32 v12, $0.0e+00;
	v17 =	vmax.f32 v17, $0.0e+00;
	[tilespmem:s19+$0x270] =	vst v3;
	v20 =	vand.u32 $0xFFFF0000, v6;
	v21 =	vld [tilespmem:s19+$0x2C0]  }
0x83: {  	v7 =	vadd.f32 v0, v7;
	p1 =	slt.u32 s9, $0x7C;
	[tilespmem:s19+$0x220] =	vst v12;
	v9 =	vadd.f32 v13, v9;
	v0 =	vld [tilespmem:s13+$0x42A0]  }
0x84: {  	v6 =	vshll.u32 v6, $0x10;
	v22 =	vld [tilespmem:s13+$0x102B0];
	[tilespmem:s19+$0x240] =	vst v17  }
0x85: {  	v12 =	vmax.f32 v18, $0.0e+00;
	v3 =	vld [tilespmem:s13+$0x4290];
	[tilespmem:s19+$0x230] =	vst v15;
	v8 =	vadd.f32 v8, v9;
	v9 =	vadd.f32 v16, v11  }
0x86: {  	v6 =	vadd.f32 v6, v7;
	v15 =	vld [tilespmem:s13+$0x10300];
	v7 =	vshll.u32 v14, $0x10;
	v11 =	vand.u32 $0xFFFF0000, v14;
	[tilespmem:s19+$0x3F0] =	vst v19  }
0x87: {  	v5 =	vadd.f32 v10, v5;
	v13 =	vld [tilespmem:s13+$0x4250];
	[tilespmem:s19+$0x210] =	vst v12;
	v8 =	vmax.f32 v8, $0.0e+00;
	v2 =	vadd.f32 v11, v2  }
0x88: {  	v6 =	vmax.f32 v6, $0.0e+00;
	v1 =	vadd.f32 v1, v21;
	v10 =	vld [tilespmem:s13+$0x250];
	[tilespmem:s19+$0x280] =	vst v8;
	v8 =	vadd.f32 v20, v9  }
0x89: {  	v5 =	vmax.f32 v5, $0.0e+00;
	v9 =	vld [tilespmem:s13+$0x4230];
	[tilespmem:s19+$0x2A0] =	vst v6;
	v2 =	vmax.f32 v2, $0.0e+00  }
0x8a: {  	v1 =	vadd.f32 v7, v1;
	v11 =	vld [tilespmem:s13+$0x4270];
	v6 =	vmax.f32 v8, $0.0e+00;
	[tilespmem:s19+$0x2D0] =	vst v2  }
0x8b: {  	v2 =	vld [tilespmem:s13+$0x230];
	[tilespmem:s19+$0x200] =	vst v4  }
0x8c: {  	v1 =	vmax.f32 v1, $0.0e+00;
	v7 =	vld [tilespmem:s13+$0x270];
	[tilespmem:s19+$0x2B0] =	vst v6  }
0x8d: {  	v4 =	vadd.f32 v13, v10;
	v8 =	vld [tilespmem:s13+$0x4260];
	[tilespmem:s19+$0x2C0] =	vst v1  }
0x8e: {  	v1 =	vld [tilespmem:s13+$0x260];
	[tilespmem:s19+$0x290] =	vst v5;
	s19 =	smov.u32 s13  }
0x8f: {  	v10 =	vld [tilespmem:s19+$0x4240]  }
0x90: {  	v6 =	vadd.f32 v9, v2;
	v2 =	vld [tilespmem:s19+$0x240]  }
0x91: {  	v9 =	vld [tilespmem:s19+$0x4220];
	v5 =	vadd.f32 v11, v7  }
0x92: {  	v11 =	vld [tilespmem:s19+$0x220]  }
0x93: {  	v14 =	vld [tilespmem:s19+$0x4200];
	v7 =	vadd.f32 v8, v1  }
0x94: {  	v16 =	vld [tilespmem:s19+$0x10310]  }
0x95: {  	v8 =	vadd.f32 v10, v2;
	v10 =	vld [tilespmem:s19+$0x103B0]  }
0x96: {  	v12 =	vld [tilespmem:s19+$0x103A0]  }
0x97: {  	v9 =	vadd.f32 v9, v11;
	v17 =	vld [tilespmem:s19+$0x10320]  }
0x98: {  	v13 =	vld [tilespmem:s19+$0x10390]  }
0x99: {  	v2 =	vld [tilespmem:s19+$0x200]  }
0x9a: {  	v18 =	vld [tilespmem:s19+$0x10380]  }
0x9b: {  	v19 =	vld [tilespmem:s19+$0x10330]  }
0x9c: {  	v1 =	vld [tilespmem:s19+$0x42C0]  }
0x9d: {  	v20 =	vld [tilespmem:s19+$0x2D0]  }
0x9e: {  	v11 =	vadd.f32 v14, v2;
	v2 =	vld [tilespmem:s19+$0x42D0]  }
0x9f: {  	v14 =	vld [tilespmem:s19+$0x2E0]  }
0xa0: {  	v21 =	vld [tilespmem:s19+$0x42E0]  }
0xa1: {  	v23 =	vld [tilespmem:s19+$0x2F0]  }
0xa2: {  	v24 =	vld [tilespmem:s19+$0x42F0]  }
0xa3: {  	v2 =	vadd.f32 v2, v20;
	v20 =	vld [tilespmem:s19+$0x300]  }
0xa4: {  	v25 =	vld [tilespmem:s19+$0x4300]  }
0xa5: {  	v14 =	vadd.f32 v21, v14;
	v21 =	vld [tilespmem:s19+$0x310]  }
0xa6: {  	v26 =	vshll.u32 v22, $0x10;
	v27 =	vld [tilespmem:s19+$0x4310]  }
0xa7: {  	v14 =	vadd.f32 v26, v14;
	v23 =	vadd.f32 v24, v23;
	v24 =	vld [tilespmem:s19+$0x320]  }
0xa8: {  	v22 =	vand.u32 $0xFFFF0000, v22;
	v26 =	vld [tilespmem:s19+$0x4320]  }
0xa9: {  	v14 =	vmax.f32 v14, $0.0e+00;
	v22 =	vadd.f32 v22, v23;
	v20 =	vadd.f32 v25, v20;
	v23 =	vld [tilespmem:s19+$0x330]  }
0xaa: {  	[tilespmem:s19+$0x2E0] =	vst v14;
	v14 =	vshll.u32 v15, $0x10;
	v25 =	vld [tilespmem:s19+$0x4330]  }
0xab: {  	v22 =	vmax.f32 v22, $0.0e+00;
	v14 =	vadd.f32 v14, v20;
	v20 =	vadd.f32 v27, v21;
	v21 =	vld [tilespmem:s19+$0x340]  }
0xac: {  	v15 =	vand.u32 $0xFFFF0000, v15;
	[tilespmem:s19+$0x2F0] =	vst v22;
	v22 =	vld [tilespmem:s19+$0x4340]  }
0xad: {  	v14 =	vmax.f32 v14, $0.0e+00;
	v15 =	vadd.f32 v15, v20;
	v20 =	vadd.f32 v26, v24;
	v24 =	vld [tilespmem:s19+$0x350]  }
0xae: {  	[tilespmem:s19+$0x300] =	vst v14;
	v14 =	vshll.u32 v16, $0x10;
	v26 =	vld [tilespmem:s19+$0x4350]  }
0xaf: {  	v15 =	vmax.f32 v15, $0.0e+00;
	v14 =	vadd.f32 v14, v20;
	v20 =	vadd.f32 v25, v23;
	v23 =	vld [tilespmem:s19+$0x360]  }
0xb0: {  	[tilespmem:s19+$0x310] =	vst v15;
	v15 =	vand.u32 $0xFFFF0000, v16;
	v16 =	vld [tilespmem:s19+$0x4360]  }
0xb1: {  	v14 =	vmax.f32 v14, $0.0e+00;
	v15 =	vadd.f32 v15, v20;
	v20 =	vadd.f32 v22, v21;
	v21 =	vld [tilespmem:s19+$0x370]  }
0xb2: {  	[tilespmem:s19+$0x320] =	vst v14;
	v14 =	vshll.u32 v17, $0x10;
	v22 =	vld [tilespmem:s19+$0x4370]  }
0xb3: {  	v15 =	vmax.f32 v15, $0.0e+00;
	v14 =	vadd.f32 v14, v20;
	v20 =	vadd.f32 v26, v24;
	v24 =	vld [tilespmem:s19+$0x380]  }
0xb4: {  	[tilespmem:s19+$0x330] =	vst v15;
	v15 =	vand.u32 $0xFFFF0000, v17;
	v17 =	vld [tilespmem:s19+$0x4380]  }
0xb5: {  	v14 =	vmax.f32 v14, $0.0e+00;
	v15 =	vadd.f32 v15, v20;
	v16 =	vadd.f32 v16, v23;
	v20 =	vld [tilespmem:s19+$0x390]  }
0xb6: {  	[tilespmem:s19+$0x340] =	vst v14;
	v14 =	vshll.u32 v19, $0x10;
	v23 =	vld [tilespmem:s19+$0x4390]  }
0xb7: {  	v15 =	vmax.f32 v15, $0.0e+00;
	v14 =	vadd.f32 v14, v16;
	v16 =	vadd.f32 v22, v21;
	v21 =	vld [tilespmem:s19+$0x3A0]  }
0xb8: {  	[tilespmem:s19+$0x350] =	vst v15;
	v15 =	vand.u32 $0xFFFF0000, v19;
	v19 =	vld [tilespmem:s19+$0x43A0]  }
0xb9: {  	v14 =	vmax.f32 v14, $0.0e+00;
	v15 =	vadd.f32 v15, v16;
	v16 =	vadd.f32 v17, v24;
	v17 =	vld [tilespmem:s19+$0x3B0]  }
0xba: {  	[tilespmem:s19+$0x360] =	vst v14;
	v14 =	vshll.u32 v18, $0x10;
	v22 =	vld [tilespmem:s19+$0x43B0]  }
0xbb: {  	v15 =	vmax.f32 v15, $0.0e+00;
	v14 =	vadd.f32 v14, v16;
	v16 =	vadd.f32 v23, v20;
	v20 =	vld [tilespmem:s19+$0x3C0]  }
0xbc: {  	[tilespmem:s19+$0x370] =	vst v15;
	v15 =	vand.u32 $0xFFFF0000, v18;
	v18 =	vld [tilespmem:s19+$0x43C0]  }
0xbd: {  	v14 =	vmax.f32 v14, $0.0e+00;
	v15 =	vadd.f32 v15, v16;
	v16 =	vadd.f32 v19, v21;
	v19 =	vld [tilespmem:s19+$0x3D0]  }
0xbe: {  	[tilespmem:s19+$0x380] =	vst v14;
	v14 =	vshll.u32 v13, $0x10;
	v21 =	vld [tilespmem:s19+$0x43D0]  }
0xbf: {  	v15 =	vmax.f32 v15, $0.0e+00;
	v14 =	vadd.f32 v14, v16;
	v16 =	vadd.f32 v22, v17;
	v17 =	vld [tilespmem:s19+$0x3E0]  }
0xc0: {  	v13 =	vand.u32 $0xFFFF0000, v13;
	[tilespmem:s19+$0x390] =	vst v15;
	v15 =	vld [tilespmem:s19+$0x43E0]  }
0xc1: {  	v14 =	vmax.f32 v14, $0.0e+00;
	v13 =	vadd.f32 v13, v16;
	v16 =	vadd.f32 v18, v20;
	v18 =	vld [tilespmem:s19+$0x3F0]  }
0xc2: {  	[tilespmem:s19+$0x3A0] =	vst v14;
	v14 =	vshll.u32 v12, $0x10;
	v20 =	vld [tilespmem:s19+$0x43F0]  }
0xc3: {  	v22 =	vld [tilespmem:s19+$0x10200];
	v13 =	vmax.f32 v13, $0.0e+00;
	v14 =	vadd.f32 v14, v16;
	v16 =	vadd.f32 v21, v19  }
0xc4: {  	v12 =	vand.u32 $0xFFFF0000, v12;
	v19 =	vld [tilespmem:s19+$0x10210];
	[tilespmem:s19+$0x3B0] =	vst v13  }
0xc5: {  	v13 =	vld [tilespmem:s19+$0x10220];
	v14 =	vmax.f32 v14, $0.0e+00;
	v12 =	vadd.f32 v12, v16;
	v15 =	vadd.f32 v15, v17  }
0xc6: {  	v16 =	vld [tilespmem:s19+$0x10230];
	[tilespmem:s19+$0x3C0] =	vst v14;
	v14 =	vshll.u32 v10, $0x10  }
0xc7: {  	v21 =	vld [tilespmem:s19+$0x210];
	v12 =	vmax.f32 v12, $0.0e+00;
	v14 =	vadd.f32 v14, v15;
	v15 =	vadd.f32 v20, v18  }
0xc8: {  	v10 =	vand.u32 $0xFFFF0000, v10;
	v17 =	vshll.u32 v22, $0x10;
	v18 =	vand.u32 $0xFFFF0000, v22;
	v20 =	vld [tilespmem:s19+$0x10280];
	[tilespmem:s19+$0x3D0] =	vst v12  }
0xc9: {  	v22 =	vadd.f32 v17, v11;
	v11 =	vld [tilespmem:s19+$0x4210];
	v12 =	vshll.u32 v19, $0x10;
	v19 =	vand.u32 $0xFFFF0000, v19  }
0xca: {  	v24 =	vadd.f32 v10, v15;
	v17 =	vshll.u32 v13, $0x10;
	v13 =	vand.u32 $0xFFFF0000, v13;
	v23 =	vld [tilespmem:s19+$0x290]  }
0xcb: {  	v12 =	vadd.f32 v12, v9;
	v10 =	vshll.u32 v16, $0x10;
	v15 =	vand.u32 $0xFFFF0000, v16;
	v9 =	vld [tilespmem:s19+$0x280]  }
0xcc: {  	v17 =	vadd.f32 v17, v8;
	v10 =	vadd.f32 v10, v7;
	v7 =	vld [tilespmem:s19+$0x2A0]  }
.Ltmp0:
0xcd: {  	v16 =	vadd.f32 v19, v6;
	v4 =	vadd.f32 v13, v4;
	v8 =	vshll.u32 v20, $0x10;
	v6 =	vld [tilespmem:s19+$0x10290];
	(pc) =	sbr.rel @p1 .LBB2_3-.Ltmp0, $4  }
0xce: {  	v19 =	vadd.f32 v11, v21;
	v10 =	vmax.f32 v10, $0.0e+00;
	v21 =	vadd.f32 v15, v5;
	v13 =	vld [tilespmem:s19+$0x4280]  }
0xcf: {  	v15 =	vmax.f32 v16, $0.0e+00;
	v16 =	vmax.f32 v4, $0.0e+00;
	[tilespmem:s19+$0x260] =	vst v10;
	v5 =	vadd.f32 v3, v23;
	v11 =	vld [tilespmem:s19+$0x2B0]  }
0xd0: {  	v4 =	vmax.f32 v22, $0.0e+00;
	v18 =	vadd.f32 v18, v19;
	[tilespmem:s19+$0x250] =	vst v16;
	v16 =	vld [tilespmem:s19+$0x42B0];
	v19 =	vmax.f32 v14, $0.0e+00  }
0xd1: {  	s10 =	sadd.s32 $0x800, s10;
	v10 =	vand.u32 $0xFFFF0000, v20;
	v3 =	vmax.f32 v21, $0.0e+00;
	v14 =	vld [tilespmem:s19+$0x102A0];
	[tilespmem:s19+$0x3E0] =	vst v19;
	v19 =	vmax.f32 v24, $0.0e+00  }
0xd2: {  	[tilespmem:s19+$0x270] =	vst v3  }
0xd3: {  	v3 =	vmax.f32 v12, $0.0e+00;
	v12 =	vld [tilespmem:s19+$0x2C0];
	[tilespmem:s19+$0x230] =	vst v15  }
0xd4: {  	v0 =	vadd.f32 v0, v7;
	[tilespmem:s19+$0x220] =	vst v3;
	v3 =	vadd.f32 v13, v9  }
0xd5: {  	v17 =	vmax.f32 v17, $0.0e+00;
	v7 =	vshll.u32 v6, $0x10;
	[tilespmem:s19+$0x3F0] =	vst v19  }
0xd6: {  	v6 =	vand.u32 $0xFFFF0000, v6;
	[tilespmem:s19+$0x200] =	vst v4;
	v0 =	vadd.f32 v7, v0;
	v3 =	vadd.f32 v8, v3  }
0xd7: {  	[tilespmem:s19+$0x240] =	vst v17;
	v8 =	vmax.f32 v18, $0.0e+00;
	v9 =	vadd.f32 v16, v11;
	v7 =	vand.u32 $0xFFFF0000, v14  }
0xd8: {  	[tilespmem:s19+$0x210] =	vst v8;
	v3 =	vmax.f32 v3, $0.0e+00;
	v2 =	vadd.f32 v7, v2;
	v1 =	vadd.f32 v1, v12  }
0xd9: {  	v0 =	vmax.f32 v0, $0.0e+00;
	v6 =	vadd.f32 v6, v9;
	[tilespmem:s19+$0x280] =	vst v3;
	v3 =	vshll.u32 v14, $0x10  }
0xda: {  	[tilespmem:s19+$0x2A0] =	vst v0;
	v0 =	vmax.f32 v2, $0.0e+00;
	v1 =	vadd.f32 v3, v1  }
0xdb: {  	s9 =	sor.u32 s6, s2;
	v2 =	vmax.f32 v6, $0.0e+00;
	[tilespmem:s19+$0x2D0] =	vst v0;
	v0 =	vadd.f32 v10, v5  }
0xdc: {  	s9 =	smin.u32 s9, $0x9C3;
	[tilespmem:s19+$0x2B0] =	vst v2;
	v1 =	vmax.f32 v1, $0.0e+00  }
0xdd: {  	s9 =	sshll.u32 s9, $0xB;
	v0 =	vmax.f32 v0, $0.0e+00;
	[tilespmem:s19+$0x2C0] =	vst v1  }
0xde: {  	s9 =	sadd.s32 s1, s9;
	[tilespmem:s19+$0x290] =	vst v0  }
0xdf: {  	[hbm4b:s9+s3] =	stream.linear.scatter [tilespmem:s18], [sflag:$0x5], $0x4000, $0x38;
	[tilespmem:$0x18200] =	vst v63  }
0xe0: {  	_ =	swait.ge [sflag:s26], $0x4000  }
0xe1: {  	[sflag:s26] =	ssyncset.done $0x0  }
0xe2: {  	[sflag:s26] =	ssyncadd.s32 $0xFFFFC000  }
0xe3: {  	_ =	swait.ge [sflag:s26], $0x4000  }
0xe4: {  	[sflag:s26] =	ssyncset.done $0x0  }
0xe5: {  	[sflag:s26] =	ssyncadd.s32 $0xFFFFC000  }
0xe6: {  	_ =	swait.ge [sflag:s26], $0x4000  }
0xe7: {  	[sflag:s26] =	ssyncset.done $0x0  }
0xe8: {  	s9 =	simm.s32 @!p0 $0x1;
	[sflag:s26] =	ssyncadd.s32 $0xFFFFC000  }
0xe9: {  	_ =	swait.ge @!p0 [sflag:s9], $0x100  }
0xea: {  	[sflag:s9] =	ssyncset.done @!p0 $0x0  }
0xeb: {  	[sflag:s9] =	ssyncadd.s32 @!p0 $0xFFFFFF00;
	s9 =	simm.s32 @!p0 $0x5  }
0xec: {  	_ =	swait.ge @!p0 [sflag:s9], $0x4000  }
0xed: {  	[sflag:s9] =	ssyncset.done @!p0 $0x0  }
0xee: {  	s10 =	simm.s32 @!p0 $0x0;
	[sflag:s9] =	ssyncadd.s32 @!p0 $0xFFFFC000;
	s9 =	sshll.u32 @!p0 s16, $0xB  }
0xef: {  	s13 =	simm.s32 @!p0 $0x10200;
	s2 =	sadd.s32 @!p0 s12, s2;
	s9 =	sadd.s32 @!p0 s5, s9  }
0xf0: {  	[tilespmem:s13], [sflag:$0x3] =	stream.linear.gather @!p0 [hbm4b:s9+s10], $0x4000, $0x38;
	[tilespmem:$0x18200] =	vst v63  }
0xf1: {  	s2 =	smin.u32 @!p0 s2, $0x9C3;
	s9 =	simm.s32 @!p0 $0x80;
	s13 =	simm.s32 @!p0 $0x200  }
0xf2: {  	[tilespmem:s13], [sflag:$0x3] =	stream.indirect.gather @!p0 [hbm4b:s4+s9], $0x80, s10, s9, $0xb8;
	[tilespmem:$0x18200] =	vst v63  }
0xf3: {  	s2 =	sshll.u32 @!p0 s2, $0x5;
	s13 =	simm.s32 @!p0 $0x4200  }
0xf4: {  	[tilespmem:s13], [sflag:$0x3] =	stream.indirect.gather @!p0 [hbm4b:s4+s9], $0x80, s9, s9, $0xb8;
	[tilespmem:$0x18200] =	vst v63  }
0xf5: {  	s2 =	sadd.s32 @!p0 s7, s2;
	s9 =	simm.s32 @!p0 $0x100  }
0xf6: {  	[tilespmem:s9], [sflag:$0x2] =	stream.linear.gather @!p0 [hbm4b:s2+s10], $0x100, $0x38;
	[tilespmem:$0x18200] =	vst v63  }
0xf7: {  	s2 =	simm.s32 $0x0  }
0xf8: {  	v0 =	vld [tilespmem:s2+$0xC2A0]  }
0xf9: {  	v20 =	vld [tilespmem:s2+$0x142B0]  }
0xfa: {  	v3 =	vld [tilespmem:s2+$0xC290]  }
0xfb: {  	v21 =	vld [tilespmem:s2+$0x14300]  }
0xfc: {  	v2 =	vld [tilespmem:s2+$0xC250]  }
0xfd: {  	v7 =	vld [tilespmem:s2+$0x8250]  }
0xfe: {  	v8 =	vld [tilespmem:s2+$0xC230]  }
0xff: {  	v5 =	vld [tilespmem:s2+$0xC270]  }
0x100: {  	v15 =	vld [tilespmem:s2+$0x8230]  }
0x101: {  	v12 =	vld [tilespmem:s2+$0x8270]  }
0x102: {  	v13 =	vld [tilespmem:s2+$0xC260]  }
0x103: {  	v16 =	vld [tilespmem:s2+$0x8260]  }
0x104: {  	v9 =	vld [tilespmem:s2+$0xC240]  }
0x105: {  	v14 =	vld [tilespmem:s2+$0x8240]  }
0x106: {  	v6 =	vld [tilespmem:s2+$0xC220]  }
0x107: {  	v10 =	vld [tilespmem:s2+$0x8220]  }
0x108: {  	v11 =	vld [tilespmem:s2+$0xC200]  }
0x109: {  	v22 =	vld [tilespmem:s2+$0x14310]  }
0x10a: {  	v4 =	vld [tilespmem:s2+$0x143B0]  }
0x10b: {  	v23 =	vld [tilespmem:s2+$0x143A0]  }
0x10c: {  	v24 =	vld [tilespmem:s2+$0x14320]  }
0x10d: {  	v25 =	vld [tilespmem:s2+$0x14390]  }
0x10e: {  	v17 =	vld [tilespmem:s2+$0x8200]  }
0x10f: {  	v26 =	vld [tilespmem:s2+$0x14380]  }
0x110: {  	v27 =	vld [tilespmem:s2+$0x14330]  }
0x111: {  	v18 =	vld [tilespmem:s2+$0x82D0]  }
0x112: {  	v19 =	vld [tilespmem:s2+$0xC2D0]  }
0x113: {  	v28 =	vld [tilespmem:s2+$0x82E0]  }
0x114: {  	v29 =	vld [tilespmem:s2+$0xC2E0]  }
0x115: {  	v30 =	vld [tilespmem:s2+$0x82F0]  }
0x116: {  	v31 =	vld [tilespmem:s2+$0xC2F0]  }
0x117: {  	v32 =	vld [tilespmem:s2+$0x8300]  }
0x118: {  	v33 =	vld [tilespmem:s2+$0xC300]  }
0x119: {  	v63 =	vld [tilespmem:s2+$0x8310]  }
0x11a: {  	v35 =	vld [tilespmem:s2+$0xC310]  }
0x11b: {  	v40 =	vld [tilespmem:s2+$0x8320]  }
0x11c: {  	v41 =	vld [tilespmem:s2+$0xC320];
	v30 =	vadd.f32 v31, v30  }
0x11d: {  	v36 =	vld [tilespmem:s2+$0x8330];
	v34 =	vshll.u32 v20, $0x10;
	v20 =	vand.u32 $0xFFFF0000, v20  }
0x11e: {  	v43 =	vld [tilespmem:s2+$0xC330];
	v20 =	vadd.f32 v20, v30  }
0x11f: {  	v45 =	vld [tilespmem:s2+$0x8340]  }
0x120: {  	v46 =	vld [tilespmem:s2+$0xC340];
	v20 =	vmax.f32 v20, $0.0e+00  }
0x121: {  	v47 =	vld [tilespmem:s2+$0x8350];
	[tilespmem:s2+$0x82F0] =	vst v20;
	v20 =	vadd.f32 v35, v63  }
0x122: {  	v49 =	vld [tilespmem:s2+$0xC350];
	v44 =	vshll.u32 v21, $0x10;
	v21 =	vand.u32 $0xFFFF0000, v21  }
0x123: {  	v51 =	vld [tilespmem:s2+$0x8360];
	v20 =	vadd.f32 v21, v20  }
0x124: {  	v52 =	vld [tilespmem:s2+$0xC360]  }
0x125: {  	v53 =	vld [tilespmem:s2+$0x8370];
	v20 =	vmax.f32 v20, $0.0e+00  }
0x126: {  	v55 =	vld [tilespmem:s2+$0xC370];
	[tilespmem:s2+$0x8310] =	vst v20;
	v20 =	vadd.f32 v43, v36  }
0x127: {  	v57 =	vld [tilespmem:s2+$0x8380];
	v28 =	vadd.f32 v29, v28;
	v50 =	vshll.u32 v22, $0x10;
	v22 =	vand.u32 $0xFFFF0000, v22  }
0x128: {  	v58 =	vld [tilespmem:s2+$0xC380];
	v42 =	vadd.f32 v33, v32;
	v20 =	vadd.f32 v22, v20  }
0x129: {  	v59 =	vld [tilespmem:s2+$0x8390];
	v48 =	vadd.f32 v41, v40;
	v54 =	vadd.f32 v46, v45  }
0x12a: {  	v61 =	vld [tilespmem:s2+$0xC390];
	v56 =	vshll.u32 v24, $0x10;
	v60 =	vadd.f32 v52, v51;
	v20 =	vmax.f32 v20, $0.0e+00  }
0x12b: {  	v37 =	vld [tilespmem:s2+$0xC3B0];
	v24 =	vand.u32 $0xFFFF0000, v24;
	v21 =	vadd.f32 v50, v48;
	[tilespmem:s2+$0x8330] =	vst v20;
	v20 =	vadd.f32 v49, v47  }
0x12c: {  	v39 =	vld [tilespmem:s2+$0x83C0];
	v62 =	vshll.u32 v27, $0x10;
	v27 =	vand.u32 $0xFFFF0000, v27;
	v38 =	vshll.u32 v26, $0x10  }
0x12d: {  	v40 =	vld [tilespmem:s2+$0xC3C0];
	v26 =	vand.u32 $0xFFFF0000, v26;
	v21 =	vmax.f32 v21, $0.0e+00;
	v20 =	vadd.f32 v24, v20  }
0x12e: {  	v51 =	vshll.u32 v23, $0x10;
	v28 =	vadd.f32 v34, v28;
	v34 =	vld [tilespmem:s2+$0xC3A0];
	[tilespmem:s2+$0x8320] =	vst v21;
	v21 =	vadd.f32 v56, v54  }
0x12f: {  	v8 =	vadd.f32 v8, v15;
	v5 =	vadd.f32 v5, v12;
	v63 =	vld [tilespmem:s2+$0x83A0];
	v20 =	vmax.f32 v20, $0.0e+00  }
0x130: {  	v41 =	vld [tilespmem:s2+$0x83D0];
	v14 =	vadd.f32 v9, v14;
	v21 =	vmax.f32 v21, $0.0e+00;
	[tilespmem:s2+$0x8350] =	vst v20;
	v20 =	vadd.f32 v55, v53  }
0x131: {  	v23 =	vand.u32 $0xFFFF0000, v23;
	v10 =	vadd.f32 v6, v10;
	v35 =	vld [tilespmem:s2+$0x83B0];
	[tilespmem:s2+$0x8340] =	vst v21;
	v21 =	vadd.f32 v62, v60  }
0x132: {  	v52 =	vld [tilespmem:s2+$0x14210];
	v6 =	vadd.f32 v11, v17;
	v28 =	vmax.f32 v28, $0.0e+00;
	v20 =	vadd.f32 v27, v20  }
0x133: {  	v11 =	vshll.u32 v4, $0x10;
	[tilespmem:s2+$0x82E0] =	vst v28;
	v50 =	vld [tilespmem:s2+$0x14200];
	v36 =	vadd.f32 v58, v57;
	v21 =	vmax.f32 v21, $0.0e+00  }
0x134: {  	v28 =	vadd.f32 v44, v42;
	v42 =	vadd.f32 v34, v63;
	v43 =	vld [tilespmem:s2+$0xC3D0];
	[tilespmem:s2+$0x8360] =	vst v21;
	v20 =	vmax.f32 v20, $0.0e+00  }
0x135: {  	v44 =	vshll.u32 v25, $0x10;
	v54 =	vld [tilespmem:s2+$0x14220];
	v21 =	vadd.f32 v38, v36;
	[tilespmem:s2+$0x8370] =	vst v20;
	v20 =	vadd.f32 v61, v59  }
0x136: {  	v45 =	vld [tilespmem:s2+$0x83E0];
	v25 =	vand.u32 $0xFFFF0000, v25;
	v46 =	vadd.f32 v37, v35;
	v56 =	vadd.f32 v2, v7  }
0x137: {  	v15 =	vld [tilespmem:s2+$0x8210];
	v7 =	vadd.f32 v13, v16;
	v21 =	vmax.f32 v21, $0.0e+00;
	v20 =	vadd.f32 v26, v20  }
0x138: {  	v16 =	vld [tilespmem:s2+$0xC210];
	v48 =	vadd.f32 v25, v46;
	v12 =	vshll.u32 v50, $0x10;
	[tilespmem:s2+$0x8380] =	vst v21;
	v21 =	vadd.f32 v44, v42  }
0x139: {  	v58 =	vadd.f32 v12, v6;
	v12 =	vshll.u32 v52, $0x10;
	v55 =	vld [tilespmem:s2+$0x14230];
	v20 =	vmax.f32 v20, $0.0e+00  }
0x13a: {  	v17 =	vand.u32 $0xFFFF0000, v54;
	v53 =	vadd.f32 v43, v41;
	v21 =	vmax.f32 v21, $0.0e+00;
	[tilespmem:s2+$0x8390] =	vst v20;
	v20 =	vld [tilespmem:s2+$0xC3E0]  }
0x13b: {  	v12 =	vadd.f32 v12, v10;
	v47 =	vld [tilespmem:s2+$0x83F0];
	v17 =	vadd.f32 v17, v56;
	[tilespmem:s2+$0x83A0] =	vst v21;
	v21 =	vmax.f32 v48, $0.0e+00  }
0x13c: {  	v49 =	vld [tilespmem:s2+$0xC3F0];
	v22 =	vshll.u32 v54, $0x10;
	v24 =	vadd.f32 v40, v39;
	[tilespmem:s2+$0x83B0] =	vst v21;
	v21 =	vadd.f32 v23, v53  }
0x13d: {  	v57 =	vld [tilespmem:s2+$0x14280];
	v62 =	vmax.f32 v17, $0.0e+00;
	v17 =	vadd.f32 v22, v14;
	v14 =	vadd.f32 v16, v15  }
0x13e: {  	v1 =	vld [tilespmem:s2+$0xC2C0];
	v24 =	vadd.f32 v51, v24;
	v2 =	vmax.f32 v21, $0.0e+00;
	v13 =	vshll.u32 v55, $0x10  }
0x13f: {  	v6 =	vld [tilespmem:s2+$0x14290];
	v59 =	vand.u32 $0xFFFF0000, v52;
	[tilespmem:s2+$0x83D0] =	vst v2;
	v2 =	vadd.f32 v19, v18;
	v9 =	vadd.f32 v20, v45  }
0x140: {  	v4 =	vand.u32 $0xFFFF0000, v4;
	v18 =	vld [tilespmem:s2+$0x8290];
	v13 =	vadd.f32 v13, v7;
	v10 =	vadd.f32 v59, v8  }
0x141: {  	v28 =	vmax.f32 v28, $0.0e+00;
	v7 =	vld [tilespmem:s2+$0x82A0];
	v19 =	vadd.f32 v11, v9;
	v11 =	vadd.f32 v49, v47  }
0x142: {  	[tilespmem:s2+$0x8300] =	vst v28;
	v24 =	vmax.f32 v24, $0.0e+00;
	v8 =	vshll.u32 v57, $0x10;
	v60 =	vmax.f32 v13, $0.0e+00;
	v13 =	vld [tilespmem:s2+$0xC280]  }
0x143: {  	[tilespmem:s2+$0x8250] =	vst v62;
	v15 =	vmax.f32 v10, $0.0e+00;
	v9 =	vld [tilespmem:s2+$0x8280];
	v61 =	vadd.f32 v4, v11;
	v4 =	vand.u32 $0xFFFF0000, v55  }
0x144: {  	v16 =	vld [tilespmem:s2+$0xC2B0];
	[tilespmem:s2+$0x83C0] =	vst v24;
	v10 =	vand.u32 $0xFFFF0000, v57;
	v20 =	vand.u32 $0xFFFF0000, v50;
	v63 =	vadd.f32 v4, v5  }
0x145: {  	[tilespmem:s2+$0x8260] =	vst v60;
	v11 =	vld [tilespmem:s2+$0x82B0];
	v19 =	vmax.f32 v19, $0.0e+00;
	v5 =	vadd.f32 v3, v18;
	v4 =	vmax.f32 v58, $0.0e+00  }
0x146: {  	s9 =	simm.s32 $0x0;
	s10 =	simm.s32 $0x800;
	v18 =	vadd.f32 v20, v14;
	v14 =	vld [tilespmem:s2+$0x142A0];
	[tilespmem:s2+$0x83E0] =	vst v19;
	v19 =	vmax.f32 v61, $0.0e+00;
	v3 =	vmax.f32 v63, $0.0e+00  }
.LBB2_5:
0x147: {  	s13 =	sshra.s32 s10, $0x2;
	s9 =	sadd.s32 $0x4, s9;
	v12 =	vmax.f32 v12, $0.0e+00;
	v17 =	vmax.f32 v17, $0.0e+00;
	[tilespmem:s2+$0x8270] =	vst v3;
	v20 =	vand.u32 $0xFFFF0000, v6;
	v21 =	vld [tilespmem:s2+$0x82C0]  }
0x148: {  	v7 =	vadd.f32 v0, v7;
	p0 =	slt.u32 s9, $0x7C;
	[tilespmem:s2+$0x8220] =	vst v12;
	v9 =	vadd.f32 v13, v9;
	v0 =	vld [tilespmem:s13+$0xC2A0]  }
0x149: {  	v6 =	vshll.u32 v6, $0x10;
	v22 =	vld [tilespmem:s13+$0x142B0];
	[tilespmem:s2+$0x8240] =	vst v17  }
0x14a: {  	v12 =	vmax.f32 v18, $0.0e+00;
	v3 =	vld [tilespmem:s13+$0xC290];
	[tilespmem:s2+$0x8230] =	vst v15;
	v8 =	vadd.f32 v8, v9;
	v9 =	vadd.f32 v16, v11  }
0x14b: {  	v6 =	vadd.f32 v6, v7;
	v15 =	vld [tilespmem:s13+$0x14300];
	v7 =	vshll.u32 v14, $0x10;
	v11 =	vand.u32 $0xFFFF0000, v14;
	[tilespmem:s2+$0x83F0] =	vst v19  }
0x14c: {  	v5 =	vadd.f32 v10, v5;
	v13 =	vld [tilespmem:s13+$0xC250];
	[tilespmem:s2+$0x8210] =	vst v12;
	v8 =	vmax.f32 v8, $0.0e+00;
	v2 =	vadd.f32 v11, v2  }
0x14d: {  	v6 =	vmax.f32 v6, $0.0e+00;
	v1 =	vadd.f32 v1, v21;
	v10 =	vld [tilespmem:s13+$0x8250];
	[tilespmem:s2+$0x8280] =	vst v8;
	v8 =	vadd.f32 v20, v9  }
0x14e: {  	v5 =	vmax.f32 v5, $0.0e+00;
	v9 =	vld [tilespmem:s13+$0xC230];
	[tilespmem:s2+$0x82A0] =	vst v6;
	v2 =	vmax.f32 v2, $0.0e+00  }
0x14f: {  	v1 =	vadd.f32 v7, v1;
	v11 =	vld [tilespmem:s13+$0xC270];
	v6 =	vmax.f32 v8, $0.0e+00;
	[tilespmem:s2+$0x82D0] =	vst v2  }
0x150: {  	v2 =	vld [tilespmem:s13+$0x8230];
	[tilespmem:s2+$0x8200] =	vst v4  }
0x151: {  	v1 =	vmax.f32 v1, $0.0e+00;
	v7 =	vld [tilespmem:s13+$0x8270];
	[tilespmem:s2+$0x82B0] =	vst v6  }
0x152: {  	v4 =	vadd.f32 v13, v10;
	v8 =	vld [tilespmem:s13+$0xC260];
	[tilespmem:s2+$0x82C0] =	vst v1  }
0x153: {  	v1 =	vld [tilespmem:s13+$0x8260];
	[tilespmem:s2+$0x8290] =	vst v5;
	s2 =	smov.u32 s13  }
0x154: {  	v10 =	vld [tilespmem:s2+$0xC240]  }
0x155: {  	v6 =	vadd.f32 v9, v2;
	v2 =	vld [tilespmem:s2+$0x8240]  }
0x156: {  	v9 =	vld [tilespmem:s2+$0xC220];
	v5 =	vadd.f32 v11, v7  }
0x157: {  	v11 =	vld [tilespmem:s2+$0x8220]  }
0x158: {  	v14 =	vld [tilespmem:s2+$0xC200];
	v7 =	vadd.f32 v8, v1  }
0x159: {  	v16 =	vld [tilespmem:s2+$0x14310]  }
0x15a: {  	v8 =	vadd.f32 v10, v2;
	v10 =	vld [tilespmem:s2+$0x143B0]  }
0x15b: {  	v12 =	vld [tilespmem:s2+$0x143A0]  }
0x15c: {  	v9 =	vadd.f32 v9, v11;
	v17 =	vld [tilespmem:s2+$0x14320]  }
0x15d: {  	v13 =	vld [tilespmem:s2+$0x14390]  }
0x15e: {  	v2 =	vld [tilespmem:s2+$0x8200]  }
0x15f: {  	v18 =	vld [tilespmem:s2+$0x14380]  }
0x160: {  	v19 =	vld [tilespmem:s2+$0x14330]  }
0x161: {  	v1 =	vld [tilespmem:s2+$0xC2C0]  }
0x162: {  	v20 =	vld [tilespmem:s2+$0x82D0]  }
0x163: {  	v11 =	vadd.f32 v14, v2;
	v2 =	vld [tilespmem:s2+$0xC2D0]  }
0x164: {  	v14 =	vld [tilespmem:s2+$0x82E0]  }
0x165: {  	v21 =	vld [tilespmem:s2+$0xC2E0]  }
0x166: {  	v23 =	vld [tilespmem:s2+$0x82F0]  }
0x167: {  	v24 =	vld [tilespmem:s2+$0xC2F0]  }
0x168: {  	v2 =	vadd.f32 v2, v20;
	v20 =	vld [tilespmem:s2+$0x8300]  }
0x169: {  	v25 =	vld [tilespmem:s2+$0xC300]  }
0x16a: {  	v14 =	vadd.f32 v21, v14;
	v21 =	vld [tilespmem:s2+$0x8310]  }
0x16b: {  	v26 =	vshll.u32 v22, $0x10;
	v27 =	vld [tilespmem:s2+$0xC310]  }
0x16c: {  	v14 =	vadd.f32 v26, v14;
	v23 =	vadd.f32 v24, v23;
	v24 =	vld [tilespmem:s2+$0x8320]  }
0x16d: {  	v22 =	vand.u32 $0xFFFF0000, v22;
	v26 =	vld [tilespmem:s2+$0xC320]  }
0x16e: {  	v14 =	vmax.f32 v14, $0.0e+00;
	v22 =	vadd.f32 v22, v23;
	v20 =	vadd.f32 v25, v20;
	v23 =	vld [tilespmem:s2+$0x8330]  }
0x16f: {  	[tilespmem:s2+$0x82E0] =	vst v14;
	v14 =	vshll.u32 v15, $0x10;
	v25 =	vld [tilespmem:s2+$0xC330]  }
0x170: {  	v22 =	vmax.f32 v22, $0.0e+00;
	v14 =	vadd.f32 v14, v20;
	v20 =	vadd.f32 v27, v21;
	v21 =	vld [tilespmem:s2+$0x8340]  }
0x171: {  	v15 =	vand.u32 $0xFFFF0000, v15;
	[tilespmem:s2+$0x82F0] =	vst v22;
	v22 =	vld [tilespmem:s2+$0xC340]  }
0x172: {  	v14 =	vmax.f32 v14, $0.0e+00;
	v15 =	vadd.f32 v15, v20;
	v20 =	vadd.f32 v26, v24;
	v24 =	vld [tilespmem:s2+$0x8350]  }
0x173: {  	[tilespmem:s2+$0x8300] =	vst v14;
	v14 =	vshll.u32 v16, $0x10;
	v26 =	vld [tilespmem:s2+$0xC350]  }
0x174: {  	v15 =	vmax.f32 v15, $0.0e+00;
	v14 =	vadd.f32 v14, v20;
	v20 =	vadd.f32 v25, v23;
	v23 =	vld [tilespmem:s2+$0x8360]  }
0x175: {  	[tilespmem:s2+$0x8310] =	vst v15;
	v15 =	vand.u32 $0xFFFF0000, v16;
	v16 =	vld [tilespmem:s2+$0xC360]  }
0x176: {  	v14 =	vmax.f32 v14, $0.0e+00;
	v15 =	vadd.f32 v15, v20;
	v20 =	vadd.f32 v22, v21;
	v21 =	vld [tilespmem:s2+$0x8370]  }
0x177: {  	[tilespmem:s2+$0x8320] =	vst v14;
	v14 =	vshll.u32 v17, $0x10;
	v22 =	vld [tilespmem:s2+$0xC370]  }
0x178: {  	v15 =	vmax.f32 v15, $0.0e+00;
	v14 =	vadd.f32 v14, v20;
	v20 =	vadd.f32 v26, v24;
	v24 =	vld [tilespmem:s2+$0x8380]  }
0x179: {  	[tilespmem:s2+$0x8330] =	vst v15;
	v15 =	vand.u32 $0xFFFF0000, v17;
	v17 =	vld [tilespmem:s2+$0xC380]  }
0x17a: {  	v14 =	vmax.f32 v14, $0.0e+00;
	v15 =	vadd.f32 v15, v20;
	v16 =	vadd.f32 v16, v23;
	v20 =	vld [tilespmem:s2+$0x8390]  }
0x17b: {  	[tilespmem:s2+$0x8340] =	vst v14;
	v14 =	vshll.u32 v19, $0x10;
	v23 =	vld [tilespmem:s2+$0xC390]  }
0x17c: {  	v15 =	vmax.f32 v15, $0.0e+00;
	v14 =	vadd.f32 v14, v16;
	v16 =	vadd.f32 v22, v21;
	v21 =	vld [tilespmem:s2+$0x83A0]  }
0x17d: {  	[tilespmem:s2+$0x8350] =	vst v15;
	v15 =	vand.u32 $0xFFFF0000, v19;
	v19 =	vld [tilespmem:s2+$0xC3A0]  }
0x17e: {  	v14 =	vmax.f32 v14, $0.0e+00;
	v15 =	vadd.f32 v15, v16;
	v16 =	vadd.f32 v17, v24;
	v17 =	vld [tilespmem:s2+$0x83B0]  }
0x17f: {  	[tilespmem:s2+$0x8360] =	vst v14;
	v14 =	vshll.u32 v18, $0x10;
	v22 =	vld [tilespmem:s2+$0xC3B0]  }
0x180: {  	v15 =	vmax.f32 v15, $0.0e+00;
	v14 =	vadd.f32 v14, v16;
	v16 =	vadd.f32 v23, v20;
	v20 =	vld [tilespmem:s2+$0x83C0]  }
0x181: {  	[tilespmem:s2+$0x8370] =	vst v15;
	v15 =	vand.u32 $0xFFFF0000, v18;
	v18 =	vld [tilespmem:s2+$0xC3C0]  }
0x182: {  	v14 =	vmax.f32 v14, $0.0e+00;
	v15 =	vadd.f32 v15, v16;
	v16 =	vadd.f32 v19, v21;
	v19 =	vld [tilespmem:s2+$0x83D0]  }
0x183: {  	[tilespmem:s2+$0x8380] =	vst v14;
	v14 =	vshll.u32 v13, $0x10;
	v21 =	vld [tilespmem:s2+$0xC3D0]  }
0x184: {  	v15 =	vmax.f32 v15, $0.0e+00;
	v14 =	vadd.f32 v14, v16;
	v16 =	vadd.f32 v22, v17;
	v17 =	vld [tilespmem:s2+$0x83E0]  }
0x185: {  	v13 =	vand.u32 $0xFFFF0000, v13;
	[tilespmem:s2+$0x8390] =	vst v15;
	v15 =	vld [tilespmem:s2+$0xC3E0]  }
0x186: {  	v14 =	vmax.f32 v14, $0.0e+00;
	v13 =	vadd.f32 v13, v16;
	v16 =	vadd.f32 v18, v20;
	v18 =	vld [tilespmem:s2+$0x83F0]  }
0x187: {  	[tilespmem:s2+$0x83A0] =	vst v14;
	v14 =	vshll.u32 v12, $0x10;
	v20 =	vld [tilespmem:s2+$0xC3F0]  }
0x188: {  	v22 =	vld [tilespmem:s2+$0x14200];
	v13 =	vmax.f32 v13, $0.0e+00;
	v14 =	vadd.f32 v14, v16;
	v16 =	vadd.f32 v21, v19  }
0x189: {  	v12 =	vand.u32 $0xFFFF0000, v12;
	v19 =	vld [tilespmem:s2+$0x14210];
	[tilespmem:s2+$0x83B0] =	vst v13  }
0x18a: {  	v13 =	vld [tilespmem:s2+$0x14220];
	v14 =	vmax.f32 v14, $0.0e+00;
	v12 =	vadd.f32 v12, v16;
	v15 =	vadd.f32 v15, v17  }
0x18b: {  	v16 =	vld [tilespmem:s2+$0x14230];
	[tilespmem:s2+$0x83C0] =	vst v14;
	v14 =	vshll.u32 v10, $0x10  }
0x18c: {  	v21 =	vld [tilespmem:s2+$0x8210];
	v12 =	vmax.f32 v12, $0.0e+00;
	v14 =	vadd.f32 v14, v15;
	v15 =	vadd.f32 v20, v18  }
0x18d: {  	v10 =	vand.u32 $0xFFFF0000, v10;
	v17 =	vshll.u32 v22, $0x10;
	v18 =	vand.u32 $0xFFFF0000, v22;
	v20 =	vld [tilespmem:s2+$0x14280];
	[tilespmem:s2+$0x83D0] =	vst v12  }
0x18e: {  	v22 =	vadd.f32 v17, v11;
	v11 =	vld [tilespmem:s2+$0xC210];
	v12 =	vshll.u32 v19, $0x10;
	v19 =	vand.u32 $0xFFFF0000, v19  }
0x18f: {  	v24 =	vadd.f32 v10, v15;
	v17 =	vshll.u32 v13, $0x10;
	v13 =	vand.u32 $0xFFFF0000, v13;
	v23 =	vld [tilespmem:s2+$0x8290]  }
0x190: {  	v12 =	vadd.f32 v12, v9;
	v10 =	vshll.u32 v16, $0x10;
	v15 =	vand.u32 $0xFFFF0000, v16;
	v9 =	vld [tilespmem:s2+$0x8280]  }
0x191: {  	v17 =	vadd.f32 v17, v8;
	v10 =	vadd.f32 v10, v7;
	v7 =	vld [tilespmem:s2+$0x82A0]  }
.Ltmp1:
0x192: {  	v16 =	vadd.f32 v19, v6;
	v4 =	vadd.f32 v13, v4;
	v8 =	vshll.u32 v20, $0x10;
	v6 =	vld [tilespmem:s2+$0x14290];
	(pc) =	sbr.rel @p0 .LBB2_5-.Ltmp1, $4  }
0x193: {  	v19 =	vadd.f32 v11, v21;
	v10 =	vmax.f32 v10, $0.0e+00;
	v21 =	vadd.f32 v15, v5;
	v13 =	vld [tilespmem:s2+$0xC280]  }
0x194: {  	v15 =	vmax.f32 v16, $0.0e+00;
	v16 =	vmax.f32 v4, $0.0e+00;
	[tilespmem:s2+$0x8260] =	vst v10;
	v5 =	vadd.f32 v3, v23;
	v11 =	vld [tilespmem:s2+$0x82B0]  }
0x195: {  	v4 =	vmax.f32 v22, $0.0e+00;
	v18 =	vadd.f32 v18, v19;
	[tilespmem:s2+$0x8250] =	vst v16;
	v16 =	vld [tilespmem:s2+$0xC2B0];
	v19 =	vmax.f32 v14, $0.0e+00  }
0x196: {  	s10 =	sadd.s32 $0x800, s10;
	v10 =	vand.u32 $0xFFFF0000, v20;
	v3 =	vmax.f32 v21, $0.0e+00;
	v14 =	vld [tilespmem:s2+$0x142A0];
	[tilespmem:s2+$0x83E0] =	vst v19;
	v19 =	vmax.f32 v24, $0.0e+00  }
0x197: {  	[tilespmem:s2+$0x8270] =	vst v3  }
0x198: {  	[tilespmem:s2+$0x8230] =	vst v15  }
0x199: {  	v53 =	vld [tilespmem:s2+$0x82C0];
	v0 =	vadd.f32 v0, v7;
	[tilespmem:s2+$0x83F0] =	vst v19  }
0x19a: {  	v52 =	vmax.f32 v12, $0.0e+00;
	v55 =	vshll.u32 v6, $0x10;
	[tilespmem:s2+$0x8200] =	vst v4;
	v54 =	vadd.f32 v13, v9  }
0x19b: {  	v17 =	vmax.f32 v17, $0.0e+00;
	v56 =	vmax.f32 v18, $0.0e+00;
	[tilespmem:s2+$0x8220] =	vst v52;
	v0 =	vadd.f32 v55, v0  }
0x19c: {  	v59 =	vand.u32 $0xFFFF0000, v6;
	v62 =	vadd.f32 v10, v5;
	[tilespmem:s2+$0x8240] =	vst v17;
	v3 =	vadd.f32 v8, v54  }
0x19d: {  	[tilespmem:s2+$0x8210] =	vst v56;
	v58 =	vadd.f32 v16, v11;
	v57 =	vand.u32 $0xFFFF0000, v14;
	v0 =	vmax.f32 v0, $0.0e+00  }
0x19e: {  	s31 =	sadd.s32 $0x1, s31;
	v3 =	vmax.f32 v3, $0.0e+00;
	v2 =	vadd.f32 v57, v2;
	v1 =	vadd.f32 v1, v53;
	[tilespmem:s2+$0x82A0] =	vst v0  }
0x19f: {  	p0 =	sne.s32 s31, $0x28;
	v60 =	vshll.u32 v14, $0x10;
	v6 =	vadd.f32 v59, v58;
	v0 =	vmax.f32 v62, $0.0e+00;
	[tilespmem:s2+$0x8280] =	vst v3  }
.Ltmp2:
0x1a0: {  	[tilespmem:s2+$0x8290] =	vst v0;
	v61 =	vmax.f32 v2, $0.0e+00;
	v1 =	vadd.f32 v60, v1;
	(pc) =	sbr.rel @p0 .LBB2_2-.Ltmp2, $4  }
0x1a1: {  	v63 =	vmax.f32 v6, $0.0e+00;
	[tilespmem:s2+$0x82D0] =	vst v61  }
0x1a2: {  	[tilespmem:s2+$0x82B0] =	vst v63;
	v1 =	vmax.f32 v1, $0.0e+00  }
0x1a3: {  	s0 =	sadd.s32 s1, s0;
	[tilespmem:s2+$0x82C0] =	vst v1  }
0x1a4: {  	[hbm4b:s0+s3] =	stream.linear.scatter [tilespmem:s23], [sflag:$0x6], $0x4000, $0x38;
	[tilespmem:$0x18200] =	vst v63  }
0x1a5: {  	_ =	swait.ge [sflag:s28], $0x4000  }
0x1a6: {  	[sflag:s28] =	ssyncset.done $0x0  }
0x1a7: {  	[sflag:s28] =	ssyncadd.s32 $0xFFFFC000  }
0x1a8: {  	_ =	swait.ge [sflag:s29], $0x4000  }
0x1a9: {  	s30 =	sadd.s32 $0x1, s30;
	s0 =	rddreg [dreg:$0x5]  }
0x1aa: {  	p0 =	sne.s32 s30, s0  }
.Ltmp3:
0x1ab: {  	_ = 	snop;
	(pc) =	sbr.rel @p0 .LBB2_1-.Ltmp3, $3  }
0x1ac: {  	_ =	sdelay $0x1  }
0x1ad: {  	[sflag:s29] =	ssyncset.done $0x0  }
0x1ae: {  	[sflag:s29] =	ssyncadd.s32 $0xFFFFC000  }
0x1af: {  	_ =	sfence.sel $0x180000  }
0x1b0: {  	[bflag:$0x0] =	sbarrier.arrive $0xFFFF  }
0x1b1: {  	_ =	strace $0x90000047  }
0x1b2: {  	s0 =	stileid.u32;
	[bflag:$0x2] =	sbarrier.arrive $0xFFFF  }
0x1b3: {  	p0 =	sne.s32 s0, $0x0;
	s0 =	rddreg [dreg:$0x2]  }
0x1b4: {  	s0 =	sadd.s32 @!p0 $0x100000, s0  }
0x1b5: {  	[sflag:s0] =	ssyncadd.tile.s32 @!p0 $0x1;
	_ =	shalt  }
.Lfunc_end2:
_tile_overlayer_lowered:
.L_overlay_start_2:
0x1b6: {  	(tag) =	ssettag $0x2  }
0x1b7: {  	s0 =	rddreg [dreg:$0x0];
	s2 =	stileid.u32  }
0x1b8: {  	s1 =	rddreg [dreg:$0x1];
	p0 =	sne.s32 s2, $0x0  }
0x1b9: {  	s3 =	rddreg [dreg:$0x2];
	[bflag:$0x3] =	sbarrier.arrive $0xFFFF;
	s2 =	simm.s32 @!p0 $0x1C07  }
0x1ba: {  	[timem:s3], [sflag:s2] =	dma.local @!p0 [hbm:s0], s1  }
0x1bb: {  	s0 =	simm.s32 @!p0 $0x7  }
0x1bc: {  	_ =	swait.ge @!p0 [sflag:s0], s1  }
0x1bd: {  	s1 =	ssub.s32 @!p0 $0x0, s1;
	[sflag:s0] =	ssyncset.done @!p0 $0x0  }
0x1be: {  	[sflag:s0] =	ssyncadd.s32 @!p0 s1  }
0x1bf: {  	[bflag:$0x3] =	sbarrier.arrive $0xFFFF  }
0x1c0: {  	_ =	shalt  }

</sc_bundles>
